<compile_context>
chip_gen: v7x
topology: tpu7x:2x2x1
jax: 0.10.2.dev20260603
libtpu: 0.0.44.dev20260713+nightly
codegen_flags: <defaults>
</compile_context>

<pallas_src>
import functools

import jax
import jax.numpy as jnp
from jax import lax
from jax.experimental import pallas as pl
from jax.experimental.pallas import tpu as pltpu
from jax.experimental.pallas import tpu_sc as plsc

NC = 2
NS = 16
K = 128
NR = 4
ZB = 32
EPS = 1e-5


def _sc_mesh():
    return plsc.VectorSubcoreMesh(
        core_axis_name="c", subcore_axis_name="s", num_cores=NC, num_subcores=NS)


def _zero_zone(zbuf, acc, sid, zone, dc):
    def fill(i, _):
        for j in range(dc // 16):
            zbuf[i, pl.ds(j * 16, 16)] = jnp.zeros((16,), jnp.float32)
        return 0
    lax.fori_loop(0, ZB, fill, 0)

    def zero_acc(i, _):
        pltpu.sync_copy(zbuf, acc.at[pl.ds(sid * zone + i * ZB, ZB)])
        return 0
    lax.fori_loop(0, zone // ZB, zero_acc, 0)


def _writeback(acc, out_hbm, cid, sid, n, zone):
    @pl.when(sid * zone + zone <= n)
    def _():
        pltpu.sync_copy(acc.at[pl.ds(sid * zone, zone)],
                        out_hbm.at[pl.ds(cid * n + sid * zone, zone)])

    @pl.when(jnp.logical_and(sid * zone < n, sid * zone + zone > n))
    def _():
        tail = n - (NS - 1) * zone
        pltpu.sync_copy(acc.at[pl.ds(sid * zone, tail)],
                        out_hbm.at[pl.ds(cid * n + sid * zone, tail)])


def _sc_degree(col2_hbm, n, nrows):
    dc = 128
    cps = col2_hbm.shape[0] // (NC * NS)
    zone = nrows // NS

    def body(col_hbm, out_hbm, col2, ones, zbuf, acc, *ssem):
        cid = lax.axis_index("c")
        sid = lax.axis_index("s")

        pltpu.sync_copy(col_hbm.at[pl.ds((cid * NS + sid) * cps, cps)], col2)

        def fill(i, _):
            for j in range(dc // 16):
                ones[i, pl.ds(j * 16, 16)] = jnp.full((16,), 1.0, jnp.float32)
            return 0
        lax.fori_loop(0, K, fill, 0)
        _zero_zone(zbuf, acc, sid, zone, dc)
        plsc.subcore_barrier()

        def sissue(c, s):
            pltpu.async_copy(ones, acc.at[col2.at[c]], ssem[s], add=True)

        def swait(s):
            pltpu.make_async_copy(col_hbm.at[pl.ds(0, K)], ones, ssem[s]).wait()

        for j in range(NR):
            sissue(j, j)

        def pbody(p, _):
            for j in range(NR):
                swait(j)
                sissue(p * NR + j, j)
            return 0
        lax.fori_loop(1, cps // NR, pbody, 0)
        for j in range(NR):
            swait(j)
        plsc.subcore_barrier()
        _writeback(acc, out_hbm, cid, sid, n, zone)

    return pl.kernel(
        body,
        out_type=jax.ShapeDtypeStruct((2 * n, dc), jnp.float32),
        mesh=_sc_mesh(),
        scratch_types=[
            pltpu.VMEM((cps, K), jnp.int32),
            pltpu.VMEM((K, dc), jnp.float32),
            pltpu.VMEM((ZB, dc), jnp.float32),
            pltpu.VMEM_SHARED((nrows, dc), jnp.float32),
        ] + [pltpu.SemaphoreType.DMA] * NR,
    )(col2_hbm)


def _sc_agg(yp, row_pad, col_pad, n, nrows, channels=False):
    dc = 128
    e_pad = row_pad.shape[0]
    cps = e_pad // (NS * K) if channels else e_pad // (NC * NS * K)
    zone = nrows // NS

    def body(yp_hbm, row_hbm, col_hbm, out_hbm,
             ri0, ri1, ri2, ri3, ci0, ci1, ci2, ci3, r0, r1, zbuf, acc,
             i0, i1, i2, i3, g0, g1, s0, s1):
        ridx = [ri0, ri1, ri2, ri3]
        cidx = [ci0, ci1, ci2, ci3]
        rows = [r0, r1]
        isem = [i0, i1, i2, i3]
        gsem = [g0, g1]
        ssem = [s0, s1]
        cid = lax.axis_index("c")
        sid = lax.axis_index("s")

        if channels:
            base = sid * cps * K
        else:
            base = (cid * NS + sid) * cps * K

        def idx_issue(c, si):
            b = pl.multiple_of(base + c * K, K)
            pltpu.async_copy(row_hbm.at[pl.ds(b, K)], ridx[si], isem[si])
            pltpu.async_copy(col_hbm.at[pl.ds(b, K)], cidx[si], isem[si])

        def idx_wait(si):
            pltpu.make_async_copy(row_hbm.at[pl.ds(0, K)], ridx[si], isem[si]).wait()
            pltpu.make_async_copy(col_hbm.at[pl.ds(0, K)], cidx[si], isem[si]).wait()
            if channels:
                off = cid * n
                for j in range(K // 16):
                    sl = pl.ds(j * 16, 16)
                    ridx[si][sl] = ridx[si][sl] + off

        def gissue(si, sr):
            pltpu.async_copy(yp_hbm.at[ridx[si]], rows[sr], gsem[sr])

        def gwait(sr):
            pltpu.make_async_copy(yp_hbm.at[pl.ds(0, K)], rows[sr], gsem[sr]).wait()

        def sissue(si, sr):
            pltpu.async_copy(rows[sr], acc.at[cidx[si]], ssem[sr], add=True)

        def swait(sr):
            pltpu.make_async_copy(yp_hbm.at[pl.ds(0, K)], rows[sr], ssem[sr]).wait()

        for j in range(4):
            idx_issue(j, j)
        idx_wait(0)
        gissue(0, 0)
        idx_wait(1)
        gissue(1, 1)
        _zero_zone(zbuf, acc, sid, zone, dc)
        plsc.subcore_barrier()
        gwait(0)
        sissue(0, 0)

        def pbody(p, _):
            for j in range(4):
                c = p * 4 + 2 + j
                si = (2 + j) % 4
                sr = j % 2
                swait(sr)
                idx_issue(c + 2, j % 4)
                idx_wait(si)
                gissue(si, sr)
                gwait(1 - sr)
                sissue((1 + j) % 4, 1 - sr)
            return 0
        lax.fori_loop(0, (cps - 4) // 4, pbody, 0)

        swait(0)
        idx_wait(2)
        gissue(2, 0)
        gwait(1)
        sissue(1, 1)
        swait(1)
        idx_wait(3)
        gissue(3, 1)
        gwait(0)
        sissue(2, 0)
        gwait(1)
        sissue(3, 1)
        swait(0)
        swait(1)
        plsc.subcore_barrier()
        _writeback(acc, out_hbm, cid, sid, n, zone)

    return pl.kernel(
        body,
        out_type=jax.ShapeDtypeStruct((2 * n, dc), jnp.float32),
        mesh=_sc_mesh(),
        scratch_types=(
            [pltpu.VMEM((K,), jnp.int32)] * 8 +
            [pltpu.VMEM((K, dc), jnp.float32)] * 2 + [
                pltpu.VMEM((ZB, dc), jnp.float32),
                pltpu.VMEM_SHARED((nrows, dc), jnp.float32),
            ] + [pltpu.SemaphoreType.DMA] * 8),
    )(yp, row_pad, col_pad)


def _deg_specs(r, nb):
    return [pl.BlockSpec((r, 128), lambda *g: (g[-1], 0)),
            pl.BlockSpec((r, 128), lambda *g, _nb=nb: (_nb + g[-1], 0))]


def _dinv(dlo_ref, dhi_ref):
    return lax.rsqrt(dlo_ref[:, 0:1] + dhi_ref[:, 0:1] + 1.0)


def _tc_prep(src, degp, n, dc, r):
    nb = n // r
    w = src.shape[1]

    def body(s_ref, dlo_ref, dhi_ref, o_ref):
        o_ref[...] = s_ref[:, 0:dc] * _dinv(dlo_ref, dhi_ref)

    return pl.pallas_call(
        body,
        grid=(nb,),
        in_specs=[pl.BlockSpec((r, w), lambda i: (i, 0))] + _deg_specs(r, nb),
        out_specs=pl.BlockSpec((r, dc), lambda i: (i, 0)),
        out_shape=jax.ShapeDtypeStruct((n, dc), jnp.float32),
    )(src, degp, degp)


def _tc_layer(sps, xin, degp, wcat, bias, n, din, dout, r, stats=None):
    nb = n // r
    nsp = len(sps)
    modes = [m for _, m in sps]
    sps = [a for a, _ in sps]
    bn = stats is not None

    def body(*refs):
        srefs = refs[:2 * nsp]
        if bn:
            (x_ref, dlo_ref, dhi_ref, w_ref, b_ref, su_ref, sq_ref,
             g_ref, be_ref, o_ref, so_ref, qo_ref) = refs[2 * nsp:]
        else:
            (x_ref, dlo_ref, dhi_ref, w_ref, b_ref,
             o_ref, so_ref, qo_ref) = refs[2 * nsp:]
        i = pl.program_id(0)
        x = x_ref[...]
        if bn:
            mu = jnp.sum(su_ref[...], axis=0, keepdims=True) / n
            var = jnp.sum(sq_ref[...], axis=0, keepdims=True) / n - mu * mu
            alpha = g_ref[...] * lax.rsqrt(var + EPS)
            beta = be_ref[...] - mu * alpha
            x = jnp.maximum(x * alpha + beta, 0.0)
        dinv = _dinv(dlo_ref, dhi_ref)
        parts = []
        for k in range(nsp):
            if modes[k] == "add":
                parts.append(srefs[2 * k][...] + srefs[2 * k + 1][...])
            else:
                parts.append(srefs[2 * k][...])
                parts.append(srefs[2 * k + 1][...])
        s = jnp.concatenate(parts, axis=1) if len(parts) > 1 else parts[0]
        agg = s * dinv + x * (dinv * dinv)
        cat = jnp.concatenate([agg, x], axis=1)
        out = jnp.dot(cat, w_ref[...], preferred_element_type=jnp.float32)
        out = out + b_ref[...]
        o_ref[...] = out

        @pl.when(i == 0)
        def _():
            so_ref[...] = jnp.zeros_like(so_ref)
            qo_ref[...] = jnp.zeros_like(qo_ref)
        so_ref[...] += out.reshape(r // 8, 8, dout).sum(axis=0)
        qo_ref[...] += (out * out).reshape(r // 8, 8, dout).sum(axis=0)

    in_specs = []
    args = []
    for sp in sps:
        in_specs += [pl.BlockSpec((r, 128), lambda i: (i, 0)),
                     pl.BlockSpec((r, 128), lambda i, _nb=nb: (_nb + i, 0))]
        args += [sp, sp]
    in_specs += [pl.BlockSpec((r, din), lambda i: (i, 0))] + \
        _deg_specs(r, nb) + \
        [pl.BlockSpec((2 * din, dout), lambda i: (0, 0)),
         pl.BlockSpec((1, dout), lambda i: (0, 0))]
    args += [xin, degp, degp, wcat, bias]
    if bn:
        in_specs += [pl.BlockSpec((8, din), lambda i: (0, 0)),
                     pl.BlockSpec((8, din), lambda i: (0, 0)),
                     pl.BlockSpec((1, din), lambda i: (0, 0)),
                     pl.BlockSpec((1, din), lambda i: (0, 0))]
        args += list(stats)
    return pl.pallas_call(
        body,
        grid=(nb,),
        in_specs=in_specs,
        out_specs=[pl.BlockSpec((r, dout), lambda i: (i, 0)),
                   pl.BlockSpec((8, dout), lambda i: (0, 0)),
                   pl.BlockSpec((8, dout), lambda i: (0, 0))],
        out_shape=[jax.ShapeDtypeStruct((n, dout), jnp.float32),
                   jax.ShapeDtypeStruct((8, dout), jnp.float32),
                   jax.ShapeDtypeStruct((8, dout), jnp.float32)],
    )(*args)


def _tc_bnprep(xin, su, sq, g, be, degp, n, d, r):
    nb = n // r
    dc = d // 2

    def body(x_ref, su_ref, sq_ref, g_ref, be_ref, dlo_ref, dhi_ref, o_ref):
        mu = jnp.sum(su_ref[...], axis=0, keepdims=True) / n
        var = jnp.sum(sq_ref[...], axis=0, keepdims=True) / n - mu * mu
        alpha = g_ref[...] * lax.rsqrt(var + EPS)
        beta = be_ref[...] - mu * alpha
        v = jnp.maximum(x_ref[...] * alpha + beta, 0.0)
        o_ref[...] = v * _dinv(dlo_ref, dhi_ref)

    return pl.pallas_call(
        body,
        grid=(2, nb),
        in_specs=[pl.BlockSpec((r, dc), lambda c, i: (i, c)),
                  pl.BlockSpec((8, dc), lambda c, i: (0, c)),
                  pl.BlockSpec((8, dc), lambda c, i: (0, c)),
                  pl.BlockSpec((1, dc), lambda c, i: (0, c)),
                  pl.BlockSpec((1, dc), lambda c, i: (0, c))] +
        _deg_specs(r, nb),
        out_specs=pl.BlockSpec((r, dc), lambda c, i, _nb=nb: (c * _nb + i, 0)),
        out_shape=jax.ShapeDtypeStruct((2 * n, dc), jnp.float32),
    )(xin, su, sq, g, be, degp, degp)


def _tc_bnmm(xin, su, sq, g, be, w, n, d, dout, r):
    nb = n // r

    def body(x_ref, su_ref, sq_ref, g_ref, be_ref, w_ref, o_ref):
        mu = jnp.sum(su_ref[...], axis=0, keepdims=True) / n
        var = jnp.sum(sq_ref[...], axis=0, keepdims=True) / n - mu * mu
        alpha = g_ref[...] * lax.rsqrt(var + EPS)
        beta = be_ref[...] - mu * alpha
        v = jnp.maximum(x_ref[...] * alpha + beta, 0.0)
        o_ref[...] = jnp.dot(v, w_ref[...], preferred_element_type=jnp.float32)

    return pl.pallas_call(
        body,
        grid=(nb,),
        in_specs=[pl.BlockSpec((r, d), lambda i: (i, 0)),
                  pl.BlockSpec((8, d), lambda i: (0, 0)),
                  pl.BlockSpec((8, d), lambda i: (0, 0)),
                  pl.BlockSpec((1, d), lambda i: (0, 0)),
                  pl.BlockSpec((1, d), lambda i: (0, 0)),
                  pl.BlockSpec((d, dout), lambda i: (0, 0))],
        out_specs=pl.BlockSpec((r, dout), lambda i: (i, 0)),
        out_shape=jax.ShapeDtypeStruct((n, dout), jnp.float32),
    )(xin, su, sq, g, be, w)


def _tc_out(sp, zcat, degp, bias, n, dout, r):
    nb = n // r

    def body(slo, shi, z_ref, dlo_ref, dhi_ref, b_ref, o_ref):
        dinv = _dinv(dlo_ref, dhi_ref)
        s = slo[...] + shi[...]
        z = z_ref[:, 0:dout]
        u = z_ref[:, dout:2 * dout]
        o_ref[...] = s * dinv + z * (dinv * dinv) + u + b_ref[...]

    return pl.pallas_call(
        body,
        grid=(nb,),
        in_specs=[pl.BlockSpec((r, dout), lambda i: (i, 0)),
                  pl.BlockSpec((r, dout), lambda i, _nb=nb: (_nb + i, 0)),
                  pl.BlockSpec((r, 2 * dout), lambda i: (i, 0))] +
        _deg_specs(r, nb) +
        [pl.BlockSpec((1, dout), lambda i: (0, 0))],
        out_specs=pl.BlockSpec((r, dout), lambda i: (i, 0)),
        out_shape=jax.ShapeDtypeStruct((n, dout), jnp.float32),
    )(sp, sp, zcat, degp, degp, bias)


def kernel(x, edge_index, W0, b0, W1, b1, W2, b2, S0w, S0b, S1w, S1b,
           S2w, S2b, g0, be0, g1, be1):
    n, din = x.shape
    dh = W0.shape[1]
    dout = W2.shape[1]
    e = edge_index.shape[1]
    r = 1000

    e_pad = -(-e // (NC * NS * K * NR)) * (NC * NS * K * NR)
    row = edge_index[0]
    col = edge_index[1]
    if e_pad > e:
        row = jnp.concatenate([row, jnp.zeros((e_pad - e,), row.dtype)])
        col = jnp.concatenate([col, jnp.full((e_pad - e,), n, col.dtype)])
    col2 = col.reshape(e_pad // K, K)
    nrows = -(-(n + 1) // (NS * ZB)) * (NS * ZB)

    wcat0 = jnp.concatenate([W0, S0w], axis=0)
    wcat1 = jnp.concatenate([W1, S1w], axis=0)
    wcat2 = jnp.concatenate([W2, S2w], axis=1)
    bias0 = (b0 + S0b).reshape(1, -1)
    bias1 = (b1 + S1b).reshape(1, -1)
    bias2 = (b2 + S2b).reshape(1, -1)
    g0r, be0r = g0.reshape(1, -1), be0.reshape(1, -1)
    g1r, be1r = g1.reshape(1, -1), be1.reshape(1, -1)

    degp = _sc_degree(col2, n, nrows)

    y0 = _tc_prep(x, degp, n, din, r)
    s0p = _sc_agg(y0, row, col, n, nrows)
    out0, su0, sq0 = _tc_layer([(s0p, "add")], x, degp, wcat0, bias0,
                               n, din, dh, r)

    y1p = _tc_bnprep(out0, su0, sq0, g0r, be0r, degp, n, dh, r)
    s1p = _sc_agg(y1p, row, col, n, nrows, channels=True)
    h, su1, sq1 = _tc_layer([(s1p, "concat")], out0, degp, wcat1, bias1,
                            n, dh, dh, r, stats=(su0, sq0, g0r, be0r))

    zcat = _tc_bnmm(h, su1, sq1, g1r, be1r, wcat2, n, dh, 2 * dout, r)
    y2 = _tc_prep(zcat, degp, n, dout, r)
    s2p = _sc_agg(y2, row, col, n, nrows)
    out2 = _tc_out(s2p, zcat, degp, bias2, n, dout, r)
    return (h, out2)

# --- scband reference (transcript-rebuilt; emitter-appended) ---
"""Pipeline reference for scband-gcn-76725295775763 (READ-ONLY COPY).

The authoritative reference and input builder live on the scoring server;
editing this copy changes nothing except your own understanding.
"""

import jax, jax.numpy as jnp
import numpy as np

N = 10000
E = 320000
DIN = 128
DH = 256
DOUT = 128


def setup_inputs(seed: int = 0):
    key = jax.random.key(seed)
    ks = jax.random.split(key, 20)
    inp = {}
    inp['x'] = jax.random.normal(ks[0], (N, DIN), dtype=jnp.float32)
    inp['edge_index'] = jax.random.randint(ks[1], (2, E), 0, N, dtype=jnp.int32)

    def lin(k, fin, fout):
        kw, kb = jax.random.split(k)
        W = jax.random.normal(kw, (fin, fout), dtype=jnp.float32) / np.sqrt(fin)
        b = jax.random.normal(kb, (fout,), dtype=jnp.float32) * 0.01
        return W, b

    inp['W0'], inp['b0'] = lin(ks[2], DIN, DH)
    inp['W1'], inp['b1'] = lin(ks[3], DH, DH)
    inp['W2'], inp['b2'] = lin(ks[4], DH, DOUT)
    inp['S0w'], inp['S0b'] = lin(ks[5], DIN, DH)
    inp['S1w'], inp['S1b'] = lin(ks[6], DH, DH)
    inp['S2w'], inp['S2b'] = lin(ks[7], DH, DOUT)
    inp['g0'] = jnp.ones((DH,), dtype=jnp.float32)
    inp['be0'] = jnp.zeros((DH,), dtype=jnp.float32)
    inp['g1'] = jnp.ones((DH,), dtype=jnp.float32)
    inp['be1'] = jnp.zeros((DH,), dtype=jnp.float32)
    return inp


def _gcn_norm(edge_index, num_nodes):
    # GCNConv default: add self loops, symmetric normalization D^-1/2 (A+I) D^-1/2
    loop = jnp.arange(num_nodes, dtype=edge_index.dtype)
    row = jnp.concatenate([edge_index[0], loop])
    col = jnp.concatenate([edge_index[1], loop])
    deg = jnp.zeros((num_nodes,), dtype=jnp.float32).at[col].add(1.0)
    dinv = jnp.where(deg > 0, 1.0 / jnp.sqrt(deg), 0.0)
    norm = dinv[row] * dinv[col]
    return row, col, norm


def _conv(x, row, col, norm, W, b):
    xw = x @ W
    msg = xw[row] * norm[:, None]
    out = jnp.zeros((x.shape[0], W.shape[1]), dtype=x.dtype).at[col].add(msg)
    return out + b


def _bn(x, g, b, eps=1e-5):
    # training-mode BatchNorm over the node dimension (biased variance)
    mu = jnp.mean(x, axis=0)
    var = jnp.mean((x - mu) ** 2, axis=0)
    return (x - mu) / jnp.sqrt(var + eps) * g + b


def reference(x, edge_index, W0, b0, W1, b1, W2, b2, S0w, S0b, S1w, S1b, S2w, S2b, g0, be0, g1, be1):
    row, col, norm = _gcn_norm(edge_index, x.shape[0])
    # linear_l=False branch, num_layers=3, dropout=0.0 (identity)
    x = _conv(x, row, col, norm, W0, b0) + x @ S0w + S0b
    x = jax.nn.relu(_bn(x, g0, be0))
    x = _conv(x, row, col, norm, W1, b1) + x @ S1w + S1b
    h = x  # i == num_layers - 2 -> snapshot before batch norm
    x = jax.nn.relu(_bn(x, g1, be1))
    x = _conv(x, row, col, norm, W2, b2) + x @ S2w + S2b
    return (h, x)

if __name__ == "__main__":
    import jax
    _d = setup_inputs()
    print(jax.jit(kernel)(*tuple(_d.values())))

</pallas_src>

<mosaic_0001>
#map = affine_map<(d0, d1) -> (0, 0)>
module attributes {stable_mosaic.version = 14 : i64} {
  func.func @body(%arg0: i32, %arg1: i32, %arg2: memref<2560x128xi32, #tpu.memory_space<hbm>>, %arg3: memref<20000x128xf32, #tpu.memory_space<hbm>>, %arg4: memref<80x128xi32, #tpu.memory_space<vmem>>, %arg5: memref<128x128xf32, #tpu.memory_space<vmem>>, %arg6: memref<32x128xf32, #tpu.memory_space<vmem>>, %arg7: memref<10240x128xf32, #tpu.memory_space<vmem_shared>>, %arg8: memref<!tpu.dma_semaphore, #tpu.memory_space<semaphore_mem>>, %arg9: memref<!tpu.dma_semaphore, #tpu.memory_space<semaphore_mem>>, %arg10: memref<!tpu.dma_semaphore, #tpu.memory_space<semaphore_mem>>, %arg11: memref<!tpu.dma_semaphore, #tpu.memory_space<semaphore_mem>>) attributes {dimension_semantics = [#tpu.dimension_semantics<core_parallel>, #tpu.dimension_semantics<subcore_parallel>], iteration_bounds = array<i64: 2, 16>, scalar_prefetch = 0 : i64, scratch_operands = 8 : i64, tpu.core_type = #tpu.core_type<sc_vector_subcore>, window_params = [{transform_indices = #map}, {transform_indices = #map}]} {
    %mul3A = arith.constant 16 : i32
    %mul3A_0 = arith.muli %arg0, %mul3A : i32
    %add3A = arith.addi %mul3A_0, %arg1 : i32
    %mul3A_1 = arith.constant 80 : i32
    %mul3A_2 = arith.muli %add3A, %mul3A_1 : i32
    "tpu.region"() ({
      %run_scoped3A = tpu.sem_alloc : memref<!tpu.dma_semaphore, #tpu.memory_space<semaphore_mem>>
      %dma_start3A_98 = arith.constant 0 : i32
      %dma_start3A_99 = tpu.memref_slice %arg2[%mul3A_2, %dma_start3A_98] : memref<2560x128xi32, #tpu.memory_space<hbm>> -> memref<80x128xi32, #tpu.memory_space<hbm>>
      %dma_start3A_100 = arith.constant 0 : i32
      %dma_start3A_101 = tpu.memref_slice %arg2[%mul3A_2, %dma_start3A_100] : memref<2560x128xi32, #tpu.memory_space<hbm>> -> memref<80x128xi32, #tpu.memory_space<hbm>>
      tpu.enqueue_dma source(%dma_start3A_101 : memref<80x128xi32, #tpu.memory_space<hbm>>) target(%arg4 : memref<80x128xi32, #tpu.memory_space<vmem>>) target_semaphore(%run_scoped3A : memref<!tpu.dma_semaphore, #tpu.memory_space<semaphore_mem>>)
      %dma_wait3A_102 = arith.constant 0 : i32
      %dma_wait3A_103 = tpu.memref_slice %arg2[%mul3A_2, %dma_wait3A_102] : memref<2560x128xi32, #tpu.memory_space<hbm>> -> memref<80x128xi32, #tpu.memory_space<hbm>>
      %dma_wait3A_104 = arith.constant 0 : i32
      %dma_wait3A_105 = tpu.memref_slice %arg2[%mul3A_2, %dma_wait3A_104] : memref<2560x128xi32, #tpu.memory_space<hbm>> -> memref<80x128xi32, #tpu.memory_space<hbm>>
      tpu.wait_dma2 semaphore(%run_scoped3A : memref<!tpu.dma_semaphore, #tpu.memory_space<semaphore_mem>>) src(%dma_wait3A_105 : memref<80x128xi32, #tpu.memory_space<hbm>>) dst(%arg4 : memref<80x128xi32, #tpu.memory_space<vmem>>)
      tpu.yield
    }) : () -> ()
    %scan3A = arith.constant 0 : i32
    %scan3A_3 = arith.constant 0 : i32
    %scan3A_4 = arith.constant 128 : i32
    %scan3A_5 = arith.addi %scan3A_3, %scan3A_4 : i32
    %scan3A_6 = arith.constant 1 : i32
    %scan3A_7 = scf.for %scan3A_98 = %scan3A_3 to %scan3A_5 step %scan3A_6 iter_args(%scan3A_99 = %scan3A) -> (i32)  : i32 {
      %broadcast_in_dim3A = arith.constant 1.000000e+00 : f32
      %broadcast_in_dim3A_100 = vector.broadcast %broadcast_in_dim3A : f32 to vector<16xf32>
      %swap3A = arith.index_cast %scan3A_98 : i32 to index
      %swap3A_101 = arith.constant 0 : index
      %swap3A_102 = tpu.vector_load %arg5[%swap3A, %swap3A_101] {strides = array<i32>} : memref<128x128xf32, #tpu.memory_space<vmem>>, vector<1x16xf32>,
      %swap3A_103 = vector.shape_cast %swap3A_102 : vector<1x16xf32> to vector<16xf32>
      %swap3A_104 = vector.shape_cast %broadcast_in_dim3A_100 : vector<16xf32> to vector<1x16xf32>
      tpu.vector_store %arg5[%swap3A, %swap3A_101], %swap3A_104 {strides = array<i32>} : memref<128x128xf32, #tpu.memory_space<vmem>>, vector<1x16xf32>,
      %broadcast_in_dim3A_105 = arith.constant 1.000000e+00 : f32
      %broadcast_in_dim3A_106 = vector.broadcast %broadcast_in_dim3A_105 : f32 to vector<16xf32>
      %swap3A_107 = arith.index_cast %scan3A_98 : i32 to index
      %swap3A_108 = arith.constant 16 : index
      %swap3A_109 = tpu.vector_load %arg5[%swap3A_107, %swap3A_108] {strides = array<i32>} : memref<128x128xf32, #tpu.memory_space<vmem>>, vector<1x16xf32>,
      %swap3A_110 = vector.shape_cast %swap3A_109 : vector<1x16xf32> to vector<16xf32>
      %swap3A_111 = vector.shape_cast %broadcast_in_dim3A_106 : vector<16xf32> to vector<1x16xf32>
      tpu.vector_store %arg5[%swap3A_107, %swap3A_108], %swap3A_111 {strides = array<i32>} : memref<128x128xf32, #tpu.memory_space<vmem>>, vector<1x16xf32>,
      %broadcast_in_dim3A_112 = arith.constant 1.000000e+00 : f32
      %broadcast_in_dim3A_113 = vector.broadcast %broadcast_in_dim3A_112 : f32 to vector<16xf32>
      %swap3A_114 = arith.index_cast %scan3A_98 : i32 to index
      %swap3A_115 = arith.constant 32 : index
      %swap3A_116 = tpu.vector_load %arg5[%swap3A_114, %swap3A_115] {strides = array<i32>} : memref<128x128xf32, #tpu.memory_space<vmem>>, vector<1x16xf32>,
      %swap3A_117 = vector.shape_cast %swap3A_116 : vector<1x16xf32> to vector<16xf32>
      %swap3A_118 = vector.shape_cast %broadcast_in_dim3A_113 : vector<16xf32> to vector<1x16xf32>
      tpu.vector_store %arg5[%swap3A_114, %swap3A_115], %swap3A_118 {strides = array<i32>} : memref<128x128xf32, #tpu.memory_space<vmem>>, vector<1x16xf32>,
      %broadcast_in_dim3A_119 = arith.constant 1.000000e+00 : f32
      %broadcast_in_dim3A_120 = vector.broadcast %broadcast_in_dim3A_119 : f32 to vector<16xf32>
      %swap3A_121 = arith.index_cast %scan3A_98 : i32 to index
      %swap3A_122 = arith.constant 48 : index
      %swap3A_123 = tpu.vector_load %arg5[%swap3A_121, %swap3A_122] {strides = array<i32>} : memref<128x128xf32, #tpu.memory_space<vmem>>, vector<1x16xf32>,
      %swap3A_124 = vector.shape_cast %swap3A_123 : vector<1x16xf32> to vector<16xf32>
      %swap3A_125 = vector.shape_cast %broadcast_in_dim3A_120 : vector<16xf32> to vector<1x16xf32>
      tpu.vector_store %arg5[%swap3A_121, %swap3A_122], %swap3A_125 {strides = array<i32>} : memref<128x128xf32, #tpu.memory_space<vmem>>, vector<1x16xf32>,
      %broadcast_in_dim3A_126 = arith.constant 1.000000e+00 : f32
      %broadcast_in_dim3A_127 = vector.broadcast %broadcast_in_dim3A_126 : f32 to vector<16xf32>
      %swap3A_128 = arith.index_cast %scan3A_98 : i32 to index
      %swap3A_129 = arith.constant 64 : index
      %swap3A_130 = tpu.vector_load %arg5[%swap3A_128, %swap3A_129] {strides = array<i32>} : memref<128x128xf32, #tpu.memory_space<vmem>>, vector<1x16xf32>,
      %swap3A_131 = vector.shape_cast %swap3A_130 : vector<1x16xf32> to vector<16xf32>
      %swap3A_132 = vector.shape_cast %broadcast_in_dim3A_127 : vector<16xf32> to vector<1x16xf32>
      tpu.vector_store %arg5[%swap3A_128, %swap3A_129], %swap3A_132 {strides = array<i32>} : memref<128x128xf32, #tpu.memory_space<vmem>>, vector<1x16xf32>,
      %broadcast_in_dim3A_133 = arith.constant 1.000000e+00 : f32
      %broadcast_in_dim3A_134 = vector.broadcast %broadcast_in_dim3A_133 : f32 to vector<16xf32>
      %swap3A_135 = arith.index_cast %scan3A_98 : i32 to index
      %swap3A_136 = arith.constant 80 : index
      %swap3A_137 = tpu.vector_load %arg5[%swap3A_135, %swap3A_136] {strides = array<i32>} : memref<128x128xf32, #tpu.memory_space<vmem>>, vector<1x16xf32>,
      %swap3A_138 = vector.shape_cast %swap3A_137 : vector<1x16xf32> to vector<16xf32>
      %swap3A_139 = vector.shape_cast %broadcast_in_dim3A_134 : vector<16xf32> to vector<1x16xf32>
      tpu.vector_store %arg5[%swap3A_135, %swap3A_136], %swap3A_139 {strides = array<i32>} : memref<128x128xf32, #tpu.memory_space<vmem>>, vector<1x16xf32>,
      %broadcast_in_dim3A_140 = arith.constant 1.000000e+00 : f32
      %broadcast_in_dim3A_141 = vector.broadcast %broadcast_in_dim3A_140 : f32 to vector<16xf32>
      %swap3A_142 = arith.index_cast %scan3A_98 : i32 to index
      %swap3A_143 = arith.constant 96 : index
      %swap3A_144 = tpu.vector_load %arg5[%swap3A_142, %swap3A_143] {strides = array<i32>} : memref<128x128xf32, #tpu.memory_space<vmem>>, vector<1x16xf32>,
      %swap3A_145 = vector.shape_cast %swap3A_144 : vector<1x16xf32> to vector<16xf32>
      %swap3A_146 = vector.shape_cast %broadcast_in_dim3A_141 : vector<16xf32> to vector<1x16xf32>
      tpu.vector_store %arg5[%swap3A_142, %swap3A_143], %swap3A_146 {strides = array<i32>} : memref<128x128xf32, #tpu.memory_space<vmem>>, vector<1x16xf32>,
      %broadcast_in_dim3A_147 = arith.constant 1.000000e+00 : f32
      %broadcast_in_dim3A_148 = vector.broadcast %broadcast_in_dim3A_147 : f32 to vector<16xf32>
      %swap3A_149 = arith.index_cast %scan3A_98 : i32 to index
      %swap3A_150 = arith.constant 112 : index
      %swap3A_151 = tpu.vector_load %arg5[%swap3A_149, %swap3A_150] {strides = array<i32>} : memref<128x128xf32, #tpu.memory_space<vmem>>, vector<1x16xf32>,
      %swap3A_152 = vector.shape_cast %swap3A_151 : vector<1x16xf32> to vector<16xf32>
      %swap3A_153 = vector.shape_cast %broadcast_in_dim3A_148 : vector<16xf32> to vector<1x16xf32>
      tpu.vector_store %arg5[%swap3A_149, %swap3A_150], %swap3A_153 {strides = array<i32>} : memref<128x128xf32, #tpu.memory_space<vmem>>, vector<1x16xf32>,
      %scan3A_154 = arith.constant 0 : i32
      scf.yield %scan3A_154 : i32
    }
    %scan3A_8 = arith.constant 128 : i32
    %scan3A_9 = arith.constant 0 : i32
    %scan3A_10 = arith.constant 0 : i32
    %scan3A_11 = arith.constant 32 : i32
    %scan3A_12 = arith.addi %scan3A_10, %scan3A_11 : i32
    %scan3A_13 = arith.constant 1 : i32
    %scan3A_14 = scf.for %scan3A_98 = %scan3A_10 to %scan3A_12 step %scan3A_13 iter_args(%scan3A_99 = %scan3A_9) -> (i32)  : i32 {
      %broadcast_in_dim3A = arith.constant 0.000000e+00 : f32
      %broadcast_in_dim3A_100 = vector.broadcast %broadcast_in_dim3A : f32 to vector<16xf32>
      %swap3A = arith.index_cast %scan3A_98 : i32 to index
      %swap3A_101 = arith.constant 0 : index
      %swap3A_102 = tpu.vector_load %arg6[%swap3A, %swap3A_101] {strides = array<i32>} : memref<32x128xf32, #tpu.memory_space<vmem>>, vector<1x16xf32>,
      %swap3A_103 = vector.shape_cast %swap3A_102 : vector<1x16xf32> to vector<16xf32>
      %swap3A_104 = vector.shape_cast %broadcast_in_dim3A_100 : vector<16xf32> to vector<1x16xf32>
      tpu.vector_store %arg6[%swap3A, %swap3A_101], %swap3A_104 {strides = array<i32>} : memref<32x128xf32, #tpu.memory_space<vmem>>, vector<1x16xf32>,
      %broadcast_in_dim3A_105 = arith.constant 0.000000e+00 : f32
      %broadcast_in_dim3A_106 = vector.broadcast %broadcast_in_dim3A_105 : f32 to vector<16xf32>
      %swap3A_107 = arith.index_cast %scan3A_98 : i32 to index
      %swap3A_108 = arith.constant 16 : index
      %swap3A_109 = tpu.vector_load %arg6[%swap3A_107, %swap3A_108] {strides = array<i32>} : memref<32x128xf32, #tpu.memory_space<vmem>>, vector<1x16xf32>,
      %swap3A_110 = vector.shape_cast %swap3A_109 : vector<1x16xf32> to vector<16xf32>
      %swap3A_111 = vector.shape_cast %broadcast_in_dim3A_106 : vector<16xf32> to vector<1x16xf32>
      tpu.vector_store %arg6[%swap3A_107, %swap3A_108], %swap3A_111 {strides = array<i32>} : memref<32x128xf32, #tpu.memory_space<vmem>>, vector<1x16xf32>,
      %broadcast_in_dim3A_112 = arith.constant 0.000000e+00 : f32
      %broadcast_in_dim3A_113 = vector.broadcast %broadcast_in_dim3A_112 : f32 to vector<16xf32>
      %swap3A_114 = arith.index_cast %scan3A_98 : i32 to index
      %swap3A_115 = arith.constant 32 : index
      %swap3A_116 = tpu.vector_load %arg6[%swap3A_114, %swap3A_115] {strides = array<i32>} : memref<32x128xf32, #tpu.memory_space<vmem>>, vector<1x16xf32>,
      %swap3A_117 = vector.shape_cast %swap3A_116 : vector<1x16xf32> to vector<16xf32>
      %swap3A_118 = vector.shape_cast %broadcast_in_dim3A_113 : vector<16xf32> to vector<1x16xf32>
      tpu.vector_store %arg6[%swap3A_114, %swap3A_115], %swap3A_118 {strides = array<i32>} : memref<32x128xf32, #tpu.memory_space<vmem>>, vector<1x16xf32>,
      %broadcast_in_dim3A_119 = arith.constant 0.000000e+00 : f32
      %broadcast_in_dim3A_120 = vector.broadcast %broadcast_in_dim3A_119 : f32 to vector<16xf32>
      %swap3A_121 = arith.index_cast %scan3A_98 : i32 to index
      %swap3A_122 = arith.constant 48 : index
      %swap3A_123 = tpu.vector_load %arg6[%swap3A_121, %swap3A_122] {strides = array<i32>} : memref<32x128xf32, #tpu.memory_space<vmem>>, vector<1x16xf32>,
      %swap3A_124 = vector.shape_cast %swap3A_123 : vector<1x16xf32> to vector<16xf32>
      %swap3A_125 = vector.shape_cast %broadcast_in_dim3A_120 : vector<16xf32> to vector<1x16xf32>
      tpu.vector_store %arg6[%swap3A_121, %swap3A_122], %swap3A_125 {strides = array<i32>} : memref<32x128xf32, #tpu.memory_space<vmem>>, vector<1x16xf32>,
      %broadcast_in_dim3A_126 = arith.constant 0.000000e+00 : f32
      %broadcast_in_dim3A_127 = vector.broadcast %broadcast_in_dim3A_126 : f32 to vector<16xf32>
      %swap3A_128 = arith.index_cast %scan3A_98 : i32 to index
      %swap3A_129 = arith.constant 64 : index
      %swap3A_130 = tpu.vector_load %arg6[%swap3A_128, %swap3A_129] {strides = array<i32>} : memref<32x128xf32, #tpu.memory_space<vmem>>, vector<1x16xf32>,
      %swap3A_131 = vector.shape_cast %swap3A_130 : vector<1x16xf32> to vector<16xf32>
      %swap3A_132 = vector.shape_cast %broadcast_in_dim3A_127 : vector<16xf32> to vector<1x16xf32>
      tpu.vector_store %arg6[%swap3A_128, %swap3A_129], %swap3A_132 {strides = array<i32>} : memref<32x128xf32, #tpu.memory_space<vmem>>, vector<1x16xf32>,
      %broadcast_in_dim3A_133 = arith.constant 0.000000e+00 : f32
      %broadcast_in_dim3A_134 = vector.broadcast %broadcast_in_dim3A_133 : f32 to vector<16xf32>
      %swap3A_135 = arith.index_cast %scan3A_98 : i32 to index
      %swap3A_136 = arith.constant 80 : index
      %swap3A_137 = tpu.vector_load %arg6[%swap3A_135, %swap3A_136] {strides = array<i32>} : memref<32x128xf32, #tpu.memory_space<vmem>>, vector<1x16xf32>,
      %swap3A_138 = vector.shape_cast %swap3A_137 : vector<1x16xf32> to vector<16xf32>
      %swap3A_139 = vector.shape_cast %broadcast_in_dim3A_134 : vector<16xf32> to vector<1x16xf32>
      tpu.vector_store %arg6[%swap3A_135, %swap3A_136], %swap3A_139 {strides = array<i32>} : memref<32x128xf32, #tpu.memory_space<vmem>>, vector<1x16xf32>,
      %broadcast_in_dim3A_140 = arith.constant 0.000000e+00 : f32
      %broadcast_in_dim3A_141 = vector.broadcast %broadcast_in_dim3A_140 : f32 to vector<16xf32>
      %swap3A_142 = arith.index_cast %scan3A_98 : i32 to index
      %swap3A_143 = arith.constant 96 : index
      %swap3A_144 = tpu.vector_load %arg6[%swap3A_142, %swap3A_143] {strides = array<i32>} : memref<32x128xf32, #tpu.memory_space<vmem>>, vector<1x16xf32>,
      %swap3A_145 = vector.shape_cast %swap3A_144 : vector<1x16xf32> to vector<16xf32>
      %swap3A_146 = vector.shape_cast %broadcast_in_dim3A_141 : vector<16xf32> to vector<1x16xf32>
      tpu.vector_store %arg6[%swap3A_142, %swap3A_143], %swap3A_146 {strides = array<i32>} : memref<32x128xf32, #tpu.memory_space<vmem>>, vector<1x16xf32>,
      %broadcast_in_dim3A_147 = arith.constant 0.000000e+00 : f32
      %broadcast_in_dim3A_148 = vector.broadcast %broadcast_in_dim3A_147 : f32 to vector<16xf32>
      %swap3A_149 = arith.index_cast %scan3A_98 : i32 to index
      %swap3A_150 = arith.constant 112 : index
      %swap3A_151 = tpu.vector_load %arg6[%swap3A_149, %swap3A_150] {strides = array<i32>} : memref<32x128xf32, #tpu.memory_space<vmem>>, vector<1x16xf32>,
      %swap3A_152 = vector.shape_cast %swap3A_151 : vector<1x16xf32> to vector<16xf32>
      %swap3A_153 = vector.shape_cast %broadcast_in_dim3A_148 : vector<16xf32> to vector<1x16xf32>
      tpu.vector_store %arg6[%swap3A_149, %swap3A_150], %swap3A_153 {strides = array<i32>} : memref<32x128xf32, #tpu.memory_space<vmem>>, vector<1x16xf32>,
      %scan3A_154 = arith.constant 0 : i32
      scf.yield %scan3A_154 : i32
    }
    %scan3A_15 = arith.constant 32 : i32
    %scan3A_16 = arith.constant 0 : i32
    %scan3A_17 = arith.constant 0 : i32
    %scan3A_18 = arith.constant 20 : i32
    %scan3A_19 = arith.addi %scan3A_17, %scan3A_18 : i32
    %scan3A_20 = arith.constant 1 : i32
    %scan3A_21 = scf.for %scan3A_98 = %scan3A_17 to %scan3A_19 step %scan3A_20 iter_args(%scan3A_99 = %scan3A_16) -> (i32)  : i32 {
      %mul3A_100 = arith.constant 640 : i32
      %mul3A_101 = arith.muli %arg1, %mul3A_100 : i32
      %mul3A_102 = arith.constant 32 : i32
      %mul3A_103 = arith.muli %scan3A_98, %mul3A_102 : i32
      %add3A_104 = arith.addi %mul3A_101, %mul3A_103 : i32
      "tpu.region"() ({
        %run_scoped3A = tpu.sem_alloc : memref<!tpu.dma_semaphore, #tpu.memory_space<semaphore_mem>>
        %dma_start3A_106 = arith.constant 0 : i32
        %dma_start3A_107 = tpu.memref_slice %arg7[%add3A_104, %dma_start3A_106] : memref<10240x128xf32, #tpu.memory_space<vmem_shared>> -> memref<32x128xf32, #tpu.memory_space<vmem_shared>>
        %dma_start3A_108 = arith.constant 0 : i32
        %dma_start3A_109 = tpu.memref_slice %arg7[%add3A_104, %dma_start3A_108] : memref<10240x128xf32, #tpu.memory_space<vmem_shared>> -> memref<32x128xf32, #tpu.memory_space<vmem_shared>>
        tpu.enqueue_dma source(%arg6 : memref<32x128xf32, #tpu.memory_space<vmem>>) target(%dma_start3A_109 : memref<32x128xf32, #tpu.memory_space<vmem_shared>>) target_semaphore(%run_scoped3A : memref<!tpu.dma_semaphore, #tpu.memory_space<semaphore_mem>>)
        %dma_wait3A_110 = arith.constant 0 : i32
        %dma_wait3A_111 = tpu.memref_slice %arg7[%add3A_104, %dma_wait3A_110] : memref<10240x128xf32, #tpu.memory_space<vmem_shared>> -> memref<32x128xf32, #tpu.memory_space<vmem_shared>>
        %dma_wait3A_112 = arith.constant 0 : i32
        %dma_wait3A_113 = tpu.memref_slice %arg7[%add3A_104, %dma_wait3A_112] : memref<10240x128xf32, #tpu.memory_space<vmem_shared>> -> memref<32x128xf32, #tpu.memory_space<vmem_shared>>
        tpu.wait_dma2 semaphore(%run_scoped3A : memref<!tpu.dma_semaphore, #tpu.memory_space<semaphore_mem>>) src(%arg6 : memref<32x128xf32, #tpu.memory_space<vmem>>) dst(%dma_wait3A_113 : memref<32x128xf32, #tpu.memory_space<vmem_shared>>)
        tpu.yield
      }) : () -> ()
      %scan3A_105 = arith.constant 0 : i32
      scf.yield %scan3A_105 : i32
    }
    %scan3A_22 = arith.constant 20 : i32
    %barrier3A = arith.constant 0 : index
    tpu.barrier barrier_id(%barrier3A)
    %dma_start3A = arith.constant 0 : i32
    %dma_start3A_23 = arith.constant 0 : i32
    %dma_start3A_24 = tpu.memref_slice %arg4[%dma_start3A, %dma_start3A_23] : memref<80x128xi32, #tpu.memory_space<vmem>> -> memref<1x128xi32, #tpu.memory_space<vmem>>
    %dma_start3A_25 = tpu.memref_squeeze %dma_start3A_24 : memref<1x128xi32, #tpu.memory_space<vmem>> -> memref<128xi32, #tpu.memory_space<vmem>>
    %dma_start3A_26 = arith.constant 0 : i32
    %dma_start3A_27 = arith.constant 0 : i32
    %dma_start3A_28 = tpu.memref_slice %arg7[%dma_start3A_26, %dma_start3A_27] : memref<10240x128xf32, #tpu.memory_space<vmem_shared>> -> memref<10240x128xf32, #tpu.memory_space<vmem_shared>>
    tpu.enqueue_indirect_dma source(%arg5 : memref<128x128xf32, #tpu.memory_space<vmem>>) target(%dma_start3A_28 : memref<10240x128xf32, #tpu.memory_space<vmem_shared>>) offsets(%dma_start3A_25 : memref<128xi32, #tpu.memory_space<vmem>>) semaphore(%arg8 : memref<!tpu.dma_semaphore, #tpu.memory_space<semaphore_mem>>) {add = true}
    %dma_start3A_29 = arith.constant 1 : i32
    %dma_start3A_30 = arith.constant 0 : i32
    %dma_start3A_31 = tpu.memref_slice %arg4[%dma_start3A_29, %dma_start3A_30] : memref<80x128xi32, #tpu.memory_space<vmem>> -> memref<1x128xi32, #tpu.memory_space<vmem>>
    %dma_start3A_32 = tpu.memref_squeeze %dma_start3A_31 : memref<1x128xi32, #tpu.memory_space<vmem>> -> memref<128xi32, #tpu.memory_space<vmem>>
    %dma_start3A_33 = arith.constant 0 : i32
    %dma_start3A_34 = arith.constant 0 : i32
    %dma_start3A_35 = tpu.memref_slice %arg7[%dma_start3A_33, %dma_start3A_34] : memref<10240x128xf32, #tpu.memory_space<vmem_shared>> -> memref<10240x128xf32, #tpu.memory_space<vmem_shared>>
    tpu.enqueue_indirect_dma source(%arg5 : memref<128x128xf32, #tpu.memory_space<vmem>>) target(%dma_start3A_35 : memref<10240x128xf32, #tpu.memory_space<vmem_shared>>) offsets(%dma_start3A_32 : memref<128xi32, #tpu.memory_space<vmem>>) semaphore(%arg9 : memref<!tpu.dma_semaphore, #tpu.memory_space<semaphore_mem>>) {add = true}
    %dma_start3A_36 = arith.constant 2 : i32
    %dma_start3A_37 = arith.constant 0 : i32
    %dma_start3A_38 = tpu.memref_slice %arg4[%dma_start3A_36, %dma_start3A_37] : memref<80x128xi32, #tpu.memory_space<vmem>> -> memref<1x128xi32, #tpu.memory_space<vmem>>
    %dma_start3A_39 = tpu.memref_squeeze %dma_start3A_38 : memref<1x128xi32, #tpu.memory_space<vmem>> -> memref<128xi32, #tpu.memory_space<vmem>>
    %dma_start3A_40 = arith.constant 0 : i32
    %dma_start3A_41 = arith.constant 0 : i32
    %dma_start3A_42 = tpu.memref_slice %arg7[%dma_start3A_40, %dma_start3A_41] : memref<10240x128xf32, #tpu.memory_space<vmem_shared>> -> memref<10240x128xf32, #tpu.memory_space<vmem_shared>>
    tpu.enqueue_indirect_dma source(%arg5 : memref<128x128xf32, #tpu.memory_space<vmem>>) target(%dma_start3A_42 : memref<10240x128xf32, #tpu.memory_space<vmem_shared>>) offsets(%dma_start3A_39 : memref<128xi32, #tpu.memory_space<vmem>>) semaphore(%arg10 : memref<!tpu.dma_semaphore, #tpu.memory_space<semaphore_mem>>) {add = true}
    %dma_start3A_43 = arith.constant 3 : i32
    %dma_start3A_44 = arith.constant 0 : i32
    %dma_start3A_45 = tpu.memref_slice %arg4[%dma_start3A_43, %dma_start3A_44] : memref<80x128xi32, #tpu.memory_space<vmem>> -> memref<1x128xi32, #tpu.memory_space<vmem>>
    %dma_start3A_46 = tpu.memref_squeeze %dma_start3A_45 : memref<1x128xi32, #tpu.memory_space<vmem>> -> memref<128xi32, #tpu.memory_space<vmem>>
    %dma_start3A_47 = arith.constant 0 : i32
    %dma_start3A_48 = arith.constant 0 : i32
    %dma_start3A_49 = tpu.memref_slice %arg7[%dma_start3A_47, %dma_start3A_48] : memref<10240x128xf32, #tpu.memory_space<vmem_shared>> -> memref<10240x128xf32, #tpu.memory_space<vmem_shared>>
    tpu.enqueue_indirect_dma source(%arg5 : memref<128x128xf32, #tpu.memory_space<vmem>>) target(%dma_start3A_49 : memref<10240x128xf32, #tpu.memory_space<vmem_shared>>) offsets(%dma_start3A_46 : memref<128xi32, #tpu.memory_space<vmem>>) semaphore(%arg11 : memref<!tpu.dma_semaphore, #tpu.memory_space<semaphore_mem>>) {add = true}
    %scan3A_50 = arith.constant 0 : i32
    %scan3A_51 = arith.constant 1 : i32
    %scan3A_52 = arith.constant 19 : i32
    %scan3A_53 = arith.addi %scan3A_51, %scan3A_52 : i32
    %scan3A_54 = arith.constant 1 : i32
    %scan3A_55 = scf.for %scan3A_98 = %scan3A_51 to %scan3A_53 step %scan3A_54 iter_args(%scan3A_99 = %scan3A_50) -> (i32)  : i32 {
      %dma_wait3A_100 = arith.constant 0 : i32
      %dma_wait3A_101 = arith.constant 0 : i32
      %dma_wait3A_102 = tpu.memref_slice %arg2[%dma_wait3A_100, %dma_wait3A_101] : memref<2560x128xi32, #tpu.memory_space<hbm>> -> memref<128x128xi32, #tpu.memory_space<hbm>>
      %dma_wait3A_103 = arith.constant 0 : i32
      %dma_wait3A_104 = arith.constant 0 : i32
      %dma_wait3A_105 = tpu.memref_slice %arg2[%dma_wait3A_103, %dma_wait3A_104] : memref<2560x128xi32, #tpu.memory_space<hbm>> -> memref<128x128xi32, #tpu.memory_space<hbm>>
      tpu.wait_dma2 semaphore(%arg8 : memref<!tpu.dma_semaphore, #tpu.memory_space<semaphore_mem>>) src(%dma_wait3A_105 : memref<128x128xi32, #tpu.memory_space<hbm>>) dst(%arg5 : memref<128x128xf32, #tpu.memory_space<vmem>>)
      %mul3A_106 = arith.constant 4 : i32
      %mul3A_107 = arith.muli %scan3A_98, %mul3A_106 : i32
      %add3A_108 = arith.constant 0 : i32
      %add3A_109 = arith.addi %mul3A_107, %add3A_108 : i32
      %dma_start3A_110 = arith.constant 0 : i32
      %dma_start3A_111 = tpu.memref_slice %arg4[%add3A_109, %dma_start3A_110] : memref<80x128xi32, #tpu.memory_space<vmem>> -> memref<1x128xi32, #tpu.memory_space<vmem>>
      %dma_start3A_112 = tpu.memref_squeeze %dma_start3A_111 : memref<1x128xi32, #tpu.memory_space<vmem>> -> memref<128xi32, #tpu.memory_space<vmem>>
      %dma_start3A_113 = arith.constant 0 : i32
      %dma_start3A_114 = arith.constant 0 : i32
      %dma_start3A_115 = tpu.memref_slice %arg7[%dma_start3A_113, %dma_start3A_114] : memref<10240x128xf32, #tpu.memory_space<vmem_shared>> -> memref<10240x128xf32, #tpu.memory_space<vmem_shared>>
      tpu.enqueue_indirect_dma source(%arg5 : memref<128x128xf32, #tpu.memory_space<vmem>>) target(%dma_start3A_115 : memref<10240x128xf32, #tpu.memory_space<vmem_shared>>) offsets(%dma_start3A_112 : memref<128xi32, #tpu.memory_space<vmem>>) semaphore(%arg8 : memref<!tpu.dma_semaphore, #tpu.memory_space<semaphore_mem>>) {add = true}
      %dma_wait3A_116 = arith.constant 0 : i32
      %dma_wait3A_117 = arith.constant 0 : i32
      %dma_wait3A_118 = tpu.memref_slice %arg2[%dma_wait3A_116, %dma_wait3A_117] : memref<2560x128xi32, #tpu.memory_space<hbm>> -> memref<128x128xi32, #tpu.memory_space<hbm>>
      %dma_wait3A_119 = arith.constant 0 : i32
      %dma_wait3A_120 = arith.constant 0 : i32
      %dma_wait3A_121 = tpu.memref_slice %arg2[%dma_wait3A_119, %dma_wait3A_120] : memref<2560x128xi32, #tpu.memory_space<hbm>> -> memref<128x128xi32, #tpu.memory_space<hbm>>
      tpu.wait_dma2 semaphore(%arg9 : memref<!tpu.dma_semaphore, #tpu.memory_space<semaphore_mem>>) src(%dma_wait3A_121 : memref<128x128xi32, #tpu.memory_space<hbm>>) dst(%arg5 : memref<128x128xf32, #tpu.memory_space<vmem>>)
      %mul3A_122 = arith.constant 4 : i32
      %mul3A_123 = arith.muli %scan3A_98, %mul3A_122 : i32
      %add3A_124 = arith.constant 1 : i32
      %add3A_125 = arith.addi %mul3A_123, %add3A_124 : i32
      %dma_start3A_126 = arith.constant 0 : i32
      %dma_start3A_127 = tpu.memref_slice %arg4[%add3A_125, %dma_start3A_126] : memref<80x128xi32, #tpu.memory_space<vmem>> -> memref<1x128xi32, #tpu.memory_space<vmem>>
      %dma_start3A_128 = tpu.memref_squeeze %dma_start3A_127 : memref<1x128xi32, #tpu.memory_space<vmem>> -> memref<128xi32, #tpu.memory_space<vmem>>
      %dma_start3A_129 = arith.constant 0 : i32
      %dma_start3A_130 = arith.constant 0 : i32
      %dma_start3A_131 = tpu.memref_slice %arg7[%dma_start3A_129, %dma_start3A_130] : memref<10240x128xf32, #tpu.memory_space<vmem_shared>> -> memref<10240x128xf32, #tpu.memory_space<vmem_shared>>
      tpu.enqueue_indirect_dma source(%arg5 : memref<128x128xf32, #tpu.memory_space<vmem>>) target(%dma_start3A_131 : memref<10240x128xf32, #tpu.memory_space<vmem_shared>>) offsets(%dma_start3A_128 : memref<128xi32, #tpu.memory_space<vmem>>) semaphore(%arg9 : memref<!tpu.dma_semaphore, #tpu.memory_space<semaphore_mem>>) {add = true}
      %dma_wait3A_132 = arith.constant 0 : i32
      %dma_wait3A_133 = arith.constant 0 : i32
      %dma_wait3A_134 = tpu.memref_slice %arg2[%dma_wait3A_132, %dma_wait3A_133] : memref<2560x128xi32, #tpu.memory_space<hbm>> -> memref<128x128xi32, #tpu.memory_space<hbm>>
      %dma_wait3A_135 = arith.constant 0 : i32
      %dma_wait3A_136 = arith.constant 0 : i32
      %dma_wait3A_137 = tpu.memref_slice %arg2[%dma_wait3A_135, %dma_wait3A_136] : memref<2560x128xi32, #tpu.memory_space<hbm>> -> memref<128x128xi32, #tpu.memory_space<hbm>>
      tpu.wait_dma2 semaphore(%arg10 : memref<!tpu.dma_semaphore, #tpu.memory_space<semaphore_mem>>) src(%dma_wait3A_137 : memref<128x128xi32, #tpu.memory_space<hbm>>) dst(%arg5 : memref<128x128xf32, #tpu.memory_space<vmem>>)
      %mul3A_138 = arith.constant 4 : i32
      %mul3A_139 = arith.muli %scan3A_98, %mul3A_138 : i32
      %add3A_140 = arith.constant 2 : i32
      %add3A_141 = arith.addi %mul3A_139, %add3A_140 : i32
      %dma_start3A_142 = arith.constant 0 : i32
      %dma_start3A_143 = tpu.memref_slice %arg4[%add3A_141, %dma_start3A_142] : memref<80x128xi32, #tpu.memory_space<vmem>> -> memref<1x128xi32, #tpu.memory_space<vmem>>
      %dma_start3A_144 = tpu.memref_squeeze %dma_start3A_143 : memref<1x128xi32, #tpu.memory_space<vmem>> -> memref<128xi32, #tpu.memory_space<vmem>>
      %dma_start3A_145 = arith.constant 0 : i32
      %dma_start3A_146 = arith.constant 0 : i32
      %dma_start3A_147 = tpu.memref_slice %arg7[%dma_start3A_145, %dma_start3A_146] : memref<10240x128xf32, #tpu.memory_space<vmem_shared>> -> memref<10240x128xf32, #tpu.memory_space<vmem_shared>>
      tpu.enqueue_indirect_dma source(%arg5 : memref<128x128xf32, #tpu.memory_space<vmem>>) target(%dma_start3A_147 : memref<10240x128xf32, #tpu.memory_space<vmem_shared>>) offsets(%dma_start3A_144 : memref<128xi32, #tpu.memory_space<vmem>>) semaphore(%arg10 : memref<!tpu.dma_semaphore, #tpu.memory_space<semaphore_mem>>) {add = true}
      %dma_wait3A_148 = arith.constant 0 : i32
      %dma_wait3A_149 = arith.constant 0 : i32
      %dma_wait3A_150 = tpu.memref_slice %arg2[%dma_wait3A_148, %dma_wait3A_149] : memref<2560x128xi32, #tpu.memory_space<hbm>> -> memref<128x128xi32, #tpu.memory_space<hbm>>
      %dma_wait3A_151 = arith.constant 0 : i32
      %dma_wait3A_152 = arith.constant 0 : i32
      %dma_wait3A_153 = tpu.memref_slice %arg2[%dma_wait3A_151, %dma_wait3A_152] : memref<2560x128xi32, #tpu.memory_space<hbm>> -> memref<128x128xi32, #tpu.memory_space<hbm>>
      tpu.wait_dma2 semaphore(%arg11 : memref<!tpu.dma_semaphore, #tpu.memory_space<semaphore_mem>>) src(%dma_wait3A_153 : memref<128x128xi32, #tpu.memory_space<hbm>>) dst(%arg5 : memref<128x128xf32, #tpu.memory_space<vmem>>)
      %mul3A_154 = arith.constant 4 : i32
      %mul3A_155 = arith.muli %scan3A_98, %mul3A_154 : i32
      %add3A_156 = arith.constant 3 : i32
      %add3A_157 = arith.addi %mul3A_155, %add3A_156 : i32
      %dma_start3A_158 = arith.constant 0 : i32
      %dma_start3A_159 = tpu.memref_slice %arg4[%add3A_157, %dma_start3A_158] : memref<80x128xi32, #tpu.memory_space<vmem>> -> memref<1x128xi32, #tpu.memory_space<vmem>>
      %dma_start3A_160 = tpu.memref_squeeze %dma_start3A_159 : memref<1x128xi32, #tpu.memory_space<vmem>> -> memref<128xi32, #tpu.memory_space<vmem>>
      %dma_start3A_161 = arith.constant 0 : i32
      %dma_start3A_162 = arith.constant 0 : i32
      %dma_start3A_163 = tpu.memref_slice %arg7[%dma_start3A_161, %dma_start3A_162] : memref<10240x128xf32, #tpu.memory_space<vmem_shared>> -> memref<10240x128xf32, #tpu.memory_space<vmem_shared>>
      tpu.enqueue_indirect_dma source(%arg5 : memref<128x128xf32, #tpu.memory_space<vmem>>) target(%dma_start3A_163 : memref<10240x128xf32, #tpu.memory_space<vmem_shared>>) offsets(%dma_start3A_160 : memref<128xi32, #tpu.memory_space<vmem>>) semaphore(%arg11 : memref<!tpu.dma_semaphore, #tpu.memory_space<semaphore_mem>>) {add = true}
      %scan3A_164 = arith.constant 0 : i32
      scf.yield %scan3A_164 : i32
    }
    %scan3A_56 = arith.constant 19 : i32
    %dma_wait3A = arith.constant 0 : i32
    %dma_wait3A_57 = arith.constant 0 : i32
    %dma_wait3A_58 = tpu.memref_slice %arg2[%dma_wait3A, %dma_wait3A_57] : memref<2560x128xi32, #tpu.memory_space<hbm>> -> memref<128x128xi32, #tpu.memory_space<hbm>>
    %dma_wait3A_59 = arith.constant 0 : i32
    %dma_wait3A_60 = arith.constant 0 : i32
    %dma_wait3A_61 = tpu.memref_slice %arg2[%dma_wait3A_59, %dma_wait3A_60] : memref<2560x128xi32, #tpu.memory_space<hbm>> -> memref<128x128xi32, #tpu.memory_space<hbm>>
    tpu.wait_dma2 semaphore(%arg8 : memref<!tpu.dma_semaphore, #tpu.memory_space<semaphore_mem>>) src(%dma_wait3A_61 : memref<128x128xi32, #tpu.memory_space<hbm>>) dst(%arg5 : memref<128x128xf32, #tpu.memory_space<vmem>>)
    %dma_wait3A_62 = arith.constant 0 : i32
    %dma_wait3A_63 = arith.constant 0 : i32
    %dma_wait3A_64 = tpu.memref_slice %arg2[%dma_wait3A_62, %dma_wait3A_63] : memref<2560x128xi32, #tpu.memory_space<hbm>> -> memref<128x128xi32, #tpu.memory_space<hbm>>
    %dma_wait3A_65 = arith.constant 0 : i32
    %dma_wait3A_66 = arith.constant 0 : i32
    %dma_wait3A_67 = tpu.memref_slice %arg2[%dma_wait3A_65, %dma_wait3A_66] : memref<2560x128xi32, #tpu.memory_space<hbm>> -> memref<128x128xi32, #tpu.memory_space<hbm>>
    tpu.wait_dma2 semaphore(%arg9 : memref<!tpu.dma_semaphore, #tpu.memory_space<semaphore_mem>>) src(%dma_wait3A_67 : memref<128x128xi32, #tpu.memory_space<hbm>>) dst(%arg5 : memref<128x128xf32, #tpu.memory_space<vmem>>)
    %dma_wait3A_68 = arith.constant 0 : i32
    %dma_wait3A_69 = arith.constant 0 : i32
    %dma_wait3A_70 = tpu.memref_slice %arg2[%dma_wait3A_68, %dma_wait3A_69] : memref<2560x128xi32, #tpu.memory_space<hbm>> -> memref<128x128xi32, #tpu.memory_space<hbm>>
    %dma_wait3A_71 = arith.constant 0 : i32
    %dma_wait3A_72 = arith.constant 0 : i32
    %dma_wait3A_73 = tpu.memref_slice %arg2[%dma_wait3A_71, %dma_wait3A_72] : memref<2560x128xi32, #tpu.memory_space<hbm>> -> memref<128x128xi32, #tpu.memory_space<hbm>>
    tpu.wait_dma2 semaphore(%arg10 : memref<!tpu.dma_semaphore, #tpu.memory_space<semaphore_mem>>) src(%dma_wait3A_73 : memref<128x128xi32, #tpu.memory_space<hbm>>) dst(%arg5 : memref<128x128xf32, #tpu.memory_space<vmem>>)
    %dma_wait3A_74 = arith.constant 0 : i32
    %dma_wait3A_75 = arith.constant 0 : i32
    %dma_wait3A_76 = tpu.memref_slice %arg2[%dma_wait3A_74, %dma_wait3A_75] : memref<2560x128xi32, #tpu.memory_space<hbm>> -> memref<128x128xi32, #tpu.memory_space<hbm>>
    %dma_wait3A_77 = arith.constant 0 : i32
    %dma_wait3A_78 = arith.constant 0 : i32
    %dma_wait3A_79 = tpu.memref_slice %arg2[%dma_wait3A_77, %dma_wait3A_78] : memref<2560x128xi32, #tpu.memory_space<hbm>> -> memref<128x128xi32, #tpu.memory_space<hbm>>
    tpu.wait_dma2 semaphore(%arg11 : memref<!tpu.dma_semaphore, #tpu.memory_space<semaphore_mem>>) src(%dma_wait3A_79 : memref<128x128xi32, #tpu.memory_space<hbm>>) dst(%arg5 : memref<128x128xf32, #tpu.memory_space<vmem>>)
    %barrier3A_80 = arith.constant 0 : index
    tpu.barrier barrier_id(%barrier3A_80)
    %mul3A_81 = arith.constant 640 : i32
    %mul3A_82 = arith.muli %arg1, %mul3A_81 : i32
    %add3A_83 = arith.constant 640 : i32
    %add3A_84 = arith.addi %mul3A_82, %add3A_83 : i32
    %le3A = arith.constant 10000 : i32
    %le3A_85 = arith.cmpi sle, %add3A_84, %le3A : i32
    %convert_element_type3A = arith.extui %le3A_85 : i1 to i32
    %cond3A = arith.constant 0 : i32
    %cond3A_86 = arith.cmpi ne, %convert_element_type3A, %cond3A : i32
    scf.if %cond3A_86 {
      %mul3A_98 = arith.constant 640 : i32
      %mul3A_99 = arith.muli %arg1, %mul3A_98 : i32
      %mul3A_100 = arith.constant 10000 : i32
      %mul3A_101 = arith.muli %arg0, %mul3A_100 : i32
      %mul3A_102 = arith.constant 640 : i32
      %mul3A_103 = arith.muli %arg1, %mul3A_102 : i32
      %add3A_104 = arith.addi %mul3A_101, %mul3A_103 : i32
      "tpu.region"() ({
        %run_scoped3A = tpu.sem_alloc : memref<!tpu.dma_semaphore, #tpu.memory_space<semaphore_mem>>
        %dma_start3A_105 = arith.constant 0 : i32
        %dma_start3A_106 = tpu.memref_slice %arg3[%add3A_104, %dma_start3A_105] : memref<20000x128xf32, #tpu.memory_space<hbm>> -> memref<640x128xf32, #tpu.memory_space<hbm>>
        %dma_start3A_107 = arith.constant 0 : i32
        %dma_start3A_108 = tpu.memref_slice %arg7[%mul3A_99, %dma_start3A_107] : memref<10240x128xf32, #tpu.memory_space<vmem_shared>> -> memref<640x128xf32, #tpu.memory_space<vmem_shared>>
        tpu.enqueue_dma source(%dma_start3A_108 : memref<640x128xf32, #tpu.memory_space<vmem_shared>>) target(%dma_start3A_106 : memref<640x128xf32, #tpu.memory_space<hbm>>) target_semaphore(%run_scoped3A : memref<!tpu.dma_semaphore, #tpu.memory_space<semaphore_mem>>)
        %dma_wait3A_109 = arith.constant 0 : i32
        %dma_wait3A_110 = tpu.memref_slice %arg3[%add3A_104, %dma_wait3A_109] : memref<20000x128xf32, #tpu.memory_space<hbm>> -> memref<640x128xf32, #tpu.memory_space<hbm>>
        %dma_wait3A_111 = arith.constant 0 : i32
        %dma_wait3A_112 = tpu.memref_slice %arg7[%mul3A_99, %dma_wait3A_111] : memref<10240x128xf32, #tpu.memory_space<vmem_shared>> -> memref<640x128xf32, #tpu.memory_space<vmem_shared>>
        tpu.wait_dma2 semaphore(%run_scoped3A : memref<!tpu.dma_semaphore, #tpu.memory_space<semaphore_mem>>) src(%dma_wait3A_112 : memref<640x128xf32, #tpu.memory_space<vmem_shared>>) dst(%dma_wait3A_110 : memref<640x128xf32, #tpu.memory_space<hbm>>)
        tpu.yield
      }) : () -> ()
    } else {
    }
    %mul3A_87 = arith.constant 640 : i32
    %mul3A_88 = arith.muli %arg1, %mul3A_87 : i32
    %lt3A = arith.constant 10000 : i32
    %lt3A_89 = arith.cmpi slt, %mul3A_88, %lt3A : i32
    %mul3A_90 = arith.constant 640 : i32
    %mul3A_91 = arith.muli %arg1, %mul3A_90 : i32
    %add3A_92 = arith.constant 640 : i32
    %add3A_93 = arith.addi %mul3A_91, %add3A_92 : i32
    %gt3A = arith.constant 10000 : i32
    %gt3A_94 = arith.cmpi sgt, %add3A_93, %gt3A : i32
    %and3A = arith.andi %lt3A_89, %gt3A_94 : i1
    %convert_element_type3A_95 = arith.extui %and3A : i1 to i32
    %cond3A_96 = arith.constant 0 : i32
    %cond3A_97 = arith.cmpi ne, %convert_element_type3A_95, %cond3A_96 : i32
    scf.if %cond3A_97 {
      %mul3A_98 = arith.constant 640 : i32
      %mul3A_99 = arith.muli %arg1, %mul3A_98 : i32
      %mul3A_100 = arith.constant 10000 : i32
      %mul3A_101 = arith.muli %arg0, %mul3A_100 : i32
      %mul3A_102 = arith.constant 640 : i32
      %mul3A_103 = arith.muli %arg1, %mul3A_102 : i32
      %add3A_104 = arith.addi %mul3A_101, %mul3A_103 : i32
      "tpu.region"() ({
        %run_scoped3A = tpu.sem_alloc : memref<!tpu.dma_semaphore, #tpu.memory_space<semaphore_mem>>
        %dma_start3A_105 = arith.constant 0 : i32
        %dma_start3A_106 = tpu.memref_slice %arg3[%add3A_104, %dma_start3A_105] : memref<20000x128xf32, #tpu.memory_space<hbm>> -> memref<400x128xf32, #tpu.memory_space<hbm>>
        %dma_start3A_107 = arith.constant 0 : i32
        %dma_start3A_108 = tpu.memref_slice %arg7[%mul3A_99, %dma_start3A_107] : memref<10240x128xf32, #tpu.memory_space<vmem_shared>> -> memref<400x128xf32, #tpu.memory_space<vmem_shared>>
        tpu.enqueue_dma source(%dma_start3A_108 : memref<400x128xf32, #tpu.memory_space<vmem_shared>>) target(%dma_start3A_106 : memref<400x128xf32, #tpu.memory_space<hbm>>) target_semaphore(%run_scoped3A : memref<!tpu.dma_semaphore, #tpu.memory_space<semaphore_mem>>)
        %dma_wait3A_109 = arith.constant 0 : i32
        %dma_wait3A_110 = tpu.memref_slice %arg3[%add3A_104, %dma_wait3A_109] : memref<20000x128xf32, #tpu.memory_space<hbm>> -> memref<400x128xf32, #tpu.memory_space<hbm>>
        %dma_wait3A_111 = arith.constant 0 : i32
        %dma_wait3A_112 = tpu.memref_slice %arg7[%mul3A_99, %dma_wait3A_111] : memref<10240x128xf32, #tpu.memory_space<vmem_shared>> -> memref<400x128xf32, #tpu.memory_space<vmem_shared>>
        tpu.wait_dma2 semaphore(%run_scoped3A : memref<!tpu.dma_semaphore, #tpu.memory_space<semaphore_mem>>) src(%dma_wait3A_112 : memref<400x128xf32, #tpu.memory_space<vmem_shared>>) dst(%dma_wait3A_110 : memref<400x128xf32, #tpu.memory_space<hbm>>)
        tpu.yield
      }) : () -> ()
    } else {
    }
    return
  }
}

#map = affine_map<(d0, d1) -> (0, 0)>
#map1 = affine_map<(d0, d1) -> (0)>
module attributes {stable_mosaic.version = 14 : i64} {
  func.func @body(%arg0: i32, %arg1: i32, %arg2: memref<20000x128xf32, #tpu.memory_space<hbm>>, %arg3: memref<327680xi32, #tpu.memory_space<hbm>>, %arg4: memref<327680xi32, #tpu.memory_space<hbm>>, %arg5: memref<20000x128xf32, #tpu.memory_space<hbm>>, %arg6: memref<128xi32, #tpu.memory_space<vmem>>, %arg7: memref<128xi32, #tpu.memory_space<vmem>>, %arg8: memref<128xi32, #tpu.memory_space<vmem>>, %arg9: memref<128xi32, #tpu.memory_space<vmem>>, %arg10: memref<128xi32, #tpu.memory_space<vmem>>, %arg11: memref<128xi32, #tpu.memory_space<vmem>>, %arg12: memref<128xi32, #tpu.memory_space<vmem>>, %arg13: memref<128xi32, #tpu.memory_space<vmem>>, %arg14: memref<128x128xf32, #tpu.memory_space<vmem>>, %arg15: memref<128x128xf32, #tpu.memory_space<vmem>>, %arg16: memref<32x128xf32, #tpu.memory_space<vmem>>, %arg17: memref<10240x128xf32, #tpu.memory_space<vmem_shared>>, %arg18: memref<!tpu.dma_semaphore, #tpu.memory_space<semaphore_mem>>, %arg19: memref<!tpu.dma_semaphore, #tpu.memory_space<semaphore_mem>>, %arg20: memref<!tpu.dma_semaphore, #tpu.memory_space<semaphore_mem>>, %arg21: memref<!tpu.dma_semaphore, #tpu.memory_space<semaphore_mem>>, %arg22: memref<!tpu.dma_semaphore, #tpu.memory_space<semaphore_mem>>, %arg23: memref<!tpu.dma_semaphore, #tpu.memory_space<semaphore_mem>>, %arg24: memref<!tpu.dma_semaphore, #tpu.memory_space<semaphore_mem>>, %arg25: memref<!tpu.dma_semaphore, #tpu.memory_space<semaphore_mem>>) attributes {dimension_semantics = [#tpu.dimension_semantics<core_parallel>, #tpu.dimension_semantics<subcore_parallel>], iteration_bounds = array<i64: 2, 16>, scalar_prefetch = 0 : i64, scratch_operands = 20 : i64, tpu.core_type = #tpu.core_type<sc_vector_subcore>, window_params = [{transform_indices = #map}, {transform_indices = #map1}, {transform_indices = #map1}, {transform_indices = #map}]} {
    %mul3A = arith.constant 160 : i32
    %mul3A_0 = arith.muli %arg1, %mul3A : i32
    %mul3A_1 = arith.constant 128 : i32
    %mul3A_2 = arith.muli %mul3A_0, %mul3A_1 : i32
    %add3A = arith.constant 0 : i32
    %add3A_3 = arith.addi %mul3A_2, %add3A : i32
    %multiple_of3A = tpu.assume_multiple %add3A_3, 128 : i32
    %dma_start3A = tpu.memref_slice %arg3[%multiple_of3A] : memref<327680xi32, #tpu.memory_space<hbm>> -> memref<128xi32, #tpu.memory_space<hbm>>
    %dma_start3A_4 = tpu.memref_slice %arg3[%multiple_of3A] : memref<327680xi32, #tpu.memory_space<hbm>> -> memref<128xi32, #tpu.memory_space<hbm>>
    tpu.enqueue_dma source(%dma_start3A_4 : memref<128xi32, #tpu.memory_space<hbm>>) target(%arg6 : memref<128xi32, #tpu.memory_space<vmem>>) target_semaphore(%arg18 : memref<!tpu.dma_semaphore, #tpu.memory_space<semaphore_mem>>)
    %dma_start3A_5 = tpu.memref_slice %arg4[%multiple_of3A] : memref<327680xi32, #tpu.memory_space<hbm>> -> memref<128xi32, #tpu.memory_space<hbm>>
    %dma_start3A_6 = tpu.memref_slice %arg4[%multiple_of3A] : memref<327680xi32, #tpu.memory_space<hbm>> -> memref<128xi32, #tpu.memory_space<hbm>>
    tpu.enqueue_dma source(%dma_start3A_6 : memref<128xi32, #tpu.memory_space<hbm>>) target(%arg10 : memref<128xi32, #tpu.memory_space<vmem>>) target_semaphore(%arg18 : memref<!tpu.dma_semaphore, #tpu.memory_space<semaphore_mem>>)
    %add3A_7 = arith.constant 128 : i32
    %add3A_8 = arith.addi %mul3A_2, %add3A_7 : i32
    %multiple_of3A_9 = tpu.assume_multiple %add3A_8, 128 : i32
    %dma_start3A_10 = tpu.memref_slice %arg3[%multiple_of3A_9] : memref<327680xi32, #tpu.memory_space<hbm>> -> memref<128xi32, #tpu.memory_space<hbm>>
    %dma_start3A_11 = tpu.memref_slice %arg3[%multiple_of3A_9] : memref<327680xi32, #tpu.memory_space<hbm>> -> memref<128xi32, #tpu.memory_space<hbm>>
    tpu.enqueue_dma source(%dma_start3A_11 : memref<128xi32, #tpu.memory_space<hbm>>) target(%arg7 : memref<128xi32, #tpu.memory_space<vmem>>) target_semaphore(%arg19 : memref<!tpu.dma_semaphore, #tpu.memory_space<semaphore_mem>>)
    %dma_start3A_12 = tpu.memref_slice %arg4[%multiple_of3A_9] : memref<327680xi32, #tpu.memory_space<hbm>> -> memref<128xi32, #tpu.memory_space<hbm>>
    %dma_start3A_13 = tpu.memref_slice %arg4[%multiple_of3A_9] : memref<327680xi32, #tpu.memory_space<hbm>> -> memref<128xi32, #tpu.memory_space<hbm>>
    tpu.enqueue_dma source(%dma_start3A_13 : memref<128xi32, #tpu.memory_space<hbm>>) target(%arg11 : memref<128xi32, #tpu.memory_space<vmem>>) target_semaphore(%arg19 : memref<!tpu.dma_semaphore, #tpu.memory_space<semaphore_mem>>)
    %add3A_14 = arith.constant 256 : i32
    %add3A_15 = arith.addi %mul3A_2, %add3A_14 : i32
    %multiple_of3A_16 = tpu.assume_multiple %add3A_15, 128 : i32
    %dma_start3A_17 = tpu.memref_slice %arg3[%multiple_of3A_16] : memref<327680xi32, #tpu.memory_space<hbm>> -> memref<128xi32, #tpu.memory_space<hbm>>
    %dma_start3A_18 = tpu.memref_slice %arg3[%multiple_of3A_16] : memref<327680xi32, #tpu.memory_space<hbm>> -> memref<128xi32, #tpu.memory_space<hbm>>
    tpu.enqueue_dma source(%dma_start3A_18 : memref<128xi32, #tpu.memory_space<hbm>>) target(%arg8 : memref<128xi32, #tpu.memory_space<vmem>>) target_semaphore(%arg20 : memref<!tpu.dma_semaphore, #tpu.memory_space<semaphore_mem>>)
    %dma_start3A_19 = tpu.memref_slice %arg4[%multiple_of3A_16] : memref<327680xi32, #tpu.memory_space<hbm>> -> memref<128xi32, #tpu.memory_space<hbm>>
    %dma_start3A_20 = tpu.memref_slice %arg4[%multiple_of3A_16] : memref<327680xi32, #tpu.memory_space<hbm>> -> memref<128xi32, #tpu.memory_space<hbm>>
    tpu.enqueue_dma source(%dma_start3A_20 : memref<128xi32, #tpu.memory_space<hbm>>) target(%arg12 : memref<128xi32, #tpu.memory_space<vmem>>) target_semaphore(%arg20 : memref<!tpu.dma_semaphore, #tpu.memory_space<semaphore_mem>>)
    %add3A_21 = arith.constant 384 : i32
    %add3A_22 = arith.addi %mul3A_2, %add3A_21 : i32
    %multiple_of3A_23 = tpu.assume_multiple %add3A_22, 128 : i32
    %dma_start3A_24 = tpu.memref_slice %arg3[%multiple_of3A_23] : memref<327680xi32, #tpu.memory_space<hbm>> -> memref<128xi32, #tpu.memory_space<hbm>>
    %dma_start3A_25 = tpu.memref_slice %arg3[%multiple_of3A_23] : memref<327680xi32, #tpu.memory_space<hbm>> -> memref<128xi32, #tpu.memory_space<hbm>>
    tpu.enqueue_dma source(%dma_start3A_25 : memref<128xi32, #tpu.memory_space<hbm>>) target(%arg9 : memref<128xi32, #tpu.memory_space<vmem>>) target_semaphore(%arg21 : memref<!tpu.dma_semaphore, #tpu.memory_space<semaphore_mem>>)
    %dma_start3A_26 = tpu.memref_slice %arg4[%multiple_of3A_23] : memref<327680xi32, #tpu.memory_space<hbm>> -> memref<128xi32, #tpu.memory_space<hbm>>
    %dma_start3A_27 = tpu.memref_slice %arg4[%multiple_of3A_23] : memref<327680xi32, #tpu.memory_space<hbm>> -> memref<128xi32, #tpu.memory_space<hbm>>
    tpu.enqueue_dma source(%dma_start3A_27 : memref<128xi32, #tpu.memory_space<hbm>>) target(%arg13 : memref<128xi32, #tpu.memory_space<vmem>>) target_semaphore(%arg21 : memref<!tpu.dma_semaphore, #tpu.memory_space<semaphore_mem>>)
    %dma_wait3A = arith.constant 0 : i32
    %dma_wait3A_28 = tpu.memref_slice %arg3[%dma_wait3A] : memref<327680xi32, #tpu.memory_space<hbm>> -> memref<128xi32, #tpu.memory_space<hbm>>
    %dma_wait3A_29 = arith.constant 0 : i32
    %dma_wait3A_30 = tpu.memref_slice %arg3[%dma_wait3A_29] : memref<327680xi32, #tpu.memory_space<hbm>> -> memref<128xi32, #tpu.memory_space<hbm>>
    tpu.wait_dma2 semaphore(%arg18 : memref<!tpu.dma_semaphore, #tpu.memory_space<semaphore_mem>>) src(%dma_wait3A_30 : memref<128xi32, #tpu.memory_space<hbm>>) dst(%arg6 : memref<128xi32, #tpu.memory_space<vmem>>)
    %dma_wait3A_31 = arith.constant 0 : i32
    %dma_wait3A_32 = tpu.memref_slice %arg4[%dma_wait3A_31] : memref<327680xi32, #tpu.memory_space<hbm>> -> memref<128xi32, #tpu.memory_space<hbm>>
    %dma_wait3A_33 = arith.constant 0 : i32
    %dma_wait3A_34 = tpu.memref_slice %arg4[%dma_wait3A_33] : memref<327680xi32, #tpu.memory_space<hbm>> -> memref<128xi32, #tpu.memory_space<hbm>>
    tpu.wait_dma2 semaphore(%arg18 : memref<!tpu.dma_semaphore, #tpu.memory_space<semaphore_mem>>) src(%dma_wait3A_34 : memref<128xi32, #tpu.memory_space<hbm>>) dst(%arg10 : memref<128xi32, #tpu.memory_space<vmem>>)
    %mul3A_35 = arith.constant 10000 : i32
    %mul3A_36 = arith.muli %arg0, %mul3A_35 : i32
    %get3A = arith.constant 0 : index
    %get3A_37 = tpu.vector_load %arg6[%get3A] {strides = array<i32>} : memref<128xi32, #tpu.memory_space<vmem>>, vector<16xi32>,
    %get3A_38 = vector.shape_cast %get3A_37 : vector<16xi32> to vector<16xi32>
    %add3A_39 = vector.broadcast %mul3A_36 : i32 to vector<16xi32>
    %add3A_40 = arith.addi %get3A_38, %add3A_39 : vector<16xi32>
    %swap3A = arith.constant 0 : index
    %swap3A_41 = tpu.vector_load %arg6[%swap3A] {strides = array<i32>} : memref<128xi32, #tpu.memory_space<vmem>>, vector<16xi32>,
    %swap3A_42 = vector.shape_cast %swap3A_41 : vector<16xi32> to vector<16xi32>
    %swap3A_43 = vector.shape_cast %add3A_40 : vector<16xi32> to vector<16xi32>
    tpu.vector_store %arg6[%swap3A], %swap3A_43 {strides = array<i32>} : memref<128xi32, #tpu.memory_space<vmem>>, vector<16xi32>,
    %get3A_44 = arith.constant 16 : index
    %get3A_45 = tpu.vector_load %arg6[%get3A_44] {strides = array<i32>} : memref<128xi32, #tpu.memory_space<vmem>>, vector<16xi32>,
    %get3A_46 = vector.shape_cast %get3A_45 : vector<16xi32> to vector<16xi32>
    %add3A_47 = vector.broadcast %mul3A_36 : i32 to vector<16xi32>
    %add3A_48 = arith.addi %get3A_46, %add3A_47 : vector<16xi32>
    %swap3A_49 = arith.constant 16 : index
    %swap3A_50 = tpu.vector_load %arg6[%swap3A_49] {strides = array<i32>} : memref<128xi32, #tpu.memory_space<vmem>>, vector<16xi32>,
    %swap3A_51 = vector.shape_cast %swap3A_50 : vector<16xi32> to vector<16xi32>
    %swap3A_52 = vector.shape_cast %add3A_48 : vector<16xi32> to vector<16xi32>
    tpu.vector_store %arg6[%swap3A_49], %swap3A_52 {strides = array<i32>} : memref<128xi32, #tpu.memory_space<vmem>>, vector<16xi32>,
    %get3A_53 = arith.constant 32 : index
    %get3A_54 = tpu.vector_load %arg6[%get3A_53] {strides = array<i32>} : memref<128xi32, #tpu.memory_space<vmem>>, vector<16xi32>,
    %get3A_55 = vector.shape_cast %get3A_54 : vector<16xi32> to vector<16xi32>
    %add3A_56 = vector.broadcast %mul3A_36 : i32 to vector<16xi32>
    %add3A_57 = arith.addi %get3A_55, %add3A_56 : vector<16xi32>
    %swap3A_58 = arith.constant 32 : index
    %swap3A_59 = tpu.vector_load %arg6[%swap3A_58] {strides = array<i32>} : memref<128xi32, #tpu.memory_space<vmem>>, vector<16xi32>,
    %swap3A_60 = vector.shape_cast %swap3A_59 : vector<16xi32> to vector<16xi32>
    %swap3A_61 = vector.shape_cast %add3A_57 : vector<16xi32> to vector<16xi32>
    tpu.vector_store %arg6[%swap3A_58], %swap3A_61 {strides = array<i32>} : memref<128xi32, #tpu.memory_space<vmem>>, vector<16xi32>,
    %get3A_62 = arith.constant 48 : index
    %get3A_63 = tpu.vector_load %arg6[%get3A_62] {strides = array<i32>} : memref<128xi32, #tpu.memory_space<vmem>>, vector<16xi32>,
    %get3A_64 = vector.shape_cast %get3A_63 : vector<16xi32> to vector<16xi32>
    %add3A_65 = vector.broadcast %mul3A_36 : i32 to vector<16xi32>
    %add3A_66 = arith.addi %get3A_64, %add3A_65 : vector<16xi32>
    %swap3A_67 = arith.constant 48 : index
    %swap3A_68 = tpu.vector_load %arg6[%swap3A_67] {strides = array<i32>} : memref<128xi32, #tpu.memory_space<vmem>>, vector<16xi32>,
    %swap3A_69 = vector.shape_cast %swap3A_68 : vector<16xi32> to vector<16xi32>
    %swap3A_70 = vector.shape_cast %add3A_66 : vector<16xi32> to vector<16xi32>
    tpu.vector_store %arg6[%swap3A_67], %swap3A_70 {strides = array<i32>} : memref<128xi32, #tpu.memory_space<vmem>>, vector<16xi32>,
    %get3A_71 = arith.constant 64 : index
    %get3A_72 = tpu.vector_load %arg6[%get3A_71] {strides = array<i32>} : memref<128xi32, #tpu.memory_space<vmem>>, vector<16xi32>,
    %get3A_73 = vector.shape_cast %get3A_72 : vector<16xi32> to vector<16xi32>
    %add3A_74 = vector.broadcast %mul3A_36 : i32 to vector<16xi32>
    %add3A_75 = arith.addi %get3A_73, %add3A_74 : vector<16xi32>
    %swap3A_76 = arith.constant 64 : index
    %swap3A_77 = tpu.vector_load %arg6[%swap3A_76] {strides = array<i32>} : memref<128xi32, #tpu.memory_space<vmem>>, vector<16xi32>,
    %swap3A_78 = vector.shape_cast %swap3A_77 : vector<16xi32> to vector<16xi32>
    %swap3A_79 = vector.shape_cast %add3A_75 : vector<16xi32> to vector<16xi32>
    tpu.vector_store %arg6[%swap3A_76], %swap3A_79 {strides = array<i32>} : memref<128xi32, #tpu.memory_space<vmem>>, vector<16xi32>,
    %get3A_80 = arith.constant 80 : index
    %get3A_81 = tpu.vector_load %arg6[%get3A_80] {strides = array<i32>} : memref<128xi32, #tpu.memory_space<vmem>>, vector<16xi32>,
    %get3A_82 = vector.shape_cast %get3A_81 : vector<16xi32> to vector<16xi32>
    %add3A_83 = vector.broadcast %mul3A_36 : i32 to vector<16xi32>
    %add3A_84 = arith.addi %get3A_82, %add3A_83 : vector<16xi32>
    %swap3A_85 = arith.constant 80 : index
    %swap3A_86 = tpu.vector_load %arg6[%swap3A_85] {strides = array<i32>} : memref<128xi32, #tpu.memory_space<vmem>>, vector<16xi32>,
    %swap3A_87 = vector.shape_cast %swap3A_86 : vector<16xi32> to vector<16xi32>
    %swap3A_88 = vector.shape_cast %add3A_84 : vector<16xi32> to vector<16xi32>
    tpu.vector_store %arg6[%swap3A_85], %swap3A_88 {strides = array<i32>} : memref<128xi32, #tpu.memory_space<vmem>>, vector<16xi32>,
    %get3A_89 = arith.constant 96 : index
    %get3A_90 = tpu.vector_load %arg6[%get3A_89] {strides = array<i32>} : memref<128xi32, #tpu.memory_space<vmem>>, vector<16xi32>,
    %get3A_91 = vector.shape_cast %get3A_90 : vector<16xi32> to vector<16xi32>
    %add3A_92 = vector.broadcast %mul3A_36 : i32 to vector<16xi32>
    %add3A_93 = arith.addi %get3A_91, %add3A_92 : vector<16xi32>
    %swap3A_94 = arith.constant 96 : index
    %swap3A_95 = tpu.vector_load %arg6[%swap3A_94] {strides = array<i32>} : memref<128xi32, #tpu.memory_space<vmem>>, vector<16xi32>,
    %swap3A_96 = vector.shape_cast %swap3A_95 : vector<16xi32> to vector<16xi32>
    %swap3A_97 = vector.shape_cast %add3A_93 : vector<16xi32> to vector<16xi32>
    tpu.vector_store %arg6[%swap3A_94], %swap3A_97 {strides = array<i32>} : memref<128xi32, #tpu.memory_space<vmem>>, vector<16xi32>,
    %get3A_98 = arith.constant 112 : index
    %get3A_99 = tpu.vector_load %arg6[%get3A_98] {strides = array<i32>} : memref<128xi32, #tpu.memory_space<vmem>>, vector<16xi32>,
    %get3A_100 = vector.shape_cast %get3A_99 : vector<16xi32> to vector<16xi32>
    %add3A_101 = vector.broadcast %mul3A_36 : i32 to vector<16xi32>
    %add3A_102 = arith.addi %get3A_100, %add3A_101 : vector<16xi32>
    %swap3A_103 = arith.constant 112 : index
    %swap3A_104 = tpu.vector_load %arg6[%swap3A_103] {strides = array<i32>} : memref<128xi32, #tpu.memory_space<vmem>>, vector<16xi32>,
    %swap3A_105 = vector.shape_cast %swap3A_104 : vector<16xi32> to vector<16xi32>
    %swap3A_106 = vector.shape_cast %add3A_102 : vector<16xi32> to vector<16xi32>
    tpu.vector_store %arg6[%swap3A_103], %swap3A_106 {strides = array<i32>} : memref<128xi32, #tpu.memory_space<vmem>>, vector<16xi32>,
    %dma_start3A_107 = arith.constant 0 : i32
    %dma_start3A_108 = arith.constant 0 : i32
    %dma_start3A_109 = tpu.memref_slice %arg2[%dma_start3A_107, %dma_start3A_108] : memref<20000x128xf32, #tpu.memory_space<hbm>> -> memref<20000x128xf32, #tpu.memory_space<hbm>>
    tpu.enqueue_indirect_dma source(%dma_start3A_109 : memref<20000x128xf32, #tpu.memory_space<hbm>>) target(%arg14 : memref<128x128xf32, #tpu.memory_space<vmem>>) offsets(%arg6 : memref<128xi32, #tpu.memory_space<vmem>>) semaphore(%arg22 : memref<!tpu.dma_semaphore, #tpu.memory_space<semaphore_mem>>)
    %dma_wait3A_110 = arith.constant 0 : i32
    %dma_wait3A_111 = tpu.memref_slice %arg3[%dma_wait3A_110] : memref<327680xi32, #tpu.memory_space<hbm>> -> memref<128xi32, #tpu.memory_space<hbm>>
    %dma_wait3A_112 = arith.constant 0 : i32
    %dma_wait3A_113 = tpu.memref_slice %arg3[%dma_wait3A_112] : memref<327680xi32, #tpu.memory_space<hbm>> -> memref<128xi32, #tpu.memory_space<hbm>>
    tpu.wait_dma2 semaphore(%arg19 : memref<!tpu.dma_semaphore, #tpu.memory_space<semaphore_mem>>) src(%dma_wait3A_113 : memref<128xi32, #tpu.memory_space<hbm>>) dst(%arg7 : memref<128xi32, #tpu.memory_space<vmem>>)
    %dma_wait3A_114 = arith.constant 0 : i32
    %dma_wait3A_115 = tpu.memref_slice %arg4[%dma_wait3A_114] : memref<327680xi32, #tpu.memory_space<hbm>> -> memref<128xi32, #tpu.memory_space<hbm>>
    %dma_wait3A_116 = arith.constant 0 : i32
    %dma_wait3A_117 = tpu.memref_slice %arg4[%dma_wait3A_116] : memref<327680xi32, #tpu.memory_space<hbm>> -> memref<128xi32, #tpu.memory_space<hbm>>
    tpu.wait_dma2 semaphore(%arg19 : memref<!tpu.dma_semaphore, #tpu.memory_space<semaphore_mem>>) src(%dma_wait3A_117 : memref<128xi32, #tpu.memory_space<hbm>>) dst(%arg11 : memref<128xi32, #tpu.memory_space<vmem>>)
    %mul3A_118 = arith.constant 10000 : i32
    %mul3A_119 = arith.muli %arg0, %mul3A_118 : i32
    %get3A_120 = arith.constant 0 : index
    %get3A_121 = tpu.vector_load %arg7[%get3A_120] {strides = array<i32>} : memref<128xi32, #tpu.memory_space<vmem>>, vector<16xi32>,
    %get3A_122 = vector.shape_cast %get3A_121 : vector<16xi32> to vector<16xi32>
    %add3A_123 = vector.broadcast %mul3A_119 : i32 to vector<16xi32>
    %add3A_124 = arith.addi %get3A_122, %add3A_123 : vector<16xi32>
    %swap3A_125 = arith.constant 0 : index
    %swap3A_126 = tpu.vector_load %arg7[%swap3A_125] {strides = array<i32>} : memref<128xi32, #tpu.memory_space<vmem>>, vector<16xi32>,
    %swap3A_127 = vector.shape_cast %swap3A_126 : vector<16xi32> to vector<16xi32>
    %swap3A_128 = vector.shape_cast %add3A_124 : vector<16xi32> to vector<16xi32>
    tpu.vector_store %arg7[%swap3A_125], %swap3A_128 {strides = array<i32>} : memref<128xi32, #tpu.memory_space<vmem>>, vector<16xi32>,
    %get3A_129 = arith.constant 16 : index
    %get3A_130 = tpu.vector_load %arg7[%get3A_129] {strides = array<i32>} : memref<128xi32, #tpu.memory_space<vmem>>, vector<16xi32>,
    %get3A_131 = vector.shape_cast %get3A_130 : vector<16xi32> to vector<16xi32>
    %add3A_132 = vector.broadcast %mul3A_119 : i32 to vector<16xi32>
    %add3A_133 = arith.addi %get3A_131, %add3A_132 : vector<16xi32>
    %swap3A_134 = arith.constant 16 : index
    %swap3A_135 = tpu.vector_load %arg7[%swap3A_134] {strides = array<i32>} : memref<128xi32, #tpu.memory_space<vmem>>, vector<16xi32>,
    %swap3A_136 = vector.shape_cast %swap3A_135 : vector<16xi32> to vector<16xi32>
    %swap3A_137 = vector.shape_cast %add3A_133 : vector<16xi32> to vector<16xi32>
    tpu.vector_store %arg7[%swap3A_134], %swap3A_137 {strides = array<i32>} : memref<128xi32, #tpu.memory_space<vmem>>, vector<16xi32>,
    %get3A_138 = arith.constant 32 : index
    %get3A_139 = tpu.vector_load %arg7[%get3A_138] {strides = array<i32>} : memref<128xi32, #tpu.memory_space<vmem>>, vector<16xi32>,
    %get3A_140 = vector.shape_cast %get3A_139 : vector<16xi32> to vector<16xi32>
    %add3A_141 = vector.broadcast %mul3A_119 : i32 to vector<16xi32>
    %add3A_142 = arith.addi %get3A_140, %add3A_141 : vector<16xi32>
    %swap3A_143 = arith.constant 32 : index
    %swap3A_144 = tpu.vector_load %arg7[%swap3A_143] {strides = array<i32>} : memref<128xi32, #tpu.memory_space<vmem>>, vector<16xi32>,
    %swap3A_145 = vector.shape_cast %swap3A_144 : vector<16xi32> to vector<16xi32>
    %swap3A_146 = vector.shape_cast %add3A_142 : vector<16xi32> to vector<16xi32>
    tpu.vector_store %arg7[%swap3A_143], %swap3A_146 {strides = array<i32>} : memref<128xi32, #tpu.memory_space<vmem>>, vector<16xi32>,
    %get3A_147 = arith.constant 48 : index
    %get3A_148 = tpu.vector_load %arg7[%get3A_147] {strides = array<i32>} : memref<128xi32, #tpu.memory_space<vmem>>, vector<16xi32>,
    %get3A_149 = vector.shape_cast %get3A_148 : vector<16xi32> to vector<16xi32>
    %add3A_150 = vector.broadcast %mul3A_119 : i32 to vector<16xi32>
    %add3A_151 = arith.addi %get3A_149, %add3A_150 : vector<16xi32>
    %swap3A_152 = arith.constant 48 : index
    %swap3A_153 = tpu.vector_load %arg7[%swap3A_152] {strides = array<i32>} : memref<128xi32, #tpu.memory_space<vmem>>, vector<16xi32>,
    %swap3A_154 = vector.shape_cast %swap3A_153 : vector<16xi32> to vector<16xi32>
    %swap3A_155 = vector.shape_cast %add3A_151 : vector<16xi32> to vector<16xi32>
    tpu.vector_store %arg7[%swap3A_152], %swap3A_155 {strides = array<i32>} : memref<128xi32, #tpu.memory_space<vmem>>, vector<16xi32>,
    %get3A_156 = arith.constant 64 : index
    %get3A_157 = tpu.vector_load %arg7[%get3A_156] {strides = array<i32>} : memref<128xi32, #tpu.memory_space<vmem>>, vector<16xi32>,
    %get3A_158 = vector.shape_cast %get3A_157 : vector<16xi32> to vector<16xi32>
    %add3A_159 = vector.broadcast %mul3A_119 : i32 to vector<16xi32>
    %add3A_160 = arith.addi %get3A_158, %add3A_159 : vector<16xi32>
    %swap3A_161 = arith.constant 64 : index
    %swap3A_162 = tpu.vector_load %arg7[%swap3A_161] {strides = array<i32>} : memref<128xi32, #tpu.memory_space<vmem>>, vector<16xi32>,
    %swap3A_163 = vector.shape_cast %swap3A_162 : vector<16xi32> to vector<16xi32>
    %swap3A_164 = vector.shape_cast %add3A_160 : vector<16xi32> to vector<16xi32>
    tpu.vector_store %arg7[%swap3A_161], %swap3A_164 {strides = array<i32>} : memref<128xi32, #tpu.memory_space<vmem>>, vector<16xi32>,
    %get3A_165 = arith.constant 80 : index
    %get3A_166 = tpu.vector_load %arg7[%get3A_165] {strides = array<i32>} : memref<128xi32, #tpu.memory_space<vmem>>, vector<16xi32>,
    %get3A_167 = vector.shape_cast %get3A_166 : vector<16xi32> to vector<16xi32>
    %add3A_168 = vector.broadcast %mul3A_119 : i32 to vector<16xi32>
    %add3A_169 = arith.addi %get3A_167, %add3A_168 : vector<16xi32>
    %swap3A_170 = arith.constant 80 : index
    %swap3A_171 = tpu.vector_load %arg7[%swap3A_170] {strides = array<i32>} : memref<128xi32, #tpu.memory_space<vmem>>, vector<16xi32>,
    %swap3A_172 = vector.shape_cast %swap3A_171 : vector<16xi32> to vector<16xi32>
    %swap3A_173 = vector.shape_cast %add3A_169 : vector<16xi32> to vector<16xi32>
    tpu.vector_store %arg7[%swap3A_170], %swap3A_173 {strides = array<i32>} : memref<128xi32, #tpu.memory_space<vmem>>, vector<16xi32>,
    %get3A_174 = arith.constant 96 : index
    %get3A_175 = tpu.vector_load %arg7[%get3A_174] {strides = array<i32>} : memref<128xi32, #tpu.memory_space<vmem>>, vector<16xi32>,
    %get3A_176 = vector.shape_cast %get3A_175 : vector<16xi32> to vector<16xi32>
    %add3A_177 = vector.broadcast %mul3A_119 : i32 to vector<16xi32>
    %add3A_178 = arith.addi %get3A_176, %add3A_177 : vector<16xi32>
    %swap3A_179 = arith.constant 96 : index
    %swap3A_180 = tpu.vector_load %arg7[%swap3A_179] {strides = array<i32>} : memref<128xi32, #tpu.memory_space<vmem>>, vector<16xi32>,
    %swap3A_181 = vector.shape_cast %swap3A_180 : vector<16xi32> to vector<16xi32>
    %swap3A_182 = vector.shape_cast %add3A_178 : vector<16xi32> to vector<16xi32>
    tpu.vector_store %arg7[%swap3A_179], %swap3A_182 {strides = array<i32>} : memref<128xi32, #tpu.memory_space<vmem>>, vector<16xi32>,
    %get3A_183 = arith.constant 112 : index
    %get3A_184 = tpu.vector_load %arg7[%get3A_183] {strides = array<i32>} : memref<128xi32, #tpu.memory_space<vmem>>, vector<16xi32>,
    %get3A_185 = vector.shape_cast %get3A_184 : vector<16xi32> to vector<16xi32>
    %add3A_186 = vector.broadcast %mul3A_119 : i32 to vector<16xi32>
    %add3A_187 = arith.addi %get3A_185, %add3A_186 : vector<16xi32>
    %swap3A_188 = arith.constant 112 : index
    %swap3A_189 = tpu.vector_load %arg7[%swap3A_188] {strides = array<i32>} : memref<128xi32, #tpu.memory_space<vmem>>, vector<16xi32>,
    %swap3A_190 = vector.shape_cast %swap3A_189 : vector<16xi32> to vector<16xi32>
    %swap3A_191 = vector.shape_cast %add3A_187 : vector<16xi32> to vector<16xi32>
    tpu.vector_store %arg7[%swap3A_188], %swap3A_191 {strides = array<i32>} : memref<128xi32, #tpu.memory_space<vmem>>, vector<16xi32>,
    %dma_start3A_192 = arith.constant 0 : i32
    %dma_start3A_193 = arith.constant 0 : i32
    %dma_start3A_194 = tpu.memref_slice %arg2[%dma_start3A_192, %dma_start3A_193] : memref<20000x128xf32, #tpu.memory_space<hbm>> -> memref<20000x128xf32, #tpu.memory_space<hbm>>
    tpu.enqueue_indirect_dma source(%dma_start3A_194 : memref<20000x128xf32, #tpu.memory_space<hbm>>) target(%arg15 : memref<128x128xf32, #tpu.memory_space<vmem>>) offsets(%arg7 : memref<128xi32, #tpu.memory_space<vmem>>) semaphore(%arg23 : memref<!tpu.dma_semaphore, #tpu.memory_space<semaphore_mem>>)
    %scan3A = arith.constant 0 : i32
    %scan3A_195 = arith.constant 0 : i32
    %scan3A_196 = arith.constant 32 : i32
    %scan3A_197 = arith.addi %scan3A_195, %scan3A_196 : i32
    %scan3A_198 = arith.constant 1 : i32
    %scan3A_199 = scf.for %scan3A_463 = %scan3A_195 to %scan3A_197 step %scan3A_198 iter_args(%scan3A_464 = %scan3A) -> (i32)  : i32 {
      %broadcast_in_dim3A = arith.constant 0.000000e+00 : f32
      %broadcast_in_dim3A_465 = vector.broadcast %broadcast_in_dim3A : f32 to vector<16xf32>
      %swap3A_466 = arith.index_cast %scan3A_463 : i32 to index
      %swap3A_467 = arith.constant 0 : index
      %swap3A_468 = tpu.vector_load %arg16[%swap3A_466, %swap3A_467] {strides = array<i32>} : memref<32x128xf32, #tpu.memory_space<vmem>>, vector<1x16xf32>,
      %swap3A_469 = vector.shape_cast %swap3A_468 : vector<1x16xf32> to vector<16xf32>
      %swap3A_470 = vector.shape_cast %broadcast_in_dim3A_465 : vector<16xf32> to vector<1x16xf32>
      tpu.vector_store %arg16[%swap3A_466, %swap3A_467], %swap3A_470 {strides = array<i32>} : memref<32x128xf32, #tpu.memory_space<vmem>>, vector<1x16xf32>,
      %broadcast_in_dim3A_471 = arith.constant 0.000000e+00 : f32
      %broadcast_in_dim3A_472 = vector.broadcast %broadcast_in_dim3A_471 : f32 to vector<16xf32>
      %swap3A_473 = arith.index_cast %scan3A_463 : i32 to index
      %swap3A_474 = arith.constant 16 : index
      %swap3A_475 = tpu.vector_load %arg16[%swap3A_473, %swap3A_474] {strides = array<i32>} : memref<32x128xf32, #tpu.memory_space<vmem>>, vector<1x16xf32>,
      %swap3A_476 = vector.shape_cast %swap3A_475 : vector<1x16xf32> to vector<16xf32>
      %swap3A_477 = vector.shape_cast %broadcast_in_dim3A_472 : vector<16xf32> to vector<1x16xf32>
      tpu.vector_store %arg16[%swap3A_473, %swap3A_474], %swap3A_477 {strides = array<i32>} : memref<32x128xf32, #tpu.memory_space<vmem>>, vector<1x16xf32>,
      %broadcast_in_dim3A_478 = arith.constant 0.000000e+00 : f32
      %broadcast_in_dim3A_479 = vector.broadcast %broadcast_in_dim3A_478 : f32 to vector<16xf32>
      %swap3A_480 = arith.index_cast %scan3A_463 : i32 to index
      %swap3A_481 = arith.constant 32 : index
      %swap3A_482 = tpu.vector_load %arg16[%swap3A_480, %swap3A_481] {strides = array<i32>} : memref<32x128xf32, #tpu.memory_space<vmem>>, vector<1x16xf32>,
      %swap3A_483 = vector.shape_cast %swap3A_482 : vector<1x16xf32> to vector<16xf32>
      %swap3A_484 = vector.shape_cast %broadcast_in_dim3A_479 : vector<16xf32> to vector<1x16xf32>
      tpu.vector_store %arg16[%swap3A_480, %swap3A_481], %swap3A_484 {strides = array<i32>} : memref<32x128xf32, #tpu.memory_space<vmem>>, vector<1x16xf32>,
      %broadcast_in_dim3A_485 = arith.constant 0.000000e+00 : f32
      %broadcast_in_dim3A_486 = vector.broadcast %broadcast_in_dim3A_485 : f32 to vector<16xf32>
      %swap3A_487 = arith.index_cast %scan3A_463 : i32 to index
      %swap3A_488 = arith.constant 48 : index
      %swap3A_489 = tpu.vector_load %arg16[%swap3A_487, %swap3A_488] {strides = array<i32>} : memref<32x128xf32, #tpu.memory_space<vmem>>, vector<1x16xf32>,
      %swap3A_490 = vector.shape_cast %swap3A_489 : vector<1x16xf32> to vector<16xf32>
      %swap3A_491 = vector.shape_cast %broadcast_in_dim3A_486 : vector<16xf32> to vector<1x16xf32>
      tpu.vector_store %arg16[%swap3A_487, %swap3A_488], %swap3A_491 {strides = array<i32>} : memref<32x128xf32, #tpu.memory_space<vmem>>, vector<1x16xf32>,
      %broadcast_in_dim3A_492 = arith.constant 0.000000e+00 : f32
      %broadcast_in_dim3A_493 = vector.broadcast %broadcast_in_dim3A_492 : f32 to vector<16xf32>
      %swap3A_494 = arith.index_cast %scan3A_463 : i32 to index
      %swap3A_495 = arith.constant 64 : index
      %swap3A_496 = tpu.vector_load %arg16[%swap3A_494, %swap3A_495] {strides = array<i32>} : memref<32x128xf32, #tpu.memory_space<vmem>>, vector<1x16xf32>,
      %swap3A_497 = vector.shape_cast %swap3A_496 : vector<1x16xf32> to vector<16xf32>
      %swap3A_498 = vector.shape_cast %broadcast_in_dim3A_493 : vector<16xf32> to vector<1x16xf32>
      tpu.vector_store %arg16[%swap3A_494, %swap3A_495], %swap3A_498 {strides = array<i32>} : memref<32x128xf32, #tpu.memory_space<vmem>>, vector<1x16xf32>,
      %broadcast_in_dim3A_499 = arith.constant 0.000000e+00 : f32
      %broadcast_in_dim3A_500 = vector.broadcast %broadcast_in_dim3A_499 : f32 to vector<16xf32>
      %swap3A_501 = arith.index_cast %scan3A_463 : i32 to index
      %swap3A_502 = arith.constant 80 : index
      %swap3A_503 = tpu.vector_load %arg16[%swap3A_501, %swap3A_502] {strides = array<i32>} : memref<32x128xf32, #tpu.memory_space<vmem>>, vector<1x16xf32>,
      %swap3A_504 = vector.shape_cast %swap3A_503 : vector<1x16xf32> to vector<16xf32>
      %swap3A_505 = vector.shape_cast %broadcast_in_dim3A_500 : vector<16xf32> to vector<1x16xf32>
      tpu.vector_store %arg16[%swap3A_501, %swap3A_502], %swap3A_505 {strides = array<i32>} : memref<32x128xf32, #tpu.memory_space<vmem>>, vector<1x16xf32>,
      %broadcast_in_dim3A_506 = arith.constant 0.000000e+00 : f32
      %broadcast_in_dim3A_507 = vector.broadcast %broadcast_in_dim3A_506 : f32 to vector<16xf32>
      %swap3A_508 = arith.index_cast %scan3A_463 : i32 to index
      %swap3A_509 = arith.constant 96 : index
      %swap3A_510 = tpu.vector_load %arg16[%swap3A_508, %swap3A_509] {strides = array<i32>} : memref<32x128xf32, #tpu.memory_space<vmem>>, vector<1x16xf32>,
      %swap3A_511 = vector.shape_cast %swap3A_510 : vector<1x16xf32> to vector<16xf32>
      %swap3A_512 = vector.shape_cast %broadcast_in_dim3A_507 : vector<16xf32> to vector<1x16xf32>
      tpu.vector_store %arg16[%swap3A_508, %swap3A_509], %swap3A_512 {strides = array<i32>} : memref<32x128xf32, #tpu.memory_space<vmem>>, vector<1x16xf32>,
      %broadcast_in_dim3A_513 = arith.constant 0.000000e+00 : f32
      %broadcast_in_dim3A_514 = vector.broadcast %broadcast_in_dim3A_513 : f32 to vector<16xf32>
      %swap3A_515 = arith.index_cast %scan3A_463 : i32 to index
      %swap3A_516 = arith.constant 112 : index
      %swap3A_517 = tpu.vector_load %arg16[%swap3A_515, %swap3A_516] {strides = array<i32>} : memref<32x128xf32, #tpu.memory_space<vmem>>, vector<1x16xf32>,
      %swap3A_518 = vector.shape_cast %swap3A_517 : vector<1x16xf32> to vector<16xf32>
      %swap3A_519 = vector.shape_cast %broadcast_in_dim3A_514 : vector<16xf32> to vector<1x16xf32>
      tpu.vector_store %arg16[%swap3A_515, %swap3A_516], %swap3A_519 {strides = array<i32>} : memref<32x128xf32, #tpu.memory_space<vmem>>, vector<1x16xf32>,
      %scan3A_520 = arith.constant 0 : i32
      scf.yield %scan3A_520 : i32
    }
    %scan3A_200 = arith.constant 32 : i32
    %scan3A_201 = arith.constant 0 : i32
    %scan3A_202 = arith.constant 0 : i32
    %scan3A_203 = arith.constant 20 : i32
    %scan3A_204 = arith.addi %scan3A_202, %scan3A_203 : i32
    %scan3A_205 = arith.constant 1 : i32
    %scan3A_206 = scf.for %scan3A_463 = %scan3A_202 to %scan3A_204 step %scan3A_205 iter_args(%scan3A_464 = %scan3A_201) -> (i32)  : i32 {
      %mul3A_465 = arith.constant 640 : i32
      %mul3A_466 = arith.muli %arg1, %mul3A_465 : i32
      %mul3A_467 = arith.constant 32 : i32
      %mul3A_468 = arith.muli %scan3A_463, %mul3A_467 : i32
      %add3A_469 = arith.addi %mul3A_466, %mul3A_468 : i32
      "tpu.region"() ({
        %run_scoped3A = tpu.sem_alloc : memref<!tpu.dma_semaphore, #tpu.memory_space<semaphore_mem>>
        %dma_start3A_471 = arith.constant 0 : i32
        %dma_start3A_472 = tpu.memref_slice %arg17[%add3A_469, %dma_start3A_471] : memref<10240x128xf32, #tpu.memory_space<vmem_shared>> -> memref<32x128xf32, #tpu.memory_space<vmem_shared>>
        %dma_start3A_473 = arith.constant 0 : i32
        %dma_start3A_474 = tpu.memref_slice %arg17[%add3A_469, %dma_start3A_473] : memref<10240x128xf32, #tpu.memory_space<vmem_shared>> -> memref<32x128xf32, #tpu.memory_space<vmem_shared>>
        tpu.enqueue_dma source(%arg16 : memref<32x128xf32, #tpu.memory_space<vmem>>) target(%dma_start3A_474 : memref<32x128xf32, #tpu.memory_space<vmem_shared>>) target_semaphore(%run_scoped3A : memref<!tpu.dma_semaphore, #tpu.memory_space<semaphore_mem>>)
        %dma_wait3A_475 = arith.constant 0 : i32
        %dma_wait3A_476 = tpu.memref_slice %arg17[%add3A_469, %dma_wait3A_475] : memref<10240x128xf32, #tpu.memory_space<vmem_shared>> -> memref<32x128xf32, #tpu.memory_space<vmem_shared>>
        %dma_wait3A_477 = arith.constant 0 : i32
        %dma_wait3A_478 = tpu.memref_slice %arg17[%add3A_469, %dma_wait3A_477] : memref<10240x128xf32, #tpu.memory_space<vmem_shared>> -> memref<32x128xf32, #tpu.memory_space<vmem_shared>>
        tpu.wait_dma2 semaphore(%run_scoped3A : memref<!tpu.dma_semaphore, #tpu.memory_space<semaphore_mem>>) src(%arg16 : memref<32x128xf32, #tpu.memory_space<vmem>>) dst(%dma_wait3A_478 : memref<32x128xf32, #tpu.memory_space<vmem_shared>>)
        tpu.yield
      }) : () -> ()
      %scan3A_470 = arith.constant 0 : i32
      scf.yield %scan3A_470 : i32
    }
    %scan3A_207 = arith.constant 20 : i32
    %barrier3A = arith.constant 0 : index
    tpu.barrier barrier_id(%barrier3A)
    %dma_wait3A_208 = arith.constant 0 : i32
    %dma_wait3A_209 = arith.constant 0 : i32
    %dma_wait3A_210 = tpu.memref_slice %arg2[%dma_wait3A_208, %dma_wait3A_209] : memref<20000x128xf32, #tpu.memory_space<hbm>> -> memref<128x128xf32, #tpu.memory_space<hbm>>
    %dma_wait3A_211 = arith.constant 0 : i32
    %dma_wait3A_212 = arith.constant 0 : i32
    %dma_wait3A_213 = tpu.memref_slice %arg2[%dma_wait3A_211, %dma_wait3A_212] : memref<20000x128xf32, #tpu.memory_space<hbm>> -> memref<128x128xf32, #tpu.memory_space<hbm>>
    tpu.wait_dma2 semaphore(%arg22 : memref<!tpu.dma_semaphore, #tpu.memory_space<semaphore_mem>>) src(%dma_wait3A_213 : memref<128x128xf32, #tpu.memory_space<hbm>>) dst(%arg14 : memref<128x128xf32, #tpu.memory_space<vmem>>)
    %dma_start3A_214 = arith.constant 0 : i32
    %dma_start3A_215 = arith.constant 0 : i32
    %dma_start3A_216 = tpu.memref_slice %arg17[%dma_start3A_214, %dma_start3A_215] : memref<10240x128xf32, #tpu.memory_space<vmem_shared>> -> memref<10240x128xf32, #tpu.memory_space<vmem_shared>>
    tpu.enqueue_indirect_dma source(%arg14 : memref<128x128xf32, #tpu.memory_space<vmem>>) target(%dma_start3A_216 : memref<10240x128xf32, #tpu.memory_space<vmem_shared>>) offsets(%arg10 : memref<128xi32, #tpu.memory_space<vmem>>) semaphore(%arg24 : memref<!tpu.dma_semaphore, #tpu.memory_space<semaphore_mem>>) {add = true}
    %scan3A_217 = arith.constant 0 : i32
    %scan3A_218 = arith.constant 0 : i32
    %scan3A_219 = arith.constant 39 : i32
    %scan3A_220 = arith.addi %scan3A_218, %scan3A_219 : i32
    %scan3A_221 = arith.constant 1 : i32
    %scan3A_222 = scf.for %scan3A_463 = %scan3A_218 to %scan3A_220 step %scan3A_221 iter_args(%scan3A_464 = %scan3A_217) -> (i32)  : i32 {
      %mul3A_465 = arith.constant 4 : i32
      %mul3A_466 = arith.muli %scan3A_463, %mul3A_465 : i32
      %add3A_467 = arith.constant 2 : i32
      %add3A_468 = arith.addi %mul3A_466, %add3A_467 : i32
      %add3A_469 = arith.constant 0 : i32
      %add3A_470 = arith.addi %add3A_468, %add3A_469 : i32
      %dma_wait3A_471 = arith.constant 0 : i32
      %dma_wait3A_472 = arith.constant 0 : i32
      %dma_wait3A_473 = tpu.memref_slice %arg2[%dma_wait3A_471, %dma_wait3A_472] : memref<20000x128xf32, #tpu.memory_space<hbm>> -> memref<128x128xf32, #tpu.memory_space<hbm>>
      %dma_wait3A_474 = arith.constant 0 : i32
      %dma_wait3A_475 = arith.constant 0 : i32
      %dma_wait3A_476 = tpu.memref_slice %arg2[%dma_wait3A_474, %dma_wait3A_475] : memref<20000x128xf32, #tpu.memory_space<hbm>> -> memref<128x128xf32, #tpu.memory_space<hbm>>
      tpu.wait_dma2 semaphore(%arg24 : memref<!tpu.dma_semaphore, #tpu.memory_space<semaphore_mem>>) src(%dma_wait3A_476 : memref<128x128xf32, #tpu.memory_space<hbm>>) dst(%arg14 : memref<128x128xf32, #tpu.memory_space<vmem>>)
      %add3A_477 = arith.constant 2 : i32
      %add3A_478 = arith.addi %add3A_470, %add3A_477 : i32
      %mul3A_479 = arith.constant 128 : i32
      %mul3A_480 = arith.muli %add3A_478, %mul3A_479 : i32
      %add3A_481 = arith.addi %mul3A_2, %mul3A_480 : i32
      %multiple_of3A_482 = tpu.assume_multiple %add3A_481, 128 : i32
      %dma_start3A_483 = tpu.memref_slice %arg3[%multiple_of3A_482] : memref<327680xi32, #tpu.memory_space<hbm>> -> memref<128xi32, #tpu.memory_space<hbm>>
      %dma_start3A_484 = tpu.memref_slice %arg3[%multiple_of3A_482] : memref<327680xi32, #tpu.memory_space<hbm>> -> memref<128xi32, #tpu.memory_space<hbm>>
      tpu.enqueue_dma source(%dma_start3A_484 : memref<128xi32, #tpu.memory_space<hbm>>) target(%arg6 : memref<128xi32, #tpu.memory_space<vmem>>) target_semaphore(%arg18 : memref<!tpu.dma_semaphore, #tpu.memory_space<semaphore_mem>>)
      %dma_start3A_485 = tpu.memref_slice %arg4[%multiple_of3A_482] : memref<327680xi32, #tpu.memory_space<hbm>> -> memref<128xi32, #tpu.memory_space<hbm>>
      %dma_start3A_486 = tpu.memref_slice %arg4[%multiple_of3A_482] : memref<327680xi32, #tpu.memory_space<hbm>> -> memref<128xi32, #tpu.memory_space<hbm>>
      tpu.enqueue_dma source(%dma_start3A_486 : memref<128xi32, #tpu.memory_space<hbm>>) target(%arg10 : memref<128xi32, #tpu.memory_space<vmem>>) target_semaphore(%arg18 : memref<!tpu.dma_semaphore, #tpu.memory_space<semaphore_mem>>)
      %dma_wait3A_487 = arith.constant 0 : i32
      %dma_wait3A_488 = tpu.memref_slice %arg3[%dma_wait3A_487] : memref<327680xi32, #tpu.memory_space<hbm>> -> memref<128xi32, #tpu.memory_space<hbm>>
      %dma_wait3A_489 = arith.constant 0 : i32
      %dma_wait3A_490 = tpu.memref_slice %arg3[%dma_wait3A_489] : memref<327680xi32, #tpu.memory_space<hbm>> -> memref<128xi32, #tpu.memory_space<hbm>>
      tpu.wait_dma2 semaphore(%arg20 : memref<!tpu.dma_semaphore, #tpu.memory_space<semaphore_mem>>) src(%dma_wait3A_490 : memref<128xi32, #tpu.memory_space<hbm>>) dst(%arg8 : memref<128xi32, #tpu.memory_space<vmem>>)
      %dma_wait3A_491 = arith.constant 0 : i32
      %dma_wait3A_492 = tpu.memref_slice %arg4[%dma_wait3A_491] : memref<327680xi32, #tpu.memory_space<hbm>> -> memref<128xi32, #tpu.memory_space<hbm>>
      %dma_wait3A_493 = arith.constant 0 : i32
      %dma_wait3A_494 = tpu.memref_slice %arg4[%dma_wait3A_493] : memref<327680xi32, #tpu.memory_space<hbm>> -> memref<128xi32, #tpu.memory_space<hbm>>
      tpu.wait_dma2 semaphore(%arg20 : memref<!tpu.dma_semaphore, #tpu.memory_space<semaphore_mem>>) src(%dma_wait3A_494 : memref<128xi32, #tpu.memory_space<hbm>>) dst(%arg12 : memref<128xi32, #tpu.memory_space<vmem>>)
      %mul3A_495 = arith.constant 10000 : i32
      %mul3A_496 = arith.muli %arg0, %mul3A_495 : i32
      %get3A_497 = arith.constant 0 : index
      %get3A_498 = tpu.vector_load %arg8[%get3A_497] {strides = array<i32>} : memref<128xi32, #tpu.memory_space<vmem>>, vector<16xi32>,
      %get3A_499 = vector.shape_cast %get3A_498 : vector<16xi32> to vector<16xi32>
      %add3A_500 = vector.broadcast %mul3A_496 : i32 to vector<16xi32>
      %add3A_501 = arith.addi %get3A_499, %add3A_500 : vector<16xi32>
      %swap3A_502 = arith.constant 0 : index
      %swap3A_503 = tpu.vector_load %arg8[%swap3A_502] {strides = array<i32>} : memref<128xi32, #tpu.memory_space<vmem>>, vector<16xi32>,
      %swap3A_504 = vector.shape_cast %swap3A_503 : vector<16xi32> to vector<16xi32>
      %swap3A_505 = vector.shape_cast %add3A_501 : vector<16xi32> to vector<16xi32>
      tpu.vector_store %arg8[%swap3A_502], %swap3A_505 {strides = array<i32>} : memref<128xi32, #tpu.memory_space<vmem>>, vector<16xi32>,
      %get3A_506 = arith.constant 16 : index
      %get3A_507 = tpu.vector_load %arg8[%get3A_506] {strides = array<i32>} : memref<128xi32, #tpu.memory_space<vmem>>, vector<16xi32>,
      %get3A_508 = vector.shape_cast %get3A_507 : vector<16xi32> to vector<16xi32>
      %add3A_509 = vector.broadcast %mul3A_496 : i32 to vector<16xi32>
      %add3A_510 = arith.addi %get3A_508, %add3A_509 : vector<16xi32>
      %swap3A_511 = arith.constant 16 : index
      %swap3A_512 = tpu.vector_load %arg8[%swap3A_511] {strides = array<i32>} : memref<128xi32, #tpu.memory_space<vmem>>, vector<16xi32>,
      %swap3A_513 = vector.shape_cast %swap3A_512 : vector<16xi32> to vector<16xi32>
      %swap3A_514 = vector.shape_cast %add3A_510 : vector<16xi32> to vector<16xi32>
      tpu.vector_store %arg8[%swap3A_511], %swap3A_514 {strides = array<i32>} : memref<128xi32, #tpu.memory_space<vmem>>, vector<16xi32>,
      %get3A_515 = arith.constant 32 : index
      %get3A_516 = tpu.vector_load %arg8[%get3A_515] {strides = array<i32>} : memref<128xi32, #tpu.memory_space<vmem>>, vector<16xi32>,
      %get3A_517 = vector.shape_cast %get3A_516 : vector<16xi32> to vector<16xi32>
      %add3A_518 = vector.broadcast %mul3A_496 : i32 to vector<16xi32>
      %add3A_519 = arith.addi %get3A_517, %add3A_518 : vector<16xi32>
      %swap3A_520 = arith.constant 32 : index
      %swap3A_521 = tpu.vector_load %arg8[%swap3A_520] {strides = array<i32>} : memref<128xi32, #tpu.memory_space<vmem>>, vector<16xi32>,
      %swap3A_522 = vector.shape_cast %swap3A_521 : vector<16xi32> to vector<16xi32>
      %swap3A_523 = vector.shape_cast %add3A_519 : vector<16xi32> to vector<16xi32>
      tpu.vector_store %arg8[%swap3A_520], %swap3A_523 {strides = array<i32>} : memref<128xi32, #tpu.memory_space<vmem>>, vector<16xi32>,
      %get3A_524 = arith.constant 48 : index
      %get3A_525 = tpu.vector_load %arg8[%get3A_524] {strides = array<i32>} : memref<128xi32, #tpu.memory_space<vmem>>, vector<16xi32>,
      %get3A_526 = vector.shape_cast %get3A_525 : vector<16xi32> to vector<16xi32>
      %add3A_527 = vector.broadcast %mul3A_496 : i32 to vector<16xi32>
      %add3A_528 = arith.addi %get3A_526, %add3A_527 : vector<16xi32>
      %swap3A_529 = arith.constant 48 : index
      %swap3A_530 = tpu.vector_load %arg8[%swap3A_529] {strides = array<i32>} : memref<128xi32, #tpu.memory_space<vmem>>, vector<16xi32>,
      %swap3A_531 = vector.shape_cast %swap3A_530 : vector<16xi32> to vector<16xi32>
      %swap3A_532 = vector.shape_cast %add3A_528 : vector<16xi32> to vector<16xi32>
      tpu.vector_store %arg8[%swap3A_529], %swap3A_532 {strides = array<i32>} : memref<128xi32, #tpu.memory_space<vmem>>, vector<16xi32>,
      %get3A_533 = arith.constant 64 : index
      %get3A_534 = tpu.vector_load %arg8[%get3A_533] {strides = array<i32>} : memref<128xi32, #tpu.memory_space<vmem>>, vector<16xi32>,
      %get3A_535 = vector.shape_cast %get3A_534 : vector<16xi32> to vector<16xi32>
      %add3A_536 = vector.broadcast %mul3A_496 : i32 to vector<16xi32>
      %add3A_537 = arith.addi %get3A_535, %add3A_536 : vector<16xi32>
      %swap3A_538 = arith.constant 64 : index
      %swap3A_539 = tpu.vector_load %arg8[%swap3A_538] {strides = array<i32>} : memref<128xi32, #tpu.memory_space<vmem>>, vector<16xi32>,
      %swap3A_540 = vector.shape_cast %swap3A_539 : vector<16xi32> to vector<16xi32>
      %swap3A_541 = vector.shape_cast %add3A_537 : vector<16xi32> to vector<16xi32>
      tpu.vector_store %arg8[%swap3A_538], %swap3A_541 {strides = array<i32>} : memref<128xi32, #tpu.memory_space<vmem>>, vector<16xi32>,
      %get3A_542 = arith.constant 80 : index
      %get3A_543 = tpu.vector_load %arg8[%get3A_542] {strides = array<i32>} : memref<128xi32, #tpu.memory_space<vmem>>, vector<16xi32>,
      %get3A_544 = vector.shape_cast %get3A_543 : vector<16xi32> to vector<16xi32>
      %add3A_545 = vector.broadcast %mul3A_496 : i32 to vector<16xi32>
      %add3A_546 = arith.addi %get3A_544, %add3A_545 : vector<16xi32>
      %swap3A_547 = arith.constant 80 : index
      %swap3A_548 = tpu.vector_load %arg8[%swap3A_547] {strides = array<i32>} : memref<128xi32, #tpu.memory_space<vmem>>, vector<16xi32>,
      %swap3A_549 = vector.shape_cast %swap3A_548 : vector<16xi32> to vector<16xi32>
      %swap3A_550 = vector.shape_cast %add3A_546 : vector<16xi32> to vector<16xi32>
      tpu.vector_store %arg8[%swap3A_547], %swap3A_550 {strides = array<i32>} : memref<128xi32, #tpu.memory_space<vmem>>, vector<16xi32>,
      %get3A_551 = arith.constant 96 : index
      %get3A_552 = tpu.vector_load %arg8[%get3A_551] {strides = array<i32>} : memref<128xi32, #tpu.memory_space<vmem>>, vector<16xi32>,
      %get3A_553 = vector.shape_cast %get3A_552 : vector<16xi32> to vector<16xi32>
      %add3A_554 = vector.broadcast %mul3A_496 : i32 to vector<16xi32>
      %add3A_555 = arith.addi %get3A_553, %add3A_554 : vector<16xi32>
      %swap3A_556 = arith.constant 96 : index
      %swap3A_557 = tpu.vector_load %arg8[%swap3A_556] {strides = array<i32>} : memref<128xi32, #tpu.memory_space<vmem>>, vector<16xi32>,
      %swap3A_558 = vector.shape_cast %swap3A_557 : vector<16xi32> to vector<16xi32>
      %swap3A_559 = vector.shape_cast %add3A_555 : vector<16xi32> to vector<16xi32>
      tpu.vector_store %arg8[%swap3A_556], %swap3A_559 {strides = array<i32>} : memref<128xi32, #tpu.memory_space<vmem>>, vector<16xi32>,
      %get3A_560 = arith.constant 112 : index
      %get3A_561 = tpu.vector_load %arg8[%get3A_560] {strides = array<i32>} : memref<128xi32, #tpu.memory_space<vmem>>, vector<16xi32>,
      %get3A_562 = vector.shape_cast %get3A_561 : vector<16xi32> to vector<16xi32>
      %add3A_563 = vector.broadcast %mul3A_496 : i32 to vector<16xi32>
      %add3A_564 = arith.addi %get3A_562, %add3A_563 : vector<16xi32>
      %swap3A_565 = arith.constant 112 : index
      %swap3A_566 = tpu.vector_load %arg8[%swap3A_565] {strides = array<i32>} : memref<128xi32, #tpu.memory_space<vmem>>, vector<16xi32>,
      %swap3A_567 = vector.shape_cast %swap3A_566 : vector<16xi32> to vector<16xi32>
      %swap3A_568 = vector.shape_cast %add3A_564 : vector<16xi32> to vector<16xi32>
      tpu.vector_store %arg8[%swap3A_565], %swap3A_568 {strides = array<i32>} : memref<128xi32, #tpu.memory_space<vmem>>, vector<16xi32>,
      %dma_start3A_569 = arith.constant 0 : i32
      %dma_start3A_570 = arith.constant 0 : i32
      %dma_start3A_571 = tpu.memref_slice %arg2[%dma_start3A_569, %dma_start3A_570] : memref<20000x128xf32, #tpu.memory_space<hbm>> -> memref<20000x128xf32, #tpu.memory_space<hbm>>
      tpu.enqueue_indirect_dma source(%dma_start3A_571 : memref<20000x128xf32, #tpu.memory_space<hbm>>) target(%arg14 : memref<128x128xf32, #tpu.memory_space<vmem>>) offsets(%arg8 : memref<128xi32, #tpu.memory_space<vmem>>) semaphore(%arg22 : memref<!tpu.dma_semaphore, #tpu.memory_space<semaphore_mem>>)
      %dma_wait3A_572 = arith.constant 0 : i32
      %dma_wait3A_573 = arith.constant 0 : i32
      %dma_wait3A_574 = tpu.memref_slice %arg2[%dma_wait3A_572, %dma_wait3A_573] : memref<20000x128xf32, #tpu.memory_space<hbm>> -> memref<128x128xf32, #tpu.memory_space<hbm>>
      %dma_wait3A_575 = arith.constant 0 : i32
      %dma_wait3A_576 = arith.constant 0 : i32
      %dma_wait3A_577 = tpu.memref_slice %arg2[%dma_wait3A_575, %dma_wait3A_576] : memref<20000x128xf32, #tpu.memory_space<hbm>> -> memref<128x128xf32, #tpu.memory_space<hbm>>
      tpu.wait_dma2 semaphore(%arg23 : memref<!tpu.dma_semaphore, #tpu.memory_space<semaphore_mem>>) src(%dma_wait3A_577 : memref<128x128xf32, #tpu.memory_space<hbm>>) dst(%arg15 : memref<128x128xf32, #tpu.memory_space<vmem>>)
      %dma_start3A_578 = arith.constant 0 : i32
      %dma_start3A_579 = arith.constant 0 : i32
      %dma_start3A_580 = tpu.memref_slice %arg17[%dma_start3A_578, %dma_start3A_579] : memref<10240x128xf32, #tpu.memory_space<vmem_shared>> -> memref<10240x128xf32, #tpu.memory_space<vmem_shared>>
      tpu.enqueue_indirect_dma source(%arg15 : memref<128x128xf32, #tpu.memory_space<vmem>>) target(%dma_start3A_580 : memref<10240x128xf32, #tpu.memory_space<vmem_shared>>) offsets(%arg11 : memref<128xi32, #tpu.memory_space<vmem>>) semaphore(%arg25 : memref<!tpu.dma_semaphore, #tpu.memory_space<semaphore_mem>>) {add = true}
      %mul3A_581 = arith.constant 4 : i32
      %mul3A_582 = arith.muli %scan3A_463, %mul3A_581 : i32
      %add3A_583 = arith.constant 2 : i32
      %add3A_584 = arith.addi %mul3A_582, %add3A_583 : i32
      %add3A_585 = arith.constant 1 : i32
      %add3A_586 = arith.addi %add3A_584, %add3A_585 : i32
      %dma_wait3A_587 = arith.constant 0 : i32
      %dma_wait3A_588 = arith.constant 0 : i32
      %dma_wait3A_589 = tpu.memref_slice %arg2[%dma_wait3A_587, %dma_wait3A_588] : memref<20000x128xf32, #tpu.memory_space<hbm>> -> memref<128x128xf32, #tpu.memory_space<hbm>>
      %dma_wait3A_590 = arith.constant 0 : i32
      %dma_wait3A_591 = arith.constant 0 : i32
      %dma_wait3A_592 = tpu.memref_slice %arg2[%dma_wait3A_590, %dma_wait3A_591] : memref<20000x128xf32, #tpu.memory_space<hbm>> -> memref<128x128xf32, #tpu.memory_space<hbm>>
      tpu.wait_dma2 semaphore(%arg25 : memref<!tpu.dma_semaphore, #tpu.memory_space<semaphore_mem>>) src(%dma_wait3A_592 : memref<128x128xf32, #tpu.memory_space<hbm>>) dst(%arg15 : memref<128x128xf32, #tpu.memory_space<vmem>>)
      %add3A_593 = arith.constant 2 : i32
      %add3A_594 = arith.addi %add3A_586, %add3A_593 : i32
      %mul3A_595 = arith.constant 128 : i32
      %mul3A_596 = arith.muli %add3A_594, %mul3A_595 : i32
      %add3A_597 = arith.addi %mul3A_2, %mul3A_596 : i32
      %multiple_of3A_598 = tpu.assume_multiple %add3A_597, 128 : i32
      %dma_start3A_599 = tpu.memref_slice %arg3[%multiple_of3A_598] : memref<327680xi32, #tpu.memory_space<hbm>> -> memref<128xi32, #tpu.memory_space<hbm>>
      %dma_start3A_600 = tpu.memref_slice %arg3[%multiple_of3A_598] : memref<327680xi32, #tpu.memory_space<hbm>> -> memref<128xi32, #tpu.memory_space<hbm>>
      tpu.enqueue_dma source(%dma_start3A_600 : memref<128xi32, #tpu.memory_space<hbm>>) target(%arg7 : memref<128xi32, #tpu.memory_space<vmem>>) target_semaphore(%arg19 : memref<!tpu.dma_semaphore, #tpu.memory_space<semaphore_mem>>)
      %dma_start3A_601 = tpu.memref_slice %arg4[%multiple_of3A_598] : memref<327680xi32, #tpu.memory_space<hbm>> -> memref<128xi32, #tpu.memory_space<hbm>>
      %dma_start3A_602 = tpu.memref_slice %arg4[%multiple_of3A_598] : memref<327680xi32, #tpu.memory_space<hbm>> -> memref<128xi32, #tpu.memory_space<hbm>>
      tpu.enqueue_dma source(%dma_start3A_602 : memref<128xi32, #tpu.memory_space<hbm>>) target(%arg11 : memref<128xi32, #tpu.memory_space<vmem>>) target_semaphore(%arg19 : memref<!tpu.dma_semaphore, #tpu.memory_space<semaphore_mem>>)
      %dma_wait3A_603 = arith.constant 0 : i32
      %dma_wait3A_604 = tpu.memref_slice %arg3[%dma_wait3A_603] : memref<327680xi32, #tpu.memory_space<hbm>> -> memref<128xi32, #tpu.memory_space<hbm>>
      %dma_wait3A_605 = arith.constant 0 : i32
      %dma_wait3A_606 = tpu.memref_slice %arg3[%dma_wait3A_605] : memref<327680xi32, #tpu.memory_space<hbm>> -> memref<128xi32, #tpu.memory_space<hbm>>
      tpu.wait_dma2 semaphore(%arg21 : memref<!tpu.dma_semaphore, #tpu.memory_space<semaphore_mem>>) src(%dma_wait3A_606 : memref<128xi32, #tpu.memory_space<hbm>>) dst(%arg9 : memref<128xi32, #tpu.memory_space<vmem>>)
      %dma_wait3A_607 = arith.constant 0 : i32
      %dma_wait3A_608 = tpu.memref_slice %arg4[%dma_wait3A_607] : memref<327680xi32, #tpu.memory_space<hbm>> -> memref<128xi32, #tpu.memory_space<hbm>>
      %dma_wait3A_609 = arith.constant 0 : i32
      %dma_wait3A_610 = tpu.memref_slice %arg4[%dma_wait3A_609] : memref<327680xi32, #tpu.memory_space<hbm>> -> memref<128xi32, #tpu.memory_space<hbm>>
      tpu.wait_dma2 semaphore(%arg21 : memref<!tpu.dma_semaphore, #tpu.memory_space<semaphore_mem>>) src(%dma_wait3A_610 : memref<128xi32, #tpu.memory_space<hbm>>) dst(%arg13 : memref<128xi32, #tpu.memory_space<vmem>>)
      %mul3A_611 = arith.constant 10000 : i32
      %mul3A_612 = arith.muli %arg0, %mul3A_611 : i32
      %get3A_613 = arith.constant 0 : index
      %get3A_614 = tpu.vector_load %arg9[%get3A_613] {strides = array<i32>} : memref<128xi32, #tpu.memory_space<vmem>>, vector<16xi32>,
      %get3A_615 = vector.shape_cast %get3A_614 : vector<16xi32> to vector<16xi32>
      %add3A_616 = vector.broadcast %mul3A_612 : i32 to vector<16xi32>
      %add3A_617 = arith.addi %get3A_615, %add3A_616 : vector<16xi32>
      %swap3A_618 = arith.constant 0 : index
      %swap3A_619 = tpu.vector_load %arg9[%swap3A_618] {strides = array<i32>} : memref<128xi32, #tpu.memory_space<vmem>>, vector<16xi32>,
      %swap3A_620 = vector.shape_cast %swap3A_619 : vector<16xi32> to vector<16xi32>
      %swap3A_621 = vector.shape_cast %add3A_617 : vector<16xi32> to vector<16xi32>
      tpu.vector_store %arg9[%swap3A_618], %swap3A_621 {strides = array<i32>} : memref<128xi32, #tpu.memory_space<vmem>>, vector<16xi32>,
      %get3A_622 = arith.constant 16 : index
      %get3A_623 = tpu.vector_load %arg9[%get3A_622] {strides = array<i32>} : memref<128xi32, #tpu.memory_space<vmem>>, vector<16xi32>,
      %get3A_624 = vector.shape_cast %get3A_623 : vector<16xi32> to vector<16xi32>
      %add3A_625 = vector.broadcast %mul3A_612 : i32 to vector<16xi32>
      %add3A_626 = arith.addi %get3A_624, %add3A_625 : vector<16xi32>
      %swap3A_627 = arith.constant 16 : index
      %swap3A_628 = tpu.vector_load %arg9[%swap3A_627] {strides = array<i32>} : memref<128xi32, #tpu.memory_space<vmem>>, vector<16xi32>,
      %swap3A_629 = vector.shape_cast %swap3A_628 : vector<16xi32> to vector<16xi32>
      %swap3A_630 = vector.shape_cast %add3A_626 : vector<16xi32> to vector<16xi32>
      tpu.vector_store %arg9[%swap3A_627], %swap3A_630 {strides = array<i32>} : memref<128xi32, #tpu.memory_space<vmem>>, vector<16xi32>,
      %get3A_631 = arith.constant 32 : index
      %get3A_632 = tpu.vector_load %arg9[%get3A_631] {strides = array<i32>} : memref<128xi32, #tpu.memory_space<vmem>>, vector<16xi32>,
      %get3A_633 = vector.shape_cast %get3A_632 : vector<16xi32> to vector<16xi32>
      %add3A_634 = vector.broadcast %mul3A_612 : i32 to vector<16xi32>
      %add3A_635 = arith.addi %get3A_633, %add3A_634 : vector<16xi32>
      %swap3A_636 = arith.constant 32 : index
      %swap3A_637 = tpu.vector_load %arg9[%swap3A_636] {strides = array<i32>} : memref<128xi32, #tpu.memory_space<vmem>>, vector<16xi32>,
      %swap3A_638 = vector.shape_cast %swap3A_637 : vector<16xi32> to vector<16xi32>
      %swap3A_639 = vector.shape_cast %add3A_635 : vector<16xi32> to vector<16xi32>
      tpu.vector_store %arg9[%swap3A_636], %swap3A_639 {strides = array<i32>} : memref<128xi32, #tpu.memory_space<vmem>>, vector<16xi32>,
      %get3A_640 = arith.constant 48 : index
      %get3A_641 = tpu.vector_load %arg9[%get3A_640] {strides = array<i32>} : memref<128xi32, #tpu.memory_space<vmem>>, vector<16xi32>,
      %get3A_642 = vector.shape_cast %get3A_641 : vector<16xi32> to vector<16xi32>
      %add3A_643 = vector.broadcast %mul3A_612 : i32 to vector<16xi32>
      %add3A_644 = arith.addi %get3A_642, %add3A_643 : vector<16xi32>
      %swap3A_645 = arith.constant 48 : index
      %swap3A_646 = tpu.vector_load %arg9[%swap3A_645] {strides = array<i32>} : memref<128xi32, #tpu.memory_space<vmem>>, vector<16xi32>,
      %swap3A_647 = vector.shape_cast %swap3A_646 : vector<16xi32> to vector<16xi32>
      %swap3A_648 = vector.shape_cast %add3A_644 : vector<16xi32> to vector<16xi32>
      tpu.vector_store %arg9[%swap3A_645], %swap3A_648 {strides = array<i32>} : memref<128xi32, #tpu.memory_space<vmem>>, vector<16xi32>,
      %get3A_649 = arith.constant 64 : index
      %get3A_650 = tpu.vector_load %arg9[%get3A_649] {strides = array<i32>} : memref<128xi32, #tpu.memory_space<vmem>>, vector<16xi32>,
      %get3A_651 = vector.shape_cast %get3A_650 : vector<16xi32> to vector<16xi32>
      %add3A_652 = vector.broadcast %mul3A_612 : i32 to vector<16xi32>
      %add3A_653 = arith.addi %get3A_651, %add3A_652 : vector<16xi32>
      %swap3A_654 = arith.constant 64 : index
      %swap3A_655 = tpu.vector_load %arg9[%swap3A_654] {strides = array<i32>} : memref<128xi32, #tpu.memory_space<vmem>>, vector<16xi32>,
      %swap3A_656 = vector.shape_cast %swap3A_655 : vector<16xi32> to vector<16xi32>
      %swap3A_657 = vector.shape_cast %add3A_653 : vector<16xi32> to vector<16xi32>
      tpu.vector_store %arg9[%swap3A_654], %swap3A_657 {strides = array<i32>} : memref<128xi32, #tpu.memory_space<vmem>>, vector<16xi32>,
      %get3A_658 = arith.constant 80 : index
      %get3A_659 = tpu.vector_load %arg9[%get3A_658] {strides = array<i32>} : memref<128xi32, #tpu.memory_space<vmem>>, vector<16xi32>,
      %get3A_660 = vector.shape_cast %get3A_659 : vector<16xi32> to vector<16xi32>
      %add3A_661 = vector.broadcast %mul3A_612 : i32 to vector<16xi32>
      %add3A_662 = arith.addi %get3A_660, %add3A_661 : vector<16xi32>
      %swap3A_663 = arith.constant 80 : index
      %swap3A_664 = tpu.vector_load %arg9[%swap3A_663] {strides = array<i32>} : memref<128xi32, #tpu.memory_space<vmem>>, vector<16xi32>,
      %swap3A_665 = vector.shape_cast %swap3A_664 : vector<16xi32> to vector<16xi32>
      %swap3A_666 = vector.shape_cast %add3A_662 : vector<16xi32> to vector<16xi32>
      tpu.vector_store %arg9[%swap3A_663], %swap3A_666 {strides = array<i32>} : memref<128xi32, #tpu.memory_space<vmem>>, vector<16xi32>,
      %get3A_667 = arith.constant 96 : index
      %get3A_668 = tpu.vector_load %arg9[%get3A_667] {strides = array<i32>} : memref<128xi32, #tpu.memory_space<vmem>>, vector<16xi32>,
      %get3A_669 = vector.shape_cast %get3A_668 : vector<16xi32> to vector<16xi32>
      %add3A_670 = vector.broadcast %mul3A_612 : i32 to vector<16xi32>
      %add3A_671 = arith.addi %get3A_669, %add3A_670 : vector<16xi32>
      %swap3A_672 = arith.constant 96 : index
      %swap3A_673 = tpu.vector_load %arg9[%swap3A_672] {strides = array<i32>} : memref<128xi32, #tpu.memory_space<vmem>>, vector<16xi32>,
      %swap3A_674 = vector.shape_cast %swap3A_673 : vector<16xi32> to vector<16xi32>
      %swap3A_675 = vector.shape_cast %add3A_671 : vector<16xi32> to vector<16xi32>
      tpu.vector_store %arg9[%swap3A_672], %swap3A_675 {strides = array<i32>} : memref<128xi32, #tpu.memory_space<vmem>>, vector<16xi32>,
      %get3A_676 = arith.constant 112 : index
      %get3A_677 = tpu.vector_load %arg9[%get3A_676] {strides = array<i32>} : memref<128xi32, #tpu.memory_space<vmem>>, vector<16xi32>,
      %get3A_678 = vector.shape_cast %get3A_677 : vector<16xi32> to vector<16xi32>
      %add3A_679 = vector.broadcast %mul3A_612 : i32 to vector<16xi32>
      %add3A_680 = arith.addi %get3A_678, %add3A_679 : vector<16xi32>
      %swap3A_681 = arith.constant 112 : index
      %swap3A_682 = tpu.vector_load %arg9[%swap3A_681] {strides = array<i32>} : memref<128xi32, #tpu.memory_space<vmem>>, vector<16xi32>,
      %swap3A_683 = vector.shape_cast %swap3A_682 : vector<16xi32> to vector<16xi32>
      %swap3A_684 = vector.shape_cast %add3A_680 : vector<16xi32> to vector<16xi32>
      tpu.vector_store %arg9[%swap3A_681], %swap3A_684 {strides = array<i32>} : memref<128xi32, #tpu.memory_space<vmem>>, vector<16xi32>,
      %dma_start3A_685 = arith.constant 0 : i32
      %dma_start3A_686 = arith.constant 0 : i32
      %dma_start3A_687 = tpu.memref_slice %arg2[%dma_start3A_685, %dma_start3A_686] : memref<20000x128xf32, #tpu.memory_space<hbm>> -> memref<20000x128xf32, #tpu.memory_space<hbm>>
      tpu.enqueue_indirect_dma source(%dma_start3A_687 : memref<20000x128xf32, #tpu.memory_space<hbm>>) target(%arg15 : memref<128x128xf32, #tpu.memory_space<vmem>>) offsets(%arg9 : memref<128xi32, #tpu.memory_space<vmem>>) semaphore(%arg23 : memref<!tpu.dma_semaphore, #tpu.memory_space<semaphore_mem>>)
      %dma_wait3A_688 = arith.constant 0 : i32
      %dma_wait3A_689 = arith.constant 0 : i32
      %dma_wait3A_690 = tpu.memref_slice %arg2[%dma_wait3A_688, %dma_wait3A_689] : memref<20000x128xf32, #tpu.memory_space<hbm>> -> memref<128x128xf32, #tpu.memory_space<hbm>>
      %dma_wait3A_691 = arith.constant 0 : i32
      %dma_wait3A_692 = arith.constant 0 : i32
      %dma_wait3A_693 = tpu.memref_slice %arg2[%dma_wait3A_691, %dma_wait3A_692] : memref<20000x128xf32, #tpu.memory_space<hbm>> -> memref<128x128xf32, #tpu.memory_space<hbm>>
      tpu.wait_dma2 semaphore(%arg22 : memref<!tpu.dma_semaphore, #tpu.memory_space<semaphore_mem>>) src(%dma_wait3A_693 : memref<128x128xf32, #tpu.memory_space<hbm>>) dst(%arg14 : memref<128x128xf32, #tpu.memory_space<vmem>>)
      %dma_start3A_694 = arith.constant 0 : i32
      %dma_start3A_695 = arith.constant 0 : i32
      %dma_start3A_696 = tpu.memref_slice %arg17[%dma_start3A_694, %dma_start3A_695] : memref<10240x128xf32, #tpu.memory_space<vmem_shared>> -> memref<10240x128xf32, #tpu.memory_space<vmem_shared>>
      tpu.enqueue_indirect_dma source(%arg14 : memref<128x128xf32, #tpu.memory_space<vmem>>) target(%dma_start3A_696 : memref<10240x128xf32, #tpu.memory_space<vmem_shared>>) offsets(%arg12 : memref<128xi32, #tpu.memory_space<vmem>>) semaphore(%arg24 : memref<!tpu.dma_semaphore, #tpu.memory_space<semaphore_mem>>) {add = true}
      %mul3A_697 = arith.constant 4 : i32
      %mul3A_698 = arith.muli %scan3A_463, %mul3A_697 : i32
      %add3A_699 = arith.constant 2 : i32
      %add3A_700 = arith.addi %mul3A_698, %add3A_699 : i32
      %add3A_701 = arith.constant 2 : i32
      %add3A_702 = arith.addi %add3A_700, %add3A_701 : i32
      %dma_wait3A_703 = arith.constant 0 : i32
      %dma_wait3A_704 = arith.constant 0 : i32
      %dma_wait3A_705 = tpu.memref_slice %arg2[%dma_wait3A_703, %dma_wait3A_704] : memref<20000x128xf32, #tpu.memory_space<hbm>> -> memref<128x128xf32, #tpu.memory_space<hbm>>
      %dma_wait3A_706 = arith.constant 0 : i32
      %dma_wait3A_707 = arith.constant 0 : i32
      %dma_wait3A_708 = tpu.memref_slice %arg2[%dma_wait3A_706, %dma_wait3A_707] : memref<20000x128xf32, #tpu.memory_space<hbm>> -> memref<128x128xf32, #tpu.memory_space<hbm>>
      tpu.wait_dma2 semaphore(%arg24 : memref<!tpu.dma_semaphore, #tpu.memory_space<semaphore_mem>>) src(%dma_wait3A_708 : memref<128x128xf32, #tpu.memory_space<hbm>>) dst(%arg14 : memref<128x128xf32, #tpu.memory_space<vmem>>)
      %add3A_709 = arith.constant 2 : i32
      %add3A_710 = arith.addi %add3A_702, %add3A_709 : i32
      %mul3A_711 = arith.constant 128 : i32
      %mul3A_712 = arith.muli %add3A_710, %mul3A_711 : i32
      %add3A_713 = arith.addi %mul3A_2, %mul3A_712 : i32
      %multiple_of3A_714 = tpu.assume_multiple %add3A_713, 128 : i32
      %dma_start3A_715 = tpu.memref_slice %arg3[%multiple_of3A_714] : memref<327680xi32, #tpu.memory_space<hbm>> -> memref<128xi32, #tpu.memory_space<hbm>>
      %dma_start3A_716 = tpu.memref_slice %arg3[%multiple_of3A_714] : memref<327680xi32, #tpu.memory_space<hbm>> -> memref<128xi32, #tpu.memory_space<hbm>>
      tpu.enqueue_dma source(%dma_start3A_716 : memref<128xi32, #tpu.memory_space<hbm>>) target(%arg8 : memref<128xi32, #tpu.memory_space<vmem>>) target_semaphore(%arg20 : memref<!tpu.dma_semaphore, #tpu.memory_space<semaphore_mem>>)
      %dma_start3A_717 = tpu.memref_slice %arg4[%multiple_of3A_714] : memref<327680xi32, #tpu.memory_space<hbm>> -> memref<128xi32, #tpu.memory_space<hbm>>
      %dma_start3A_718 = tpu.memref_slice %arg4[%multiple_of3A_714] : memref<327680xi32, #tpu.memory_space<hbm>> -> memref<128xi32, #tpu.memory_space<hbm>>
      tpu.enqueue_dma source(%dma_start3A_718 : memref<128xi32, #tpu.memory_space<hbm>>) target(%arg12 : memref<128xi32, #tpu.memory_space<vmem>>) target_semaphore(%arg20 : memref<!tpu.dma_semaphore, #tpu.memory_space<semaphore_mem>>)
      %dma_wait3A_719 = arith.constant 0 : i32
      %dma_wait3A_720 = tpu.memref_slice %arg3[%dma_wait3A_719] : memref<327680xi32, #tpu.memory_space<hbm>> -> memref<128xi32, #tpu.memory_space<hbm>>
      %dma_wait3A_721 = arith.constant 0 : i32
      %dma_wait3A_722 = tpu.memref_slice %arg3[%dma_wait3A_721] : memref<327680xi32, #tpu.memory_space<hbm>> -> memref<128xi32, #tpu.memory_space<hbm>>
      tpu.wait_dma2 semaphore(%arg18 : memref<!tpu.dma_semaphore, #tpu.memory_space<semaphore_mem>>) src(%dma_wait3A_722 : memref<128xi32, #tpu.memory_space<hbm>>) dst(%arg6 : memref<128xi32, #tpu.memory_space<vmem>>)
      %dma_wait3A_723 = arith.constant 0 : i32
      %dma_wait3A_724 = tpu.memref_slice %arg4[%dma_wait3A_723] : memref<327680xi32, #tpu.memory_space<hbm>> -> memref<128xi32, #tpu.memory_space<hbm>>
      %dma_wait3A_725 = arith.constant 0 : i32
      %dma_wait3A_726 = tpu.memref_slice %arg4[%dma_wait3A_725] : memref<327680xi32, #tpu.memory_space<hbm>> -> memref<128xi32, #tpu.memory_space<hbm>>
      tpu.wait_dma2 semaphore(%arg18 : memref<!tpu.dma_semaphore, #tpu.memory_space<semaphore_mem>>) src(%dma_wait3A_726 : memref<128xi32, #tpu.memory_space<hbm>>) dst(%arg10 : memref<128xi32, #tpu.memory_space<vmem>>)
      %mul3A_727 = arith.constant 10000 : i32
      %mul3A_728 = arith.muli %arg0, %mul3A_727 : i32
      %get3A_729 = arith.constant 0 : index
      %get3A_730 = tpu.vector_load %arg6[%get3A_729] {strides = array<i32>} : memref<128xi32, #tpu.memory_space<vmem>>, vector<16xi32>,
      %get3A_731 = vector.shape_cast %get3A_730 : vector<16xi32> to vector<16xi32>
      %add3A_732 = vector.broadcast %mul3A_728 : i32 to vector<16xi32>
      %add3A_733 = arith.addi %get3A_731, %add3A_732 : vector<16xi32>
      %swap3A_734 = arith.constant 0 : index
      %swap3A_735 = tpu.vector_load %arg6[%swap3A_734] {strides = array<i32>} : memref<128xi32, #tpu.memory_space<vmem>>, vector<16xi32>,
      %swap3A_736 = vector.shape_cast %swap3A_735 : vector<16xi32> to vector<16xi32>
      %swap3A_737 = vector.shape_cast %add3A_733 : vector<16xi32> to vector<16xi32>
      tpu.vector_store %arg6[%swap3A_734], %swap3A_737 {strides = array<i32>} : memref<128xi32, #tpu.memory_space<vmem>>, vector<16xi32>,
      %get3A_738 = arith.constant 16 : index
      %get3A_739 = tpu.vector_load %arg6[%get3A_738] {strides = array<i32>} : memref<128xi32, #tpu.memory_space<vmem>>, vector<16xi32>,
      %get3A_740 = vector.shape_cast %get3A_739 : vector<16xi32> to vector<16xi32>
      %add3A_741 = vector.broadcast %mul3A_728 : i32 to vector<16xi32>
      %add3A_742 = arith.addi %get3A_740, %add3A_741 : vector<16xi32>
      %swap3A_743 = arith.constant 16 : index
      %swap3A_744 = tpu.vector_load %arg6[%swap3A_743] {strides = array<i32>} : memref<128xi32, #tpu.memory_space<vmem>>, vector<16xi32>,
      %swap3A_745 = vector.shape_cast %swap3A_744 : vector<16xi32> to vector<16xi32>
      %swap3A_746 = vector.shape_cast %add3A_742 : vector<16xi32> to vector<16xi32>
      tpu.vector_store %arg6[%swap3A_743], %swap3A_746 {strides = array<i32>} : memref<128xi32, #tpu.memory_space<vmem>>, vector<16xi32>,
      %get3A_747 = arith.constant 32 : index
      %get3A_748 = tpu.vector_load %arg6[%get3A_747] {strides = array<i32>} : memref<128xi32, #tpu.memory_space<vmem>>, vector<16xi32>,
      %get3A_749 = vector.shape_cast %get3A_748 : vector<16xi32> to vector<16xi32>
      %add3A_750 = vector.broadcast %mul3A_728 : i32 to vector<16xi32>
      %add3A_751 = arith.addi %get3A_749, %add3A_750 : vector<16xi32>
      %swap3A_752 = arith.constant 32 : index
      %swap3A_753 = tpu.vector_load %arg6[%swap3A_752] {strides = array<i32>} : memref<128xi32, #tpu.memory_space<vmem>>, vector<16xi32>,
      %swap3A_754 = vector.shape_cast %swap3A_753 : vector<16xi32> to vector<16xi32>
      %swap3A_755 = vector.shape_cast %add3A_751 : vector<16xi32> to vector<16xi32>
      tpu.vector_store %arg6[%swap3A_752], %swap3A_755 {strides = array<i32>} : memref<128xi32, #tpu.memory_space<vmem>>, vector<16xi32>,
      %get3A_756 = arith.constant 48 : index
      %get3A_757 = tpu.vector_load %arg6[%get3A_756] {strides = array<i32>} : memref<128xi32, #tpu.memory_space<vmem>>, vector<16xi32>,
      %get3A_758 = vector.shape_cast %get3A_757 : vector<16xi32> to vector<16xi32>
      %add3A_759 = vector.broadcast %mul3A_728 : i32 to vector<16xi32>
      %add3A_760 = arith.addi %get3A_758, %add3A_759 : vector<16xi32>
      %swap3A_761 = arith.constant 48 : index
      %swap3A_762 = tpu.vector_load %arg6[%swap3A_761] {strides = array<i32>} : memref<128xi32, #tpu.memory_space<vmem>>, vector<16xi32>,
      %swap3A_763 = vector.shape_cast %swap3A_762 : vector<16xi32> to vector<16xi32>
      %swap3A_764 = vector.shape_cast %add3A_760 : vector<16xi32> to vector<16xi32>
      tpu.vector_store %arg6[%swap3A_761], %swap3A_764 {strides = array<i32>} : memref<128xi32, #tpu.memory_space<vmem>>, vector<16xi32>,
      %get3A_765 = arith.constant 64 : index
      %get3A_766 = tpu.vector_load %arg6[%get3A_765] {strides = array<i32>} : memref<128xi32, #tpu.memory_space<vmem>>, vector<16xi32>,
      %get3A_767 = vector.shape_cast %get3A_766 : vector<16xi32> to vector<16xi32>
      %add3A_768 = vector.broadcast %mul3A_728 : i32 to vector<16xi32>
      %add3A_769 = arith.addi %get3A_767, %add3A_768 : vector<16xi32>
      %swap3A_770 = arith.constant 64 : index
      %swap3A_771 = tpu.vector_load %arg6[%swap3A_770] {strides = array<i32>} : memref<128xi32, #tpu.memory_space<vmem>>, vector<16xi32>,
      %swap3A_772 = vector.shape_cast %swap3A_771 : vector<16xi32> to vector<16xi32>
      %swap3A_773 = vector.shape_cast %add3A_769 : vector<16xi32> to vector<16xi32>
      tpu.vector_store %arg6[%swap3A_770], %swap3A_773 {strides = array<i32>} : memref<128xi32, #tpu.memory_space<vmem>>, vector<16xi32>,
      %get3A_774 = arith.constant 80 : index
      %get3A_775 = tpu.vector_load %arg6[%get3A_774] {strides = array<i32>} : memref<128xi32, #tpu.memory_space<vmem>>, vector<16xi32>,
      %get3A_776 = vector.shape_cast %get3A_775 : vector<16xi32> to vector<16xi32>
      %add3A_777 = vector.broadcast %mul3A_728 : i32 to vector<16xi32>
      %add3A_778 = arith.addi %get3A_776, %add3A_777 : vector<16xi32>
      %swap3A_779 = arith.constant 80 : index
      %swap3A_780 = tpu.vector_load %arg6[%swap3A_779] {strides = array<i32>} : memref<128xi32, #tpu.memory_space<vmem>>, vector<16xi32>,
      %swap3A_781 = vector.shape_cast %swap3A_780 : vector<16xi32> to vector<16xi32>
      %swap3A_782 = vector.shape_cast %add3A_778 : vector<16xi32> to vector<16xi32>
      tpu.vector_store %arg6[%swap3A_779], %swap3A_782 {strides = array<i32>} : memref<128xi32, #tpu.memory_space<vmem>>, vector<16xi32>,
      %get3A_783 = arith.constant 96 : index
      %get3A_784 = tpu.vector_load %arg6[%get3A_783] {strides = array<i32>} : memref<128xi32, #tpu.memory_space<vmem>>, vector<16xi32>,
      %get3A_785 = vector.shape_cast %get3A_784 : vector<16xi32> to vector<16xi32>
      %add3A_786 = vector.broadcast %mul3A_728 : i32 to vector<16xi32>
      %add3A_787 = arith.addi %get3A_785, %add3A_786 : vector<16xi32>
      %swap3A_788 = arith.constant 96 : index
      %swap3A_789 = tpu.vector_load %arg6[%swap3A_788] {strides = array<i32>} : memref<128xi32, #tpu.memory_space<vmem>>, vector<16xi32>,
      %swap3A_790 = vector.shape_cast %swap3A_789 : vector<16xi32> to vector<16xi32>
      %swap3A_791 = vector.shape_cast %add3A_787 : vector<16xi32> to vector<16xi32>
      tpu.vector_store %arg6[%swap3A_788], %swap3A_791 {strides = array<i32>} : memref<128xi32, #tpu.memory_space<vmem>>, vector<16xi32>,
      %get3A_792 = arith.constant 112 : index
      %get3A_793 = tpu.vector_load %arg6[%get3A_792] {strides = array<i32>} : memref<128xi32, #tpu.memory_space<vmem>>, vector<16xi32>,
      %get3A_794 = vector.shape_cast %get3A_793 : vector<16xi32> to vector<16xi32>
      %add3A_795 = vector.broadcast %mul3A_728 : i32 to vector<16xi32>
      %add3A_796 = arith.addi %get3A_794, %add3A_795 : vector<16xi32>
      %swap3A_797 = arith.constant 112 : index
      %swap3A_798 = tpu.vector_load %arg6[%swap3A_797] {strides = array<i32>} : memref<128xi32, #tpu.memory_space<vmem>>, vector<16xi32>,
      %swap3A_799 = vector.shape_cast %swap3A_798 : vector<16xi32> to vector<16xi32>
      %swap3A_800 = vector.shape_cast %add3A_796 : vector<16xi32> to vector<16xi32>
      tpu.vector_store %arg6[%swap3A_797], %swap3A_800 {strides = array<i32>} : memref<128xi32, #tpu.memory_space<vmem>>, vector<16xi32>,
      %dma_start3A_801 = arith.constant 0 : i32
      %dma_start3A_802 = arith.constant 0 : i32
      %dma_start3A_803 = tpu.memref_slice %arg2[%dma_start3A_801, %dma_start3A_802] : memref<20000x128xf32, #tpu.memory_space<hbm>> -> memref<20000x128xf32, #tpu.memory_space<hbm>>
      tpu.enqueue_indirect_dma source(%dma_start3A_803 : memref<20000x128xf32, #tpu.memory_space<hbm>>) target(%arg14 : memref<128x128xf32, #tpu.memory_space<vmem>>) offsets(%arg6 : memref<128xi32, #tpu.memory_space<vmem>>) semaphore(%arg22 : memref<!tpu.dma_semaphore, #tpu.memory_space<semaphore_mem>>)
      %dma_wait3A_804 = arith.constant 0 : i32
      %dma_wait3A_805 = arith.constant 0 : i32
      %dma_wait3A_806 = tpu.memref_slice %arg2[%dma_wait3A_804, %dma_wait3A_805] : memref<20000x128xf32, #tpu.memory_space<hbm>> -> memref<128x128xf32, #tpu.memory_space<hbm>>
      %dma_wait3A_807 = arith.constant 0 : i32
      %dma_wait3A_808 = arith.constant 0 : i32
      %dma_wait3A_809 = tpu.memref_slice %arg2[%dma_wait3A_807, %dma_wait3A_808] : memref<20000x128xf32, #tpu.memory_space<hbm>> -> memref<128x128xf32, #tpu.memory_space<hbm>>
      tpu.wait_dma2 semaphore(%arg23 : memref<!tpu.dma_semaphore, #tpu.memory_space<semaphore_mem>>) src(%dma_wait3A_809 : memref<128x128xf32, #tpu.memory_space<hbm>>) dst(%arg15 : memref<128x128xf32, #tpu.memory_space<vmem>>)
      %dma_start3A_810 = arith.constant 0 : i32
      %dma_start3A_811 = arith.constant 0 : i32
      %dma_start3A_812 = tpu.memref_slice %arg17[%dma_start3A_810, %dma_start3A_811] : memref<10240x128xf32, #tpu.memory_space<vmem_shared>> -> memref<10240x128xf32, #tpu.memory_space<vmem_shared>>
      tpu.enqueue_indirect_dma source(%arg15 : memref<128x128xf32, #tpu.memory_space<vmem>>) target(%dma_start3A_812 : memref<10240x128xf32, #tpu.memory_space<vmem_shared>>) offsets(%arg13 : memref<128xi32, #tpu.memory_space<vmem>>) semaphore(%arg25 : memref<!tpu.dma_semaphore, #tpu.memory_space<semaphore_mem>>) {add = true}
      %mul3A_813 = arith.constant 4 : i32
      %mul3A_814 = arith.muli %scan3A_463, %mul3A_813 : i32
      %add3A_815 = arith.constant 2 : i32
      %add3A_816 = arith.addi %mul3A_814, %add3A_815 : i32
      %add3A_817 = arith.constant 3 : i32
      %add3A_818 = arith.addi %add3A_816, %add3A_817 : i32
      %dma_wait3A_819 = arith.constant 0 : i32
      %dma_wait3A_820 = arith.constant 0 : i32
      %dma_wait3A_821 = tpu.memref_slice %arg2[%dma_wait3A_819, %dma_wait3A_820] : memref<20000x128xf32, #tpu.memory_space<hbm>> -> memref<128x128xf32, #tpu.memory_space<hbm>>
      %dma_wait3A_822 = arith.constant 0 : i32
      %dma_wait3A_823 = arith.constant 0 : i32
      %dma_wait3A_824 = tpu.memref_slice %arg2[%dma_wait3A_822, %dma_wait3A_823] : memref<20000x128xf32, #tpu.memory_space<hbm>> -> memref<128x128xf32, #tpu.memory_space<hbm>>
      tpu.wait_dma2 semaphore(%arg25 : memref<!tpu.dma_semaphore, #tpu.memory_space<semaphore_mem>>) src(%dma_wait3A_824 : memref<128x128xf32, #tpu.memory_space<hbm>>) dst(%arg15 : memref<128x128xf32, #tpu.memory_space<vmem>>)
      %add3A_825 = arith.constant 2 : i32
      %add3A_826 = arith.addi %add3A_818, %add3A_825 : i32
      %mul3A_827 = arith.constant 128 : i32
      %mul3A_828 = arith.muli %add3A_826, %mul3A_827 : i32
      %add3A_829 = arith.addi %mul3A_2, %mul3A_828 : i32
      %multiple_of3A_830 = tpu.assume_multiple %add3A_829, 128 : i32
      %dma_start3A_831 = tpu.memref_slice %arg3[%multiple_of3A_830] : memref<327680xi32, #tpu.memory_space<hbm>> -> memref<128xi32, #tpu.memory_space<hbm>>
      %dma_start3A_832 = tpu.memref_slice %arg3[%multiple_of3A_830] : memref<327680xi32, #tpu.memory_space<hbm>> -> memref<128xi32, #tpu.memory_space<hbm>>
      tpu.enqueue_dma source(%dma_start3A_832 : memref<128xi32, #tpu.memory_space<hbm>>) target(%arg9 : memref<128xi32, #tpu.memory_space<vmem>>) target_semaphore(%arg21 : memref<!tpu.dma_semaphore, #tpu.memory_space<semaphore_mem>>)
      %dma_start3A_833 = tpu.memref_slice %arg4[%multiple_of3A_830] : memref<327680xi32, #tpu.memory_space<hbm>> -> memref<128xi32, #tpu.memory_space<hbm>>
      %dma_start3A_834 = tpu.memref_slice %arg4[%multiple_of3A_830] : memref<327680xi32, #tpu.memory_space<hbm>> -> memref<128xi32, #tpu.memory_space<hbm>>
      tpu.enqueue_dma source(%dma_start3A_834 : memref<128xi32, #tpu.memory_space<hbm>>) target(%arg13 : memref<128xi32, #tpu.memory_space<vmem>>) target_semaphore(%arg21 : memref<!tpu.dma_semaphore, #tpu.memory_space<semaphore_mem>>)
      %dma_wait3A_835 = arith.constant 0 : i32
      %dma_wait3A_836 = tpu.memref_slice %arg3[%dma_wait3A_835] : memref<327680xi32, #tpu.memory_space<hbm>> -> memref<128xi32, #tpu.memory_space<hbm>>
      %dma_wait3A_837 = arith.constant 0 : i32
      %dma_wait3A_838 = tpu.memref_slice %arg3[%dma_wait3A_837] : memref<327680xi32, #tpu.memory_space<hbm>> -> memref<128xi32, #tpu.memory_space<hbm>>
      tpu.wait_dma2 semaphore(%arg19 : memref<!tpu.dma_semaphore, #tpu.memory_space<semaphore_mem>>) src(%dma_wait3A_838 : memref<128xi32, #tpu.memory_space<hbm>>) dst(%arg7 : memref<128xi32, #tpu.memory_space<vmem>>)
      %dma_wait3A_839 = arith.constant 0 : i32
      %dma_wait3A_840 = tpu.memref_slice %arg4[%dma_wait3A_839] : memref<327680xi32, #tpu.memory_space<hbm>> -> memref<128xi32, #tpu.memory_space<hbm>>
      %dma_wait3A_841 = arith.constant 0 : i32
      %dma_wait3A_842 = tpu.memref_slice %arg4[%dma_wait3A_841] : memref<327680xi32, #tpu.memory_space<hbm>> -> memref<128xi32, #tpu.memory_space<hbm>>
      tpu.wait_dma2 semaphore(%arg19 : memref<!tpu.dma_semaphore, #tpu.memory_space<semaphore_mem>>) src(%dma_wait3A_842 : memref<128xi32, #tpu.memory_space<hbm>>) dst(%arg11 : memref<128xi32, #tpu.memory_space<vmem>>)
      %mul3A_843 = arith.constant 10000 : i32
      %mul3A_844 = arith.muli %arg0, %mul3A_843 : i32
      %get3A_845 = arith.constant 0 : index
      %get3A_846 = tpu.vector_load %arg7[%get3A_845] {strides = array<i32>} : memref<128xi32, #tpu.memory_space<vmem>>, vector<16xi32>,
      %get3A_847 = vector.shape_cast %get3A_846 : vector<16xi32> to vector<16xi32>
      %add3A_848 = vector.broadcast %mul3A_844 : i32 to vector<16xi32>
      %add3A_849 = arith.addi %get3A_847, %add3A_848 : vector<16xi32>
      %swap3A_850 = arith.constant 0 : index
      %swap3A_851 = tpu.vector_load %arg7[%swap3A_850] {strides = array<i32>} : memref<128xi32, #tpu.memory_space<vmem>>, vector<16xi32>,
      %swap3A_852 = vector.shape_cast %swap3A_851 : vector<16xi32> to vector<16xi32>
      %swap3A_853 = vector.shape_cast %add3A_849 : vector<16xi32> to vector<16xi32>
      tpu.vector_store %arg7[%swap3A_850], %swap3A_853 {strides = array<i32>} : memref<128xi32, #tpu.memory_space<vmem>>, vector<16xi32>,
      %get3A_854 = arith.constant 16 : index
      %get3A_855 = tpu.vector_load %arg7[%get3A_854] {strides = array<i32>} : memref<128xi32, #tpu.memory_space<vmem>>, vector<16xi32>,
      %get3A_856 = vector.shape_cast %get3A_855 : vector<16xi32> to vector<16xi32>
      %add3A_857 = vector.broadcast %mul3A_844 : i32 to vector<16xi32>
      %add3A_858 = arith.addi %get3A_856, %add3A_857 : vector<16xi32>
      %swap3A_859 = arith.constant 16 : index
      %swap3A_860 = tpu.vector_load %arg7[%swap3A_859] {strides = array<i32>} : memref<128xi32, #tpu.memory_space<vmem>>, vector<16xi32>,
      %swap3A_861 = vector.shape_cast %swap3A_860 : vector<16xi32> to vector<16xi32>
      %swap3A_862 = vector.shape_cast %add3A_858 : vector<16xi32> to vector<16xi32>
      tpu.vector_store %arg7[%swap3A_859], %swap3A_862 {strides = array<i32>} : memref<128xi32, #tpu.memory_space<vmem>>, vector<16xi32>,
      %get3A_863 = arith.constant 32 : index
      %get3A_864 = tpu.vector_load %arg7[%get3A_863] {strides = array<i32>} : memref<128xi32, #tpu.memory_space<vmem>>, vector<16xi32>,
      %get3A_865 = vector.shape_cast %get3A_864 : vector<16xi32> to vector<16xi32>
      %add3A_866 = vector.broadcast %mul3A_844 : i32 to vector<16xi32>
      %add3A_867 = arith.addi %get3A_865, %add3A_866 : vector<16xi32>
      %swap3A_868 = arith.constant 32 : index
      %swap3A_869 = tpu.vector_load %arg7[%swap3A_868] {strides = array<i32>} : memref<128xi32, #tpu.memory_space<vmem>>, vector<16xi32>,
      %swap3A_870 = vector.shape_cast %swap3A_869 : vector<16xi32> to vector<16xi32>
      %swap3A_871 = vector.shape_cast %add3A_867 : vector<16xi32> to vector<16xi32>
      tpu.vector_store %arg7[%swap3A_868], %swap3A_871 {strides = array<i32>} : memref<128xi32, #tpu.memory_space<vmem>>, vector<16xi32>,
      %get3A_872 = arith.constant 48 : index
      %get3A_873 = tpu.vector_load %arg7[%get3A_872] {strides = array<i32>} : memref<128xi32, #tpu.memory_space<vmem>>, vector<16xi32>,
      %get3A_874 = vector.shape_cast %get3A_873 : vector<16xi32> to vector<16xi32>
      %add3A_875 = vector.broadcast %mul3A_844 : i32 to vector<16xi32>
      %add3A_876 = arith.addi %get3A_874, %add3A_875 : vector<16xi32>
      %swap3A_877 = arith.constant 48 : index
      %swap3A_878 = tpu.vector_load %arg7[%swap3A_877] {strides = array<i32>} : memref<128xi32, #tpu.memory_space<vmem>>, vector<16xi32>,
      %swap3A_879 = vector.shape_cast %swap3A_878 : vector<16xi32> to vector<16xi32>
      %swap3A_880 = vector.shape_cast %add3A_876 : vector<16xi32> to vector<16xi32>
      tpu.vector_store %arg7[%swap3A_877], %swap3A_880 {strides = array<i32>} : memref<128xi32, #tpu.memory_space<vmem>>, vector<16xi32>,
      %get3A_881 = arith.constant 64 : index
      %get3A_882 = tpu.vector_load %arg7[%get3A_881] {strides = array<i32>} : memref<128xi32, #tpu.memory_space<vmem>>, vector<16xi32>,
      %get3A_883 = vector.shape_cast %get3A_882 : vector<16xi32> to vector<16xi32>
      %add3A_884 = vector.broadcast %mul3A_844 : i32 to vector<16xi32>
      %add3A_885 = arith.addi %get3A_883, %add3A_884 : vector<16xi32>
      %swap3A_886 = arith.constant 64 : index
      %swap3A_887 = tpu.vector_load %arg7[%swap3A_886] {strides = array<i32>} : memref<128xi32, #tpu.memory_space<vmem>>, vector<16xi32>,
      %swap3A_888 = vector.shape_cast %swap3A_887 : vector<16xi32> to vector<16xi32>
      %swap3A_889 = vector.shape_cast %add3A_885 : vector<16xi32> to vector<16xi32>
      tpu.vector_store %arg7[%swap3A_886], %swap3A_889 {strides = array<i32>} : memref<128xi32, #tpu.memory_space<vmem>>, vector<16xi32>,
      %get3A_890 = arith.constant 80 : index
      %get3A_891 = tpu.vector_load %arg7[%get3A_890] {strides = array<i32>} : memref<128xi32, #tpu.memory_space<vmem>>, vector<16xi32>,
      %get3A_892 = vector.shape_cast %get3A_891 : vector<16xi32> to vector<16xi32>
      %add3A_893 = vector.broadcast %mul3A_844 : i32 to vector<16xi32>
      %add3A_894 = arith.addi %get3A_892, %add3A_893 : vector<16xi32>
      %swap3A_895 = arith.constant 80 : index
      %swap3A_896 = tpu.vector_load %arg7[%swap3A_895] {strides = array<i32>} : memref<128xi32, #tpu.memory_space<vmem>>, vector<16xi32>,
      %swap3A_897 = vector.shape_cast %swap3A_896 : vector<16xi32> to vector<16xi32>
      %swap3A_898 = vector.shape_cast %add3A_894 : vector<16xi32> to vector<16xi32>
      tpu.vector_store %arg7[%swap3A_895], %swap3A_898 {strides = array<i32>} : memref<128xi32, #tpu.memory_space<vmem>>, vector<16xi32>,
      %get3A_899 = arith.constant 96 : index
      %get3A_900 = tpu.vector_load %arg7[%get3A_899] {strides = array<i32>} : memref<128xi32, #tpu.memory_space<vmem>>, vector<16xi32>,
      %get3A_901 = vector.shape_cast %get3A_900 : vector<16xi32> to vector<16xi32>
      %add3A_902 = vector.broadcast %mul3A_844 : i32 to vector<16xi32>
      %add3A_903 = arith.addi %get3A_901, %add3A_902 : vector<16xi32>
      %swap3A_904 = arith.constant 96 : index
      %swap3A_905 = tpu.vector_load %arg7[%swap3A_904] {strides = array<i32>} : memref<128xi32, #tpu.memory_space<vmem>>, vector<16xi32>,
      %swap3A_906 = vector.shape_cast %swap3A_905 : vector<16xi32> to vector<16xi32>
      %swap3A_907 = vector.shape_cast %add3A_903 : vector<16xi32> to vector<16xi32>
      tpu.vector_store %arg7[%swap3A_904], %swap3A_907 {strides = array<i32>} : memref<128xi32, #tpu.memory_space<vmem>>, vector<16xi32>,
      %get3A_908 = arith.constant 112 : index
      %get3A_909 = tpu.vector_load %arg7[%get3A_908] {strides = array<i32>} : memref<128xi32, #tpu.memory_space<vmem>>, vector<16xi32>,
      %get3A_910 = vector.shape_cast %get3A_909 : vector<16xi32> to vector<16xi32>
      %add3A_911 = vector.broadcast %mul3A_844 : i32 to vector<16xi32>
      %add3A_912 = arith.addi %get3A_910, %add3A_911 : vector<16xi32>
      %swap3A_913 = arith.constant 112 : index
      %swap3A_914 = tpu.vector_load %arg7[%swap3A_913] {strides = array<i32>} : memref<128xi32, #tpu.memory_space<vmem>>, vector<16xi32>,
      %swap3A_915 = vector.shape_cast %swap3A_914 : vector<16xi32> to vector<16xi32>
      %swap3A_916 = vector.shape_cast %add3A_912 : vector<16xi32> to vector<16xi32>
      tpu.vector_store %arg7[%swap3A_913], %swap3A_916 {strides = array<i32>} : memref<128xi32, #tpu.memory_space<vmem>>, vector<16xi32>,
      %dma_start3A_917 = arith.constant 0 : i32
      %dma_start3A_918 = arith.constant 0 : i32
      %dma_start3A_919 = tpu.memref_slice %arg2[%dma_start3A_917, %dma_start3A_918] : memref<20000x128xf32, #tpu.memory_space<hbm>> -> memref<20000x128xf32, #tpu.memory_space<hbm>>
      tpu.enqueue_indirect_dma source(%dma_start3A_919 : memref<20000x128xf32, #tpu.memory_space<hbm>>) target(%arg15 : memref<128x128xf32, #tpu.memory_space<vmem>>) offsets(%arg7 : memref<128xi32, #tpu.memory_space<vmem>>) semaphore(%arg23 : memref<!tpu.dma_semaphore, #tpu.memory_space<semaphore_mem>>)
      %dma_wait3A_920 = arith.constant 0 : i32
      %dma_wait3A_921 = arith.constant 0 : i32
      %dma_wait3A_922 = tpu.memref_slice %arg2[%dma_wait3A_920, %dma_wait3A_921] : memref<20000x128xf32, #tpu.memory_space<hbm>> -> memref<128x128xf32, #tpu.memory_space<hbm>>
      %dma_wait3A_923 = arith.constant 0 : i32
      %dma_wait3A_924 = arith.constant 0 : i32
      %dma_wait3A_925 = tpu.memref_slice %arg2[%dma_wait3A_923, %dma_wait3A_924] : memref<20000x128xf32, #tpu.memory_space<hbm>> -> memref<128x128xf32, #tpu.memory_space<hbm>>
      tpu.wait_dma2 semaphore(%arg22 : memref<!tpu.dma_semaphore, #tpu.memory_space<semaphore_mem>>) src(%dma_wait3A_925 : memref<128x128xf32, #tpu.memory_space<hbm>>) dst(%arg14 : memref<128x128xf32, #tpu.memory_space<vmem>>)
      %dma_start3A_926 = arith.constant 0 : i32
      %dma_start3A_927 = arith.constant 0 : i32
      %dma_start3A_928 = tpu.memref_slice %arg17[%dma_start3A_926, %dma_start3A_927] : memref<10240x128xf32, #tpu.memory_space<vmem_shared>> -> memref<10240x128xf32, #tpu.memory_space<vmem_shared>>
      tpu.enqueue_indirect_dma source(%arg14 : memref<128x128xf32, #tpu.memory_space<vmem>>) target(%dma_start3A_928 : memref<10240x128xf32, #tpu.memory_space<vmem_shared>>) offsets(%arg10 : memref<128xi32, #tpu.memory_space<vmem>>) semaphore(%arg24 : memref<!tpu.dma_semaphore, #tpu.memory_space<semaphore_mem>>) {add = true}
      %scan3A_929 = arith.constant 0 : i32
      scf.yield %scan3A_929 : i32
    }
    %scan3A_223 = arith.constant 39 : i32
    %dma_wait3A_224 = arith.constant 0 : i32
    %dma_wait3A_225 = arith.constant 0 : i32
    %dma_wait3A_226 = tpu.memref_slice %arg2[%dma_wait3A_224, %dma_wait3A_225] : memref<20000x128xf32, #tpu.memory_space<hbm>> -> memref<128x128xf32, #tpu.memory_space<hbm>>
    %dma_wait3A_227 = arith.constant 0 : i32
    %dma_wait3A_228 = arith.constant 0 : i32
    %dma_wait3A_229 = tpu.memref_slice %arg2[%dma_wait3A_227, %dma_wait3A_228] : memref<20000x128xf32, #tpu.memory_space<hbm>> -> memref<128x128xf32, #tpu.memory_space<hbm>>
    tpu.wait_dma2 semaphore(%arg24 : memref<!tpu.dma_semaphore, #tpu.memory_space<semaphore_mem>>) src(%dma_wait3A_229 : memref<128x128xf32, #tpu.memory_space<hbm>>) dst(%arg14 : memref<128x128xf32, #tpu.memory_space<vmem>>)
    %dma_wait3A_230 = arith.constant 0 : i32
    %dma_wait3A_231 = tpu.memref_slice %arg3[%dma_wait3A_230] : memref<327680xi32, #tpu.memory_space<hbm>> -> memref<128xi32, #tpu.memory_space<hbm>>
    %dma_wait3A_232 = arith.constant 0 : i32
    %dma_wait3A_233 = tpu.memref_slice %arg3[%dma_wait3A_232] : memref<327680xi32, #tpu.memory_space<hbm>> -> memref<128xi32, #tpu.memory_space<hbm>>
    tpu.wait_dma2 semaphore(%arg20 : memref<!tpu.dma_semaphore, #tpu.memory_space<semaphore_mem>>) src(%dma_wait3A_233 : memref<128xi32, #tpu.memory_space<hbm>>) dst(%arg8 : memref<128xi32, #tpu.memory_space<vmem>>)
    %dma_wait3A_234 = arith.constant 0 : i32
    %dma_wait3A_235 = tpu.memref_slice %arg4[%dma_wait3A_234] : memref<327680xi32, #tpu.memory_space<hbm>> -> memref<128xi32, #tpu.memory_space<hbm>>
    %dma_wait3A_236 = arith.constant 0 : i32
    %dma_wait3A_237 = tpu.memref_slice %arg4[%dma_wait3A_236] : memref<327680xi32, #tpu.memory_space<hbm>> -> memref<128xi32, #tpu.memory_space<hbm>>
    tpu.wait_dma2 semaphore(%arg20 : memref<!tpu.dma_semaphore, #tpu.memory_space<semaphore_mem>>) src(%dma_wait3A_237 : memref<128xi32, #tpu.memory_space<hbm>>) dst(%arg12 : memref<128xi32, #tpu.memory_space<vmem>>)
    %mul3A_238 = arith.constant 10000 : i32
    %mul3A_239 = arith.muli %arg0, %mul3A_238 : i32
    %get3A_240 = arith.constant 0 : index
    %get3A_241 = tpu.vector_load %arg8[%get3A_240] {strides = array<i32>} : memref<128xi32, #tpu.memory_space<vmem>>, vector<16xi32>,
    %get3A_242 = vector.shape_cast %get3A_241 : vector<16xi32> to vector<16xi32>
    %add3A_243 = vector.broadcast %mul3A_239 : i32 to vector<16xi32>
    %add3A_244 = arith.addi %get3A_242, %add3A_243 : vector<16xi32>
    %swap3A_245 = arith.constant 0 : index
    %swap3A_246 = tpu.vector_load %arg8[%swap3A_245] {strides = array<i32>} : memref<128xi32, #tpu.memory_space<vmem>>, vector<16xi32>,
    %swap3A_247 = vector.shape_cast %swap3A_246 : vector<16xi32> to vector<16xi32>
    %swap3A_248 = vector.shape_cast %add3A_244 : vector<16xi32> to vector<16xi32>
    tpu.vector_store %arg8[%swap3A_245], %swap3A_248 {strides = array<i32>} : memref<128xi32, #tpu.memory_space<vmem>>, vector<16xi32>,
    %get3A_249 = arith.constant 16 : index
    %get3A_250 = tpu.vector_load %arg8[%get3A_249] {strides = array<i32>} : memref<128xi32, #tpu.memory_space<vmem>>, vector<16xi32>,
    %get3A_251 = vector.shape_cast %get3A_250 : vector<16xi32> to vector<16xi32>
    %add3A_252 = vector.broadcast %mul3A_239 : i32 to vector<16xi32>
    %add3A_253 = arith.addi %get3A_251, %add3A_252 : vector<16xi32>
    %swap3A_254 = arith.constant 16 : index
    %swap3A_255 = tpu.vector_load %arg8[%swap3A_254] {strides = array<i32>} : memref<128xi32, #tpu.memory_space<vmem>>, vector<16xi32>,
    %swap3A_256 = vector.shape_cast %swap3A_255 : vector<16xi32> to vector<16xi32>
    %swap3A_257 = vector.shape_cast %add3A_253 : vector<16xi32> to vector<16xi32>
    tpu.vector_store %arg8[%swap3A_254], %swap3A_257 {strides = array<i32>} : memref<128xi32, #tpu.memory_space<vmem>>, vector<16xi32>,
    %get3A_258 = arith.constant 32 : index
    %get3A_259 = tpu.vector_load %arg8[%get3A_258] {strides = array<i32>} : memref<128xi32, #tpu.memory_space<vmem>>, vector<16xi32>,
    %get3A_260 = vector.shape_cast %get3A_259 : vector<16xi32> to vector<16xi32>
    %add3A_261 = vector.broadcast %mul3A_239 : i32 to vector<16xi32>
    %add3A_262 = arith.addi %get3A_260, %add3A_261 : vector<16xi32>
    %swap3A_263 = arith.constant 32 : index
    %swap3A_264 = tpu.vector_load %arg8[%swap3A_263] {strides = array<i32>} : memref<128xi32, #tpu.memory_space<vmem>>, vector<16xi32>,
    %swap3A_265 = vector.shape_cast %swap3A_264 : vector<16xi32> to vector<16xi32>
    %swap3A_266 = vector.shape_cast %add3A_262 : vector<16xi32> to vector<16xi32>
    tpu.vector_store %arg8[%swap3A_263], %swap3A_266 {strides = array<i32>} : memref<128xi32, #tpu.memory_space<vmem>>, vector<16xi32>,
    %get3A_267 = arith.constant 48 : index
    %get3A_268 = tpu.vector_load %arg8[%get3A_267] {strides = array<i32>} : memref<128xi32, #tpu.memory_space<vmem>>, vector<16xi32>,
    %get3A_269 = vector.shape_cast %get3A_268 : vector<16xi32> to vector<16xi32>
    %add3A_270 = vector.broadcast %mul3A_239 : i32 to vector<16xi32>
    %add3A_271 = arith.addi %get3A_269, %add3A_270 : vector<16xi32>
    %swap3A_272 = arith.constant 48 : index
    %swap3A_273 = tpu.vector_load %arg8[%swap3A_272] {strides = array<i32>} : memref<128xi32, #tpu.memory_space<vmem>>, vector<16xi32>,
    %swap3A_274 = vector.shape_cast %swap3A_273 : vector<16xi32> to vector<16xi32>
    %swap3A_275 = vector.shape_cast %add3A_271 : vector<16xi32> to vector<16xi32>
    tpu.vector_store %arg8[%swap3A_272], %swap3A_275 {strides = array<i32>} : memref<128xi32, #tpu.memory_space<vmem>>, vector<16xi32>,
    %get3A_276 = arith.constant 64 : index
    %get3A_277 = tpu.vector_load %arg8[%get3A_276] {strides = array<i32>} : memref<128xi32, #tpu.memory_space<vmem>>, vector<16xi32>,
    %get3A_278 = vector.shape_cast %get3A_277 : vector<16xi32> to vector<16xi32>
    %add3A_279 = vector.broadcast %mul3A_239 : i32 to vector<16xi32>
    %add3A_280 = arith.addi %get3A_278, %add3A_279 : vector<16xi32>
    %swap3A_281 = arith.constant 64 : index
    %swap3A_282 = tpu.vector_load %arg8[%swap3A_281] {strides = array<i32>} : memref<128xi32, #tpu.memory_space<vmem>>, vector<16xi32>,
    %swap3A_283 = vector.shape_cast %swap3A_282 : vector<16xi32> to vector<16xi32>
    %swap3A_284 = vector.shape_cast %add3A_280 : vector<16xi32> to vector<16xi32>
    tpu.vector_store %arg8[%swap3A_281], %swap3A_284 {strides = array<i32>} : memref<128xi32, #tpu.memory_space<vmem>>, vector<16xi32>,
    %get3A_285 = arith.constant 80 : index
    %get3A_286 = tpu.vector_load %arg8[%get3A_285] {strides = array<i32>} : memref<128xi32, #tpu.memory_space<vmem>>, vector<16xi32>,
    %get3A_287 = vector.shape_cast %get3A_286 : vector<16xi32> to vector<16xi32>
    %add3A_288 = vector.broadcast %mul3A_239 : i32 to vector<16xi32>
    %add3A_289 = arith.addi %get3A_287, %add3A_288 : vector<16xi32>
    %swap3A_290 = arith.constant 80 : index
    %swap3A_291 = tpu.vector_load %arg8[%swap3A_290] {strides = array<i32>} : memref<128xi32, #tpu.memory_space<vmem>>, vector<16xi32>,
    %swap3A_292 = vector.shape_cast %swap3A_291 : vector<16xi32> to vector<16xi32>
    %swap3A_293 = vector.shape_cast %add3A_289 : vector<16xi32> to vector<16xi32>
    tpu.vector_store %arg8[%swap3A_290], %swap3A_293 {strides = array<i32>} : memref<128xi32, #tpu.memory_space<vmem>>, vector<16xi32>,
    %get3A_294 = arith.constant 96 : index
    %get3A_295 = tpu.vector_load %arg8[%get3A_294] {strides = array<i32>} : memref<128xi32, #tpu.memory_space<vmem>>, vector<16xi32>,
    %get3A_296 = vector.shape_cast %get3A_295 : vector<16xi32> to vector<16xi32>
    %add3A_297 = vector.broadcast %mul3A_239 : i32 to vector<16xi32>
    %add3A_298 = arith.addi %get3A_296, %add3A_297 : vector<16xi32>
    %swap3A_299 = arith.constant 96 : index
    %swap3A_300 = tpu.vector_load %arg8[%swap3A_299] {strides = array<i32>} : memref<128xi32, #tpu.memory_space<vmem>>, vector<16xi32>,
    %swap3A_301 = vector.shape_cast %swap3A_300 : vector<16xi32> to vector<16xi32>
    %swap3A_302 = vector.shape_cast %add3A_298 : vector<16xi32> to vector<16xi32>
    tpu.vector_store %arg8[%swap3A_299], %swap3A_302 {strides = array<i32>} : memref<128xi32, #tpu.memory_space<vmem>>, vector<16xi32>,
    %get3A_303 = arith.constant 112 : index
    %get3A_304 = tpu.vector_load %arg8[%get3A_303] {strides = array<i32>} : memref<128xi32, #tpu.memory_space<vmem>>, vector<16xi32>,
    %get3A_305 = vector.shape_cast %get3A_304 : vector<16xi32> to vector<16xi32>
    %add3A_306 = vector.broadcast %mul3A_239 : i32 to vector<16xi32>
    %add3A_307 = arith.addi %get3A_305, %add3A_306 : vector<16xi32>
    %swap3A_308 = arith.constant 112 : index
    %swap3A_309 = tpu.vector_load %arg8[%swap3A_308] {strides = array<i32>} : memref<128xi32, #tpu.memory_space<vmem>>, vector<16xi32>,
    %swap3A_310 = vector.shape_cast %swap3A_309 : vector<16xi32> to vector<16xi32>
    %swap3A_311 = vector.shape_cast %add3A_307 : vector<16xi32> to vector<16xi32>
    tpu.vector_store %arg8[%swap3A_308], %swap3A_311 {strides = array<i32>} : memref<128xi32, #tpu.memory_space<vmem>>, vector<16xi32>,
    %dma_start3A_312 = arith.constant 0 : i32
    %dma_start3A_313 = arith.constant 0 : i32
    %dma_start3A_314 = tpu.memref_slice %arg2[%dma_start3A_312, %dma_start3A_313] : memref<20000x128xf32, #tpu.memory_space<hbm>> -> memref<20000x128xf32, #tpu.memory_space<hbm>>
    tpu.enqueue_indirect_dma source(%dma_start3A_314 : memref<20000x128xf32, #tpu.memory_space<hbm>>) target(%arg14 : memref<128x128xf32, #tpu.memory_space<vmem>>) offsets(%arg8 : memref<128xi32, #tpu.memory_space<vmem>>) semaphore(%arg22 : memref<!tpu.dma_semaphore, #tpu.memory_space<semaphore_mem>>)
    %dma_wait3A_315 = arith.constant 0 : i32
    %dma_wait3A_316 = arith.constant 0 : i32
    %dma_wait3A_317 = tpu.memref_slice %arg2[%dma_wait3A_315, %dma_wait3A_316] : memref<20000x128xf32, #tpu.memory_space<hbm>> -> memref<128x128xf32, #tpu.memory_space<hbm>>
    %dma_wait3A_318 = arith.constant 0 : i32
    %dma_wait3A_319 = arith.constant 0 : i32
    %dma_wait3A_320 = tpu.memref_slice %arg2[%dma_wait3A_318, %dma_wait3A_319] : memref<20000x128xf32, #tpu.memory_space<hbm>> -> memref<128x128xf32, #tpu.memory_space<hbm>>
    tpu.wait_dma2 semaphore(%arg23 : memref<!tpu.dma_semaphore, #tpu.memory_space<semaphore_mem>>) src(%dma_wait3A_320 : memref<128x128xf32, #tpu.memory_space<hbm>>) dst(%arg15 : memref<128x128xf32, #tpu.memory_space<vmem>>)
    %dma_start3A_321 = arith.constant 0 : i32
    %dma_start3A_322 = arith.constant 0 : i32
    %dma_start3A_323 = tpu.memref_slice %arg17[%dma_start3A_321, %dma_start3A_322] : memref<10240x128xf32, #tpu.memory_space<vmem_shared>> -> memref<10240x128xf32, #tpu.memory_space<vmem_shared>>
    tpu.enqueue_indirect_dma source(%arg15 : memref<128x128xf32, #tpu.memory_space<vmem>>) target(%dma_start3A_323 : memref<10240x128xf32, #tpu.memory_space<vmem_shared>>) offsets(%arg11 : memref<128xi32, #tpu.memory_space<vmem>>) semaphore(%arg25 : memref<!tpu.dma_semaphore, #tpu.memory_space<semaphore_mem>>) {add = true}
    %dma_wait3A_324 = arith.constant 0 : i32
    %dma_wait3A_325 = arith.constant 0 : i32
    %dma_wait3A_326 = tpu.memref_slice %arg2[%dma_wait3A_324, %dma_wait3A_325] : memref<20000x128xf32, #tpu.memory_space<hbm>> -> memref<128x128xf32, #tpu.memory_space<hbm>>
    %dma_wait3A_327 = arith.constant 0 : i32
    %dma_wait3A_328 = arith.constant 0 : i32
    %dma_wait3A_329 = tpu.memref_slice %arg2[%dma_wait3A_327, %dma_wait3A_328] : memref<20000x128xf32, #tpu.memory_space<hbm>> -> memref<128x128xf32, #tpu.memory_space<hbm>>
    tpu.wait_dma2 semaphore(%arg25 : memref<!tpu.dma_semaphore, #tpu.memory_space<semaphore_mem>>) src(%dma_wait3A_329 : memref<128x128xf32, #tpu.memory_space<hbm>>) dst(%arg15 : memref<128x128xf32, #tpu.memory_space<vmem>>)
    %dma_wait3A_330 = arith.constant 0 : i32
    %dma_wait3A_331 = tpu.memref_slice %arg3[%dma_wait3A_330] : memref<327680xi32, #tpu.memory_space<hbm>> -> memref<128xi32, #tpu.memory_space<hbm>>
    %dma_wait3A_332 = arith.constant 0 : i32
    %dma_wait3A_333 = tpu.memref_slice %arg3[%dma_wait3A_332] : memref<327680xi32, #tpu.memory_space<hbm>> -> memref<128xi32, #tpu.memory_space<hbm>>
    tpu.wait_dma2 semaphore(%arg21 : memref<!tpu.dma_semaphore, #tpu.memory_space<semaphore_mem>>) src(%dma_wait3A_333 : memref<128xi32, #tpu.memory_space<hbm>>) dst(%arg9 : memref<128xi32, #tpu.memory_space<vmem>>)
    %dma_wait3A_334 = arith.constant 0 : i32
    %dma_wait3A_335 = tpu.memref_slice %arg4[%dma_wait3A_334] : memref<327680xi32, #tpu.memory_space<hbm>> -> memref<128xi32, #tpu.memory_space<hbm>>
    %dma_wait3A_336 = arith.constant 0 : i32
    %dma_wait3A_337 = tpu.memref_slice %arg4[%dma_wait3A_336] : memref<327680xi32, #tpu.memory_space<hbm>> -> memref<128xi32, #tpu.memory_space<hbm>>
    tpu.wait_dma2 semaphore(%arg21 : memref<!tpu.dma_semaphore, #tpu.memory_space<semaphore_mem>>) src(%dma_wait3A_337 : memref<128xi32, #tpu.memory_space<hbm>>) dst(%arg13 : memref<128xi32, #tpu.memory_space<vmem>>)
    %mul3A_338 = arith.constant 10000 : i32
    %mul3A_339 = arith.muli %arg0, %mul3A_338 : i32
    %get3A_340 = arith.constant 0 : index
    %get3A_341 = tpu.vector_load %arg9[%get3A_340] {strides = array<i32>} : memref<128xi32, #tpu.memory_space<vmem>>, vector<16xi32>,
    %get3A_342 = vector.shape_cast %get3A_341 : vector<16xi32> to vector<16xi32>
    %add3A_343 = vector.broadcast %mul3A_339 : i32 to vector<16xi32>
    %add3A_344 = arith.addi %get3A_342, %add3A_343 : vector<16xi32>
    %swap3A_345 = arith.constant 0 : index
    %swap3A_346 = tpu.vector_load %arg9[%swap3A_345] {strides = array<i32>} : memref<128xi32, #tpu.memory_space<vmem>>, vector<16xi32>,
    %swap3A_347 = vector.shape_cast %swap3A_346 : vector<16xi32> to vector<16xi32>
    %swap3A_348 = vector.shape_cast %add3A_344 : vector<16xi32> to vector<16xi32>
    tpu.vector_store %arg9[%swap3A_345], %swap3A_348 {strides = array<i32>} : memref<128xi32, #tpu.memory_space<vmem>>, vector<16xi32>,
    %get3A_349 = arith.constant 16 : index
    %get3A_350 = tpu.vector_load %arg9[%get3A_349] {strides = array<i32>} : memref<128xi32, #tpu.memory_space<vmem>>, vector<16xi32>,
    %get3A_351 = vector.shape_cast %get3A_350 : vector<16xi32> to vector<16xi32>
    %add3A_352 = vector.broadcast %mul3A_339 : i32 to vector<16xi32>
    %add3A_353 = arith.addi %get3A_351, %add3A_352 : vector<16xi32>
    %swap3A_354 = arith.constant 16 : index
    %swap3A_355 = tpu.vector_load %arg9[%swap3A_354] {strides = array<i32>} : memref<128xi32, #tpu.memory_space<vmem>>, vector<16xi32>,
    %swap3A_356 = vector.shape_cast %swap3A_355 : vector<16xi32> to vector<16xi32>
    %swap3A_357 = vector.shape_cast %add3A_353 : vector<16xi32> to vector<16xi32>
    tpu.vector_store %arg9[%swap3A_354], %swap3A_357 {strides = array<i32>} : memref<128xi32, #tpu.memory_space<vmem>>, vector<16xi32>,
    %get3A_358 = arith.constant 32 : index
    %get3A_359 = tpu.vector_load %arg9[%get3A_358] {strides = array<i32>} : memref<128xi32, #tpu.memory_space<vmem>>, vector<16xi32>,
    %get3A_360 = vector.shape_cast %get3A_359 : vector<16xi32> to vector<16xi32>
    %add3A_361 = vector.broadcast %mul3A_339 : i32 to vector<16xi32>
    %add3A_362 = arith.addi %get3A_360, %add3A_361 : vector<16xi32>
    %swap3A_363 = arith.constant 32 : index
    %swap3A_364 = tpu.vector_load %arg9[%swap3A_363] {strides = array<i32>} : memref<128xi32, #tpu.memory_space<vmem>>, vector<16xi32>,
    %swap3A_365 = vector.shape_cast %swap3A_364 : vector<16xi32> to vector<16xi32>
    %swap3A_366 = vector.shape_cast %add3A_362 : vector<16xi32> to vector<16xi32>
    tpu.vector_store %arg9[%swap3A_363], %swap3A_366 {strides = array<i32>} : memref<128xi32, #tpu.memory_space<vmem>>, vector<16xi32>,
    %get3A_367 = arith.constant 48 : index
    %get3A_368 = tpu.vector_load %arg9[%get3A_367] {strides = array<i32>} : memref<128xi32, #tpu.memory_space<vmem>>, vector<16xi32>,
    %get3A_369 = vector.shape_cast %get3A_368 : vector<16xi32> to vector<16xi32>
    %add3A_370 = vector.broadcast %mul3A_339 : i32 to vector<16xi32>
    %add3A_371 = arith.addi %get3A_369, %add3A_370 : vector<16xi32>
    %swap3A_372 = arith.constant 48 : index
    %swap3A_373 = tpu.vector_load %arg9[%swap3A_372] {strides = array<i32>} : memref<128xi32, #tpu.memory_space<vmem>>, vector<16xi32>,
    %swap3A_374 = vector.shape_cast %swap3A_373 : vector<16xi32> to vector<16xi32>
    %swap3A_375 = vector.shape_cast %add3A_371 : vector<16xi32> to vector<16xi32>
    tpu.vector_store %arg9[%swap3A_372], %swap3A_375 {strides = array<i32>} : memref<128xi32, #tpu.memory_space<vmem>>, vector<16xi32>,
    %get3A_376 = arith.constant 64 : index
    %get3A_377 = tpu.vector_load %arg9[%get3A_376] {strides = array<i32>} : memref<128xi32, #tpu.memory_space<vmem>>, vector<16xi32>,
    %get3A_378 = vector.shape_cast %get3A_377 : vector<16xi32> to vector<16xi32>
    %add3A_379 = vector.broadcast %mul3A_339 : i32 to vector<16xi32>
    %add3A_380 = arith.addi %get3A_378, %add3A_379 : vector<16xi32>
    %swap3A_381 = arith.constant 64 : index
    %swap3A_382 = tpu.vector_load %arg9[%swap3A_381] {strides = array<i32>} : memref<128xi32, #tpu.memory_space<vmem>>, vector<16xi32>,
    %swap3A_383 = vector.shape_cast %swap3A_382 : vector<16xi32> to vector<16xi32>
    %swap3A_384 = vector.shape_cast %add3A_380 : vector<16xi32> to vector<16xi32>
    tpu.vector_store %arg9[%swap3A_381], %swap3A_384 {strides = array<i32>} : memref<128xi32, #tpu.memory_space<vmem>>, vector<16xi32>,
    %get3A_385 = arith.constant 80 : index
    %get3A_386 = tpu.vector_load %arg9[%get3A_385] {strides = array<i32>} : memref<128xi32, #tpu.memory_space<vmem>>, vector<16xi32>,
    %get3A_387 = vector.shape_cast %get3A_386 : vector<16xi32> to vector<16xi32>
    %add3A_388 = vector.broadcast %mul3A_339 : i32 to vector<16xi32>
    %add3A_389 = arith.addi %get3A_387, %add3A_388 : vector<16xi32>
    %swap3A_390 = arith.constant 80 : index
    %swap3A_391 = tpu.vector_load %arg9[%swap3A_390] {strides = array<i32>} : memref<128xi32, #tpu.memory_space<vmem>>, vector<16xi32>,
    %swap3A_392 = vector.shape_cast %swap3A_391 : vector<16xi32> to vector<16xi32>
    %swap3A_393 = vector.shape_cast %add3A_389 : vector<16xi32> to vector<16xi32>
    tpu.vector_store %arg9[%swap3A_390], %swap3A_393 {strides = array<i32>} : memref<128xi32, #tpu.memory_space<vmem>>, vector<16xi32>,
    %get3A_394 = arith.constant 96 : index
    %get3A_395 = tpu.vector_load %arg9[%get3A_394] {strides = array<i32>} : memref<128xi32, #tpu.memory_space<vmem>>, vector<16xi32>,
    %get3A_396 = vector.shape_cast %get3A_395 : vector<16xi32> to vector<16xi32>
    %add3A_397 = vector.broadcast %mul3A_339 : i32 to vector<16xi32>
    %add3A_398 = arith.addi %get3A_396, %add3A_397 : vector<16xi32>
    %swap3A_399 = arith.constant 96 : index
    %swap3A_400 = tpu.vector_load %arg9[%swap3A_399] {strides = array<i32>} : memref<128xi32, #tpu.memory_space<vmem>>, vector<16xi32>,
    %swap3A_401 = vector.shape_cast %swap3A_400 : vector<16xi32> to vector<16xi32>
    %swap3A_402 = vector.shape_cast %add3A_398 : vector<16xi32> to vector<16xi32>
    tpu.vector_store %arg9[%swap3A_399], %swap3A_402 {strides = array<i32>} : memref<128xi32, #tpu.memory_space<vmem>>, vector<16xi32>,
    %get3A_403 = arith.constant 112 : index
    %get3A_404 = tpu.vector_load %arg9[%get3A_403] {strides = array<i32>} : memref<128xi32, #tpu.memory_space<vmem>>, vector<16xi32>,
    %get3A_405 = vector.shape_cast %get3A_404 : vector<16xi32> to vector<16xi32>
    %add3A_406 = vector.broadcast %mul3A_339 : i32 to vector<16xi32>
    %add3A_407 = arith.addi %get3A_405, %add3A_406 : vector<16xi32>
    %swap3A_408 = arith.constant 112 : index
    %swap3A_409 = tpu.vector_load %arg9[%swap3A_408] {strides = array<i32>} : memref<128xi32, #tpu.memory_space<vmem>>, vector<16xi32>,
    %swap3A_410 = vector.shape_cast %swap3A_409 : vector<16xi32> to vector<16xi32>
    %swap3A_411 = vector.shape_cast %add3A_407 : vector<16xi32> to vector<16xi32>
    tpu.vector_store %arg9[%swap3A_408], %swap3A_411 {strides = array<i32>} : memref<128xi32, #tpu.memory_space<vmem>>, vector<16xi32>,
    %dma_start3A_412 = arith.constant 0 : i32
    %dma_start3A_413 = arith.constant 0 : i32
    %dma_start3A_414 = tpu.memref_slice %arg2[%dma_start3A_412, %dma_start3A_413] : memref<20000x128xf32, #tpu.memory_space<hbm>> -> memref<20000x128xf32, #tpu.memory_space<hbm>>
    tpu.enqueue_indirect_dma source(%dma_start3A_414 : memref<20000x128xf32, #tpu.memory_space<hbm>>) target(%arg15 : memref<128x128xf32, #tpu.memory_space<vmem>>) offsets(%arg9 : memref<128xi32, #tpu.memory_space<vmem>>) semaphore(%arg23 : memref<!tpu.dma_semaphore, #tpu.memory_space<semaphore_mem>>)
    %dma_wait3A_415 = arith.constant 0 : i32
    %dma_wait3A_416 = arith.constant 0 : i32
    %dma_wait3A_417 = tpu.memref_slice %arg2[%dma_wait3A_415, %dma_wait3A_416] : memref<20000x128xf32, #tpu.memory_space<hbm>> -> memref<128x128xf32, #tpu.memory_space<hbm>>
    %dma_wait3A_418 = arith.constant 0 : i32
    %dma_wait3A_419 = arith.constant 0 : i32
    %dma_wait3A_420 = tpu.memref_slice %arg2[%dma_wait3A_418, %dma_wait3A_419] : memref<20000x128xf32, #tpu.memory_space<hbm>> -> memref<128x128xf32, #tpu.memory_space<hbm>>
    tpu.wait_dma2 semaphore(%arg22 : memref<!tpu.dma_semaphore, #tpu.memory_space<semaphore_mem>>) src(%dma_wait3A_420 : memref<128x128xf32, #tpu.memory_space<hbm>>) dst(%arg14 : memref<128x128xf32, #tpu.memory_space<vmem>>)
    %dma_start3A_421 = arith.constant 0 : i32
    %dma_start3A_422 = arith.constant 0 : i32
    %dma_start3A_423 = tpu.memref_slice %arg17[%dma_start3A_421, %dma_start3A_422] : memref<10240x128xf32, #tpu.memory_space<vmem_shared>> -> memref<10240x128xf32, #tpu.memory_space<vmem_shared>>
    tpu.enqueue_indirect_dma source(%arg14 : memref<128x128xf32, #tpu.memory_space<vmem>>) target(%dma_start3A_423 : memref<10240x128xf32, #tpu.memory_space<vmem_shared>>) offsets(%arg12 : memref<128xi32, #tpu.memory_space<vmem>>) semaphore(%arg24 : memref<!tpu.dma_semaphore, #tpu.memory_space<semaphore_mem>>) {add = true}
    %dma_wait3A_424 = arith.constant 0 : i32
    %dma_wait3A_425 = arith.constant 0 : i32
    %dma_wait3A_426 = tpu.memref_slice %arg2[%dma_wait3A_424, %dma_wait3A_425] : memref<20000x128xf32, #tpu.memory_space<hbm>> -> memref<128x128xf32, #tpu.memory_space<hbm>>
    %dma_wait3A_427 = arith.constant 0 : i32
    %dma_wait3A_428 = arith.constant 0 : i32
    %dma_wait3A_429 = tpu.memref_slice %arg2[%dma_wait3A_427, %dma_wait3A_428] : memref<20000x128xf32, #tpu.memory_space<hbm>> -> memref<128x128xf32, #tpu.memory_space<hbm>>
    tpu.wait_dma2 semaphore(%arg23 : memref<!tpu.dma_semaphore, #tpu.memory_space<semaphore_mem>>) src(%dma_wait3A_429 : memref<128x128xf32, #tpu.memory_space<hbm>>) dst(%arg15 : memref<128x128xf32, #tpu.memory_space<vmem>>)
    %dma_start3A_430 = arith.constant 0 : i32
    %dma_start3A_431 = arith.constant 0 : i32
    %dma_start3A_432 = tpu.memref_slice %arg17[%dma_start3A_430, %dma_start3A_431] : memref<10240x128xf32, #tpu.memory_space<vmem_shared>> -> memref<10240x128xf32, #tpu.memory_space<vmem_shared>>
    tpu.enqueue_indirect_dma source(%arg15 : memref<128x128xf32, #tpu.memory_space<vmem>>) target(%dma_start3A_432 : memref<10240x128xf32, #tpu.memory_space<vmem_shared>>) offsets(%arg13 : memref<128xi32, #tpu.memory_space<vmem>>) semaphore(%arg25 : memref<!tpu.dma_semaphore, #tpu.memory_space<semaphore_mem>>) {add = true}
    %dma_wait3A_433 = arith.constant 0 : i32
    %dma_wait3A_434 = arith.constant 0 : i32
    %dma_wait3A_435 = tpu.memref_slice %arg2[%dma_wait3A_433, %dma_wait3A_434] : memref<20000x128xf32, #tpu.memory_space<hbm>> -> memref<128x128xf32, #tpu.memory_space<hbm>>
    %dma_wait3A_436 = arith.constant 0 : i32
    %dma_wait3A_437 = arith.constant 0 : i32
    %dma_wait3A_438 = tpu.memref_slice %arg2[%dma_wait3A_436, %dma_wait3A_437] : memref<20000x128xf32, #tpu.memory_space<hbm>> -> memref<128x128xf32, #tpu.memory_space<hbm>>
    tpu.wait_dma2 semaphore(%arg24 : memref<!tpu.dma_semaphore, #tpu.memory_space<semaphore_mem>>) src(%dma_wait3A_438 : memref<128x128xf32, #tpu.memory_space<hbm>>) dst(%arg14 : memref<128x128xf32, #tpu.memory_space<vmem>>)
    %dma_wait3A_439 = arith.constant 0 : i32
    %dma_wait3A_440 = arith.constant 0 : i32
    %dma_wait3A_441 = tpu.memref_slice %arg2[%dma_wait3A_439, %dma_wait3A_440] : memref<20000x128xf32, #tpu.memory_space<hbm>> -> memref<128x128xf32, #tpu.memory_space<hbm>>
    %dma_wait3A_442 = arith.constant 0 : i32
    %dma_wait3A_443 = arith.constant 0 : i32
    %dma_wait3A_444 = tpu.memref_slice %arg2[%dma_wait3A_442, %dma_wait3A_443] : memref<20000x128xf32, #tpu.memory_space<hbm>> -> memref<128x128xf32, #tpu.memory_space<hbm>>
    tpu.wait_dma2 semaphore(%arg25 : memref<!tpu.dma_semaphore, #tpu.memory_space<semaphore_mem>>) src(%dma_wait3A_444 : memref<128x128xf32, #tpu.memory_space<hbm>>) dst(%arg15 : memref<128x128xf32, #tpu.memory_space<vmem>>)
    %barrier3A_445 = arith.constant 0 : index
    tpu.barrier barrier_id(%barrier3A_445)
    %mul3A_446 = arith.constant 640 : i32
    %mul3A_447 = arith.muli %arg1, %mul3A_446 : i32
    %add3A_448 = arith.constant 640 : i32
    %add3A_449 = arith.addi %mul3A_447, %add3A_448 : i32
    %le3A = arith.constant 10000 : i32
    %le3A_450 = arith.cmpi sle, %add3A_449, %le3A : i32
    %convert_element_type3A = arith.extui %le3A_450 : i1 to i32
    %cond3A = arith.constant 0 : i32
    %cond3A_451 = arith.cmpi ne, %convert_element_type3A, %cond3A : i32
    scf.if %cond3A_451 {
      %mul3A_463 = arith.constant 640 : i32
      %mul3A_464 = arith.muli %arg1, %mul3A_463 : i32
      %mul3A_465 = arith.constant 10000 : i32
      %mul3A_466 = arith.muli %arg0, %mul3A_465 : i32
      %mul3A_467 = arith.constant 640 : i32
      %mul3A_468 = arith.muli %arg1, %mul3A_467 : i32
      %add3A_469 = arith.addi %mul3A_466, %mul3A_468 : i32
      "tpu.region"() ({
        %run_scoped3A = tpu.sem_alloc : memref<!tpu.dma_semaphore, #tpu.memory_space<semaphore_mem>>
        %dma_start3A_470 = arith.constant 0 : i32
        %dma_start3A_471 = tpu.memref_slice %arg5[%add3A_469, %dma_start3A_470] : memref<20000x128xf32, #tpu.memory_space<hbm>> -> memref<640x128xf32, #tpu.memory_space<hbm>>
        %dma_start3A_472 = arith.constant 0 : i32
        %dma_start3A_473 = tpu.memref_slice %arg17[%mul3A_464, %dma_start3A_472] : memref<10240x128xf32, #tpu.memory_space<vmem_shared>> -> memref<640x128xf32, #tpu.memory_space<vmem_shared>>
        tpu.enqueue_dma source(%dma_start3A_473 : memref<640x128xf32, #tpu.memory_space<vmem_shared>>) target(%dma_start3A_471 : memref<640x128xf32, #tpu.memory_space<hbm>>) target_semaphore(%run_scoped3A : memref<!tpu.dma_semaphore, #tpu.memory_space<semaphore_mem>>)
        %dma_wait3A_474 = arith.constant 0 : i32
        %dma_wait3A_475 = tpu.memref_slice %arg5[%add3A_469, %dma_wait3A_474] : memref<20000x128xf32, #tpu.memory_space<hbm>> -> memref<640x128xf32, #tpu.memory_space<hbm>>
        %dma_wait3A_476 = arith.constant 0 : i32
        %dma_wait3A_477 = tpu.memref_slice %arg17[%mul3A_464, %dma_wait3A_476] : memref<10240x128xf32, #tpu.memory_space<vmem_shared>> -> memref<640x128xf32, #tpu.memory_space<vmem_shared>>
        tpu.wait_dma2 semaphore(%run_scoped3A : memref<!tpu.dma_semaphore, #tpu.memory_space<semaphore_mem>>) src(%dma_wait3A_477 : memref<640x128xf32, #tpu.memory_space<vmem_shared>>) dst(%dma_wait3A_475 : memref<640x128xf32, #tpu.memory_space<hbm>>)
        tpu.yield
      }) : () -> ()
    } else {
    }
    %mul3A_452 = arith.constant 640 : i32
    %mul3A_453 = arith.muli %arg1, %mul3A_452 : i32
    %lt3A = arith.constant 10000 : i32
    %lt3A_454 = arith.cmpi slt, %mul3A_453, %lt3A : i32
    %mul3A_455 = arith.constant 640 : i32
    %mul3A_456 = arith.muli %arg1, %mul3A_455 : i32
    %add3A_457 = arith.constant 640 : i32
    %add3A_458 = arith.addi %mul3A_456, %add3A_457 : i32
    %gt3A = arith.constant 10000 : i32
    %gt3A_459 = arith.cmpi sgt, %add3A_458, %gt3A : i32
    %and3A = arith.andi %lt3A_454, %gt3A_459 : i1
    %convert_element_type3A_460 = arith.extui %and3A : i1 to i32
    %cond3A_461 = arith.constant 0 : i32
    %cond3A_462 = arith.cmpi ne, %convert_element_type3A_460, %cond3A_461 : i32
    scf.if %cond3A_462 {
      %mul3A_463 = arith.constant 640 : i32
      %mul3A_464 = arith.muli %arg1, %mul3A_463 : i32
      %mul3A_465 = arith.constant 10000 : i32
      %mul3A_466 = arith.muli %arg0, %mul3A_465 : i32
      %mul3A_467 = arith.constant 640 : i32
      %mul3A_468 = arith.muli %arg1, %mul3A_467 : i32
      %add3A_469 = arith.addi %mul3A_466, %mul3A_468 : i32
      "tpu.region"() ({
        %run_scoped3A = tpu.sem_alloc : memref<!tpu.dma_semaphore, #tpu.memory_space<semaphore_mem>>
        %dma_start3A_470 = arith.constant 0 : i32
        %dma_start3A_471 = tpu.memref_slice %arg5[%add3A_469, %dma_start3A_470] : memref<20000x128xf32, #tpu.memory_space<hbm>> -> memref<400x128xf32, #tpu.memory_space<hbm>>
        %dma_start3A_472 = arith.constant 0 : i32
        %dma_start3A_473 = tpu.memref_slice %arg17[%mul3A_464, %dma_start3A_472] : memref<10240x128xf32, #tpu.memory_space<vmem_shared>> -> memref<400x128xf32, #tpu.memory_space<vmem_shared>>
        tpu.enqueue_dma source(%dma_start3A_473 : memref<400x128xf32, #tpu.memory_space<vmem_shared>>) target(%dma_start3A_471 : memref<400x128xf32, #tpu.memory_space<hbm>>) target_semaphore(%run_scoped3A : memref<!tpu.dma_semaphore, #tpu.memory_space<semaphore_mem>>)
        %dma_wait3A_474 = arith.constant 0 : i32
        %dma_wait3A_475 = tpu.memref_slice %arg5[%add3A_469, %dma_wait3A_474] : memref<20000x128xf32, #tpu.memory_space<hbm>> -> memref<400x128xf32, #tpu.memory_space<hbm>>
        %dma_wait3A_476 = arith.constant 0 : i32
        %dma_wait3A_477 = tpu.memref_slice %arg17[%mul3A_464, %dma_wait3A_476] : memref<10240x128xf32, #tpu.memory_space<vmem_shared>> -> memref<400x128xf32, #tpu.memory_space<vmem_shared>>
        tpu.wait_dma2 semaphore(%run_scoped3A : memref<!tpu.dma_semaphore, #tpu.memory_space<semaphore_mem>>) src(%dma_wait3A_477 : memref<400x128xf32, #tpu.memory_space<vmem_shared>>) dst(%dma_wait3A_475 : memref<400x128xf32, #tpu.memory_space<hbm>>)
        tpu.yield
      }) : () -> ()
    } else {
    }
    return
  }
}

#map = affine_map<(d0, d1) -> (0, 0)>
#map1 = affine_map<(d0, d1) -> (0)>
module attributes {stable_mosaic.version = 14 : i64} {
  func.func @body(%arg0: i32, %arg1: i32, %arg2: memref<10000x128xf32, #tpu.memory_space<hbm>>, %arg3: memref<327680xi32, #tpu.memory_space<hbm>>, %arg4: memref<327680xi32, #tpu.memory_space<hbm>>, %arg5: memref<20000x128xf32, #tpu.memory_space<hbm>>, %arg6: memref<128xi32, #tpu.memory_space<vmem>>, %arg7: memref<128xi32, #tpu.memory_space<vmem>>, %arg8: memref<128xi32, #tpu.memory_space<vmem>>, %arg9: memref<128xi32, #tpu.memory_space<vmem>>, %arg10: memref<128xi32, #tpu.memory_space<vmem>>, %arg11: memref<128xi32, #tpu.memory_space<vmem>>, %arg12: memref<128xi32, #tpu.memory_space<vmem>>, %arg13: memref<128xi32, #tpu.memory_space<vmem>>, %arg14: memref<128x128xf32, #tpu.memory_space<vmem>>, %arg15: memref<128x128xf32, #tpu.memory_space<vmem>>, %arg16: memref<32x128xf32, #tpu.memory_space<vmem>>, %arg17: memref<10240x128xf32, #tpu.memory_space<vmem_shared>>, %arg18: memref<!tpu.dma_semaphore, #tpu.memory_space<semaphore_mem>>, %arg19: memref<!tpu.dma_semaphore, #tpu.memory_space<semaphore_mem>>, %arg20: memref<!tpu.dma_semaphore, #tpu.memory_space<semaphore_mem>>, %arg21: memref<!tpu.dma_semaphore, #tpu.memory_space<semaphore_mem>>, %arg22: memref<!tpu.dma_semaphore, #tpu.memory_space<semaphore_mem>>, %arg23: memref<!tpu.dma_semaphore, #tpu.memory_space<semaphore_mem>>, %arg24: memref<!tpu.dma_semaphore, #tpu.memory_space<semaphore_mem>>, %arg25: memref<!tpu.dma_semaphore, #tpu.memory_space<semaphore_mem>>) attributes {dimension_semantics = [#tpu.dimension_semantics<core_parallel>, #tpu.dimension_semantics<subcore_parallel>], iteration_bounds = array<i64: 2, 16>, scalar_prefetch = 0 : i64, scratch_operands = 20 : i64, tpu.core_type = #tpu.core_type<sc_vector_subcore>, window_params = [{transform_indices = #map}, {transform_indices = #map1}, {transform_indices = #map1}, {transform_indices = #map}]} {
    %mul3A = arith.constant 16 : i32
    %mul3A_0 = arith.muli %arg0, %mul3A : i32
    %add3A = arith.addi %mul3A_0, %arg1 : i32
    %mul3A_1 = arith.constant 80 : i32
    %mul3A_2 = arith.muli %add3A, %mul3A_1 : i32
    %mul3A_3 = arith.constant 128 : i32
    %mul3A_4 = arith.muli %mul3A_2, %mul3A_3 : i32
    %add3A_5 = arith.constant 0 : i32
    %add3A_6 = arith.addi %mul3A_4, %add3A_5 : i32
    %multiple_of3A = tpu.assume_multiple %add3A_6, 128 : i32
    %dma_start3A = tpu.memref_slice %arg3[%multiple_of3A] : memref<327680xi32, #tpu.memory_space<hbm>> -> memref<128xi32, #tpu.memory_space<hbm>>
    %dma_start3A_7 = tpu.memref_slice %arg3[%multiple_of3A] : memref<327680xi32, #tpu.memory_space<hbm>> -> memref<128xi32, #tpu.memory_space<hbm>>
    tpu.enqueue_dma source(%dma_start3A_7 : memref<128xi32, #tpu.memory_space<hbm>>) target(%arg6 : memref<128xi32, #tpu.memory_space<vmem>>) target_semaphore(%arg18 : memref<!tpu.dma_semaphore, #tpu.memory_space<semaphore_mem>>)
    %dma_start3A_8 = tpu.memref_slice %arg4[%multiple_of3A] : memref<327680xi32, #tpu.memory_space<hbm>> -> memref<128xi32, #tpu.memory_space<hbm>>
    %dma_start3A_9 = tpu.memref_slice %arg4[%multiple_of3A] : memref<327680xi32, #tpu.memory_space<hbm>> -> memref<128xi32, #tpu.memory_space<hbm>>
    tpu.enqueue_dma source(%dma_start3A_9 : memref<128xi32, #tpu.memory_space<hbm>>) target(%arg10 : memref<128xi32, #tpu.memory_space<vmem>>) target_semaphore(%arg18 : memref<!tpu.dma_semaphore, #tpu.memory_space<semaphore_mem>>)
    %add3A_10 = arith.constant 128 : i32
    %add3A_11 = arith.addi %mul3A_4, %add3A_10 : i32
    %multiple_of3A_12 = tpu.assume_multiple %add3A_11, 128 : i32
    %dma_start3A_13 = tpu.memref_slice %arg3[%multiple_of3A_12] : memref<327680xi32, #tpu.memory_space<hbm>> -> memref<128xi32, #tpu.memory_space<hbm>>
    %dma_start3A_14 = tpu.memref_slice %arg3[%multiple_of3A_12] : memref<327680xi32, #tpu.memory_space<hbm>> -> memref<128xi32, #tpu.memory_space<hbm>>
    tpu.enqueue_dma source(%dma_start3A_14 : memref<128xi32, #tpu.memory_space<hbm>>) target(%arg7 : memref<128xi32, #tpu.memory_space<vmem>>) target_semaphore(%arg19 : memref<!tpu.dma_semaphore, #tpu.memory_space<semaphore_mem>>)
    %dma_start3A_15 = tpu.memref_slice %arg4[%multiple_of3A_12] : memref<327680xi32, #tpu.memory_space<hbm>> -> memref<128xi32, #tpu.memory_space<hbm>>
    %dma_start3A_16 = tpu.memref_slice %arg4[%multiple_of3A_12] : memref<327680xi32, #tpu.memory_space<hbm>> -> memref<128xi32, #tpu.memory_space<hbm>>
    tpu.enqueue_dma source(%dma_start3A_16 : memref<128xi32, #tpu.memory_space<hbm>>) target(%arg11 : memref<128xi32, #tpu.memory_space<vmem>>) target_semaphore(%arg19 : memref<!tpu.dma_semaphore, #tpu.memory_space<semaphore_mem>>)
    %add3A_17 = arith.constant 256 : i32
    %add3A_18 = arith.addi %mul3A_4, %add3A_17 : i32
    %multiple_of3A_19 = tpu.assume_multiple %add3A_18, 128 : i32
    %dma_start3A_20 = tpu.memref_slice %arg3[%multiple_of3A_19] : memref<327680xi32, #tpu.memory_space<hbm>> -> memref<128xi32, #tpu.memory_space<hbm>>
    %dma_start3A_21 = tpu.memref_slice %arg3[%multiple_of3A_19] : memref<327680xi32, #tpu.memory_space<hbm>> -> memref<128xi32, #tpu.memory_space<hbm>>
    tpu.enqueue_dma source(%dma_start3A_21 : memref<128xi32, #tpu.memory_space<hbm>>) target(%arg8 : memref<128xi32, #tpu.memory_space<vmem>>) target_semaphore(%arg20 : memref<!tpu.dma_semaphore, #tpu.memory_space<semaphore_mem>>)
    %dma_start3A_22 = tpu.memref_slice %arg4[%multiple_of3A_19] : memref<327680xi32, #tpu.memory_space<hbm>> -> memref<128xi32, #tpu.memory_space<hbm>>
    %dma_start3A_23 = tpu.memref_slice %arg4[%multiple_of3A_19] : memref<327680xi32, #tpu.memory_space<hbm>> -> memref<128xi32, #tpu.memory_space<hbm>>
    tpu.enqueue_dma source(%dma_start3A_23 : memref<128xi32, #tpu.memory_space<hbm>>) target(%arg12 : memref<128xi32, #tpu.memory_space<vmem>>) target_semaphore(%arg20 : memref<!tpu.dma_semaphore, #tpu.memory_space<semaphore_mem>>)
    %add3A_24 = arith.constant 384 : i32
    %add3A_25 = arith.addi %mul3A_4, %add3A_24 : i32
    %multiple_of3A_26 = tpu.assume_multiple %add3A_25, 128 : i32
    %dma_start3A_27 = tpu.memref_slice %arg3[%multiple_of3A_26] : memref<327680xi32, #tpu.memory_space<hbm>> -> memref<128xi32, #tpu.memory_space<hbm>>
    %dma_start3A_28 = tpu.memref_slice %arg3[%multiple_of3A_26] : memref<327680xi32, #tpu.memory_space<hbm>> -> memref<128xi32, #tpu.memory_space<hbm>>
    tpu.enqueue_dma source(%dma_start3A_28 : memref<128xi32, #tpu.memory_space<hbm>>) target(%arg9 : memref<128xi32, #tpu.memory_space<vmem>>) target_semaphore(%arg21 : memref<!tpu.dma_semaphore, #tpu.memory_space<semaphore_mem>>)
    %dma_start3A_29 = tpu.memref_slice %arg4[%multiple_of3A_26] : memref<327680xi32, #tpu.memory_space<hbm>> -> memref<128xi32, #tpu.memory_space<hbm>>
    %dma_start3A_30 = tpu.memref_slice %arg4[%multiple_of3A_26] : memref<327680xi32, #tpu.memory_space<hbm>> -> memref<128xi32, #tpu.memory_space<hbm>>
    tpu.enqueue_dma source(%dma_start3A_30 : memref<128xi32, #tpu.memory_space<hbm>>) target(%arg13 : memref<128xi32, #tpu.memory_space<vmem>>) target_semaphore(%arg21 : memref<!tpu.dma_semaphore, #tpu.memory_space<semaphore_mem>>)
    %dma_wait3A = arith.constant 0 : i32
    %dma_wait3A_31 = tpu.memref_slice %arg3[%dma_wait3A] : memref<327680xi32, #tpu.memory_space<hbm>> -> memref<128xi32, #tpu.memory_space<hbm>>
    %dma_wait3A_32 = arith.constant 0 : i32
    %dma_wait3A_33 = tpu.memref_slice %arg3[%dma_wait3A_32] : memref<327680xi32, #tpu.memory_space<hbm>> -> memref<128xi32, #tpu.memory_space<hbm>>
    tpu.wait_dma2 semaphore(%arg18 : memref<!tpu.dma_semaphore, #tpu.memory_space<semaphore_mem>>) src(%dma_wait3A_33 : memref<128xi32, #tpu.memory_space<hbm>>) dst(%arg6 : memref<128xi32, #tpu.memory_space<vmem>>)
    %dma_wait3A_34 = arith.constant 0 : i32
    %dma_wait3A_35 = tpu.memref_slice %arg4[%dma_wait3A_34] : memref<327680xi32, #tpu.memory_space<hbm>> -> memref<128xi32, #tpu.memory_space<hbm>>
    %dma_wait3A_36 = arith.constant 0 : i32
    %dma_wait3A_37 = tpu.memref_slice %arg4[%dma_wait3A_36] : memref<327680xi32, #tpu.memory_space<hbm>> -> memref<128xi32, #tpu.memory_space<hbm>>
    tpu.wait_dma2 semaphore(%arg18 : memref<!tpu.dma_semaphore, #tpu.memory_space<semaphore_mem>>) src(%dma_wait3A_37 : memref<128xi32, #tpu.memory_space<hbm>>) dst(%arg10 : memref<128xi32, #tpu.memory_space<vmem>>)
    %dma_start3A_38 = arith.constant 0 : i32
    %dma_start3A_39 = arith.constant 0 : i32
    %dma_start3A_40 = tpu.memref_slice %arg2[%dma_start3A_38, %dma_start3A_39] : memref<10000x128xf32, #tpu.memory_space<hbm>> -> memref<10000x128xf32, #tpu.memory_space<hbm>>
    tpu.enqueue_indirect_dma source(%dma_start3A_40 : memref<10000x128xf32, #tpu.memory_space<hbm>>) target(%arg14 : memref<128x128xf32, #tpu.memory_space<vmem>>) offsets(%arg6 : memref<128xi32, #tpu.memory_space<vmem>>) semaphore(%arg22 : memref<!tpu.dma_semaphore, #tpu.memory_space<semaphore_mem>>)
    %dma_wait3A_41 = arith.constant 0 : i32
    %dma_wait3A_42 = tpu.memref_slice %arg3[%dma_wait3A_41] : memref<327680xi32, #tpu.memory_space<hbm>> -> memref<128xi32, #tpu.memory_space<hbm>>
    %dma_wait3A_43 = arith.constant 0 : i32
    %dma_wait3A_44 = tpu.memref_slice %arg3[%dma_wait3A_43] : memref<327680xi32, #tpu.memory_space<hbm>> -> memref<128xi32, #tpu.memory_space<hbm>>
    tpu.wait_dma2 semaphore(%arg19 : memref<!tpu.dma_semaphore, #tpu.memory_space<semaphore_mem>>) src(%dma_wait3A_44 : memref<128xi32, #tpu.memory_space<hbm>>) dst(%arg7 : memref<128xi32, #tpu.memory_space<vmem>>)
    %dma_wait3A_45 = arith.constant 0 : i32
    %dma_wait3A_46 = tpu.memref_slice %arg4[%dma_wait3A_45] : memref<327680xi32, #tpu.memory_space<hbm>> -> memref<128xi32, #tpu.memory_space<hbm>>
    %dma_wait3A_47 = arith.constant 0 : i32
    %dma_wait3A_48 = tpu.memref_slice %arg4[%dma_wait3A_47] : memref<327680xi32, #tpu.memory_space<hbm>> -> memref<128xi32, #tpu.memory_space<hbm>>
    tpu.wait_dma2 semaphore(%arg19 : memref<!tpu.dma_semaphore, #tpu.memory_space<semaphore_mem>>) src(%dma_wait3A_48 : memref<128xi32, #tpu.memory_space<hbm>>) dst(%arg11 : memref<128xi32, #tpu.memory_space<vmem>>)
    %dma_start3A_49 = arith.constant 0 : i32
    %dma_start3A_50 = arith.constant 0 : i32
    %dma_start3A_51 = tpu.memref_slice %arg2[%dma_start3A_49, %dma_start3A_50] : memref<10000x128xf32, #tpu.memory_space<hbm>> -> memref<10000x128xf32, #tpu.memory_space<hbm>>
    tpu.enqueue_indirect_dma source(%dma_start3A_51 : memref<10000x128xf32, #tpu.memory_space<hbm>>) target(%arg15 : memref<128x128xf32, #tpu.memory_space<vmem>>) offsets(%arg7 : memref<128xi32, #tpu.memory_space<vmem>>) semaphore(%arg23 : memref<!tpu.dma_semaphore, #tpu.memory_space<semaphore_mem>>)
    %scan3A = arith.constant 0 : i32
    %scan3A_52 = arith.constant 0 : i32
    %scan3A_53 = arith.constant 32 : i32
    %scan3A_54 = arith.addi %scan3A_52, %scan3A_53 : i32
    %scan3A_55 = arith.constant 1 : i32
    %scan3A_56 = scf.for %scan3A_172 = %scan3A_52 to %scan3A_54 step %scan3A_55 iter_args(%scan3A_173 = %scan3A) -> (i32)  : i32 {
      %broadcast_in_dim3A = arith.constant 0.000000e+00 : f32
      %broadcast_in_dim3A_174 = vector.broadcast %broadcast_in_dim3A : f32 to vector<16xf32>
      %swap3A = arith.index_cast %scan3A_172 : i32 to index
      %swap3A_175 = arith.constant 0 : index
      %swap3A_176 = tpu.vector_load %arg16[%swap3A, %swap3A_175] {strides = array<i32>} : memref<32x128xf32, #tpu.memory_space<vmem>>, vector<1x16xf32>,
      %swap3A_177 = vector.shape_cast %swap3A_176 : vector<1x16xf32> to vector<16xf32>
      %swap3A_178 = vector.shape_cast %broadcast_in_dim3A_174 : vector<16xf32> to vector<1x16xf32>
      tpu.vector_store %arg16[%swap3A, %swap3A_175], %swap3A_178 {strides = array<i32>} : memref<32x128xf32, #tpu.memory_space<vmem>>, vector<1x16xf32>,
      %broadcast_in_dim3A_179 = arith.constant 0.000000e+00 : f32
      %broadcast_in_dim3A_180 = vector.broadcast %broadcast_in_dim3A_179 : f32 to vector<16xf32>
      %swap3A_181 = arith.index_cast %scan3A_172 : i32 to index
      %swap3A_182 = arith.constant 16 : index
      %swap3A_183 = tpu.vector_load %arg16[%swap3A_181, %swap3A_182] {strides = array<i32>} : memref<32x128xf32, #tpu.memory_space<vmem>>, vector<1x16xf32>,
      %swap3A_184 = vector.shape_cast %swap3A_183 : vector<1x16xf32> to vector<16xf32>
      %swap3A_185 = vector.shape_cast %broadcast_in_dim3A_180 : vector<16xf32> to vector<1x16xf32>
      tpu.vector_store %arg16[%swap3A_181, %swap3A_182], %swap3A_185 {strides = array<i32>} : memref<32x128xf32, #tpu.memory_space<vmem>>, vector<1x16xf32>,
      %broadcast_in_dim3A_186 = arith.constant 0.000000e+00 : f32
      %broadcast_in_dim3A_187 = vector.broadcast %broadcast_in_dim3A_186 : f32 to vector<16xf32>
      %swap3A_188 = arith.index_cast %scan3A_172 : i32 to index
      %swap3A_189 = arith.constant 32 : index
      %swap3A_190 = tpu.vector_load %arg16[%swap3A_188, %swap3A_189] {strides = array<i32>} : memref<32x128xf32, #tpu.memory_space<vmem>>, vector<1x16xf32>,
      %swap3A_191 = vector.shape_cast %swap3A_190 : vector<1x16xf32> to vector<16xf32>
      %swap3A_192 = vector.shape_cast %broadcast_in_dim3A_187 : vector<16xf32> to vector<1x16xf32>
      tpu.vector_store %arg16[%swap3A_188, %swap3A_189], %swap3A_192 {strides = array<i32>} : memref<32x128xf32, #tpu.memory_space<vmem>>, vector<1x16xf32>,
      %broadcast_in_dim3A_193 = arith.constant 0.000000e+00 : f32
      %broadcast_in_dim3A_194 = vector.broadcast %broadcast_in_dim3A_193 : f32 to vector<16xf32>
      %swap3A_195 = arith.index_cast %scan3A_172 : i32 to index
      %swap3A_196 = arith.constant 48 : index
      %swap3A_197 = tpu.vector_load %arg16[%swap3A_195, %swap3A_196] {strides = array<i32>} : memref<32x128xf32, #tpu.memory_space<vmem>>, vector<1x16xf32>,
      %swap3A_198 = vector.shape_cast %swap3A_197 : vector<1x16xf32> to vector<16xf32>
      %swap3A_199 = vector.shape_cast %broadcast_in_dim3A_194 : vector<16xf32> to vector<1x16xf32>
      tpu.vector_store %arg16[%swap3A_195, %swap3A_196], %swap3A_199 {strides = array<i32>} : memref<32x128xf32, #tpu.memory_space<vmem>>, vector<1x16xf32>,
      %broadcast_in_dim3A_200 = arith.constant 0.000000e+00 : f32
      %broadcast_in_dim3A_201 = vector.broadcast %broadcast_in_dim3A_200 : f32 to vector<16xf32>
      %swap3A_202 = arith.index_cast %scan3A_172 : i32 to index
      %swap3A_203 = arith.constant 64 : index
      %swap3A_204 = tpu.vector_load %arg16[%swap3A_202, %swap3A_203] {strides = array<i32>} : memref<32x128xf32, #tpu.memory_space<vmem>>, vector<1x16xf32>,
      %swap3A_205 = vector.shape_cast %swap3A_204 : vector<1x16xf32> to vector<16xf32>
      %swap3A_206 = vector.shape_cast %broadcast_in_dim3A_201 : vector<16xf32> to vector<1x16xf32>
      tpu.vector_store %arg16[%swap3A_202, %swap3A_203], %swap3A_206 {strides = array<i32>} : memref<32x128xf32, #tpu.memory_space<vmem>>, vector<1x16xf32>,
      %broadcast_in_dim3A_207 = arith.constant 0.000000e+00 : f32
      %broadcast_in_dim3A_208 = vector.broadcast %broadcast_in_dim3A_207 : f32 to vector<16xf32>
      %swap3A_209 = arith.index_cast %scan3A_172 : i32 to index
      %swap3A_210 = arith.constant 80 : index
      %swap3A_211 = tpu.vector_load %arg16[%swap3A_209, %swap3A_210] {strides = array<i32>} : memref<32x128xf32, #tpu.memory_space<vmem>>, vector<1x16xf32>,
      %swap3A_212 = vector.shape_cast %swap3A_211 : vector<1x16xf32> to vector<16xf32>
      %swap3A_213 = vector.shape_cast %broadcast_in_dim3A_208 : vector<16xf32> to vector<1x16xf32>
      tpu.vector_store %arg16[%swap3A_209, %swap3A_210], %swap3A_213 {strides = array<i32>} : memref<32x128xf32, #tpu.memory_space<vmem>>, vector<1x16xf32>,
      %broadcast_in_dim3A_214 = arith.constant 0.000000e+00 : f32
      %broadcast_in_dim3A_215 = vector.broadcast %broadcast_in_dim3A_214 : f32 to vector<16xf32>
      %swap3A_216 = arith.index_cast %scan3A_172 : i32 to index
      %swap3A_217 = arith.constant 96 : index
      %swap3A_218 = tpu.vector_load %arg16[%swap3A_216, %swap3A_217] {strides = array<i32>} : memref<32x128xf32, #tpu.memory_space<vmem>>, vector<1x16xf32>,
      %swap3A_219 = vector.shape_cast %swap3A_218 : vector<1x16xf32> to vector<16xf32>
      %swap3A_220 = vector.shape_cast %broadcast_in_dim3A_215 : vector<16xf32> to vector<1x16xf32>
      tpu.vector_store %arg16[%swap3A_216, %swap3A_217], %swap3A_220 {strides = array<i32>} : memref<32x128xf32, #tpu.memory_space<vmem>>, vector<1x16xf32>,
      %broadcast_in_dim3A_221 = arith.constant 0.000000e+00 : f32
      %broadcast_in_dim3A_222 = vector.broadcast %broadcast_in_dim3A_221 : f32 to vector<16xf32>
      %swap3A_223 = arith.index_cast %scan3A_172 : i32 to index
      %swap3A_224 = arith.constant 112 : index
      %swap3A_225 = tpu.vector_load %arg16[%swap3A_223, %swap3A_224] {strides = array<i32>} : memref<32x128xf32, #tpu.memory_space<vmem>>, vector<1x16xf32>,
      %swap3A_226 = vector.shape_cast %swap3A_225 : vector<1x16xf32> to vector<16xf32>
      %swap3A_227 = vector.shape_cast %broadcast_in_dim3A_222 : vector<16xf32> to vector<1x16xf32>
      tpu.vector_store %arg16[%swap3A_223, %swap3A_224], %swap3A_227 {strides = array<i32>} : memref<32x128xf32, #tpu.memory_space<vmem>>, vector<1x16xf32>,
      %scan3A_228 = arith.constant 0 : i32
      scf.yield %scan3A_228 : i32
    }
    %scan3A_57 = arith.constant 32 : i32
    %scan3A_58 = arith.constant 0 : i32
    %scan3A_59 = arith.constant 0 : i32
    %scan3A_60 = arith.constant 20 : i32
    %scan3A_61 = arith.addi %scan3A_59, %scan3A_60 : i32
    %scan3A_62 = arith.constant 1 : i32
    %scan3A_63 = scf.for %scan3A_172 = %scan3A_59 to %scan3A_61 step %scan3A_62 iter_args(%scan3A_173 = %scan3A_58) -> (i32)  : i32 {
      %mul3A_174 = arith.constant 640 : i32
      %mul3A_175 = arith.muli %arg1, %mul3A_174 : i32
      %mul3A_176 = arith.constant 32 : i32
      %mul3A_177 = arith.muli %scan3A_172, %mul3A_176 : i32
      %add3A_178 = arith.addi %mul3A_175, %mul3A_177 : i32
      "tpu.region"() ({
        %run_scoped3A = tpu.sem_alloc : memref<!tpu.dma_semaphore, #tpu.memory_space<semaphore_mem>>
        %dma_start3A_180 = arith.constant 0 : i32
        %dma_start3A_181 = tpu.memref_slice %arg17[%add3A_178, %dma_start3A_180] : memref<10240x128xf32, #tpu.memory_space<vmem_shared>> -> memref<32x128xf32, #tpu.memory_space<vmem_shared>>
        %dma_start3A_182 = arith.constant 0 : i32
        %dma_start3A_183 = tpu.memref_slice %arg17[%add3A_178, %dma_start3A_182] : memref<10240x128xf32, #tpu.memory_space<vmem_shared>> -> memref<32x128xf32, #tpu.memory_space<vmem_shared>>
        tpu.enqueue_dma source(%arg16 : memref<32x128xf32, #tpu.memory_space<vmem>>) target(%dma_start3A_183 : memref<32x128xf32, #tpu.memory_space<vmem_shared>>) target_semaphore(%run_scoped3A : memref<!tpu.dma_semaphore, #tpu.memory_space<semaphore_mem>>)
        %dma_wait3A_184 = arith.constant 0 : i32
        %dma_wait3A_185 = tpu.memref_slice %arg17[%add3A_178, %dma_wait3A_184] : memref<10240x128xf32, #tpu.memory_space<vmem_shared>> -> memref<32x128xf32, #tpu.memory_space<vmem_shared>>
        %dma_wait3A_186 = arith.constant 0 : i32
        %dma_wait3A_187 = tpu.memref_slice %arg17[%add3A_178, %dma_wait3A_186] : memref<10240x128xf32, #tpu.memory_space<vmem_shared>> -> memref<32x128xf32, #tpu.memory_space<vmem_shared>>
        tpu.wait_dma2 semaphore(%run_scoped3A : memref<!tpu.dma_semaphore, #tpu.memory_space<semaphore_mem>>) src(%arg16 : memref<32x128xf32, #tpu.memory_space<vmem>>) dst(%dma_wait3A_187 : memref<32x128xf32, #tpu.memory_space<vmem_shared>>)
        tpu.yield
      }) : () -> ()
      %scan3A_179 = arith.constant 0 : i32
      scf.yield %scan3A_179 : i32
    }
    %scan3A_64 = arith.constant 20 : i32
    %barrier3A = arith.constant 0 : index
    tpu.barrier barrier_id(%barrier3A)
    %dma_wait3A_65 = arith.constant 0 : i32
    %dma_wait3A_66 = arith.constant 0 : i32
    %dma_wait3A_67 = tpu.memref_slice %arg2[%dma_wait3A_65, %dma_wait3A_66] : memref<10000x128xf32, #tpu.memory_space<hbm>> -> memref<128x128xf32, #tpu.memory_space<hbm>>
    %dma_wait3A_68 = arith.constant 0 : i32
    %dma_wait3A_69 = arith.constant 0 : i32
    %dma_wait3A_70 = tpu.memref_slice %arg2[%dma_wait3A_68, %dma_wait3A_69] : memref<10000x128xf32, #tpu.memory_space<hbm>> -> memref<128x128xf32, #tpu.memory_space<hbm>>
    tpu.wait_dma2 semaphore(%arg22 : memref<!tpu.dma_semaphore, #tpu.memory_space<semaphore_mem>>) src(%dma_wait3A_70 : memref<128x128xf32, #tpu.memory_space<hbm>>) dst(%arg14 : memref<128x128xf32, #tpu.memory_space<vmem>>)
    %dma_start3A_71 = arith.constant 0 : i32
    %dma_start3A_72 = arith.constant 0 : i32
    %dma_start3A_73 = tpu.memref_slice %arg17[%dma_start3A_71, %dma_start3A_72] : memref<10240x128xf32, #tpu.memory_space<vmem_shared>> -> memref<10240x128xf32, #tpu.memory_space<vmem_shared>>
    tpu.enqueue_indirect_dma source(%arg14 : memref<128x128xf32, #tpu.memory_space<vmem>>) target(%dma_start3A_73 : memref<10240x128xf32, #tpu.memory_space<vmem_shared>>) offsets(%arg10 : memref<128xi32, #tpu.memory_space<vmem>>) semaphore(%arg24 : memref<!tpu.dma_semaphore, #tpu.memory_space<semaphore_mem>>) {add = true}
    %scan3A_74 = arith.constant 0 : i32
    %scan3A_75 = arith.constant 0 : i32
    %scan3A_76 = arith.constant 19 : i32
    %scan3A_77 = arith.addi %scan3A_75, %scan3A_76 : i32
    %scan3A_78 = arith.constant 1 : i32
    %scan3A_79 = scf.for %scan3A_172 = %scan3A_75 to %scan3A_77 step %scan3A_78 iter_args(%scan3A_173 = %scan3A_74) -> (i32)  : i32 {
      %mul3A_174 = arith.constant 4 : i32
      %mul3A_175 = arith.muli %scan3A_172, %mul3A_174 : i32
      %add3A_176 = arith.constant 2 : i32
      %add3A_177 = arith.addi %mul3A_175, %add3A_176 : i32
      %add3A_178 = arith.constant 0 : i32
      %add3A_179 = arith.addi %add3A_177, %add3A_178 : i32
      %dma_wait3A_180 = arith.constant 0 : i32
      %dma_wait3A_181 = arith.constant 0 : i32
      %dma_wait3A_182 = tpu.memref_slice %arg2[%dma_wait3A_180, %dma_wait3A_181] : memref<10000x128xf32, #tpu.memory_space<hbm>> -> memref<128x128xf32, #tpu.memory_space<hbm>>
      %dma_wait3A_183 = arith.constant 0 : i32
      %dma_wait3A_184 = arith.constant 0 : i32
      %dma_wait3A_185 = tpu.memref_slice %arg2[%dma_wait3A_183, %dma_wait3A_184] : memref<10000x128xf32, #tpu.memory_space<hbm>> -> memref<128x128xf32, #tpu.memory_space<hbm>>
      tpu.wait_dma2 semaphore(%arg24 : memref<!tpu.dma_semaphore, #tpu.memory_space<semaphore_mem>>) src(%dma_wait3A_185 : memref<128x128xf32, #tpu.memory_space<hbm>>) dst(%arg14 : memref<128x128xf32, #tpu.memory_space<vmem>>)
      %add3A_186 = arith.constant 2 : i32
      %add3A_187 = arith.addi %add3A_179, %add3A_186 : i32
      %mul3A_188 = arith.constant 128 : i32
      %mul3A_189 = arith.muli %add3A_187, %mul3A_188 : i32
      %add3A_190 = arith.addi %mul3A_4, %mul3A_189 : i32
      %multiple_of3A_191 = tpu.assume_multiple %add3A_190, 128 : i32
      %dma_start3A_192 = tpu.memref_slice %arg3[%multiple_of3A_191] : memref<327680xi32, #tpu.memory_space<hbm>> -> memref<128xi32, #tpu.memory_space<hbm>>
      %dma_start3A_193 = tpu.memref_slice %arg3[%multiple_of3A_191] : memref<327680xi32, #tpu.memory_space<hbm>> -> memref<128xi32, #tpu.memory_space<hbm>>
      tpu.enqueue_dma source(%dma_start3A_193 : memref<128xi32, #tpu.memory_space<hbm>>) target(%arg6 : memref<128xi32, #tpu.memory_space<vmem>>) target_semaphore(%arg18 : memref<!tpu.dma_semaphore, #tpu.memory_space<semaphore_mem>>)
      %dma_start3A_194 = tpu.memref_slice %arg4[%multiple_of3A_191] : memref<327680xi32, #tpu.memory_space<hbm>> -> memref<128xi32, #tpu.memory_space<hbm>>
      %dma_start3A_195 = tpu.memref_slice %arg4[%multiple_of3A_191] : memref<327680xi32, #tpu.memory_space<hbm>> -> memref<128xi32, #tpu.memory_space<hbm>>
      tpu.enqueue_dma source(%dma_start3A_195 : memref<128xi32, #tpu.memory_space<hbm>>) target(%arg10 : memref<128xi32, #tpu.memory_space<vmem>>) target_semaphore(%arg18 : memref<!tpu.dma_semaphore, #tpu.memory_space<semaphore_mem>>)
      %dma_wait3A_196 = arith.constant 0 : i32
      %dma_wait3A_197 = tpu.memref_slice %arg3[%dma_wait3A_196] : memref<327680xi32, #tpu.memory_space<hbm>> -> memref<128xi32, #tpu.memory_space<hbm>>
      %dma_wait3A_198 = arith.constant 0 : i32
      %dma_wait3A_199 = tpu.memref_slice %arg3[%dma_wait3A_198] : memref<327680xi32, #tpu.memory_space<hbm>> -> memref<128xi32, #tpu.memory_space<hbm>>
      tpu.wait_dma2 semaphore(%arg20 : memref<!tpu.dma_semaphore, #tpu.memory_space<semaphore_mem>>) src(%dma_wait3A_199 : memref<128xi32, #tpu.memory_space<hbm>>) dst(%arg8 : memref<128xi32, #tpu.memory_space<vmem>>)
      %dma_wait3A_200 = arith.constant 0 : i32
      %dma_wait3A_201 = tpu.memref_slice %arg4[%dma_wait3A_200] : memref<327680xi32, #tpu.memory_space<hbm>> -> memref<128xi32, #tpu.memory_space<hbm>>
      %dma_wait3A_202 = arith.constant 0 : i32
      %dma_wait3A_203 = tpu.memref_slice %arg4[%dma_wait3A_202] : memref<327680xi32, #tpu.memory_space<hbm>> -> memref<128xi32, #tpu.memory_space<hbm>>
      tpu.wait_dma2 semaphore(%arg20 : memref<!tpu.dma_semaphore, #tpu.memory_space<semaphore_mem>>) src(%dma_wait3A_203 : memref<128xi32, #tpu.memory_space<hbm>>) dst(%arg12 : memref<128xi32, #tpu.memory_space<vmem>>)
      %dma_start3A_204 = arith.constant 0 : i32
      %dma_start3A_205 = arith.constant 0 : i32
      %dma_start3A_206 = tpu.memref_slice %arg2[%dma_start3A_204, %dma_start3A_205] : memref<10000x128xf32, #tpu.memory_space<hbm>> -> memref<10000x128xf32, #tpu.memory_space<hbm>>
      tpu.enqueue_indirect_dma source(%dma_start3A_206 : memref<10000x128xf32, #tpu.memory_space<hbm>>) target(%arg14 : memref<128x128xf32, #tpu.memory_space<vmem>>) offsets(%arg8 : memref<128xi32, #tpu.memory_space<vmem>>) semaphore(%arg22 : memref<!tpu.dma_semaphore, #tpu.memory_space<semaphore_mem>>)
      %dma_wait3A_207 = arith.constant 0 : i32
      %dma_wait3A_208 = arith.constant 0 : i32
      %dma_wait3A_209 = tpu.memref_slice %arg2[%dma_wait3A_207, %dma_wait3A_208] : memref<10000x128xf32, #tpu.memory_space<hbm>> -> memref<128x128xf32, #tpu.memory_space<hbm>>
      %dma_wait3A_210 = arith.constant 0 : i32
      %dma_wait3A_211 = arith.constant 0 : i32
      %dma_wait3A_212 = tpu.memref_slice %arg2[%dma_wait3A_210, %dma_wait3A_211] : memref<10000x128xf32, #tpu.memory_space<hbm>> -> memref<128x128xf32, #tpu.memory_space<hbm>>
      tpu.wait_dma2 semaphore(%arg23 : memref<!tpu.dma_semaphore, #tpu.memory_space<semaphore_mem>>) src(%dma_wait3A_212 : memref<128x128xf32, #tpu.memory_space<hbm>>) dst(%arg15 : memref<128x128xf32, #tpu.memory_space<vmem>>)
      %dma_start3A_213 = arith.constant 0 : i32
      %dma_start3A_214 = arith.constant 0 : i32
      %dma_start3A_215 = tpu.memref_slice %arg17[%dma_start3A_213, %dma_start3A_214] : memref<10240x128xf32, #tpu.memory_space<vmem_shared>> -> memref<10240x128xf32, #tpu.memory_space<vmem_shared>>
      tpu.enqueue_indirect_dma source(%arg15 : memref<128x128xf32, #tpu.memory_space<vmem>>) target(%dma_start3A_215 : memref<10240x128xf32, #tpu.memory_space<vmem_shared>>) offsets(%arg11 : memref<128xi32, #tpu.memory_space<vmem>>) semaphore(%arg25 : memref<!tpu.dma_semaphore, #tpu.memory_space<semaphore_mem>>) {add = true}
      %mul3A_216 = arith.constant 4 : i32
      %mul3A_217 = arith.muli %scan3A_172, %mul3A_216 : i32
      %add3A_218 = arith.constant 2 : i32
      %add3A_219 = arith.addi %mul3A_217, %add3A_218 : i32
      %add3A_220 = arith.constant 1 : i32
      %add3A_221 = arith.addi %add3A_219, %add3A_220 : i32
      %dma_wait3A_222 = arith.constant 0 : i32
      %dma_wait3A_223 = arith.constant 0 : i32
      %dma_wait3A_224 = tpu.memref_slice %arg2[%dma_wait3A_222, %dma_wait3A_223] : memref<10000x128xf32, #tpu.memory_space<hbm>> -> memref<128x128xf32, #tpu.memory_space<hbm>>
      %dma_wait3A_225 = arith.constant 0 : i32
      %dma_wait3A_226 = arith.constant 0 : i32
      %dma_wait3A_227 = tpu.memref_slice %arg2[%dma_wait3A_225, %dma_wait3A_226] : memref<10000x128xf32, #tpu.memory_space<hbm>> -> memref<128x128xf32, #tpu.memory_space<hbm>>
      tpu.wait_dma2 semaphore(%arg25 : memref<!tpu.dma_semaphore, #tpu.memory_space<semaphore_mem>>) src(%dma_wait3A_227 : memref<128x128xf32, #tpu.memory_space<hbm>>) dst(%arg15 : memref<128x128xf32, #tpu.memory_space<vmem>>)
      %add3A_228 = arith.constant 2 : i32
      %add3A_229 = arith.addi %add3A_221, %add3A_228 : i32
      %mul3A_230 = arith.constant 128 : i32
      %mul3A_231 = arith.muli %add3A_229, %mul3A_230 : i32
      %add3A_232 = arith.addi %mul3A_4, %mul3A_231 : i32
      %multiple_of3A_233 = tpu.assume_multiple %add3A_232, 128 : i32
      %dma_start3A_234 = tpu.memref_slice %arg3[%multiple_of3A_233] : memref<327680xi32, #tpu.memory_space<hbm>> -> memref<128xi32, #tpu.memory_space<hbm>>
      %dma_start3A_235 = tpu.memref_slice %arg3[%multiple_of3A_233] : memref<327680xi32, #tpu.memory_space<hbm>> -> memref<128xi32, #tpu.memory_space<hbm>>
      tpu.enqueue_dma source(%dma_start3A_235 : memref<128xi32, #tpu.memory_space<hbm>>) target(%arg7 : memref<128xi32, #tpu.memory_space<vmem>>) target_semaphore(%arg19 : memref<!tpu.dma_semaphore, #tpu.memory_space<semaphore_mem>>)
      %dma_start3A_236 = tpu.memref_slice %arg4[%multiple_of3A_233] : memref<327680xi32, #tpu.memory_space<hbm>> -> memref<128xi32, #tpu.memory_space<hbm>>
      %dma_start3A_237 = tpu.memref_slice %arg4[%multiple_of3A_233] : memref<327680xi32, #tpu.memory_space<hbm>> -> memref<128xi32, #tpu.memory_space<hbm>>
      tpu.enqueue_dma source(%dma_start3A_237 : memref<128xi32, #tpu.memory_space<hbm>>) target(%arg11 : memref<128xi32, #tpu.memory_space<vmem>>) target_semaphore(%arg19 : memref<!tpu.dma_semaphore, #tpu.memory_space<semaphore_mem>>)
      %dma_wait3A_238 = arith.constant 0 : i32
      %dma_wait3A_239 = tpu.memref_slice %arg3[%dma_wait3A_238] : memref<327680xi32, #tpu.memory_space<hbm>> -> memref<128xi32, #tpu.memory_space<hbm>>
      %dma_wait3A_240 = arith.constant 0 : i32
      %dma_wait3A_241 = tpu.memref_slice %arg3[%dma_wait3A_240] : memref<327680xi32, #tpu.memory_space<hbm>> -> memref<128xi32, #tpu.memory_space<hbm>>
      tpu.wait_dma2 semaphore(%arg21 : memref<!tpu.dma_semaphore, #tpu.memory_space<semaphore_mem>>) src(%dma_wait3A_241 : memref<128xi32, #tpu.memory_space<hbm>>) dst(%arg9 : memref<128xi32, #tpu.memory_space<vmem>>)
      %dma_wait3A_242 = arith.constant 0 : i32
      %dma_wait3A_243 = tpu.memref_slice %arg4[%dma_wait3A_242] : memref<327680xi32, #tpu.memory_space<hbm>> -> memref<128xi32, #tpu.memory_space<hbm>>
      %dma_wait3A_244 = arith.constant 0 : i32
      %dma_wait3A_245 = tpu.memref_slice %arg4[%dma_wait3A_244] : memref<327680xi32, #tpu.memory_space<hbm>> -> memref<128xi32, #tpu.memory_space<hbm>>
      tpu.wait_dma2 semaphore(%arg21 : memref<!tpu.dma_semaphore, #tpu.memory_space<semaphore_mem>>) src(%dma_wait3A_245 : memref<128xi32, #tpu.memory_space<hbm>>) dst(%arg13 : memref<128xi32, #tpu.memory_space<vmem>>)
      %dma_start3A_246 = arith.constant 0 : i32
      %dma_start3A_247 = arith.constant 0 : i32
      %dma_start3A_248 = tpu.memref_slice %arg2[%dma_start3A_246, %dma_start3A_247] : memref<10000x128xf32, #tpu.memory_space<hbm>> -> memref<10000x128xf32, #tpu.memory_space<hbm>>
      tpu.enqueue_indirect_dma source(%dma_start3A_248 : memref<10000x128xf32, #tpu.memory_space<hbm>>) target(%arg15 : memref<128x128xf32, #tpu.memory_space<vmem>>) offsets(%arg9 : memref<128xi32, #tpu.memory_space<vmem>>) semaphore(%arg23 : memref<!tpu.dma_semaphore, #tpu.memory_space<semaphore_mem>>)
      %dma_wait3A_249 = arith.constant 0 : i32
      %dma_wait3A_250 = arith.constant 0 : i32
      %dma_wait3A_251 = tpu.memref_slice %arg2[%dma_wait3A_249, %dma_wait3A_250] : memref<10000x128xf32, #tpu.memory_space<hbm>> -> memref<128x128xf32, #tpu.memory_space<hbm>>
      %dma_wait3A_252 = arith.constant 0 : i32
      %dma_wait3A_253 = arith.constant 0 : i32
      %dma_wait3A_254 = tpu.memref_slice %arg2[%dma_wait3A_252, %dma_wait3A_253] : memref<10000x128xf32, #tpu.memory_space<hbm>> -> memref<128x128xf32, #tpu.memory_space<hbm>>
      tpu.wait_dma2 semaphore(%arg22 : memref<!tpu.dma_semaphore, #tpu.memory_space<semaphore_mem>>) src(%dma_wait3A_254 : memref<128x128xf32, #tpu.memory_space<hbm>>) dst(%arg14 : memref<128x128xf32, #tpu.memory_space<vmem>>)
      %dma_start3A_255 = arith.constant 0 : i32
      %dma_start3A_256 = arith.constant 0 : i32
      %dma_start3A_257 = tpu.memref_slice %arg17[%dma_start3A_255, %dma_start3A_256] : memref<10240x128xf32, #tpu.memory_space<vmem_shared>> -> memref<10240x128xf32, #tpu.memory_space<vmem_shared>>
      tpu.enqueue_indirect_dma source(%arg14 : memref<128x128xf32, #tpu.memory_space<vmem>>) target(%dma_start3A_257 : memref<10240x128xf32, #tpu.memory_space<vmem_shared>>) offsets(%arg12 : memref<128xi32, #tpu.memory_space<vmem>>) semaphore(%arg24 : memref<!tpu.dma_semaphore, #tpu.memory_space<semaphore_mem>>) {add = true}
      %mul3A_258 = arith.constant 4 : i32
      %mul3A_259 = arith.muli %scan3A_172, %mul3A_258 : i32
      %add3A_260 = arith.constant 2 : i32
      %add3A_261 = arith.addi %mul3A_259, %add3A_260 : i32
      %add3A_262 = arith.constant 2 : i32
      %add3A_263 = arith.addi %add3A_261, %add3A_262 : i32
      %dma_wait3A_264 = arith.constant 0 : i32
      %dma_wait3A_265 = arith.constant 0 : i32
      %dma_wait3A_266 = tpu.memref_slice %arg2[%dma_wait3A_264, %dma_wait3A_265] : memref<10000x128xf32, #tpu.memory_space<hbm>> -> memref<128x128xf32, #tpu.memory_space<hbm>>
      %dma_wait3A_267 = arith.constant 0 : i32
      %dma_wait3A_268 = arith.constant 0 : i32
      %dma_wait3A_269 = tpu.memref_slice %arg2[%dma_wait3A_267, %dma_wait3A_268] : memref<10000x128xf32, #tpu.memory_space<hbm>> -> memref<128x128xf32, #tpu.memory_space<hbm>>
      tpu.wait_dma2 semaphore(%arg24 : memref<!tpu.dma_semaphore, #tpu.memory_space<semaphore_mem>>) src(%dma_wait3A_269 : memref<128x128xf32, #tpu.memory_space<hbm>>) dst(%arg14 : memref<128x128xf32, #tpu.memory_space<vmem>>)
      %add3A_270 = arith.constant 2 : i32
      %add3A_271 = arith.addi %add3A_263, %add3A_270 : i32
      %mul3A_272 = arith.constant 128 : i32
      %mul3A_273 = arith.muli %add3A_271, %mul3A_272 : i32
      %add3A_274 = arith.addi %mul3A_4, %mul3A_273 : i32
      %multiple_of3A_275 = tpu.assume_multiple %add3A_274, 128 : i32
      %dma_start3A_276 = tpu.memref_slice %arg3[%multiple_of3A_275] : memref<327680xi32, #tpu.memory_space<hbm>> -> memref<128xi32, #tpu.memory_space<hbm>>
      %dma_start3A_277 = tpu.memref_slice %arg3[%multiple_of3A_275] : memref<327680xi32, #tpu.memory_space<hbm>> -> memref<128xi32, #tpu.memory_space<hbm>>
      tpu.enqueue_dma source(%dma_start3A_277 : memref<128xi32, #tpu.memory_space<hbm>>) target(%arg8 : memref<128xi32, #tpu.memory_space<vmem>>) target_semaphore(%arg20 : memref<!tpu.dma_semaphore, #tpu.memory_space<semaphore_mem>>)
      %dma_start3A_278 = tpu.memref_slice %arg4[%multiple_of3A_275] : memref<327680xi32, #tpu.memory_space<hbm>> -> memref<128xi32, #tpu.memory_space<hbm>>
      %dma_start3A_279 = tpu.memref_slice %arg4[%multiple_of3A_275] : memref<327680xi32, #tpu.memory_space<hbm>> -> memref<128xi32, #tpu.memory_space<hbm>>
      tpu.enqueue_dma source(%dma_start3A_279 : memref<128xi32, #tpu.memory_space<hbm>>) target(%arg12 : memref<128xi32, #tpu.memory_space<vmem>>) target_semaphore(%arg20 : memref<!tpu.dma_semaphore, #tpu.memory_space<semaphore_mem>>)
      %dma_wait3A_280 = arith.constant 0 : i32
      %dma_wait3A_281 = tpu.memref_slice %arg3[%dma_wait3A_280] : memref<327680xi32, #tpu.memory_space<hbm>> -> memref<128xi32, #tpu.memory_space<hbm>>
      %dma_wait3A_282 = arith.constant 0 : i32
      %dma_wait3A_283 = tpu.memref_slice %arg3[%dma_wait3A_282] : memref<327680xi32, #tpu.memory_space<hbm>> -> memref<128xi32, #tpu.memory_space<hbm>>
      tpu.wait_dma2 semaphore(%arg18 : memref<!tpu.dma_semaphore, #tpu.memory_space<semaphore_mem>>) src(%dma_wait3A_283 : memref<128xi32, #tpu.memory_space<hbm>>) dst(%arg6 : memref<128xi32, #tpu.memory_space<vmem>>)
      %dma_wait3A_284 = arith.constant 0 : i32
      %dma_wait3A_285 = tpu.memref_slice %arg4[%dma_wait3A_284] : memref<327680xi32, #tpu.memory_space<hbm>> -> memref<128xi32, #tpu.memory_space<hbm>>
      %dma_wait3A_286 = arith.constant 0 : i32
      %dma_wait3A_287 = tpu.memref_slice %arg4[%dma_wait3A_286] : memref<327680xi32, #tpu.memory_space<hbm>> -> memref<128xi32, #tpu.memory_space<hbm>>
      tpu.wait_dma2 semaphore(%arg18 : memref<!tpu.dma_semaphore, #tpu.memory_space<semaphore_mem>>) src(%dma_wait3A_287 : memref<128xi32, #tpu.memory_space<hbm>>) dst(%arg10 : memref<128xi32, #tpu.memory_space<vmem>>)
      %dma_start3A_288 = arith.constant 0 : i32
      %dma_start3A_289 = arith.constant 0 : i32
      %dma_start3A_290 = tpu.memref_slice %arg2[%dma_start3A_288, %dma_start3A_289] : memref<10000x128xf32, #tpu.memory_space<hbm>> -> memref<10000x128xf32, #tpu.memory_space<hbm>>
      tpu.enqueue_indirect_dma source(%dma_start3A_290 : memref<10000x128xf32, #tpu.memory_space<hbm>>) target(%arg14 : memref<128x128xf32, #tpu.memory_space<vmem>>) offsets(%arg6 : memref<128xi32, #tpu.memory_space<vmem>>) semaphore(%arg22 : memref<!tpu.dma_semaphore, #tpu.memory_space<semaphore_mem>>)
      %dma_wait3A_291 = arith.constant 0 : i32
      %dma_wait3A_292 = arith.constant 0 : i32
      %dma_wait3A_293 = tpu.memref_slice %arg2[%dma_wait3A_291, %dma_wait3A_292] : memref<10000x128xf32, #tpu.memory_space<hbm>> -> memref<128x128xf32, #tpu.memory_space<hbm>>
      %dma_wait3A_294 = arith.constant 0 : i32
      %dma_wait3A_295 = arith.constant 0 : i32
      %dma_wait3A_296 = tpu.memref_slice %arg2[%dma_wait3A_294, %dma_wait3A_295] : memref<10000x128xf32, #tpu.memory_space<hbm>> -> memref<128x128xf32, #tpu.memory_space<hbm>>
      tpu.wait_dma2 semaphore(%arg23 : memref<!tpu.dma_semaphore, #tpu.memory_space<semaphore_mem>>) src(%dma_wait3A_296 : memref<128x128xf32, #tpu.memory_space<hbm>>) dst(%arg15 : memref<128x128xf32, #tpu.memory_space<vmem>>)
      %dma_start3A_297 = arith.constant 0 : i32
      %dma_start3A_298 = arith.constant 0 : i32
      %dma_start3A_299 = tpu.memref_slice %arg17[%dma_start3A_297, %dma_start3A_298] : memref<10240x128xf32, #tpu.memory_space<vmem_shared>> -> memref<10240x128xf32, #tpu.memory_space<vmem_shared>>
      tpu.enqueue_indirect_dma source(%arg15 : memref<128x128xf32, #tpu.memory_space<vmem>>) target(%dma_start3A_299 : memref<10240x128xf32, #tpu.memory_space<vmem_shared>>) offsets(%arg13 : memref<128xi32, #tpu.memory_space<vmem>>) semaphore(%arg25 : memref<!tpu.dma_semaphore, #tpu.memory_space<semaphore_mem>>) {add = true}
      %mul3A_300 = arith.constant 4 : i32
      %mul3A_301 = arith.muli %scan3A_172, %mul3A_300 : i32
      %add3A_302 = arith.constant 2 : i32
      %add3A_303 = arith.addi %mul3A_301, %add3A_302 : i32
      %add3A_304 = arith.constant 3 : i32
      %add3A_305 = arith.addi %add3A_303, %add3A_304 : i32
      %dma_wait3A_306 = arith.constant 0 : i32
      %dma_wait3A_307 = arith.constant 0 : i32
      %dma_wait3A_308 = tpu.memref_slice %arg2[%dma_wait3A_306, %dma_wait3A_307] : memref<10000x128xf32, #tpu.memory_space<hbm>> -> memref<128x128xf32, #tpu.memory_space<hbm>>
      %dma_wait3A_309 = arith.constant 0 : i32
      %dma_wait3A_310 = arith.constant 0 : i32
      %dma_wait3A_311 = tpu.memref_slice %arg2[%dma_wait3A_309, %dma_wait3A_310] : memref<10000x128xf32, #tpu.memory_space<hbm>> -> memref<128x128xf32, #tpu.memory_space<hbm>>
      tpu.wait_dma2 semaphore(%arg25 : memref<!tpu.dma_semaphore, #tpu.memory_space<semaphore_mem>>) src(%dma_wait3A_311 : memref<128x128xf32, #tpu.memory_space<hbm>>) dst(%arg15 : memref<128x128xf32, #tpu.memory_space<vmem>>)
      %add3A_312 = arith.constant 2 : i32
      %add3A_313 = arith.addi %add3A_305, %add3A_312 : i32
      %mul3A_314 = arith.constant 128 : i32
      %mul3A_315 = arith.muli %add3A_313, %mul3A_314 : i32
      %add3A_316 = arith.addi %mul3A_4, %mul3A_315 : i32
      %multiple_of3A_317 = tpu.assume_multiple %add3A_316, 128 : i32
      %dma_start3A_318 = tpu.memref_slice %arg3[%multiple_of3A_317] : memref<327680xi32, #tpu.memory_space<hbm>> -> memref<128xi32, #tpu.memory_space<hbm>>
      %dma_start3A_319 = tpu.memref_slice %arg3[%multiple_of3A_317] : memref<327680xi32, #tpu.memory_space<hbm>> -> memref<128xi32, #tpu.memory_space<hbm>>
      tpu.enqueue_dma source(%dma_start3A_319 : memref<128xi32, #tpu.memory_space<hbm>>) target(%arg9 : memref<128xi32, #tpu.memory_space<vmem>>) target_semaphore(%arg21 : memref<!tpu.dma_semaphore, #tpu.memory_space<semaphore_mem>>)
      %dma_start3A_320 = tpu.memref_slice %arg4[%multiple_of3A_317] : memref<327680xi32, #tpu.memory_space<hbm>> -> memref<128xi32, #tpu.memory_space<hbm>>
      %dma_start3A_321 = tpu.memref_slice %arg4[%multiple_of3A_317] : memref<327680xi32, #tpu.memory_space<hbm>> -> memref<128xi32, #tpu.memory_space<hbm>>
      tpu.enqueue_dma source(%dma_start3A_321 : memref<128xi32, #tpu.memory_space<hbm>>) target(%arg13 : memref<128xi32, #tpu.memory_space<vmem>>) target_semaphore(%arg21 : memref<!tpu.dma_semaphore, #tpu.memory_space<semaphore_mem>>)
      %dma_wait3A_322 = arith.constant 0 : i32
      %dma_wait3A_323 = tpu.memref_slice %arg3[%dma_wait3A_322] : memref<327680xi32, #tpu.memory_space<hbm>> -> memref<128xi32, #tpu.memory_space<hbm>>
      %dma_wait3A_324 = arith.constant 0 : i32
      %dma_wait3A_325 = tpu.memref_slice %arg3[%dma_wait3A_324] : memref<327680xi32, #tpu.memory_space<hbm>> -> memref<128xi32, #tpu.memory_space<hbm>>
      tpu.wait_dma2 semaphore(%arg19 : memref<!tpu.dma_semaphore, #tpu.memory_space<semaphore_mem>>) src(%dma_wait3A_325 : memref<128xi32, #tpu.memory_space<hbm>>) dst(%arg7 : memref<128xi32, #tpu.memory_space<vmem>>)
      %dma_wait3A_326 = arith.constant 0 : i32
      %dma_wait3A_327 = tpu.memref_slice %arg4[%dma_wait3A_326] : memref<327680xi32, #tpu.memory_space<hbm>> -> memref<128xi32, #tpu.memory_space<hbm>>
      %dma_wait3A_328 = arith.constant 0 : i32
      %dma_wait3A_329 = tpu.memref_slice %arg4[%dma_wait3A_328] : memref<327680xi32, #tpu.memory_space<hbm>> -> memref<128xi32, #tpu.memory_space<hbm>>
      tpu.wait_dma2 semaphore(%arg19 : memref<!tpu.dma_semaphore, #tpu.memory_space<semaphore_mem>>) src(%dma_wait3A_329 : memref<128xi32, #tpu.memory_space<hbm>>) dst(%arg11 : memref<128xi32, #tpu.memory_space<vmem>>)
      %dma_start3A_330 = arith.constant 0 : i32
      %dma_start3A_331 = arith.constant 0 : i32
      %dma_start3A_332 = tpu.memref_slice %arg2[%dma_start3A_330, %dma_start3A_331] : memref<10000x128xf32, #tpu.memory_space<hbm>> -> memref<10000x128xf32, #tpu.memory_space<hbm>>
      tpu.enqueue_indirect_dma source(%dma_start3A_332 : memref<10000x128xf32, #tpu.memory_space<hbm>>) target(%arg15 : memref<128x128xf32, #tpu.memory_space<vmem>>) offsets(%arg7 : memref<128xi32, #tpu.memory_space<vmem>>) semaphore(%arg23 : memref<!tpu.dma_semaphore, #tpu.memory_space<semaphore_mem>>)
      %dma_wait3A_333 = arith.constant 0 : i32
      %dma_wait3A_334 = arith.constant 0 : i32
      %dma_wait3A_335 = tpu.memref_slice %arg2[%dma_wait3A_333, %dma_wait3A_334] : memref<10000x128xf32, #tpu.memory_space<hbm>> -> memref<128x128xf32, #tpu.memory_space<hbm>>
      %dma_wait3A_336 = arith.constant 0 : i32
      %dma_wait3A_337 = arith.constant 0 : i32
      %dma_wait3A_338 = tpu.memref_slice %arg2[%dma_wait3A_336, %dma_wait3A_337] : memref<10000x128xf32, #tpu.memory_space<hbm>> -> memref<128x128xf32, #tpu.memory_space<hbm>>
      tpu.wait_dma2 semaphore(%arg22 : memref<!tpu.dma_semaphore, #tpu.memory_space<semaphore_mem>>) src(%dma_wait3A_338 : memref<128x128xf32, #tpu.memory_space<hbm>>) dst(%arg14 : memref<128x128xf32, #tpu.memory_space<vmem>>)
      %dma_start3A_339 = arith.constant 0 : i32
      %dma_start3A_340 = arith.constant 0 : i32
      %dma_start3A_341 = tpu.memref_slice %arg17[%dma_start3A_339, %dma_start3A_340] : memref<10240x128xf32, #tpu.memory_space<vmem_shared>> -> memref<10240x128xf32, #tpu.memory_space<vmem_shared>>
      tpu.enqueue_indirect_dma source(%arg14 : memref<128x128xf32, #tpu.memory_space<vmem>>) target(%dma_start3A_341 : memref<10240x128xf32, #tpu.memory_space<vmem_shared>>) offsets(%arg10 : memref<128xi32, #tpu.memory_space<vmem>>) semaphore(%arg24 : memref<!tpu.dma_semaphore, #tpu.memory_space<semaphore_mem>>) {add = true}
      %scan3A_342 = arith.constant 0 : i32
      scf.yield %scan3A_342 : i32
    }
    %scan3A_80 = arith.constant 19 : i32
    %dma_wait3A_81 = arith.constant 0 : i32
    %dma_wait3A_82 = arith.constant 0 : i32
    %dma_wait3A_83 = tpu.memref_slice %arg2[%dma_wait3A_81, %dma_wait3A_82] : memref<10000x128xf32, #tpu.memory_space<hbm>> -> memref<128x128xf32, #tpu.memory_space<hbm>>
    %dma_wait3A_84 = arith.constant 0 : i32
    %dma_wait3A_85 = arith.constant 0 : i32
    %dma_wait3A_86 = tpu.memref_slice %arg2[%dma_wait3A_84, %dma_wait3A_85] : memref<10000x128xf32, #tpu.memory_space<hbm>> -> memref<128x128xf32, #tpu.memory_space<hbm>>
    tpu.wait_dma2 semaphore(%arg24 : memref<!tpu.dma_semaphore, #tpu.memory_space<semaphore_mem>>) src(%dma_wait3A_86 : memref<128x128xf32, #tpu.memory_space<hbm>>) dst(%arg14 : memref<128x128xf32, #tpu.memory_space<vmem>>)
    %dma_wait3A_87 = arith.constant 0 : i32
    %dma_wait3A_88 = tpu.memref_slice %arg3[%dma_wait3A_87] : memref<327680xi32, #tpu.memory_space<hbm>> -> memref<128xi32, #tpu.memory_space<hbm>>
    %dma_wait3A_89 = arith.constant 0 : i32
    %dma_wait3A_90 = tpu.memref_slice %arg3[%dma_wait3A_89] : memref<327680xi32, #tpu.memory_space<hbm>> -> memref<128xi32, #tpu.memory_space<hbm>>
    tpu.wait_dma2 semaphore(%arg20 : memref<!tpu.dma_semaphore, #tpu.memory_space<semaphore_mem>>) src(%dma_wait3A_90 : memref<128xi32, #tpu.memory_space<hbm>>) dst(%arg8 : memref<128xi32, #tpu.memory_space<vmem>>)
    %dma_wait3A_91 = arith.constant 0 : i32
    %dma_wait3A_92 = tpu.memref_slice %arg4[%dma_wait3A_91] : memref<327680xi32, #tpu.memory_space<hbm>> -> memref<128xi32, #tpu.memory_space<hbm>>
    %dma_wait3A_93 = arith.constant 0 : i32
    %dma_wait3A_94 = tpu.memref_slice %arg4[%dma_wait3A_93] : memref<327680xi32, #tpu.memory_space<hbm>> -> memref<128xi32, #tpu.memory_space<hbm>>
    tpu.wait_dma2 semaphore(%arg20 : memref<!tpu.dma_semaphore, #tpu.memory_space<semaphore_mem>>) src(%dma_wait3A_94 : memref<128xi32, #tpu.memory_space<hbm>>) dst(%arg12 : memref<128xi32, #tpu.memory_space<vmem>>)
    %dma_start3A_95 = arith.constant 0 : i32
    %dma_start3A_96 = arith.constant 0 : i32
    %dma_start3A_97 = tpu.memref_slice %arg2[%dma_start3A_95, %dma_start3A_96] : memref<10000x128xf32, #tpu.memory_space<hbm>> -> memref<10000x128xf32, #tpu.memory_space<hbm>>
    tpu.enqueue_indirect_dma source(%dma_start3A_97 : memref<10000x128xf32, #tpu.memory_space<hbm>>) target(%arg14 : memref<128x128xf32, #tpu.memory_space<vmem>>) offsets(%arg8 : memref<128xi32, #tpu.memory_space<vmem>>) semaphore(%arg22 : memref<!tpu.dma_semaphore, #tpu.memory_space<semaphore_mem>>)
    %dma_wait3A_98 = arith.constant 0 : i32
    %dma_wait3A_99 = arith.constant 0 : i32
    %dma_wait3A_100 = tpu.memref_slice %arg2[%dma_wait3A_98, %dma_wait3A_99] : memref<10000x128xf32, #tpu.memory_space<hbm>> -> memref<128x128xf32, #tpu.memory_space<hbm>>
    %dma_wait3A_101 = arith.constant 0 : i32
    %dma_wait3A_102 = arith.constant 0 : i32
    %dma_wait3A_103 = tpu.memref_slice %arg2[%dma_wait3A_101, %dma_wait3A_102] : memref<10000x128xf32, #tpu.memory_space<hbm>> -> memref<128x128xf32, #tpu.memory_space<hbm>>
    tpu.wait_dma2 semaphore(%arg23 : memref<!tpu.dma_semaphore, #tpu.memory_space<semaphore_mem>>) src(%dma_wait3A_103 : memref<128x128xf32, #tpu.memory_space<hbm>>) dst(%arg15 : memref<128x128xf32, #tpu.memory_space<vmem>>)
    %dma_start3A_104 = arith.constant 0 : i32
    %dma_start3A_105 = arith.constant 0 : i32
    %dma_start3A_106 = tpu.memref_slice %arg17[%dma_start3A_104, %dma_start3A_105] : memref<10240x128xf32, #tpu.memory_space<vmem_shared>> -> memref<10240x128xf32, #tpu.memory_space<vmem_shared>>
    tpu.enqueue_indirect_dma source(%arg15 : memref<128x128xf32, #tpu.memory_space<vmem>>) target(%dma_start3A_106 : memref<10240x128xf32, #tpu.memory_space<vmem_shared>>) offsets(%arg11 : memref<128xi32, #tpu.memory_space<vmem>>) semaphore(%arg25 : memref<!tpu.dma_semaphore, #tpu.memory_space<semaphore_mem>>) {add = true}
    %dma_wait3A_107 = arith.constant 0 : i32
    %dma_wait3A_108 = arith.constant 0 : i32
    %dma_wait3A_109 = tpu.memref_slice %arg2[%dma_wait3A_107, %dma_wait3A_108] : memref<10000x128xf32, #tpu.memory_space<hbm>> -> memref<128x128xf32, #tpu.memory_space<hbm>>
    %dma_wait3A_110 = arith.constant 0 : i32
    %dma_wait3A_111 = arith.constant 0 : i32
    %dma_wait3A_112 = tpu.memref_slice %arg2[%dma_wait3A_110, %dma_wait3A_111] : memref<10000x128xf32, #tpu.memory_space<hbm>> -> memref<128x128xf32, #tpu.memory_space<hbm>>
    tpu.wait_dma2 semaphore(%arg25 : memref<!tpu.dma_semaphore, #tpu.memory_space<semaphore_mem>>) src(%dma_wait3A_112 : memref<128x128xf32, #tpu.memory_space<hbm>>) dst(%arg15 : memref<128x128xf32, #tpu.memory_space<vmem>>)
    %dma_wait3A_113 = arith.constant 0 : i32
    %dma_wait3A_114 = tpu.memref_slice %arg3[%dma_wait3A_113] : memref<327680xi32, #tpu.memory_space<hbm>> -> memref<128xi32, #tpu.memory_space<hbm>>
    %dma_wait3A_115 = arith.constant 0 : i32
    %dma_wait3A_116 = tpu.memref_slice %arg3[%dma_wait3A_115] : memref<327680xi32, #tpu.memory_space<hbm>> -> memref<128xi32, #tpu.memory_space<hbm>>
    tpu.wait_dma2 semaphore(%arg21 : memref<!tpu.dma_semaphore, #tpu.memory_space<semaphore_mem>>) src(%dma_wait3A_116 : memref<128xi32, #tpu.memory_space<hbm>>) dst(%arg9 : memref<128xi32, #tpu.memory_space<vmem>>)
    %dma_wait3A_117 = arith.constant 0 : i32
    %dma_wait3A_118 = tpu.memref_slice %arg4[%dma_wait3A_117] : memref<327680xi32, #tpu.memory_space<hbm>> -> memref<128xi32, #tpu.memory_space<hbm>>
    %dma_wait3A_119 = arith.constant 0 : i32
    %dma_wait3A_120 = tpu.memref_slice %arg4[%dma_wait3A_119] : memref<327680xi32, #tpu.memory_space<hbm>> -> memref<128xi32, #tpu.memory_space<hbm>>
    tpu.wait_dma2 semaphore(%arg21 : memref<!tpu.dma_semaphore, #tpu.memory_space<semaphore_mem>>) src(%dma_wait3A_120 : memref<128xi32, #tpu.memory_space<hbm>>) dst(%arg13 : memref<128xi32, #tpu.memory_space<vmem>>)
    %dma_start3A_121 = arith.constant 0 : i32
    %dma_start3A_122 = arith.constant 0 : i32
    %dma_start3A_123 = tpu.memref_slice %arg2[%dma_start3A_121, %dma_start3A_122] : memref<10000x128xf32, #tpu.memory_space<hbm>> -> memref<10000x128xf32, #tpu.memory_space<hbm>>
    tpu.enqueue_indirect_dma source(%dma_start3A_123 : memref<10000x128xf32, #tpu.memory_space<hbm>>) target(%arg15 : memref<128x128xf32, #tpu.memory_space<vmem>>) offsets(%arg9 : memref<128xi32, #tpu.memory_space<vmem>>) semaphore(%arg23 : memref<!tpu.dma_semaphore, #tpu.memory_space<semaphore_mem>>)
    %dma_wait3A_124 = arith.constant 0 : i32
    %dma_wait3A_125 = arith.constant 0 : i32
    %dma_wait3A_126 = tpu.memref_slice %arg2[%dma_wait3A_124, %dma_wait3A_125] : memref<10000x128xf32, #tpu.memory_space<hbm>> -> memref<128x128xf32, #tpu.memory_space<hbm>>
    %dma_wait3A_127 = arith.constant 0 : i32
    %dma_wait3A_128 = arith.constant 0 : i32
    %dma_wait3A_129 = tpu.memref_slice %arg2[%dma_wait3A_127, %dma_wait3A_128] : memref<10000x128xf32, #tpu.memory_space<hbm>> -> memref<128x128xf32, #tpu.memory_space<hbm>>
    tpu.wait_dma2 semaphore(%arg22 : memref<!tpu.dma_semaphore, #tpu.memory_space<semaphore_mem>>) src(%dma_wait3A_129 : memref<128x128xf32, #tpu.memory_space<hbm>>) dst(%arg14 : memref<128x128xf32, #tpu.memory_space<vmem>>)
    %dma_start3A_130 = arith.constant 0 : i32
    %dma_start3A_131 = arith.constant 0 : i32
    %dma_start3A_132 = tpu.memref_slice %arg17[%dma_start3A_130, %dma_start3A_131] : memref<10240x128xf32, #tpu.memory_space<vmem_shared>> -> memref<10240x128xf32, #tpu.memory_space<vmem_shared>>
    tpu.enqueue_indirect_dma source(%arg14 : memref<128x128xf32, #tpu.memory_space<vmem>>) target(%dma_start3A_132 : memref<10240x128xf32, #tpu.memory_space<vmem_shared>>) offsets(%arg12 : memref<128xi32, #tpu.memory_space<vmem>>) semaphore(%arg24 : memref<!tpu.dma_semaphore, #tpu.memory_space<semaphore_mem>>) {add = true}
    %dma_wait3A_133 = arith.constant 0 : i32
    %dma_wait3A_134 = arith.constant 0 : i32
    %dma_wait3A_135 = tpu.memref_slice %arg2[%dma_wait3A_133, %dma_wait3A_134] : memref<10000x128xf32, #tpu.memory_space<hbm>> -> memref<128x128xf32, #tpu.memory_space<hbm>>
    %dma_wait3A_136 = arith.constant 0 : i32
    %dma_wait3A_137 = arith.constant 0 : i32
    %dma_wait3A_138 = tpu.memref_slice %arg2[%dma_wait3A_136, %dma_wait3A_137] : memref<10000x128xf32, #tpu.memory_space<hbm>> -> memref<128x128xf32, #tpu.memory_space<hbm>>
    tpu.wait_dma2 semaphore(%arg23 : memref<!tpu.dma_semaphore, #tpu.memory_space<semaphore_mem>>) src(%dma_wait3A_138 : memref<128x128xf32, #tpu.memory_space<hbm>>) dst(%arg15 : memref<128x128xf32, #tpu.memory_space<vmem>>)
    %dma_start3A_139 = arith.constant 0 : i32
    %dma_start3A_140 = arith.constant 0 : i32
    %dma_start3A_141 = tpu.memref_slice %arg17[%dma_start3A_139, %dma_start3A_140] : memref<10240x128xf32, #tpu.memory_space<vmem_shared>> -> memref<10240x128xf32, #tpu.memory_space<vmem_shared>>
    tpu.enqueue_indirect_dma source(%arg15 : memref<128x128xf32, #tpu.memory_space<vmem>>) target(%dma_start3A_141 : memref<10240x128xf32, #tpu.memory_space<vmem_shared>>) offsets(%arg13 : memref<128xi32, #tpu.memory_space<vmem>>) semaphore(%arg25 : memref<!tpu.dma_semaphore, #tpu.memory_space<semaphore_mem>>) {add = true}
    %dma_wait3A_142 = arith.constant 0 : i32
    %dma_wait3A_143 = arith.constant 0 : i32
    %dma_wait3A_144 = tpu.memref_slice %arg2[%dma_wait3A_142, %dma_wait3A_143] : memref<10000x128xf32, #tpu.memory_space<hbm>> -> memref<128x128xf32, #tpu.memory_space<hbm>>
    %dma_wait3A_145 = arith.constant 0 : i32
    %dma_wait3A_146 = arith.constant 0 : i32
    %dma_wait3A_147 = tpu.memref_slice %arg2[%dma_wait3A_145, %dma_wait3A_146] : memref<10000x128xf32, #tpu.memory_space<hbm>> -> memref<128x128xf32, #tpu.memory_space<hbm>>
    tpu.wait_dma2 semaphore(%arg24 : memref<!tpu.dma_semaphore, #tpu.memory_space<semaphore_mem>>) src(%dma_wait3A_147 : memref<128x128xf32, #tpu.memory_space<hbm>>) dst(%arg14 : memref<128x128xf32, #tpu.memory_space<vmem>>)
    %dma_wait3A_148 = arith.constant 0 : i32
    %dma_wait3A_149 = arith.constant 0 : i32
    %dma_wait3A_150 = tpu.memref_slice %arg2[%dma_wait3A_148, %dma_wait3A_149] : memref<10000x128xf32, #tpu.memory_space<hbm>> -> memref<128x128xf32, #tpu.memory_space<hbm>>
    %dma_wait3A_151 = arith.constant 0 : i32
    %dma_wait3A_152 = arith.constant 0 : i32
    %dma_wait3A_153 = tpu.memref_slice %arg2[%dma_wait3A_151, %dma_wait3A_152] : memref<10000x128xf32, #tpu.memory_space<hbm>> -> memref<128x128xf32, #tpu.memory_space<hbm>>
    tpu.wait_dma2 semaphore(%arg25 : memref<!tpu.dma_semaphore, #tpu.memory_space<semaphore_mem>>) src(%dma_wait3A_153 : memref<128x128xf32, #tpu.memory_space<hbm>>) dst(%arg15 : memref<128x128xf32, #tpu.memory_space<vmem>>)
    %barrier3A_154 = arith.constant 0 : index
    tpu.barrier barrier_id(%barrier3A_154)
    %mul3A_155 = arith.constant 640 : i32
    %mul3A_156 = arith.muli %arg1, %mul3A_155 : i32
    %add3A_157 = arith.constant 640 : i32
    %add3A_158 = arith.addi %mul3A_156, %add3A_157 : i32
    %le3A = arith.constant 10000 : i32
    %le3A_159 = arith.cmpi sle, %add3A_158, %le3A : i32
    %convert_element_type3A = arith.extui %le3A_159 : i1 to i32
    %cond3A = arith.constant 0 : i32
    %cond3A_160 = arith.cmpi ne, %convert_element_type3A, %cond3A : i32
    scf.if %cond3A_160 {
      %mul3A_172 = arith.constant 640 : i32
      %mul3A_173 = arith.muli %arg1, %mul3A_172 : i32
      %mul3A_174 = arith.constant 10000 : i32
      %mul3A_175 = arith.muli %arg0, %mul3A_174 : i32
      %mul3A_176 = arith.constant 640 : i32
      %mul3A_177 = arith.muli %arg1, %mul3A_176 : i32
      %add3A_178 = arith.addi %mul3A_175, %mul3A_177 : i32
      "tpu.region"() ({
        %run_scoped3A = tpu.sem_alloc : memref<!tpu.dma_semaphore, #tpu.memory_space<semaphore_mem>>
        %dma_start3A_179 = arith.constant 0 : i32
        %dma_start3A_180 = tpu.memref_slice %arg5[%add3A_178, %dma_start3A_179] : memref<20000x128xf32, #tpu.memory_space<hbm>> -> memref<640x128xf32, #tpu.memory_space<hbm>>
        %dma_start3A_181 = arith.constant 0 : i32
        %dma_start3A_182 = tpu.memref_slice %arg17[%mul3A_173, %dma_start3A_181] : memref<10240x128xf32, #tpu.memory_space<vmem_shared>> -> memref<640x128xf32, #tpu.memory_space<vmem_shared>>
        tpu.enqueue_dma source(%dma_start3A_182 : memref<640x128xf32, #tpu.memory_space<vmem_shared>>) target(%dma_start3A_180 : memref<640x128xf32, #tpu.memory_space<hbm>>) target_semaphore(%run_scoped3A : memref<!tpu.dma_semaphore, #tpu.memory_space<semaphore_mem>>)
        %dma_wait3A_183 = arith.constant 0 : i32
        %dma_wait3A_184 = tpu.memref_slice %arg5[%add3A_178, %dma_wait3A_183] : memref<20000x128xf32, #tpu.memory_space<hbm>> -> memref<640x128xf32, #tpu.memory_space<hbm>>
        %dma_wait3A_185 = arith.constant 0 : i32
        %dma_wait3A_186 = tpu.memref_slice %arg17[%mul3A_173, %dma_wait3A_185] : memref<10240x128xf32, #tpu.memory_space<vmem_shared>> -> memref<640x128xf32, #tpu.memory_space<vmem_shared>>
        tpu.wait_dma2 semaphore(%run_scoped3A : memref<!tpu.dma_semaphore, #tpu.memory_space<semaphore_mem>>) src(%dma_wait3A_186 : memref<640x128xf32, #tpu.memory_space<vmem_shared>>) dst(%dma_wait3A_184 : memref<640x128xf32, #tpu.memory_space<hbm>>)
        tpu.yield
      }) : () -> ()
    } else {
    }
    %mul3A_161 = arith.constant 640 : i32
    %mul3A_162 = arith.muli %arg1, %mul3A_161 : i32
    %lt3A = arith.constant 10000 : i32
    %lt3A_163 = arith.cmpi slt, %mul3A_162, %lt3A : i32
    %mul3A_164 = arith.constant 640 : i32
    %mul3A_165 = arith.muli %arg1, %mul3A_164 : i32
    %add3A_166 = arith.constant 640 : i32
    %add3A_167 = arith.addi %mul3A_165, %add3A_166 : i32
    %gt3A = arith.constant 10000 : i32
    %gt3A_168 = arith.cmpi sgt, %add3A_167, %gt3A : i32
    %and3A = arith.andi %lt3A_163, %gt3A_168 : i1
    %convert_element_type3A_169 = arith.extui %and3A : i1 to i32
    %cond3A_170 = arith.constant 0 : i32
    %cond3A_171 = arith.cmpi ne, %convert_element_type3A_169, %cond3A_170 : i32
    scf.if %cond3A_171 {
      %mul3A_172 = arith.constant 640 : i32
      %mul3A_173 = arith.muli %arg1, %mul3A_172 : i32
      %mul3A_174 = arith.constant 10000 : i32
      %mul3A_175 = arith.muli %arg0, %mul3A_174 : i32
      %mul3A_176 = arith.constant 640 : i32
      %mul3A_177 = arith.muli %arg1, %mul3A_176 : i32
      %add3A_178 = arith.addi %mul3A_175, %mul3A_177 : i32
      "tpu.region"() ({
        %run_scoped3A = tpu.sem_alloc : memref<!tpu.dma_semaphore, #tpu.memory_space<semaphore_mem>>
        %dma_start3A_179 = arith.constant 0 : i32
        %dma_start3A_180 = tpu.memref_slice %arg5[%add3A_178, %dma_start3A_179] : memref<20000x128xf32, #tpu.memory_space<hbm>> -> memref<400x128xf32, #tpu.memory_space<hbm>>
        %dma_start3A_181 = arith.constant 0 : i32
        %dma_start3A_182 = tpu.memref_slice %arg17[%mul3A_173, %dma_start3A_181] : memref<10240x128xf32, #tpu.memory_space<vmem_shared>> -> memref<400x128xf32, #tpu.memory_space<vmem_shared>>
        tpu.enqueue_dma source(%dma_start3A_182 : memref<400x128xf32, #tpu.memory_space<vmem_shared>>) target(%dma_start3A_180 : memref<400x128xf32, #tpu.memory_space<hbm>>) target_semaphore(%run_scoped3A : memref<!tpu.dma_semaphore, #tpu.memory_space<semaphore_mem>>)
        %dma_wait3A_183 = arith.constant 0 : i32
        %dma_wait3A_184 = tpu.memref_slice %arg5[%add3A_178, %dma_wait3A_183] : memref<20000x128xf32, #tpu.memory_space<hbm>> -> memref<400x128xf32, #tpu.memory_space<hbm>>
        %dma_wait3A_185 = arith.constant 0 : i32
        %dma_wait3A_186 = tpu.memref_slice %arg17[%mul3A_173, %dma_wait3A_185] : memref<10240x128xf32, #tpu.memory_space<vmem_shared>> -> memref<400x128xf32, #tpu.memory_space<vmem_shared>>
        tpu.wait_dma2 semaphore(%run_scoped3A : memref<!tpu.dma_semaphore, #tpu.memory_space<semaphore_mem>>) src(%dma_wait3A_186 : memref<400x128xf32, #tpu.memory_space<vmem_shared>>) dst(%dma_wait3A_184 : memref<400x128xf32, #tpu.memory_space<hbm>>)
        tpu.yield
      }) : () -> ()
    } else {
    }
    return
  }
}

#map = affine_map<(d0, d1) -> (0, 0)>
#map1 = affine_map<(d0, d1) -> (0)>
module attributes {stable_mosaic.version = 14 : i64} {
  func.func @body(%arg0: i32, %arg1: i32, %arg2: memref<10000x128xf32, #tpu.memory_space<hbm>>, %arg3: memref<327680xi32, #tpu.memory_space<hbm>>, %arg4: memref<327680xi32, #tpu.memory_space<hbm>>, %arg5: memref<20000x128xf32, #tpu.memory_space<hbm>>, %arg6: memref<128xi32, #tpu.memory_space<vmem>>, %arg7: memref<128xi32, #tpu.memory_space<vmem>>, %arg8: memref<128xi32, #tpu.memory_space<vmem>>, %arg9: memref<128xi32, #tpu.memory_space<vmem>>, %arg10: memref<128xi32, #tpu.memory_space<vmem>>, %arg11: memref<128xi32, #tpu.memory_space<vmem>>, %arg12: memref<128xi32, #tpu.memory_space<vmem>>, %arg13: memref<128xi32, #tpu.memory_space<vmem>>, %arg14: memref<128x128xf32, #tpu.memory_space<vmem>>, %arg15: memref<128x128xf32, #tpu.memory_space<vmem>>, %arg16: memref<32x128xf32, #tpu.memory_space<vmem>>, %arg17: memref<10240x128xf32, #tpu.memory_space<vmem_shared>>, %arg18: memref<!tpu.dma_semaphore, #tpu.memory_space<semaphore_mem>>, %arg19: memref<!tpu.dma_semaphore, #tpu.memory_space<semaphore_mem>>, %arg20: memref<!tpu.dma_semaphore, #tpu.memory_space<semaphore_mem>>, %arg21: memref<!tpu.dma_semaphore, #tpu.memory_space<semaphore_mem>>, %arg22: memref<!tpu.dma_semaphore, #tpu.memory_space<semaphore_mem>>, %arg23: memref<!tpu.dma_semaphore, #tpu.memory_space<semaphore_mem>>, %arg24: memref<!tpu.dma_semaphore, #tpu.memory_space<semaphore_mem>>, %arg25: memref<!tpu.dma_semaphore, #tpu.memory_space<semaphore_mem>>) attributes {dimension_semantics = [#tpu.dimension_semantics<core_parallel>, #tpu.dimension_semantics<subcore_parallel>], iteration_bounds = array<i64: 2, 16>, scalar_prefetch = 0 : i64, scratch_operands = 20 : i64, tpu.core_type = #tpu.core_type<sc_vector_subcore>, window_params = [{transform_indices = #map}, {transform_indices = #map1}, {transform_indices = #map1}, {transform_indices = #map}]} {
    %mul3A = arith.constant 16 : i32
    %mul3A_0 = arith.muli %arg0, %mul3A : i32
    %add3A = arith.addi %mul3A_0, %arg1 : i32
    %mul3A_1 = arith.constant 80 : i32
    %mul3A_2 = arith.muli %add3A, %mul3A_1 : i32
    %mul3A_3 = arith.constant 128 : i32
    %mul3A_4 = arith.muli %mul3A_2, %mul3A_3 : i32
    %add3A_5 = arith.constant 0 : i32
    %add3A_6 = arith.addi %mul3A_4, %add3A_5 : i32
    %multiple_of3A = tpu.assume_multiple %add3A_6, 128 : i32
    %dma_start3A = tpu.memref_slice %arg3[%multiple_of3A] : memref<327680xi32, #tpu.memory_space<hbm>> -> memref<128xi32, #tpu.memory_space<hbm>>
    %dma_start3A_7 = tpu.memref_slice %arg3[%multiple_of3A] : memref<327680xi32, #tpu.memory_space<hbm>> -> memref<128xi32, #tpu.memory_space<hbm>>
    tpu.enqueue_dma source(%dma_start3A_7 : memref<128xi32, #tpu.memory_space<hbm>>) target(%arg6 : memref<128xi32, #tpu.memory_space<vmem>>) target_semaphore(%arg18 : memref<!tpu.dma_semaphore, #tpu.memory_space<semaphore_mem>>)
    %dma_start3A_8 = tpu.memref_slice %arg4[%multiple_of3A] : memref<327680xi32, #tpu.memory_space<hbm>> -> memref<128xi32, #tpu.memory_space<hbm>>
    %dma_start3A_9 = tpu.memref_slice %arg4[%multiple_of3A] : memref<327680xi32, #tpu.memory_space<hbm>> -> memref<128xi32, #tpu.memory_space<hbm>>
    tpu.enqueue_dma source(%dma_start3A_9 : memref<128xi32, #tpu.memory_space<hbm>>) target(%arg10 : memref<128xi32, #tpu.memory_space<vmem>>) target_semaphore(%arg18 : memref<!tpu.dma_semaphore, #tpu.memory_space<semaphore_mem>>)
    %add3A_10 = arith.constant 128 : i32
    %add3A_11 = arith.addi %mul3A_4, %add3A_10 : i32
    %multiple_of3A_12 = tpu.assume_multiple %add3A_11, 128 : i32
    %dma_start3A_13 = tpu.memref_slice %arg3[%multiple_of3A_12] : memref<327680xi32, #tpu.memory_space<hbm>> -> memref<128xi32, #tpu.memory_space<hbm>>
    %dma_start3A_14 = tpu.memref_slice %arg3[%multiple_of3A_12] : memref<327680xi32, #tpu.memory_space<hbm>> -> memref<128xi32, #tpu.memory_space<hbm>>
    tpu.enqueue_dma source(%dma_start3A_14 : memref<128xi32, #tpu.memory_space<hbm>>) target(%arg7 : memref<128xi32, #tpu.memory_space<vmem>>) target_semaphore(%arg19 : memref<!tpu.dma_semaphore, #tpu.memory_space<semaphore_mem>>)
    %dma_start3A_15 = tpu.memref_slice %arg4[%multiple_of3A_12] : memref<327680xi32, #tpu.memory_space<hbm>> -> memref<128xi32, #tpu.memory_space<hbm>>
    %dma_start3A_16 = tpu.memref_slice %arg4[%multiple_of3A_12] : memref<327680xi32, #tpu.memory_space<hbm>> -> memref<128xi32, #tpu.memory_space<hbm>>
    tpu.enqueue_dma source(%dma_start3A_16 : memref<128xi32, #tpu.memory_space<hbm>>) target(%arg11 : memref<128xi32, #tpu.memory_space<vmem>>) target_semaphore(%arg19 : memref<!tpu.dma_semaphore, #tpu.memory_space<semaphore_mem>>)
    %add3A_17 = arith.constant 256 : i32
    %add3A_18 = arith.addi %mul3A_4, %add3A_17 : i32
    %multiple_of3A_19 = tpu.assume_multiple %add3A_18, 128 : i32
    %dma_start3A_20 = tpu.memref_slice %arg3[%multiple_of3A_19] : memref<327680xi32, #tpu.memory_space<hbm>> -> memref<128xi32, #tpu.memory_space<hbm>>
    %dma_start3A_21 = tpu.memref_slice %arg3[%multiple_of3A_19] : memref<327680xi32, #tpu.memory_space<hbm>> -> memref<128xi32, #tpu.memory_space<hbm>>
    tpu.enqueue_dma source(%dma_start3A_21 : memref<128xi32, #tpu.memory_space<hbm>>) target(%arg8 : memref<128xi32, #tpu.memory_space<vmem>>) target_semaphore(%arg20 : memref<!tpu.dma_semaphore, #tpu.memory_space<semaphore_mem>>)
    %dma_start3A_22 = tpu.memref_slice %arg4[%multiple_of3A_19] : memref<327680xi32, #tpu.memory_space<hbm>> -> memref<128xi32, #tpu.memory_space<hbm>>
    %dma_start3A_23 = tpu.memref_slice %arg4[%multiple_of3A_19] : memref<327680xi32, #tpu.memory_space<hbm>> -> memref<128xi32, #tpu.memory_space<hbm>>
    tpu.enqueue_dma source(%dma_start3A_23 : memref<128xi32, #tpu.memory_space<hbm>>) target(%arg12 : memref<128xi32, #tpu.memory_space<vmem>>) target_semaphore(%arg20 : memref<!tpu.dma_semaphore, #tpu.memory_space<semaphore_mem>>)
    %add3A_24 = arith.constant 384 : i32
    %add3A_25 = arith.addi %mul3A_4, %add3A_24 : i32
    %multiple_of3A_26 = tpu.assume_multiple %add3A_25, 128 : i32
    %dma_start3A_27 = tpu.memref_slice %arg3[%multiple_of3A_26] : memref<327680xi32, #tpu.memory_space<hbm>> -> memref<128xi32, #tpu.memory_space<hbm>>
    %dma_start3A_28 = tpu.memref_slice %arg3[%multiple_of3A_26] : memref<327680xi32, #tpu.memory_space<hbm>> -> memref<128xi32, #tpu.memory_space<hbm>>
    tpu.enqueue_dma source(%dma_start3A_28 : memref<128xi32, #tpu.memory_space<hbm>>) target(%arg9 : memref<128xi32, #tpu.memory_space<vmem>>) target_semaphore(%arg21 : memref<!tpu.dma_semaphore, #tpu.memory_space<semaphore_mem>>)
    %dma_start3A_29 = tpu.memref_slice %arg4[%multiple_of3A_26] : memref<327680xi32, #tpu.memory_space<hbm>> -> memref<128xi32, #tpu.memory_space<hbm>>
    %dma_start3A_30 = tpu.memref_slice %arg4[%multiple_of3A_26] : memref<327680xi32, #tpu.memory_space<hbm>> -> memref<128xi32, #tpu.memory_space<hbm>>
    tpu.enqueue_dma source(%dma_start3A_30 : memref<128xi32, #tpu.memory_space<hbm>>) target(%arg13 : memref<128xi32, #tpu.memory_space<vmem>>) target_semaphore(%arg21 : memref<!tpu.dma_semaphore, #tpu.memory_space<semaphore_mem>>)
    %dma_wait3A = arith.constant 0 : i32
    %dma_wait3A_31 = tpu.memref_slice %arg3[%dma_wait3A] : memref<327680xi32, #tpu.memory_space<hbm>> -> memref<128xi32, #tpu.memory_space<hbm>>
    %dma_wait3A_32 = arith.constant 0 : i32
    %dma_wait3A_33 = tpu.memref_slice %arg3[%dma_wait3A_32] : memref<327680xi32, #tpu.memory_space<hbm>> -> memref<128xi32, #tpu.memory_space<hbm>>
    tpu.wait_dma2 semaphore(%arg18 : memref<!tpu.dma_semaphore, #tpu.memory_space<semaphore_mem>>) src(%dma_wait3A_33 : memref<128xi32, #tpu.memory_space<hbm>>) dst(%arg6 : memref<128xi32, #tpu.memory_space<vmem>>)
    %dma_wait3A_34 = arith.constant 0 : i32
    %dma_wait3A_35 = tpu.memref_slice %arg4[%dma_wait3A_34] : memref<327680xi32, #tpu.memory_space<hbm>> -> memref<128xi32, #tpu.memory_space<hbm>>
    %dma_wait3A_36 = arith.constant 0 : i32
    %dma_wait3A_37 = tpu.memref_slice %arg4[%dma_wait3A_36] : memref<327680xi32, #tpu.memory_space<hbm>> -> memref<128xi32, #tpu.memory_space<hbm>>
    tpu.wait_dma2 semaphore(%arg18 : memref<!tpu.dma_semaphore, #tpu.memory_space<semaphore_mem>>) src(%dma_wait3A_37 : memref<128xi32, #tpu.memory_space<hbm>>) dst(%arg10 : memref<128xi32, #tpu.memory_space<vmem>>)
    %dma_start3A_38 = arith.constant 0 : i32
    %dma_start3A_39 = arith.constant 0 : i32
    %dma_start3A_40 = tpu.memref_slice %arg2[%dma_start3A_38, %dma_start3A_39] : memref<10000x128xf32, #tpu.memory_space<hbm>> -> memref<10000x128xf32, #tpu.memory_space<hbm>>
    tpu.enqueue_indirect_dma source(%dma_start3A_40 : memref<10000x128xf32, #tpu.memory_space<hbm>>) target(%arg14 : memref<128x128xf32, #tpu.memory_space<vmem>>) offsets(%arg6 : memref<128xi32, #tpu.memory_space<vmem>>) semaphore(%arg22 : memref<!tpu.dma_semaphore, #tpu.memory_space<semaphore_mem>>)
    %dma_wait3A_41 = arith.constant 0 : i32
    %dma_wait3A_42 = tpu.memref_slice %arg3[%dma_wait3A_41] : memref<327680xi32, #tpu.memory_space<hbm>> -> memref<128xi32, #tpu.memory_space<hbm>>
    %dma_wait3A_43 = arith.constant 0 : i32
    %dma_wait3A_44 = tpu.memref_slice %arg3[%dma_wait3A_43] : memref<327680xi32, #tpu.memory_space<hbm>> -> memref<128xi32, #tpu.memory_space<hbm>>
    tpu.wait_dma2 semaphore(%arg19 : memref<!tpu.dma_semaphore, #tpu.memory_space<semaphore_mem>>) src(%dma_wait3A_44 : memref<128xi32, #tpu.memory_space<hbm>>) dst(%arg7 : memref<128xi32, #tpu.memory_space<vmem>>)
    %dma_wait3A_45 = arith.constant 0 : i32
    %dma_wait3A_46 = tpu.memref_slice %arg4[%dma_wait3A_45] : memref<327680xi32, #tpu.memory_space<hbm>> -> memref<128xi32, #tpu.memory_space<hbm>>
    %dma_wait3A_47 = arith.constant 0 : i32
    %dma_wait3A_48 = tpu.memref_slice %arg4[%dma_wait3A_47] : memref<327680xi32, #tpu.memory_space<hbm>> -> memref<128xi32, #tpu.memory_space<hbm>>
    tpu.wait_dma2 semaphore(%arg19 : memref<!tpu.dma_semaphore, #tpu.memory_space<semaphore_mem>>) src(%dma_wait3A_48 : memref<128xi32, #tpu.memory_space<hbm>>) dst(%arg11 : memref<128xi32, #tpu.memory_space<vmem>>)
    %dma_start3A_49 = arith.constant 0 : i32
    %dma_start3A_50 = arith.constant 0 : i32
    %dma_start3A_51 = tpu.memref_slice %arg2[%dma_start3A_49, %dma_start3A_50] : memref<10000x128xf32, #tpu.memory_space<hbm>> -> memref<10000x128xf32, #tpu.memory_space<hbm>>
    tpu.enqueue_indirect_dma source(%dma_start3A_51 : memref<10000x128xf32, #tpu.memory_space<hbm>>) target(%arg15 : memref<128x128xf32, #tpu.memory_space<vmem>>) offsets(%arg7 : memref<128xi32, #tpu.memory_space<vmem>>) semaphore(%arg23 : memref<!tpu.dma_semaphore, #tpu.memory_space<semaphore_mem>>)
    %scan3A = arith.constant 0 : i32
    %scan3A_52 = arith.constant 0 : i32
    %scan3A_53 = arith.constant 32 : i32
    %scan3A_54 = arith.addi %scan3A_52, %scan3A_53 : i32
    %scan3A_55 = arith.constant 1 : i32
    %scan3A_56 = scf.for %scan3A_172 = %scan3A_52 to %scan3A_54 step %scan3A_55 iter_args(%scan3A_173 = %scan3A) -> (i32)  : i32 {
      %broadcast_in_dim3A = arith.constant 0.000000e+00 : f32
      %broadcast_in_dim3A_174 = vector.broadcast %broadcast_in_dim3A : f32 to vector<16xf32>
      %swap3A = arith.index_cast %scan3A_172 : i32 to index
      %swap3A_175 = arith.constant 0 : index
      %swap3A_176 = tpu.vector_load %arg16[%swap3A, %swap3A_175] {strides = array<i32>} : memref<32x128xf32, #tpu.memory_space<vmem>>, vector<1x16xf32>,
      %swap3A_177 = vector.shape_cast %swap3A_176 : vector<1x16xf32> to vector<16xf32>
      %swap3A_178 = vector.shape_cast %broadcast_in_dim3A_174 : vector<16xf32> to vector<1x16xf32>
      tpu.vector_store %arg16[%swap3A, %swap3A_175], %swap3A_178 {strides = array<i32>} : memref<32x128xf32, #tpu.memory_space<vmem>>, vector<1x16xf32>,
      %broadcast_in_dim3A_179 = arith.constant 0.000000e+00 : f32
      %broadcast_in_dim3A_180 = vector.broadcast %broadcast_in_dim3A_179 : f32 to vector<16xf32>
      %swap3A_181 = arith.index_cast %scan3A_172 : i32 to index
      %swap3A_182 = arith.constant 16 : index
      %swap3A_183 = tpu.vector_load %arg16[%swap3A_181, %swap3A_182] {strides = array<i32>} : memref<32x128xf32, #tpu.memory_space<vmem>>, vector<1x16xf32>,
      %swap3A_184 = vector.shape_cast %swap3A_183 : vector<1x16xf32> to vector<16xf32>
      %swap3A_185 = vector.shape_cast %broadcast_in_dim3A_180 : vector<16xf32> to vector<1x16xf32>
      tpu.vector_store %arg16[%swap3A_181, %swap3A_182], %swap3A_185 {strides = array<i32>} : memref<32x128xf32, #tpu.memory_space<vmem>>, vector<1x16xf32>,
      %broadcast_in_dim3A_186 = arith.constant 0.000000e+00 : f32
      %broadcast_in_dim3A_187 = vector.broadcast %broadcast_in_dim3A_186 : f32 to vector<16xf32>
      %swap3A_188 = arith.index_cast %scan3A_172 : i32 to index
      %swap3A_189 = arith.constant 32 : index
      %swap3A_190 = tpu.vector_load %arg16[%swap3A_188, %swap3A_189] {strides = array<i32>} : memref<32x128xf32, #tpu.memory_space<vmem>>, vector<1x16xf32>,
      %swap3A_191 = vector.shape_cast %swap3A_190 : vector<1x16xf32> to vector<16xf32>
      %swap3A_192 = vector.shape_cast %broadcast_in_dim3A_187 : vector<16xf32> to vector<1x16xf32>
      tpu.vector_store %arg16[%swap3A_188, %swap3A_189], %swap3A_192 {strides = array<i32>} : memref<32x128xf32, #tpu.memory_space<vmem>>, vector<1x16xf32>,
      %broadcast_in_dim3A_193 = arith.constant 0.000000e+00 : f32
      %broadcast_in_dim3A_194 = vector.broadcast %broadcast_in_dim3A_193 : f32 to vector<16xf32>
      %swap3A_195 = arith.index_cast %scan3A_172 : i32 to index
      %swap3A_196 = arith.constant 48 : index
      %swap3A_197 = tpu.vector_load %arg16[%swap3A_195, %swap3A_196] {strides = array<i32>} : memref<32x128xf32, #tpu.memory_space<vmem>>, vector<1x16xf32>,
      %swap3A_198 = vector.shape_cast %swap3A_197 : vector<1x16xf32> to vector<16xf32>
      %swap3A_199 = vector.shape_cast %broadcast_in_dim3A_194 : vector<16xf32> to vector<1x16xf32>
      tpu.vector_store %arg16[%swap3A_195, %swap3A_196], %swap3A_199 {strides = array<i32>} : memref<32x128xf32, #tpu.memory_space<vmem>>, vector<1x16xf32>,
      %broadcast_in_dim3A_200 = arith.constant 0.000000e+00 : f32
      %broadcast_in_dim3A_201 = vector.broadcast %broadcast_in_dim3A_200 : f32 to vector<16xf32>
      %swap3A_202 = arith.index_cast %scan3A_172 : i32 to index
      %swap3A_203 = arith.constant 64 : index
      %swap3A_204 = tpu.vector_load %arg16[%swap3A_202, %swap3A_203] {strides = array<i32>} : memref<32x128xf32, #tpu.memory_space<vmem>>, vector<1x16xf32>,
      %swap3A_205 = vector.shape_cast %swap3A_204 : vector<1x16xf32> to vector<16xf32>
      %swap3A_206 = vector.shape_cast %broadcast_in_dim3A_201 : vector<16xf32> to vector<1x16xf32>
      tpu.vector_store %arg16[%swap3A_202, %swap3A_203], %swap3A_206 {strides = array<i32>} : memref<32x128xf32, #tpu.memory_space<vmem>>, vector<1x16xf32>,
      %broadcast_in_dim3A_207 = arith.constant 0.000000e+00 : f32
      %broadcast_in_dim3A_208 = vector.broadcast %broadcast_in_dim3A_207 : f32 to vector<16xf32>
      %swap3A_209 = arith.index_cast %scan3A_172 : i32 to index
      %swap3A_210 = arith.constant 80 : index
      %swap3A_211 = tpu.vector_load %arg16[%swap3A_209, %swap3A_210] {strides = array<i32>} : memref<32x128xf32, #tpu.memory_space<vmem>>, vector<1x16xf32>,
      %swap3A_212 = vector.shape_cast %swap3A_211 : vector<1x16xf32> to vector<16xf32>
      %swap3A_213 = vector.shape_cast %broadcast_in_dim3A_208 : vector<16xf32> to vector<1x16xf32>
      tpu.vector_store %arg16[%swap3A_209, %swap3A_210], %swap3A_213 {strides = array<i32>} : memref<32x128xf32, #tpu.memory_space<vmem>>, vector<1x16xf32>,
      %broadcast_in_dim3A_214 = arith.constant 0.000000e+00 : f32
      %broadcast_in_dim3A_215 = vector.broadcast %broadcast_in_dim3A_214 : f32 to vector<16xf32>
      %swap3A_216 = arith.index_cast %scan3A_172 : i32 to index
      %swap3A_217 = arith.constant 96 : index
      %swap3A_218 = tpu.vector_load %arg16[%swap3A_216, %swap3A_217] {strides = array<i32>} : memref<32x128xf32, #tpu.memory_space<vmem>>, vector<1x16xf32>,
      %swap3A_219 = vector.shape_cast %swap3A_218 : vector<1x16xf32> to vector<16xf32>
      %swap3A_220 = vector.shape_cast %broadcast_in_dim3A_215 : vector<16xf32> to vector<1x16xf32>
      tpu.vector_store %arg16[%swap3A_216, %swap3A_217], %swap3A_220 {strides = array<i32>} : memref<32x128xf32, #tpu.memory_space<vmem>>, vector<1x16xf32>,
      %broadcast_in_dim3A_221 = arith.constant 0.000000e+00 : f32
      %broadcast_in_dim3A_222 = vector.broadcast %broadcast_in_dim3A_221 : f32 to vector<16xf32>
      %swap3A_223 = arith.index_cast %scan3A_172 : i32 to index
      %swap3A_224 = arith.constant 112 : index
      %swap3A_225 = tpu.vector_load %arg16[%swap3A_223, %swap3A_224] {strides = array<i32>} : memref<32x128xf32, #tpu.memory_space<vmem>>, vector<1x16xf32>,
      %swap3A_226 = vector.shape_cast %swap3A_225 : vector<1x16xf32> to vector<16xf32>
      %swap3A_227 = vector.shape_cast %broadcast_in_dim3A_222 : vector<16xf32> to vector<1x16xf32>
      tpu.vector_store %arg16[%swap3A_223, %swap3A_224], %swap3A_227 {strides = array<i32>} : memref<32x128xf32, #tpu.memory_space<vmem>>, vector<1x16xf32>,
      %scan3A_228 = arith.constant 0 : i32
      scf.yield %scan3A_228 : i32
    }
    %scan3A_57 = arith.constant 32 : i32
    %scan3A_58 = arith.constant 0 : i32
    %scan3A_59 = arith.constant 0 : i32
    %scan3A_60 = arith.constant 20 : i32
    %scan3A_61 = arith.addi %scan3A_59, %scan3A_60 : i32
    %scan3A_62 = arith.constant 1 : i32
    %scan3A_63 = scf.for %scan3A_172 = %scan3A_59 to %scan3A_61 step %scan3A_62 iter_args(%scan3A_173 = %scan3A_58) -> (i32)  : i32 {
      %mul3A_174 = arith.constant 640 : i32
      %mul3A_175 = arith.muli %arg1, %mul3A_174 : i32
      %mul3A_176 = arith.constant 32 : i32
      %mul3A_177 = arith.muli %scan3A_172, %mul3A_176 : i32
      %add3A_178 = arith.addi %mul3A_175, %mul3A_177 : i32
      "tpu.region"() ({
        %run_scoped3A = tpu.sem_alloc : memref<!tpu.dma_semaphore, #tpu.memory_space<semaphore_mem>>
        %dma_start3A_180 = arith.constant 0 : i32
        %dma_start3A_181 = tpu.memref_slice %arg17[%add3A_178, %dma_start3A_180] : memref<10240x128xf32, #tpu.memory_space<vmem_shared>> -> memref<32x128xf32, #tpu.memory_space<vmem_shared>>
        %dma_start3A_182 = arith.constant 0 : i32
        %dma_start3A_183 = tpu.memref_slice %arg17[%add3A_178, %dma_start3A_182] : memref<10240x128xf32, #tpu.memory_space<vmem_shared>> -> memref<32x128xf32, #tpu.memory_space<vmem_shared>>
        tpu.enqueue_dma source(%arg16 : memref<32x128xf32, #tpu.memory_space<vmem>>) target(%dma_start3A_183 : memref<32x128xf32, #tpu.memory_space<vmem_shared>>) target_semaphore(%run_scoped3A : memref<!tpu.dma_semaphore, #tpu.memory_space<semaphore_mem>>)
        %dma_wait3A_184 = arith.constant 0 : i32
        %dma_wait3A_185 = tpu.memref_slice %arg17[%add3A_178, %dma_wait3A_184] : memref<10240x128xf32, #tpu.memory_space<vmem_shared>> -> memref<32x128xf32, #tpu.memory_space<vmem_shared>>
        %dma_wait3A_186 = arith.constant 0 : i32
        %dma_wait3A_187 = tpu.memref_slice %arg17[%add3A_178, %dma_wait3A_186] : memref<10240x128xf32, #tpu.memory_space<vmem_shared>> -> memref<32x128xf32, #tpu.memory_space<vmem_shared>>
        tpu.wait_dma2 semaphore(%run_scoped3A : memref<!tpu.dma_semaphore, #tpu.memory_space<semaphore_mem>>) src(%arg16 : memref<32x128xf32, #tpu.memory_space<vmem>>) dst(%dma_wait3A_187 : memref<32x128xf32, #tpu.memory_space<vmem_shared>>)
        tpu.yield
      }) : () -> ()
      %scan3A_179 = arith.constant 0 : i32
      scf.yield %scan3A_179 : i32
    }
    %scan3A_64 = arith.constant 20 : i32
    %barrier3A = arith.constant 0 : index
    tpu.barrier barrier_id(%barrier3A)
    %dma_wait3A_65 = arith.constant 0 : i32
    %dma_wait3A_66 = arith.constant 0 : i32
    %dma_wait3A_67 = tpu.memref_slice %arg2[%dma_wait3A_65, %dma_wait3A_66] : memref<10000x128xf32, #tpu.memory_space<hbm>> -> memref<128x128xf32, #tpu.memory_space<hbm>>
    %dma_wait3A_68 = arith.constant 0 : i32
    %dma_wait3A_69 = arith.constant 0 : i32
    %dma_wait3A_70 = tpu.memref_slice %arg2[%dma_wait3A_68, %dma_wait3A_69] : memref<10000x128xf32, #tpu.memory_space<hbm>> -> memref<128x128xf32, #tpu.memory_space<hbm>>
    tpu.wait_dma2 semaphore(%arg22 : memref<!tpu.dma_semaphore, #tpu.memory_space<semaphore_mem>>) src(%dma_wait3A_70 : memref<128x128xf32, #tpu.memory_space<hbm>>) dst(%arg14 : memref<128x128xf32, #tpu.memory_space<vmem>>)
    %dma_start3A_71 = arith.constant 0 : i32
    %dma_start3A_72 = arith.constant 0 : i32
    %dma_start3A_73 = tpu.memref_slice %arg17[%dma_start3A_71, %dma_start3A_72] : memref<10240x128xf32, #tpu.memory_space<vmem_shared>> -> memref<10240x128xf32, #tpu.memory_space<vmem_shared>>
    tpu.enqueue_indirect_dma source(%arg14 : memref<128x128xf32, #tpu.memory_space<vmem>>) target(%dma_start3A_73 : memref<10240x128xf32, #tpu.memory_space<vmem_shared>>) offsets(%arg10 : memref<128xi32, #tpu.memory_space<vmem>>) semaphore(%arg24 : memref<!tpu.dma_semaphore, #tpu.memory_space<semaphore_mem>>) {add = true}
    %scan3A_74 = arith.constant 0 : i32
    %scan3A_75 = arith.constant 0 : i32
    %scan3A_76 = arith.constant 19 : i32
    %scan3A_77 = arith.addi %scan3A_75, %scan3A_76 : i32
    %scan3A_78 = arith.constant 1 : i32
    %scan3A_79 = scf.for %scan3A_172 = %scan3A_75 to %scan3A_77 step %scan3A_78 iter_args(%scan3A_173 = %scan3A_74) -> (i32)  : i32 {
      %mul3A_174 = arith.constant 4 : i32
      %mul3A_175 = arith.muli %scan3A_172, %mul3A_174 : i32
      %add3A_176 = arith.constant 2 : i32
      %add3A_177 = arith.addi %mul3A_175, %add3A_176 : i32
      %add3A_178 = arith.constant 0 : i32
      %add3A_179 = arith.addi %add3A_177, %add3A_178 : i32
      %dma_wait3A_180 = arith.constant 0 : i32
      %dma_wait3A_181 = arith.constant 0 : i32
      %dma_wait3A_182 = tpu.memref_slice %arg2[%dma_wait3A_180, %dma_wait3A_181] : memref<10000x128xf32, #tpu.memory_space<hbm>> -> memref<128x128xf32, #tpu.memory_space<hbm>>
      %dma_wait3A_183 = arith.constant 0 : i32
      %dma_wait3A_184 = arith.constant 0 : i32
      %dma_wait3A_185 = tpu.memref_slice %arg2[%dma_wait3A_183, %dma_wait3A_184] : memref<10000x128xf32, #tpu.memory_space<hbm>> -> memref<128x128xf32, #tpu.memory_space<hbm>>
      tpu.wait_dma2 semaphore(%arg24 : memref<!tpu.dma_semaphore, #tpu.memory_space<semaphore_mem>>) src(%dma_wait3A_185 : memref<128x128xf32, #tpu.memory_space<hbm>>) dst(%arg14 : memref<128x128xf32, #tpu.memory_space<vmem>>)
      %add3A_186 = arith.constant 2 : i32
      %add3A_187 = arith.addi %add3A_179, %add3A_186 : i32
      %mul3A_188 = arith.constant 128 : i32
      %mul3A_189 = arith.muli %add3A_187, %mul3A_188 : i32
      %add3A_190 = arith.addi %mul3A_4, %mul3A_189 : i32
      %multiple_of3A_191 = tpu.assume_multiple %add3A_190, 128 : i32
      %dma_start3A_192 = tpu.memref_slice %arg3[%multiple_of3A_191] : memref<327680xi32, #tpu.memory_space<hbm>> -> memref<128xi32, #tpu.memory_space<hbm>>
      %dma_start3A_193 = tpu.memref_slice %arg3[%multiple_of3A_191] : memref<327680xi32, #tpu.memory_space<hbm>> -> memref<128xi32, #tpu.memory_space<hbm>>
      tpu.enqueue_dma source(%dma_start3A_193 : memref<128xi32, #tpu.memory_space<hbm>>) target(%arg6 : memref<128xi32, #tpu.memory_space<vmem>>) target_semaphore(%arg18 : memref<!tpu.dma_semaphore, #tpu.memory_space<semaphore_mem>>)
      %dma_start3A_194 = tpu.memref_slice %arg4[%multiple_of3A_191] : memref<327680xi32, #tpu.memory_space<hbm>> -> memref<128xi32, #tpu.memory_space<hbm>>
      %dma_start3A_195 = tpu.memref_slice %arg4[%multiple_of3A_191] : memref<327680xi32, #tpu.memory_space<hbm>> -> memref<128xi32, #tpu.memory_space<hbm>>
      tpu.enqueue_dma source(%dma_start3A_195 : memref<128xi32, #tpu.memory_space<hbm>>) target(%arg10 : memref<128xi32, #tpu.memory_space<vmem>>) target_semaphore(%arg18 : memref<!tpu.dma_semaphore, #tpu.memory_space<semaphore_mem>>)
      %dma_wait3A_196 = arith.constant 0 : i32
      %dma_wait3A_197 = tpu.memref_slice %arg3[%dma_wait3A_196] : memref<327680xi32, #tpu.memory_space<hbm>> -> memref<128xi32, #tpu.memory_space<hbm>>
      %dma_wait3A_198 = arith.constant 0 : i32
      %dma_wait3A_199 = tpu.memref_slice %arg3[%dma_wait3A_198] : memref<327680xi32, #tpu.memory_space<hbm>> -> memref<128xi32, #tpu.memory_space<hbm>>
      tpu.wait_dma2 semaphore(%arg20 : memref<!tpu.dma_semaphore, #tpu.memory_space<semaphore_mem>>) src(%dma_wait3A_199 : memref<128xi32, #tpu.memory_space<hbm>>) dst(%arg8 : memref<128xi32, #tpu.memory_space<vmem>>)
      %dma_wait3A_200 = arith.constant 0 : i32
      %dma_wait3A_201 = tpu.memref_slice %arg4[%dma_wait3A_200] : memref<327680xi32, #tpu.memory_space<hbm>> -> memref<128xi32, #tpu.memory_space<hbm>>
      %dma_wait3A_202 = arith.constant 0 : i32
      %dma_wait3A_203 = tpu.memref_slice %arg4[%dma_wait3A_202] : memref<327680xi32, #tpu.memory_space<hbm>> -> memref<128xi32, #tpu.memory_space<hbm>>
      tpu.wait_dma2 semaphore(%arg20 : memref<!tpu.dma_semaphore, #tpu.memory_space<semaphore_mem>>) src(%dma_wait3A_203 : memref<128xi32, #tpu.memory_space<hbm>>) dst(%arg12 : memref<128xi32, #tpu.memory_space<vmem>>)
      %dma_start3A_204 = arith.constant 0 : i32
      %dma_start3A_205 = arith.constant 0 : i32
      %dma_start3A_206 = tpu.memref_slice %arg2[%dma_start3A_204, %dma_start3A_205] : memref<10000x128xf32, #tpu.memory_space<hbm>> -> memref<10000x128xf32, #tpu.memory_space<hbm>>
      tpu.enqueue_indirect_dma source(%dma_start3A_206 : memref<10000x128xf32, #tpu.memory_space<hbm>>) target(%arg14 : memref<128x128xf32, #tpu.memory_space<vmem>>) offsets(%arg8 : memref<128xi32, #tpu.memory_space<vmem>>) semaphore(%arg22 : memref<!tpu.dma_semaphore, #tpu.memory_space<semaphore_mem>>)
      %dma_wait3A_207 = arith.constant 0 : i32
      %dma_wait3A_208 = arith.constant 0 : i32
      %dma_wait3A_209 = tpu.memref_slice %arg2[%dma_wait3A_207, %dma_wait3A_208] : memref<10000x128xf32, #tpu.memory_space<hbm>> -> memref<128x128xf32, #tpu.memory_space<hbm>>
      %dma_wait3A_210 = arith.constant 0 : i32
      %dma_wait3A_211 = arith.constant 0 : i32
      %dma_wait3A_212 = tpu.memref_slice %arg2[%dma_wait3A_210, %dma_wait3A_211] : memref<10000x128xf32, #tpu.memory_space<hbm>> -> memref<128x128xf32, #tpu.memory_space<hbm>>
      tpu.wait_dma2 semaphore(%arg23 : memref<!tpu.dma_semaphore, #tpu.memory_space<semaphore_mem>>) src(%dma_wait3A_212 : memref<128x128xf32, #tpu.memory_space<hbm>>) dst(%arg15 : memref<128x128xf32, #tpu.memory_space<vmem>>)
      %dma_start3A_213 = arith.constant 0 : i32
      %dma_start3A_214 = arith.constant 0 : i32
      %dma_start3A_215 = tpu.memref_slice %arg17[%dma_start3A_213, %dma_start3A_214] : memref<10240x128xf32, #tpu.memory_space<vmem_shared>> -> memref<10240x128xf32, #tpu.memory_space<vmem_shared>>
      tpu.enqueue_indirect_dma source(%arg15 : memref<128x128xf32, #tpu.memory_space<vmem>>) target(%dma_start3A_215 : memref<10240x128xf32, #tpu.memory_space<vmem_shared>>) offsets(%arg11 : memref<128xi32, #tpu.memory_space<vmem>>) semaphore(%arg25 : memref<!tpu.dma_semaphore, #tpu.memory_space<semaphore_mem>>) {add = true}
      %mul3A_216 = arith.constant 4 : i32
      %mul3A_217 = arith.muli %scan3A_172, %mul3A_216 : i32
      %add3A_218 = arith.constant 2 : i32
      %add3A_219 = arith.addi %mul3A_217, %add3A_218 : i32
      %add3A_220 = arith.constant 1 : i32
      %add3A_221 = arith.addi %add3A_219, %add3A_220 : i32
      %dma_wait3A_222 = arith.constant 0 : i32
      %dma_wait3A_223 = arith.constant 0 : i32
      %dma_wait3A_224 = tpu.memref_slice %arg2[%dma_wait3A_222, %dma_wait3A_223] : memref<10000x128xf32, #tpu.memory_space<hbm>> -> memref<128x128xf32, #tpu.memory_space<hbm>>
      %dma_wait3A_225 = arith.constant 0 : i32
      %dma_wait3A_226 = arith.constant 0 : i32
      %dma_wait3A_227 = tpu.memref_slice %arg2[%dma_wait3A_225, %dma_wait3A_226] : memref<10000x128xf32, #tpu.memory_space<hbm>> -> memref<128x128xf32, #tpu.memory_space<hbm>>
      tpu.wait_dma2 semaphore(%arg25 : memref<!tpu.dma_semaphore, #tpu.memory_space<semaphore_mem>>) src(%dma_wait3A_227 : memref<128x128xf32, #tpu.memory_space<hbm>>) dst(%arg15 : memref<128x128xf32, #tpu.memory_space<vmem>>)
      %add3A_228 = arith.constant 2 : i32
      %add3A_229 = arith.addi %add3A_221, %add3A_228 : i32
      %mul3A_230 = arith.constant 128 : i32
      %mul3A_231 = arith.muli %add3A_229, %mul3A_230 : i32
      %add3A_232 = arith.addi %mul3A_4, %mul3A_231 : i32
      %multiple_of3A_233 = tpu.assume_multiple %add3A_232, 128 : i32
      %dma_start3A_234 = tpu.memref_slice %arg3[%multiple_of3A_233] : memref<327680xi32, #tpu.memory_space<hbm>> -> memref<128xi32, #tpu.memory_space<hbm>>
      %dma_start3A_235 = tpu.memref_slice %arg3[%multiple_of3A_233] : memref<327680xi32, #tpu.memory_space<hbm>> -> memref<128xi32, #tpu.memory_space<hbm>>
      tpu.enqueue_dma source(%dma_start3A_235 : memref<128xi32, #tpu.memory_space<hbm>>) target(%arg7 : memref<128xi32, #tpu.memory_space<vmem>>) target_semaphore(%arg19 : memref<!tpu.dma_semaphore, #tpu.memory_space<semaphore_mem>>)
      %dma_start3A_236 = tpu.memref_slice %arg4[%multiple_of3A_233] : memref<327680xi32, #tpu.memory_space<hbm>> -> memref<128xi32, #tpu.memory_space<hbm>>
      %dma_start3A_237 = tpu.memref_slice %arg4[%multiple_of3A_233] : memref<327680xi32, #tpu.memory_space<hbm>> -> memref<128xi32, #tpu.memory_space<hbm>>
      tpu.enqueue_dma source(%dma_start3A_237 : memref<128xi32, #tpu.memory_space<hbm>>) target(%arg11 : memref<128xi32, #tpu.memory_space<vmem>>) target_semaphore(%arg19 : memref<!tpu.dma_semaphore, #tpu.memory_space<semaphore_mem>>)
      %dma_wait3A_238 = arith.constant 0 : i32
      %dma_wait3A_239 = tpu.memref_slice %arg3[%dma_wait3A_238] : memref<327680xi32, #tpu.memory_space<hbm>> -> memref<128xi32, #tpu.memory_space<hbm>>
      %dma_wait3A_240 = arith.constant 0 : i32
      %dma_wait3A_241 = tpu.memref_slice %arg3[%dma_wait3A_240] : memref<327680xi32, #tpu.memory_space<hbm>> -> memref<128xi32, #tpu.memory_space<hbm>>
      tpu.wait_dma2 semaphore(%arg21 : memref<!tpu.dma_semaphore, #tpu.memory_space<semaphore_mem>>) src(%dma_wait3A_241 : memref<128xi32, #tpu.memory_space<hbm>>) dst(%arg9 : memref<128xi32, #tpu.memory_space<vmem>>)
      %dma_wait3A_242 = arith.constant 0 : i32
      %dma_wait3A_243 = tpu.memref_slice %arg4[%dma_wait3A_242] : memref<327680xi32, #tpu.memory_space<hbm>> -> memref<128xi32, #tpu.memory_space<hbm>>
      %dma_wait3A_244 = arith.constant 0 : i32
      %dma_wait3A_245 = tpu.memref_slice %arg4[%dma_wait3A_244] : memref<327680xi32, #tpu.memory_space<hbm>> -> memref<128xi32, #tpu.memory_space<hbm>>
      tpu.wait_dma2 semaphore(%arg21 : memref<!tpu.dma_semaphore, #tpu.memory_space<semaphore_mem>>) src(%dma_wait3A_245 : memref<128xi32, #tpu.memory_space<hbm>>) dst(%arg13 : memref<128xi32, #tpu.memory_space<vmem>>)
      %dma_start3A_246 = arith.constant 0 : i32
      %dma_start3A_247 = arith.constant 0 : i32
      %dma_start3A_248 = tpu.memref_slice %arg2[%dma_start3A_246, %dma_start3A_247] : memref<10000x128xf32, #tpu.memory_space<hbm>> -> memref<10000x128xf32, #tpu.memory_space<hbm>>
      tpu.enqueue_indirect_dma source(%dma_start3A_248 : memref<10000x128xf32, #tpu.memory_space<hbm>>) target(%arg15 : memref<128x128xf32, #tpu.memory_space<vmem>>) offsets(%arg9 : memref<128xi32, #tpu.memory_space<vmem>>) semaphore(%arg23 : memref<!tpu.dma_semaphore, #tpu.memory_space<semaphore_mem>>)
      %dma_wait3A_249 = arith.constant 0 : i32
      %dma_wait3A_250 = arith.constant 0 : i32
      %dma_wait3A_251 = tpu.memref_slice %arg2[%dma_wait3A_249, %dma_wait3A_250] : memref<10000x128xf32, #tpu.memory_space<hbm>> -> memref<128x128xf32, #tpu.memory_space<hbm>>
      %dma_wait3A_252 = arith.constant 0 : i32
      %dma_wait3A_253 = arith.constant 0 : i32
      %dma_wait3A_254 = tpu.memref_slice %arg2[%dma_wait3A_252, %dma_wait3A_253] : memref<10000x128xf32, #tpu.memory_space<hbm>> -> memref<128x128xf32, #tpu.memory_space<hbm>>
      tpu.wait_dma2 semaphore(%arg22 : memref<!tpu.dma_semaphore, #tpu.memory_space<semaphore_mem>>) src(%dma_wait3A_254 : memref<128x128xf32, #tpu.memory_space<hbm>>) dst(%arg14 : memref<128x128xf32, #tpu.memory_space<vmem>>)
      %dma_start3A_255 = arith.constant 0 : i32
      %dma_start3A_256 = arith.constant 0 : i32
      %dma_start3A_257 = tpu.memref_slice %arg17[%dma_start3A_255, %dma_start3A_256] : memref<10240x128xf32, #tpu.memory_space<vmem_shared>> -> memref<10240x128xf32, #tpu.memory_space<vmem_shared>>
      tpu.enqueue_indirect_dma source(%arg14 : memref<128x128xf32, #tpu.memory_space<vmem>>) target(%dma_start3A_257 : memref<10240x128xf32, #tpu.memory_space<vmem_shared>>) offsets(%arg12 : memref<128xi32, #tpu.memory_space<vmem>>) semaphore(%arg24 : memref<!tpu.dma_semaphore, #tpu.memory_space<semaphore_mem>>) {add = true}
      %mul3A_258 = arith.constant 4 : i32
      %mul3A_259 = arith.muli %scan3A_172, %mul3A_258 : i32
      %add3A_260 = arith.constant 2 : i32
      %add3A_261 = arith.addi %mul3A_259, %add3A_260 : i32
      %add3A_262 = arith.constant 2 : i32
      %add3A_263 = arith.addi %add3A_261, %add3A_262 : i32
      %dma_wait3A_264 = arith.constant 0 : i32
      %dma_wait3A_265 = arith.constant 0 : i32
      %dma_wait3A_266 = tpu.memref_slice %arg2[%dma_wait3A_264, %dma_wait3A_265] : memref<10000x128xf32, #tpu.memory_space<hbm>> -> memref<128x128xf32, #tpu.memory_space<hbm>>
      %dma_wait3A_267 = arith.constant 0 : i32
      %dma_wait3A_268 = arith.constant 0 : i32
      %dma_wait3A_269 = tpu.memref_slice %arg2[%dma_wait3A_267, %dma_wait3A_268] : memref<10000x128xf32, #tpu.memory_space<hbm>> -> memref<128x128xf32, #tpu.memory_space<hbm>>
      tpu.wait_dma2 semaphore(%arg24 : memref<!tpu.dma_semaphore, #tpu.memory_space<semaphore_mem>>) src(%dma_wait3A_269 : memref<128x128xf32, #tpu.memory_space<hbm>>) dst(%arg14 : memref<128x128xf32, #tpu.memory_space<vmem>>)
      %add3A_270 = arith.constant 2 : i32
      %add3A_271 = arith.addi %add3A_263, %add3A_270 : i32
      %mul3A_272 = arith.constant 128 : i32
      %mul3A_273 = arith.muli %add3A_271, %mul3A_272 : i32
      %add3A_274 = arith.addi %mul3A_4, %mul3A_273 : i32
      %multiple_of3A_275 = tpu.assume_multiple %add3A_274, 128 : i32
      %dma_start3A_276 = tpu.memref_slice %arg3[%multiple_of3A_275] : memref<327680xi32, #tpu.memory_space<hbm>> -> memref<128xi32, #tpu.memory_space<hbm>>
      %dma_start3A_277 = tpu.memref_slice %arg3[%multiple_of3A_275] : memref<327680xi32, #tpu.memory_space<hbm>> -> memref<128xi32, #tpu.memory_space<hbm>>
      tpu.enqueue_dma source(%dma_start3A_277 : memref<128xi32, #tpu.memory_space<hbm>>) target(%arg8 : memref<128xi32, #tpu.memory_space<vmem>>) target_semaphore(%arg20 : memref<!tpu.dma_semaphore, #tpu.memory_space<semaphore_mem>>)
      %dma_start3A_278 = tpu.memref_slice %arg4[%multiple_of3A_275] : memref<327680xi32, #tpu.memory_space<hbm>> -> memref<128xi32, #tpu.memory_space<hbm>>
      %dma_start3A_279 = tpu.memref_slice %arg4[%multiple_of3A_275] : memref<327680xi32, #tpu.memory_space<hbm>> -> memref<128xi32, #tpu.memory_space<hbm>>
      tpu.enqueue_dma source(%dma_start3A_279 : memref<128xi32, #tpu.memory_space<hbm>>) target(%arg12 : memref<128xi32, #tpu.memory_space<vmem>>) target_semaphore(%arg20 : memref<!tpu.dma_semaphore, #tpu.memory_space<semaphore_mem>>)
      %dma_wait3A_280 = arith.constant 0 : i32
      %dma_wait3A_281 = tpu.memref_slice %arg3[%dma_wait3A_280] : memref<327680xi32, #tpu.memory_space<hbm>> -> memref<128xi32, #tpu.memory_space<hbm>>
      %dma_wait3A_282 = arith.constant 0 : i32
      %dma_wait3A_283 = tpu.memref_slice %arg3[%dma_wait3A_282] : memref<327680xi32, #tpu.memory_space<hbm>> -> memref<128xi32, #tpu.memory_space<hbm>>
      tpu.wait_dma2 semaphore(%arg18 : memref<!tpu.dma_semaphore, #tpu.memory_space<semaphore_mem>>) src(%dma_wait3A_283 : memref<128xi32, #tpu.memory_space<hbm>>) dst(%arg6 : memref<128xi32, #tpu.memory_space<vmem>>)
      %dma_wait3A_284 = arith.constant 0 : i32
      %dma_wait3A_285 = tpu.memref_slice %arg4[%dma_wait3A_284] : memref<327680xi32, #tpu.memory_space<hbm>> -> memref<128xi32, #tpu.memory_space<hbm>>
      %dma_wait3A_286 = arith.constant 0 : i32
      %dma_wait3A_287 = tpu.memref_slice %arg4[%dma_wait3A_286] : memref<327680xi32, #tpu.memory_space<hbm>> -> memref<128xi32, #tpu.memory_space<hbm>>
      tpu.wait_dma2 semaphore(%arg18 : memref<!tpu.dma_semaphore, #tpu.memory_space<semaphore_mem>>) src(%dma_wait3A_287 : memref<128xi32, #tpu.memory_space<hbm>>) dst(%arg10 : memref<128xi32, #tpu.memory_space<vmem>>)
      %dma_start3A_288 = arith.constant 0 : i32
      %dma_start3A_289 = arith.constant 0 : i32
      %dma_start3A_290 = tpu.memref_slice %arg2[%dma_start3A_288, %dma_start3A_289] : memref<10000x128xf32, #tpu.memory_space<hbm>> -> memref<10000x128xf32, #tpu.memory_space<hbm>>
      tpu.enqueue_indirect_dma source(%dma_start3A_290 : memref<10000x128xf32, #tpu.memory_space<hbm>>) target(%arg14 : memref<128x128xf32, #tpu.memory_space<vmem>>) offsets(%arg6 : memref<128xi32, #tpu.memory_space<vmem>>) semaphore(%arg22 : memref<!tpu.dma_semaphore, #tpu.memory_space<semaphore_mem>>)
      %dma_wait3A_291 = arith.constant 0 : i32
      %dma_wait3A_292 = arith.constant 0 : i32
      %dma_wait3A_293 = tpu.memref_slice %arg2[%dma_wait3A_291, %dma_wait3A_292] : memref<10000x128xf32, #tpu.memory_space<hbm>> -> memref<128x128xf32, #tpu.memory_space<hbm>>
      %dma_wait3A_294 = arith.constant 0 : i32
      %dma_wait3A_295 = arith.constant 0 : i32
      %dma_wait3A_296 = tpu.memref_slice %arg2[%dma_wait3A_294, %dma_wait3A_295] : memref<10000x128xf32, #tpu.memory_space<hbm>> -> memref<128x128xf32, #tpu.memory_space<hbm>>
      tpu.wait_dma2 semaphore(%arg23 : memref<!tpu.dma_semaphore, #tpu.memory_space<semaphore_mem>>) src(%dma_wait3A_296 : memref<128x128xf32, #tpu.memory_space<hbm>>) dst(%arg15 : memref<128x128xf32, #tpu.memory_space<vmem>>)
      %dma_start3A_297 = arith.constant 0 : i32
      %dma_start3A_298 = arith.constant 0 : i32
      %dma_start3A_299 = tpu.memref_slice %arg17[%dma_start3A_297, %dma_start3A_298] : memref<10240x128xf32, #tpu.memory_space<vmem_shared>> -> memref<10240x128xf32, #tpu.memory_space<vmem_shared>>
      tpu.enqueue_indirect_dma source(%arg15 : memref<128x128xf32, #tpu.memory_space<vmem>>) target(%dma_start3A_299 : memref<10240x128xf32, #tpu.memory_space<vmem_shared>>) offsets(%arg13 : memref<128xi32, #tpu.memory_space<vmem>>) semaphore(%arg25 : memref<!tpu.dma_semaphore, #tpu.memory_space<semaphore_mem>>) {add = true}
      %mul3A_300 = arith.constant 4 : i32
      %mul3A_301 = arith.muli %scan3A_172, %mul3A_300 : i32
      %add3A_302 = arith.constant 2 : i32
      %add3A_303 = arith.addi %mul3A_301, %add3A_302 : i32
      %add3A_304 = arith.constant 3 : i32
      %add3A_305 = arith.addi %add3A_303, %add3A_304 : i32
      %dma_wait3A_306 = arith.constant 0 : i32
      %dma_wait3A_307 = arith.constant 0 : i32
      %dma_wait3A_308 = tpu.memref_slice %arg2[%dma_wait3A_306, %dma_wait3A_307] : memref<10000x128xf32, #tpu.memory_space<hbm>> -> memref<128x128xf32, #tpu.memory_space<hbm>>
      %dma_wait3A_309 = arith.constant 0 : i32
      %dma_wait3A_310 = arith.constant 0 : i32
      %dma_wait3A_311 = tpu.memref_slice %arg2[%dma_wait3A_309, %dma_wait3A_310] : memref<10000x128xf32, #tpu.memory_space<hbm>> -> memref<128x128xf32, #tpu.memory_space<hbm>>
      tpu.wait_dma2 semaphore(%arg25 : memref<!tpu.dma_semaphore, #tpu.memory_space<semaphore_mem>>) src(%dma_wait3A_311 : memref<128x128xf32, #tpu.memory_space<hbm>>) dst(%arg15 : memref<128x128xf32, #tpu.memory_space<vmem>>)
      %add3A_312 = arith.constant 2 : i32
      %add3A_313 = arith.addi %add3A_305, %add3A_312 : i32
      %mul3A_314 = arith.constant 128 : i32
      %mul3A_315 = arith.muli %add3A_313, %mul3A_314 : i32
      %add3A_316 = arith.addi %mul3A_4, %mul3A_315 : i32
      %multiple_of3A_317 = tpu.assume_multiple %add3A_316, 128 : i32
      %dma_start3A_318 = tpu.memref_slice %arg3[%multiple_of3A_317] : memref<327680xi32, #tpu.memory_space<hbm>> -> memref<128xi32, #tpu.memory_space<hbm>>
      %dma_start3A_319 = tpu.memref_slice %arg3[%multiple_of3A_317] : memref<327680xi32, #tpu.memory_space<hbm>> -> memref<128xi32, #tpu.memory_space<hbm>>
      tpu.enqueue_dma source(%dma_start3A_319 : memref<128xi32, #tpu.memory_space<hbm>>) target(%arg9 : memref<128xi32, #tpu.memory_space<vmem>>) target_semaphore(%arg21 : memref<!tpu.dma_semaphore, #tpu.memory_space<semaphore_mem>>)
      %dma_start3A_320 = tpu.memref_slice %arg4[%multiple_of3A_317] : memref<327680xi32, #tpu.memory_space<hbm>> -> memref<128xi32, #tpu.memory_space<hbm>>
      %dma_start3A_321 = tpu.memref_slice %arg4[%multiple_of3A_317] : memref<327680xi32, #tpu.memory_space<hbm>> -> memref<128xi32, #tpu.memory_space<hbm>>
      tpu.enqueue_dma source(%dma_start3A_321 : memref<128xi32, #tpu.memory_space<hbm>>) target(%arg13 : memref<128xi32, #tpu.memory_space<vmem>>) target_semaphore(%arg21 : memref<!tpu.dma_semaphore, #tpu.memory_space<semaphore_mem>>)
      %dma_wait3A_322 = arith.constant 0 : i32
      %dma_wait3A_323 = tpu.memref_slice %arg3[%dma_wait3A_322] : memref<327680xi32, #tpu.memory_space<hbm>> -> memref<128xi32, #tpu.memory_space<hbm>>
      %dma_wait3A_324 = arith.constant 0 : i32
      %dma_wait3A_325 = tpu.memref_slice %arg3[%dma_wait3A_324] : memref<327680xi32, #tpu.memory_space<hbm>> -> memref<128xi32, #tpu.memory_space<hbm>>
      tpu.wait_dma2 semaphore(%arg19 : memref<!tpu.dma_semaphore, #tpu.memory_space<semaphore_mem>>) src(%dma_wait3A_325 : memref<128xi32, #tpu.memory_space<hbm>>) dst(%arg7 : memref<128xi32, #tpu.memory_space<vmem>>)
      %dma_wait3A_326 = arith.constant 0 : i32
      %dma_wait3A_327 = tpu.memref_slice %arg4[%dma_wait3A_326] : memref<327680xi32, #tpu.memory_space<hbm>> -> memref<128xi32, #tpu.memory_space<hbm>>
      %dma_wait3A_328 = arith.constant 0 : i32
      %dma_wait3A_329 = tpu.memref_slice %arg4[%dma_wait3A_328] : memref<327680xi32, #tpu.memory_space<hbm>> -> memref<128xi32, #tpu.memory_space<hbm>>
      tpu.wait_dma2 semaphore(%arg19 : memref<!tpu.dma_semaphore, #tpu.memory_space<semaphore_mem>>) src(%dma_wait3A_329 : memref<128xi32, #tpu.memory_space<hbm>>) dst(%arg11 : memref<128xi32, #tpu.memory_space<vmem>>)
      %dma_start3A_330 = arith.constant 0 : i32
      %dma_start3A_331 = arith.constant 0 : i32
      %dma_start3A_332 = tpu.memref_slice %arg2[%dma_start3A_330, %dma_start3A_331] : memref<10000x128xf32, #tpu.memory_space<hbm>> -> memref<10000x128xf32, #tpu.memory_space<hbm>>
      tpu.enqueue_indirect_dma source(%dma_start3A_332 : memref<10000x128xf32, #tpu.memory_space<hbm>>) target(%arg15 : memref<128x128xf32, #tpu.memory_space<vmem>>) offsets(%arg7 : memref<128xi32, #tpu.memory_space<vmem>>) semaphore(%arg23 : memref<!tpu.dma_semaphore, #tpu.memory_space<semaphore_mem>>)
      %dma_wait3A_333 = arith.constant 0 : i32
      %dma_wait3A_334 = arith.constant 0 : i32
      %dma_wait3A_335 = tpu.memref_slice %arg2[%dma_wait3A_333, %dma_wait3A_334] : memref<10000x128xf32, #tpu.memory_space<hbm>> -> memref<128x128xf32, #tpu.memory_space<hbm>>
      %dma_wait3A_336 = arith.constant 0 : i32
      %dma_wait3A_337 = arith.constant 0 : i32
      %dma_wait3A_338 = tpu.memref_slice %arg2[%dma_wait3A_336, %dma_wait3A_337] : memref<10000x128xf32, #tpu.memory_space<hbm>> -> memref<128x128xf32, #tpu.memory_space<hbm>>
      tpu.wait_dma2 semaphore(%arg22 : memref<!tpu.dma_semaphore, #tpu.memory_space<semaphore_mem>>) src(%dma_wait3A_338 : memref<128x128xf32, #tpu.memory_space<hbm>>) dst(%arg14 : memref<128x128xf32, #tpu.memory_space<vmem>>)
      %dma_start3A_339 = arith.constant 0 : i32
      %dma_start3A_340 = arith.constant 0 : i32
      %dma_start3A_341 = tpu.memref_slice %arg17[%dma_start3A_339, %dma_start3A_340] : memref<10240x128xf32, #tpu.memory_space<vmem_shared>> -> memref<10240x128xf32, #tpu.memory_space<vmem_shared>>
      tpu.enqueue_indirect_dma source(%arg14 : memref<128x128xf32, #tpu.memory_space<vmem>>) target(%dma_start3A_341 : memref<10240x128xf32, #tpu.memory_space<vmem_shared>>) offsets(%arg10 : memref<128xi32, #tpu.memory_space<vmem>>) semaphore(%arg24 : memref<!tpu.dma_semaphore, #tpu.memory_space<semaphore_mem>>) {add = true}
      %scan3A_342 = arith.constant 0 : i32
      scf.yield %scan3A_342 : i32
    }
    %scan3A_80 = arith.constant 19 : i32
    %dma_wait3A_81 = arith.constant 0 : i32
    %dma_wait3A_82 = arith.constant 0 : i32
    %dma_wait3A_83 = tpu.memref_slice %arg2[%dma_wait3A_81, %dma_wait3A_82] : memref<10000x128xf32, #tpu.memory_space<hbm>> -> memref<128x128xf32, #tpu.memory_space<hbm>>
    %dma_wait3A_84 = arith.constant 0 : i32
    %dma_wait3A_85 = arith.constant 0 : i32
    %dma_wait3A_86 = tpu.memref_slice %arg2[%dma_wait3A_84, %dma_wait3A_85] : memref<10000x128xf32, #tpu.memory_space<hbm>> -> memref<128x128xf32, #tpu.memory_space<hbm>>
    tpu.wait_dma2 semaphore(%arg24 : memref<!tpu.dma_semaphore, #tpu.memory_space<semaphore_mem>>) src(%dma_wait3A_86 : memref<128x128xf32, #tpu.memory_space<hbm>>) dst(%arg14 : memref<128x128xf32, #tpu.memory_space<vmem>>)
    %dma_wait3A_87 = arith.constant 0 : i32
    %dma_wait3A_88 = tpu.memref_slice %arg3[%dma_wait3A_87] : memref<327680xi32, #tpu.memory_space<hbm>> -> memref<128xi32, #tpu.memory_space<hbm>>
    %dma_wait3A_89 = arith.constant 0 : i32
    %dma_wait3A_90 = tpu.memref_slice %arg3[%dma_wait3A_89] : memref<327680xi32, #tpu.memory_space<hbm>> -> memref<128xi32, #tpu.memory_space<hbm>>
    tpu.wait_dma2 semaphore(%arg20 : memref<!tpu.dma_semaphore, #tpu.memory_space<semaphore_mem>>) src(%dma_wait3A_90 : memref<128xi32, #tpu.memory_space<hbm>>) dst(%arg8 : memref<128xi32, #tpu.memory_space<vmem>>)
    %dma_wait3A_91 = arith.constant 0 : i32
    %dma_wait3A_92 = tpu.memref_slice %arg4[%dma_wait3A_91] : memref<327680xi32, #tpu.memory_space<hbm>> -> memref<128xi32, #tpu.memory_space<hbm>>
    %dma_wait3A_93 = arith.constant 0 : i32
    %dma_wait3A_94 = tpu.memref_slice %arg4[%dma_wait3A_93] : memref<327680xi32, #tpu.memory_space<hbm>> -> memref<128xi32, #tpu.memory_space<hbm>>
    tpu.wait_dma2 semaphore(%arg20 : memref<!tpu.dma_semaphore, #tpu.memory_space<semaphore_mem>>) src(%dma_wait3A_94 : memref<128xi32, #tpu.memory_space<hbm>>) dst(%arg12 : memref<128xi32, #tpu.memory_space<vmem>>)
    %dma_start3A_95 = arith.constant 0 : i32
    %dma_start3A_96 = arith.constant 0 : i32
    %dma_start3A_97 = tpu.memref_slice %arg2[%dma_start3A_95, %dma_start3A_96] : memref<10000x128xf32, #tpu.memory_space<hbm>> -> memref<10000x128xf32, #tpu.memory_space<hbm>>
    tpu.enqueue_indirect_dma source(%dma_start3A_97 : memref<10000x128xf32, #tpu.memory_space<hbm>>) target(%arg14 : memref<128x128xf32, #tpu.memory_space<vmem>>) offsets(%arg8 : memref<128xi32, #tpu.memory_space<vmem>>) semaphore(%arg22 : memref<!tpu.dma_semaphore, #tpu.memory_space<semaphore_mem>>)
    %dma_wait3A_98 = arith.constant 0 : i32
    %dma_wait3A_99 = arith.constant 0 : i32
    %dma_wait3A_100 = tpu.memref_slice %arg2[%dma_wait3A_98, %dma_wait3A_99] : memref<10000x128xf32, #tpu.memory_space<hbm>> -> memref<128x128xf32, #tpu.memory_space<hbm>>
    %dma_wait3A_101 = arith.constant 0 : i32
    %dma_wait3A_102 = arith.constant 0 : i32
    %dma_wait3A_103 = tpu.memref_slice %arg2[%dma_wait3A_101, %dma_wait3A_102] : memref<10000x128xf32, #tpu.memory_space<hbm>> -> memref<128x128xf32, #tpu.memory_space<hbm>>
    tpu.wait_dma2 semaphore(%arg23 : memref<!tpu.dma_semaphore, #tpu.memory_space<semaphore_mem>>) src(%dma_wait3A_103 : memref<128x128xf32, #tpu.memory_space<hbm>>) dst(%arg15 : memref<128x128xf32, #tpu.memory_space<vmem>>)
    %dma_start3A_104 = arith.constant 0 : i32
    %dma_start3A_105 = arith.constant 0 : i32
    %dma_start3A_106 = tpu.memref_slice %arg17[%dma_start3A_104, %dma_start3A_105] : memref<10240x128xf32, #tpu.memory_space<vmem_shared>> -> memref<10240x128xf32, #tpu.memory_space<vmem_shared>>
    tpu.enqueue_indirect_dma source(%arg15 : memref<128x128xf32, #tpu.memory_space<vmem>>) target(%dma_start3A_106 : memref<10240x128xf32, #tpu.memory_space<vmem_shared>>) offsets(%arg11 : memref<128xi32, #tpu.memory_space<vmem>>) semaphore(%arg25 : memref<!tpu.dma_semaphore, #tpu.memory_space<semaphore_mem>>) {add = true}
    %dma_wait3A_107 = arith.constant 0 : i32
    %dma_wait3A_108 = arith.constant 0 : i32
    %dma_wait3A_109 = tpu.memref_slice %arg2[%dma_wait3A_107, %dma_wait3A_108] : memref<10000x128xf32, #tpu.memory_space<hbm>> -> memref<128x128xf32, #tpu.memory_space<hbm>>
    %dma_wait3A_110 = arith.constant 0 : i32
    %dma_wait3A_111 = arith.constant 0 : i32
    %dma_wait3A_112 = tpu.memref_slice %arg2[%dma_wait3A_110, %dma_wait3A_111] : memref<10000x128xf32, #tpu.memory_space<hbm>> -> memref<128x128xf32, #tpu.memory_space<hbm>>
    tpu.wait_dma2 semaphore(%arg25 : memref<!tpu.dma_semaphore, #tpu.memory_space<semaphore_mem>>) src(%dma_wait3A_112 : memref<128x128xf32, #tpu.memory_space<hbm>>) dst(%arg15 : memref<128x128xf32, #tpu.memory_space<vmem>>)
    %dma_wait3A_113 = arith.constant 0 : i32
    %dma_wait3A_114 = tpu.memref_slice %arg3[%dma_wait3A_113] : memref<327680xi32, #tpu.memory_space<hbm>> -> memref<128xi32, #tpu.memory_space<hbm>>
    %dma_wait3A_115 = arith.constant 0 : i32
    %dma_wait3A_116 = tpu.memref_slice %arg3[%dma_wait3A_115] : memref<327680xi32, #tpu.memory_space<hbm>> -> memref<128xi32, #tpu.memory_space<hbm>>
    tpu.wait_dma2 semaphore(%arg21 : memref<!tpu.dma_semaphore, #tpu.memory_space<semaphore_mem>>) src(%dma_wait3A_116 : memref<128xi32, #tpu.memory_space<hbm>>) dst(%arg9 : memref<128xi32, #tpu.memory_space<vmem>>)
    %dma_wait3A_117 = arith.constant 0 : i32
    %dma_wait3A_118 = tpu.memref_slice %arg4[%dma_wait3A_117] : memref<327680xi32, #tpu.memory_space<hbm>> -> memref<128xi32, #tpu.memory_space<hbm>>
    %dma_wait3A_119 = arith.constant 0 : i32
    %dma_wait3A_120 = tpu.memref_slice %arg4[%dma_wait3A_119] : memref<327680xi32, #tpu.memory_space<hbm>> -> memref<128xi32, #tpu.memory_space<hbm>>
    tpu.wait_dma2 semaphore(%arg21 : memref<!tpu.dma_semaphore, #tpu.memory_space<semaphore_mem>>) src(%dma_wait3A_120 : memref<128xi32, #tpu.memory_space<hbm>>) dst(%arg13 : memref<128xi32, #tpu.memory_space<vmem>>)
    %dma_start3A_121 = arith.constant 0 : i32
    %dma_start3A_122 = arith.constant 0 : i32
    %dma_start3A_123 = tpu.memref_slice %arg2[%dma_start3A_121, %dma_start3A_122] : memref<10000x128xf32, #tpu.memory_space<hbm>> -> memref<10000x128xf32, #tpu.memory_space<hbm>>
    tpu.enqueue_indirect_dma source(%dma_start3A_123 : memref<10000x128xf32, #tpu.memory_space<hbm>>) target(%arg15 : memref<128x128xf32, #tpu.memory_space<vmem>>) offsets(%arg9 : memref<128xi32, #tpu.memory_space<vmem>>) semaphore(%arg23 : memref<!tpu.dma_semaphore, #tpu.memory_space<semaphore_mem>>)
    %dma_wait3A_124 = arith.constant 0 : i32
    %dma_wait3A_125 = arith.constant 0 : i32
    %dma_wait3A_126 = tpu.memref_slice %arg2[%dma_wait3A_124, %dma_wait3A_125] : memref<10000x128xf32, #tpu.memory_space<hbm>> -> memref<128x128xf32, #tpu.memory_space<hbm>>
    %dma_wait3A_127 = arith.constant 0 : i32
    %dma_wait3A_128 = arith.constant 0 : i32
    %dma_wait3A_129 = tpu.memref_slice %arg2[%dma_wait3A_127, %dma_wait3A_128] : memref<10000x128xf32, #tpu.memory_space<hbm>> -> memref<128x128xf32, #tpu.memory_space<hbm>>
    tpu.wait_dma2 semaphore(%arg22 : memref<!tpu.dma_semaphore, #tpu.memory_space<semaphore_mem>>) src(%dma_wait3A_129 : memref<128x128xf32, #tpu.memory_space<hbm>>) dst(%arg14 : memref<128x128xf32, #tpu.memory_space<vmem>>)
    %dma_start3A_130 = arith.constant 0 : i32
    %dma_start3A_131 = arith.constant 0 : i32
    %dma_start3A_132 = tpu.memref_slice %arg17[%dma_start3A_130, %dma_start3A_131] : memref<10240x128xf32, #tpu.memory_space<vmem_shared>> -> memref<10240x128xf32, #tpu.memory_space<vmem_shared>>
    tpu.enqueue_indirect_dma source(%arg14 : memref<128x128xf32, #tpu.memory_space<vmem>>) target(%dma_start3A_132 : memref<10240x128xf32, #tpu.memory_space<vmem_shared>>) offsets(%arg12 : memref<128xi32, #tpu.memory_space<vmem>>) semaphore(%arg24 : memref<!tpu.dma_semaphore, #tpu.memory_space<semaphore_mem>>) {add = true}
    %dma_wait3A_133 = arith.constant 0 : i32
    %dma_wait3A_134 = arith.constant 0 : i32
    %dma_wait3A_135 = tpu.memref_slice %arg2[%dma_wait3A_133, %dma_wait3A_134] : memref<10000x128xf32, #tpu.memory_space<hbm>> -> memref<128x128xf32, #tpu.memory_space<hbm>>
    %dma_wait3A_136 = arith.constant 0 : i32
    %dma_wait3A_137 = arith.constant 0 : i32
    %dma_wait3A_138 = tpu.memref_slice %arg2[%dma_wait3A_136, %dma_wait3A_137] : memref<10000x128xf32, #tpu.memory_space<hbm>> -> memref<128x128xf32, #tpu.memory_space<hbm>>
    tpu.wait_dma2 semaphore(%arg23 : memref<!tpu.dma_semaphore, #tpu.memory_space<semaphore_mem>>) src(%dma_wait3A_138 : memref<128x128xf32, #tpu.memory_space<hbm>>) dst(%arg15 : memref<128x128xf32, #tpu.memory_space<vmem>>)
    %dma_start3A_139 = arith.constant 0 : i32
    %dma_start3A_140 = arith.constant 0 : i32
    %dma_start3A_141 = tpu.memref_slice %arg17[%dma_start3A_139, %dma_start3A_140] : memref<10240x128xf32, #tpu.memory_space<vmem_shared>> -> memref<10240x128xf32, #tpu.memory_space<vmem_shared>>
    tpu.enqueue_indirect_dma source(%arg15 : memref<128x128xf32, #tpu.memory_space<vmem>>) target(%dma_start3A_141 : memref<10240x128xf32, #tpu.memory_space<vmem_shared>>) offsets(%arg13 : memref<128xi32, #tpu.memory_space<vmem>>) semaphore(%arg25 : memref<!tpu.dma_semaphore, #tpu.memory_space<semaphore_mem>>) {add = true}
    %dma_wait3A_142 = arith.constant 0 : i32
    %dma_wait3A_143 = arith.constant 0 : i32
    %dma_wait3A_144 = tpu.memref_slice %arg2[%dma_wait3A_142, %dma_wait3A_143] : memref<10000x128xf32, #tpu.memory_space<hbm>> -> memref<128x128xf32, #tpu.memory_space<hbm>>
    %dma_wait3A_145 = arith.constant 0 : i32
    %dma_wait3A_146 = arith.constant 0 : i32
    %dma_wait3A_147 = tpu.memref_slice %arg2[%dma_wait3A_145, %dma_wait3A_146] : memref<10000x128xf32, #tpu.memory_space<hbm>> -> memref<128x128xf32, #tpu.memory_space<hbm>>
    tpu.wait_dma2 semaphore(%arg24 : memref<!tpu.dma_semaphore, #tpu.memory_space<semaphore_mem>>) src(%dma_wait3A_147 : memref<128x128xf32, #tpu.memory_space<hbm>>) dst(%arg14 : memref<128x128xf32, #tpu.memory_space<vmem>>)
    %dma_wait3A_148 = arith.constant 0 : i32
    %dma_wait3A_149 = arith.constant 0 : i32
    %dma_wait3A_150 = tpu.memref_slice %arg2[%dma_wait3A_148, %dma_wait3A_149] : memref<10000x128xf32, #tpu.memory_space<hbm>> -> memref<128x128xf32, #tpu.memory_space<hbm>>
    %dma_wait3A_151 = arith.constant 0 : i32
    %dma_wait3A_152 = arith.constant 0 : i32
    %dma_wait3A_153 = tpu.memref_slice %arg2[%dma_wait3A_151, %dma_wait3A_152] : memref<10000x128xf32, #tpu.memory_space<hbm>> -> memref<128x128xf32, #tpu.memory_space<hbm>>
    tpu.wait_dma2 semaphore(%arg25 : memref<!tpu.dma_semaphore, #tpu.memory_space<semaphore_mem>>) src(%dma_wait3A_153 : memref<128x128xf32, #tpu.memory_space<hbm>>) dst(%arg15 : memref<128x128xf32, #tpu.memory_space<vmem>>)
    %barrier3A_154 = arith.constant 0 : index
    tpu.barrier barrier_id(%barrier3A_154)
    %mul3A_155 = arith.constant 640 : i32
    %mul3A_156 = arith.muli %arg1, %mul3A_155 : i32
    %add3A_157 = arith.constant 640 : i32
    %add3A_158 = arith.addi %mul3A_156, %add3A_157 : i32
    %le3A = arith.constant 10000 : i32
    %le3A_159 = arith.cmpi sle, %add3A_158, %le3A : i32
    %convert_element_type3A = arith.extui %le3A_159 : i1 to i32
    %cond3A = arith.constant 0 : i32
    %cond3A_160 = arith.cmpi ne, %convert_element_type3A, %cond3A : i32
    scf.if %cond3A_160 {
      %mul3A_172 = arith.constant 640 : i32
      %mul3A_173 = arith.muli %arg1, %mul3A_172 : i32
      %mul3A_174 = arith.constant 10000 : i32
      %mul3A_175 = arith.muli %arg0, %mul3A_174 : i32
      %mul3A_176 = arith.constant 640 : i32
      %mul3A_177 = arith.muli %arg1, %mul3A_176 : i32
      %add3A_178 = arith.addi %mul3A_175, %mul3A_177 : i32
      "tpu.region"() ({
        %run_scoped3A = tpu.sem_alloc : memref<!tpu.dma_semaphore, #tpu.memory_space<semaphore_mem>>
        %dma_start3A_179 = arith.constant 0 : i32
        %dma_start3A_180 = tpu.memref_slice %arg5[%add3A_178, %dma_start3A_179] : memref<20000x128xf32, #tpu.memory_space<hbm>> -> memref<640x128xf32, #tpu.memory_space<hbm>>
        %dma_start3A_181 = arith.constant 0 : i32
        %dma_start3A_182 = tpu.memref_slice %arg17[%mul3A_173, %dma_start3A_181] : memref<10240x128xf32, #tpu.memory_space<vmem_shared>> -> memref<640x128xf32, #tpu.memory_space<vmem_shared>>
        tpu.enqueue_dma source(%dma_start3A_182 : memref<640x128xf32, #tpu.memory_space<vmem_shared>>) target(%dma_start3A_180 : memref<640x128xf32, #tpu.memory_space<hbm>>) target_semaphore(%run_scoped3A : memref<!tpu.dma_semaphore, #tpu.memory_space<semaphore_mem>>)
        %dma_wait3A_183 = arith.constant 0 : i32
        %dma_wait3A_184 = tpu.memref_slice %arg5[%add3A_178, %dma_wait3A_183] : memref<20000x128xf32, #tpu.memory_space<hbm>> -> memref<640x128xf32, #tpu.memory_space<hbm>>
        %dma_wait3A_185 = arith.constant 0 : i32
        %dma_wait3A_186 = tpu.memref_slice %arg17[%mul3A_173, %dma_wait3A_185] : memref<10240x128xf32, #tpu.memory_space<vmem_shared>> -> memref<640x128xf32, #tpu.memory_space<vmem_shared>>
        tpu.wait_dma2 semaphore(%run_scoped3A : memref<!tpu.dma_semaphore, #tpu.memory_space<semaphore_mem>>) src(%dma_wait3A_186 : memref<640x128xf32, #tpu.memory_space<vmem_shared>>) dst(%dma_wait3A_184 : memref<640x128xf32, #tpu.memory_space<hbm>>)
        tpu.yield
      }) : () -> ()
    } else {
    }
    %mul3A_161 = arith.constant 640 : i32
    %mul3A_162 = arith.muli %arg1, %mul3A_161 : i32
    %lt3A = arith.constant 10000 : i32
    %lt3A_163 = arith.cmpi slt, %mul3A_162, %lt3A : i32
    %mul3A_164 = arith.constant 640 : i32
    %mul3A_165 = arith.muli %arg1, %mul3A_164 : i32
    %add3A_166 = arith.constant 640 : i32
    %add3A_167 = arith.addi %mul3A_165, %add3A_166 : i32
    %gt3A = arith.constant 10000 : i32
    %gt3A_168 = arith.cmpi sgt, %add3A_167, %gt3A : i32
    %and3A = arith.andi %lt3A_163, %gt3A_168 : i1
    %convert_element_type3A_169 = arith.extui %and3A : i1 to i32
    %cond3A_170 = arith.constant 0 : i32
    %cond3A_171 = arith.cmpi ne, %convert_element_type3A_169, %cond3A_170 : i32
    scf.if %cond3A_171 {
      %mul3A_172 = arith.constant 640 : i32
      %mul3A_173 = arith.muli %arg1, %mul3A_172 : i32
      %mul3A_174 = arith.constant 10000 : i32
      %mul3A_175 = arith.muli %arg0, %mul3A_174 : i32
      %mul3A_176 = arith.constant 640 : i32
      %mul3A_177 = arith.muli %arg1, %mul3A_176 : i32
      %add3A_178 = arith.addi %mul3A_175, %mul3A_177 : i32
      "tpu.region"() ({
        %run_scoped3A = tpu.sem_alloc : memref<!tpu.dma_semaphore, #tpu.memory_space<semaphore_mem>>
        %dma_start3A_179 = arith.constant 0 : i32
        %dma_start3A_180 = tpu.memref_slice %arg5[%add3A_178, %dma_start3A_179] : memref<20000x128xf32, #tpu.memory_space<hbm>> -> memref<400x128xf32, #tpu.memory_space<hbm>>
        %dma_start3A_181 = arith.constant 0 : i32
        %dma_start3A_182 = tpu.memref_slice %arg17[%mul3A_173, %dma_start3A_181] : memref<10240x128xf32, #tpu.memory_space<vmem_shared>> -> memref<400x128xf32, #tpu.memory_space<vmem_shared>>
        tpu.enqueue_dma source(%dma_start3A_182 : memref<400x128xf32, #tpu.memory_space<vmem_shared>>) target(%dma_start3A_180 : memref<400x128xf32, #tpu.memory_space<hbm>>) target_semaphore(%run_scoped3A : memref<!tpu.dma_semaphore, #tpu.memory_space<semaphore_mem>>)
        %dma_wait3A_183 = arith.constant 0 : i32
        %dma_wait3A_184 = tpu.memref_slice %arg5[%add3A_178, %dma_wait3A_183] : memref<20000x128xf32, #tpu.memory_space<hbm>> -> memref<400x128xf32, #tpu.memory_space<hbm>>
        %dma_wait3A_185 = arith.constant 0 : i32
        %dma_wait3A_186 = tpu.memref_slice %arg17[%mul3A_173, %dma_wait3A_185] : memref<10240x128xf32, #tpu.memory_space<vmem_shared>> -> memref<400x128xf32, #tpu.memory_space<vmem_shared>>
        tpu.wait_dma2 semaphore(%run_scoped3A : memref<!tpu.dma_semaphore, #tpu.memory_space<semaphore_mem>>) src(%dma_wait3A_186 : memref<400x128xf32, #tpu.memory_space<vmem_shared>>) dst(%dma_wait3A_184 : memref<400x128xf32, #tpu.memory_space<hbm>>)
        tpu.yield
      }) : () -> ()
    } else {
    }
    return
  }
}

module attributes {stable_mosaic.version = 14 : i64} {
  func.func @body(%arg0: i32, %arg1: memref<1000x128xf32, #tpu.memory_space<vmem>>, %arg2: memref<1000x128xf32, #tpu.memory_space<vmem>>, %arg3: memref<1000x128xf32, #tpu.memory_space<vmem>>, %arg4: memref<1000x128xf32, #tpu.memory_space<vmem>>) attributes {dimension_semantics = [#tpu.dimension_semantics<arbitrary>], iteration_bounds = array<i64: 10>, scalar_prefetch = 0 : i64, scratch_operands = 0 : i64, tpu.core_type = #tpu.core_type<tc>, window_params = [{transform_indices = @transform_0, window_bounds = array<i64: 1000, 128>}, {transform_indices = @transform_1, window_bounds = array<i64: 1000, 128>}, {transform_indices = @transform_2, window_bounds = array<i64: 1000, 128>}, {transform_indices = @transform_3, window_bounds = array<i64: 1000, 128>}]} {
    %get3A = arith.constant 0 : index
    %get3A_0 = arith.constant 0 : index
    %get3A_1 = vector.load %arg1[%get3A, %get3A_0] : memref<1000x128xf32, #tpu.memory_space<vmem>>, vector<1000x128xf32>
    %get3A_2 = arith.constant 0 : index
    %get3A_3 = arith.constant 0 : index
    %get3A_4 = vector.load %arg2[%get3A_2, %get3A_3] : memref<1000x128xf32, #tpu.memory_space<vmem>>, vector<1000x1xf32>
    %get3A_5 = arith.constant 0 : index
    %get3A_6 = arith.constant 0 : index
    %get3A_7 = vector.load %arg3[%get3A_5, %get3A_6] : memref<1000x128xf32, #tpu.memory_space<vmem>>, vector<1000x1xf32>
    %add3A = arith.addf %get3A_4, %get3A_7 : vector<1000x1xf32>
    %add3A_8 = arith.constant 1.000000e+00 : f32
    %add3A_9 = vector.broadcast %add3A_8 : f32 to vector<1000x1xf32>
    %add3A_10 = arith.addf %add3A, %add3A_9 : vector<1000x1xf32>
    %rsqrt3A = math.rsqrt %add3A_10 : vector<1000x1xf32>
    %mul3A = vector.broadcast %rsqrt3A : vector<1000x1xf32> to vector<1000x128xf32>
    %mul3A_11 = arith.mulf %get3A_1, %mul3A : vector<1000x128xf32>
    %swap3A = arith.constant 0 : index
    %swap3A_12 = arith.constant 0 : index
    %swap3A_13 = vector.load %arg4[%swap3A, %swap3A_12] : memref<1000x128xf32, #tpu.memory_space<vmem>>, vector<1000x128xf32>
    tpu.vector_store %arg4[%swap3A, %swap3A_12], %mul3A_11 {strides = array<i32>} : memref<1000x128xf32, #tpu.memory_space<vmem>>, vector<1000x128xf32>,
    return
  }
  func.func @transform_0(%arg0: i32) -> (i32, i32) {
    %c0_i32 = arith.constant 0 : i32
    %c0_i32_0 = arith.constant 0 : i32
    return %arg0, %c0_i32 : i32, i32
  }
  func.func @transform_1(%arg0: i32) -> (i32, i32) {
    %c0_i32 = arith.constant 0 : i32
    %c0_i32_0 = arith.constant 0 : i32
    return %arg0, %c0_i32 : i32, i32
  }
  func.func @transform_2(%arg0: i32) -> (i32, i32) {
    %add3A = arith.constant 10 : i32
    %add3A_0 = arith.addi %add3A, %arg0 : i32
    %c0_i32 = arith.constant 0 : i32
    %c0_i32_1 = arith.constant 0 : i32
    return %add3A_0, %c0_i32 : i32, i32
  }
  func.func @transform_3(%arg0: i32) -> (i32, i32) {
    %c0_i32 = arith.constant 0 : i32
    %c0_i32_0 = arith.constant 0 : i32
    return %arg0, %c0_i32 : i32, i32
  }
}

module attributes {stable_mosaic.version = 14 : i64} {
  func.func @body(%arg0: i32, %arg1: memref<1000x128xf32, #tpu.memory_space<vmem>>, %arg2: memref<1000x128xf32, #tpu.memory_space<vmem>>, %arg3: memref<1000x128xf32, #tpu.memory_space<vmem>>, %arg4: memref<1000x128xf32, #tpu.memory_space<vmem>>, %arg5: memref<1000x128xf32, #tpu.memory_space<vmem>>, %arg6: memref<256x256xf32, #tpu.memory_space<vmem>>, %arg7: memref<1x256xf32, #tpu.memory_space<vmem>>, %arg8: memref<1000x256xf32, #tpu.memory_space<vmem>>, %arg9: memref<8x256xf32, #tpu.memory_space<vmem>>, %arg10: memref<8x256xf32, #tpu.memory_space<vmem>>) attributes {dimension_semantics = [#tpu.dimension_semantics<arbitrary>], iteration_bounds = array<i64: 10>, scalar_prefetch = 0 : i64, scratch_operands = 0 : i64, tpu.core_type = #tpu.core_type<tc>, window_params = [{transform_indices = @transform_0, window_bounds = array<i64: 1000, 128>}, {transform_indices = @transform_1, window_bounds = array<i64: 1000, 128>}, {transform_indices = @transform_2, window_bounds = array<i64: 1000, 128>}, {transform_indices = @transform_3, window_bounds = array<i64: 1000, 128>}, {transform_indices = @transform_4, window_bounds = array<i64: 1000, 128>}, {pipeline_mode = #tpu.pipeline_mode<synchronous>, transform_indices = @transform_5, window_bounds = array<i64: 256, 256>}, {pipeline_mode = #tpu.pipeline_mode<synchronous>, transform_indices = @transform_6, window_bounds = array<i64: 1, 256>}, {transform_indices = @transform_7, window_bounds = array<i64: 1000, 256>}, {pipeline_mode = #tpu.pipeline_mode<synchronous>, transform_indices = @transform_8, window_bounds = array<i64: 8, 256>}, {pipeline_mode = #tpu.pipeline_mode<synchronous>, transform_indices = @transform_9, window_bounds = array<i64: 8, 256>}]} {
    %get3A = arith.constant 0 : index
    %get3A_0 = arith.constant 0 : index
    %get3A_1 = vector.load %arg3[%get3A, %get3A_0] : memref<1000x128xf32, #tpu.memory_space<vmem>>, vector<1000x128xf32>
    %get3A_2 = arith.constant 0 : index
    %get3A_3 = arith.constant 0 : index
    %get3A_4 = vector.load %arg4[%get3A_2, %get3A_3] : memref<1000x128xf32, #tpu.memory_space<vmem>>, vector<1000x1xf32>
    %get3A_5 = arith.constant 0 : index
    %get3A_6 = arith.constant 0 : index
    %get3A_7 = vector.load %arg5[%get3A_5, %get3A_6] : memref<1000x128xf32, #tpu.memory_space<vmem>>, vector<1000x1xf32>
    %add3A = arith.addf %get3A_4, %get3A_7 : vector<1000x1xf32>
    %add3A_8 = arith.constant 1.000000e+00 : f32
    %add3A_9 = vector.broadcast %add3A_8 : f32 to vector<1000x1xf32>
    %add3A_10 = arith.addf %add3A, %add3A_9 : vector<1000x1xf32>
    %rsqrt3A = math.rsqrt %add3A_10 : vector<1000x1xf32>
    %get3A_11 = arith.constant 0 : index
    %get3A_12 = arith.constant 0 : index
    %get3A_13 = vector.load %arg1[%get3A_11, %get3A_12] : memref<1000x128xf32, #tpu.memory_space<vmem>>, vector<1000x128xf32>
    %get3A_14 = arith.constant 0 : index
    %get3A_15 = arith.constant 0 : index
    %get3A_16 = vector.load %arg2[%get3A_14, %get3A_15] : memref<1000x128xf32, #tpu.memory_space<vmem>>, vector<1000x128xf32>
    %add3A_17 = arith.addf %get3A_13, %get3A_16 : vector<1000x128xf32>
    %mul3A = vector.broadcast %rsqrt3A : vector<1000x1xf32> to vector<1000x128xf32>
    %mul3A_18 = arith.mulf %add3A_17, %mul3A : vector<1000x128xf32>
    %mul3A_19 = arith.mulf %rsqrt3A, %rsqrt3A : vector<1000x1xf32>
    %mul3A_20 = vector.broadcast %mul3A_19 : vector<1000x1xf32> to vector<1000x128xf32>
    %mul3A_21 = arith.mulf %get3A_1, %mul3A_20 : vector<1000x128xf32>
    %add3A_22 = arith.addf %mul3A_18, %mul3A_21 : vector<1000x128xf32>
    %concatenate3A = tpu.concatenate %add3A_22, %get3A_1 in 1 : vector<1000x128xf32>, vector<1000x128xf32> -> vector<1000x256xf32>
    %get3A_23 = arith.constant 0 : index
    %get3A_24 = arith.constant 0 : index
    %get3A_25 = vector.load %arg6[%get3A_23, %get3A_24] : memref<256x256xf32, #tpu.memory_space<vmem>>, vector<256x256xf32>
    %dot_general3A = arith.constant dense<0.000000e+00> : vector<1000x256xf32>
    %dot_general3A_26 = tpu.matmul %concatenate3A, %get3A_25, %dot_general3A {dimension_numbers = #tpu.dot_dimension_numbers<[1], [0], [0], [1], [0, 0, 1, 1], [], []>, transpose_lhs_hint = false} : vector<1000x256xf32>, vector<256x256xf32>, vector<1000x256xf32> -> vector<1000x256xf32>
    %get3A_27 = arith.constant 0 : index
    %get3A_28 = arith.constant 0 : index
    %get3A_29 = vector.load %arg7[%get3A_27, %get3A_28] : memref<1x256xf32, #tpu.memory_space<vmem>>, vector<1x256xf32>
    %add3A_30 = vector.broadcast %get3A_29 : vector<1x256xf32> to vector<1000x256xf32>
    %add3A_31 = arith.addf %dot_general3A_26, %add3A_30 : vector<1000x256xf32>
    %swap3A = arith.constant 0 : index
    %swap3A_32 = arith.constant 0 : index
    %swap3A_33 = vector.load %arg8[%swap3A, %swap3A_32] : memref<1000x256xf32, #tpu.memory_space<vmem>>, vector<1000x256xf32>
    tpu.vector_store %arg8[%swap3A, %swap3A_32], %add3A_31 {strides = array<i32>} : memref<1000x256xf32, #tpu.memory_space<vmem>>, vector<1000x256xf32>,
    %eq3A = arith.constant 0 : i32
    %eq3A_34 = arith.cmpi eq, %arg0, %eq3A : i32
    %convert_element_type3A = arith.extui %eq3A_34 : i1 to i32
    %cond3A = arith.constant 0 : i32
    %cond3A_35 = arith.cmpi ne, %convert_element_type3A, %cond3A : i32
    scf.if %cond3A_35 {
      %broadcast_in_dim3A = arith.constant 0.000000e+00 : f32
      %broadcast_in_dim3A_55 = vector.broadcast %broadcast_in_dim3A : f32 to vector<8x256xf32>
      %swap3A_56 = arith.constant 0 : index
      %swap3A_57 = arith.constant 0 : index
      %swap3A_58 = vector.load %arg9[%swap3A_56, %swap3A_57] : memref<8x256xf32, #tpu.memory_space<vmem>>, vector<8x256xf32>
      tpu.vector_store %arg9[%swap3A_56, %swap3A_57], %broadcast_in_dim3A_55 {strides = array<i32>} : memref<8x256xf32, #tpu.memory_space<vmem>>, vector<8x256xf32>,
      %broadcast_in_dim3A_59 = arith.constant 0.000000e+00 : f32
      %broadcast_in_dim3A_60 = vector.broadcast %broadcast_in_dim3A_59 : f32 to vector<8x256xf32>
      %swap3A_61 = arith.constant 0 : index
      %swap3A_62 = arith.constant 0 : index
      %swap3A_63 = vector.load %arg10[%swap3A_61, %swap3A_62] : memref<8x256xf32, #tpu.memory_space<vmem>>, vector<8x256xf32>
      tpu.vector_store %arg10[%swap3A_61, %swap3A_62], %broadcast_in_dim3A_60 {strides = array<i32>} : memref<8x256xf32, #tpu.memory_space<vmem>>, vector<8x256xf32>,
    } else {
    }
    %get3A_36 = arith.constant 0 : index
    %get3A_37 = arith.constant 0 : index
    %get3A_38 = vector.load %arg9[%get3A_36, %get3A_37] : memref<8x256xf32, #tpu.memory_space<vmem>>, vector<8x256xf32>
    %reshape3A = vector.shape_cast %add3A_31 : vector<1000x256xf32> to vector<125x8x256xf32>
    %reduce_sum3A = arith.constant dense<0.000000e+00> : vector<8x256xf32>
    %reduce_sum3A_39 = vector.multi_reduction <add>, %reshape3A, %reduce_sum3A [0] : vector<125x8x256xf32> to vector<8x256xf32>
    %add3A_40 = arith.addf %get3A_38, %reduce_sum3A_39 : vector<8x256xf32>
    %swap3A_41 = arith.constant 0 : index
    %swap3A_42 = arith.constant 0 : index
    %swap3A_43 = vector.load %arg9[%swap3A_41, %swap3A_42] : memref<8x256xf32, #tpu.memory_space<vmem>>, vector<8x256xf32>
    tpu.vector_store %arg9[%swap3A_41, %swap3A_42], %add3A_40 {strides = array<i32>} : memref<8x256xf32, #tpu.memory_space<vmem>>, vector<8x256xf32>,
    %get3A_44 = arith.constant 0 : index
    %get3A_45 = arith.constant 0 : index
    %get3A_46 = vector.load %arg10[%get3A_44, %get3A_45] : memref<8x256xf32, #tpu.memory_space<vmem>>, vector<8x256xf32>
    %mul3A_47 = arith.mulf %add3A_31, %add3A_31 : vector<1000x256xf32>
    %reshape3A_48 = vector.shape_cast %mul3A_47 : vector<1000x256xf32> to vector<125x8x256xf32>
    %reduce_sum3A_49 = arith.constant dense<0.000000e+00> : vector<8x256xf32>
    %reduce_sum3A_50 = vector.multi_reduction <add>, %reshape3A_48, %reduce_sum3A_49 [0] : vector<125x8x256xf32> to vector<8x256xf32>
    %add3A_51 = arith.addf %get3A_46, %reduce_sum3A_50 : vector<8x256xf32>
    %swap3A_52 = arith.constant 0 : index
    %swap3A_53 = arith.constant 0 : index
    %swap3A_54 = vector.load %arg10[%swap3A_52, %swap3A_53] : memref<8x256xf32, #tpu.memory_space<vmem>>, vector<8x256xf32>
    tpu.vector_store %arg10[%swap3A_52, %swap3A_53], %add3A_51 {strides = array<i32>} : memref<8x256xf32, #tpu.memory_space<vmem>>, vector<8x256xf32>,
    return
  }
  func.func @transform_0(%arg0: i32) -> (i32, i32) {
    %c0_i32 = arith.constant 0 : i32
    %c0_i32_0 = arith.constant 0 : i32
    return %arg0, %c0_i32 : i32, i32
  }
  func.func @transform_1(%arg0: i32) -> (i32, i32) {
    %add3A = arith.constant 10 : i32
    %add3A_0 = arith.addi %add3A, %arg0 : i32
    %c0_i32 = arith.constant 0 : i32
    %c0_i32_1 = arith.constant 0 : i32
    return %add3A_0, %c0_i32 : i32, i32
  }
  func.func @transform_2(%arg0: i32) -> (i32, i32) {
    %c0_i32 = arith.constant 0 : i32
    %c0_i32_0 = arith.constant 0 : i32
    return %arg0, %c0_i32 : i32, i32
  }
  func.func @transform_3(%arg0: i32) -> (i32, i32) {
    %c0_i32 = arith.constant 0 : i32
    %c0_i32_0 = arith.constant 0 : i32
    return %arg0, %c0_i32 : i32, i32
  }
  func.func @transform_4(%arg0: i32) -> (i32, i32) {
    %add3A = arith.constant 10 : i32
    %add3A_0 = arith.addi %add3A, %arg0 : i32
    %c0_i32 = arith.constant 0 : i32
    %c0_i32_1 = arith.constant 0 : i32
    return %add3A_0, %c0_i32 : i32, i32
  }
  func.func @transform_5(%arg0: i32) -> (i32, i32) {
    %c0_i32 = arith.constant 0 : i32
    %c0_i32_0 = arith.constant 0 : i32
    %c0_i32_1 = arith.constant 0 : i32
    return %c0_i32, %c0_i32_0 : i32, i32
  }
  func.func @transform_6(%arg0: i32) -> (i32, i32) {
    %c0_i32 = arith.constant 0 : i32
    %c0_i32_0 = arith.constant 0 : i32
    %c0_i32_1 = arith.constant 0 : i32
    return %c0_i32, %c0_i32_0 : i32, i32
  }
  func.func @transform_7(%arg0: i32) -> (i32, i32) {
    %c0_i32 = arith.constant 0 : i32
    %c0_i32_0 = arith.constant 0 : i32
    return %arg0, %c0_i32 : i32, i32
  }
  func.func @transform_8(%arg0: i32) -> (i32, i32) {
    %c0_i32 = arith.constant 0 : i32
    %c0_i32_0 = arith.constant 0 : i32
    %c0_i32_1 = arith.constant 0 : i32
    return %c0_i32, %c0_i32_0 : i32, i32
  }
  func.func @transform_9(%arg0: i32) -> (i32, i32) {
    %c0_i32 = arith.constant 0 : i32
    %c0_i32_0 = arith.constant 0 : i32
    %c0_i32_1 = arith.constant 0 : i32
    return %c0_i32, %c0_i32_0 : i32, i32
  }
}

module attributes {stable_mosaic.version = 14 : i64} {
  func.func @body(%arg0: i32, %arg1: i32, %arg2: memref<1000x128xf32, #tpu.memory_space<vmem>>, %arg3: memref<8x128xf32, #tpu.memory_space<vmem>>, %arg4: memref<8x128xf32, #tpu.memory_space<vmem>>, %arg5: memref<1x128xf32, #tpu.memory_space<vmem>>, %arg6: memref<1x128xf32, #tpu.memory_space<vmem>>, %arg7: memref<1000x128xf32, #tpu.memory_space<vmem>>, %arg8: memref<1000x128xf32, #tpu.memory_space<vmem>>, %arg9: memref<1000x128xf32, #tpu.memory_space<vmem>>) attributes {dimension_semantics = [#tpu.dimension_semantics<arbitrary>, #tpu.dimension_semantics<arbitrary>], iteration_bounds = array<i64: 2, 10>, scalar_prefetch = 0 : i64, scratch_operands = 0 : i64, tpu.core_type = #tpu.core_type<tc>, window_params = [{transform_indices = @transform_0, window_bounds = array<i64: 1000, 128>}, {transform_indices = @transform_1, window_bounds = array<i64: 8, 128>}, {transform_indices = @transform_2, window_bounds = array<i64: 8, 128>}, {transform_indices = @transform_3, window_bounds = array<i64: 1, 128>}, {transform_indices = @transform_4, window_bounds = array<i64: 1, 128>}, {transform_indices = @transform_5, window_bounds = array<i64: 1000, 128>}, {transform_indices = @transform_6, window_bounds = array<i64: 1000, 128>}, {transform_indices = @transform_7, window_bounds = array<i64: 1000, 128>}]} {
    %get3A = arith.constant 0 : index
    %get3A_0 = arith.constant 0 : index
    %get3A_1 = vector.load %arg3[%get3A, %get3A_0] : memref<8x128xf32, #tpu.memory_space<vmem>>, vector<8x128xf32>
    %reduce_sum3A = arith.constant dense<0.000000e+00> : vector<128xf32>
    %reduce_sum3A_2 = vector.multi_reduction <add>, %get3A_1, %reduce_sum3A [0] : vector<8x128xf32> to vector<128xf32>
    %broadcast_in_dim3A = vector.shape_cast %reduce_sum3A_2 : vector<128xf32> to vector<1x128xf32>
    %div3A = arith.constant 1.000000e+04 : f32
    %div3A_3 = vector.broadcast %div3A : f32 to vector<1x128xf32>
    %div3A_4 = arith.divf %broadcast_in_dim3A, %div3A_3 : vector<1x128xf32>
    %get3A_5 = arith.constant 0 : index
    %get3A_6 = arith.constant 0 : index
    %get3A_7 = vector.load %arg4[%get3A_5, %get3A_6] : memref<8x128xf32, #tpu.memory_space<vmem>>, vector<8x128xf32>
    %reduce_sum3A_8 = arith.constant dense<0.000000e+00> : vector<128xf32>
    %reduce_sum3A_9 = vector.multi_reduction <add>, %get3A_7, %reduce_sum3A_8 [0] : vector<8x128xf32> to vector<128xf32>
    %broadcast_in_dim3A_10 = vector.shape_cast %reduce_sum3A_9 : vector<128xf32> to vector<1x128xf32>
    %div3A_11 = arith.constant 1.000000e+04 : f32
    %div3A_12 = vector.broadcast %div3A_11 : f32 to vector<1x128xf32>
    %div3A_13 = arith.divf %broadcast_in_dim3A_10, %div3A_12 : vector<1x128xf32>
    %mul3A = arith.mulf %div3A_4, %div3A_4 : vector<1x128xf32>
    %sub3A = arith.subf %div3A_13, %mul3A : vector<1x128xf32>
    %get3A_14 = arith.constant 0 : index
    %get3A_15 = arith.constant 0 : index
    %get3A_16 = vector.load %arg5[%get3A_14, %get3A_15] : memref<1x128xf32, #tpu.memory_space<vmem>>, vector<1x128xf32>
    %add3A = arith.constant 9.99999974E-6 : f32
    %add3A_17 = vector.broadcast %add3A : f32 to vector<1x128xf32>
    %add3A_18 = arith.addf %sub3A, %add3A_17 : vector<1x128xf32>
    %rsqrt3A = math.rsqrt %add3A_18 : vector<1x128xf32>
    %mul3A_19 = arith.mulf %get3A_16, %rsqrt3A : vector<1x128xf32>
    %get3A_20 = arith.constant 0 : index
    %get3A_21 = arith.constant 0 : index
    %get3A_22 = vector.load %arg6[%get3A_20, %get3A_21] : memref<1x128xf32, #tpu.memory_space<vmem>>, vector<1x128xf32>
    %mul3A_23 = arith.mulf %div3A_4, %mul3A_19 : vector<1x128xf32>
    %sub3A_24 = arith.subf %get3A_22, %mul3A_23 : vector<1x128xf32>
    %get3A_25 = arith.constant 0 : index
    %get3A_26 = arith.constant 0 : index
    %get3A_27 = vector.load %arg2[%get3A_25, %get3A_26] : memref<1000x128xf32, #tpu.memory_space<vmem>>, vector<1000x128xf32>
    %mul3A_28 = vector.broadcast %mul3A_19 : vector<1x128xf32> to vector<1000x128xf32>
    %mul3A_29 = arith.mulf %get3A_27, %mul3A_28 : vector<1000x128xf32>
    %add3A_30 = vector.broadcast %sub3A_24 : vector<1x128xf32> to vector<1000x128xf32>
    %add3A_31 = arith.addf %mul3A_29, %add3A_30 : vector<1000x128xf32>
    %max3A = arith.constant 0.000000e+00 : f32
    %max3A_32 = vector.broadcast %max3A : f32 to vector<1000x128xf32>
    %max3A_33 = arith.maximumf %add3A_31, %max3A_32 : vector<1000x128xf32>
    %get3A_34 = arith.constant 0 : index
    %get3A_35 = arith.constant 0 : index
    %get3A_36 = vector.load %arg7[%get3A_34, %get3A_35] : memref<1000x128xf32, #tpu.memory_space<vmem>>, vector<1000x1xf32>
    %get3A_37 = arith.constant 0 : index
    %get3A_38 = arith.constant 0 : index
    %get3A_39 = vector.load %arg8[%get3A_37, %get3A_38] : memref<1000x128xf32, #tpu.memory_space<vmem>>, vector<1000x1xf32>
    %add3A_40 = arith.addf %get3A_36, %get3A_39 : vector<1000x1xf32>
    %add3A_41 = arith.constant 1.000000e+00 : f32
    %add3A_42 = vector.broadcast %add3A_41 : f32 to vector<1000x1xf32>
    %add3A_43 = arith.addf %add3A_40, %add3A_42 : vector<1000x1xf32>
    %rsqrt3A_44 = math.rsqrt %add3A_43 : vector<1000x1xf32>
    %mul3A_45 = vector.broadcast %rsqrt3A_44 : vector<1000x1xf32> to vector<1000x128xf32>
    %mul3A_46 = arith.mulf %max3A_33, %mul3A_45 : vector<1000x128xf32>
    %swap3A = arith.constant 0 : index
    %swap3A_47 = arith.constant 0 : index
    %swap3A_48 = vector.load %arg9[%swap3A, %swap3A_47] : memref<1000x128xf32, #tpu.memory_space<vmem>>, vector<1000x128xf32>
    tpu.vector_store %arg9[%swap3A, %swap3A_47], %mul3A_46 {strides = array<i32>} : memref<1000x128xf32, #tpu.memory_space<vmem>>, vector<1000x128xf32>,
    return
  }
  func.func @transform_0(%arg0: i32, %arg1: i32) -> (i32, i32) {
    %c0_i32 = arith.constant 0 : i32
    return %arg1, %arg0 : i32, i32
  }
  func.func @transform_1(%arg0: i32, %arg1: i32) -> (i32, i32) {
    %c0_i32 = arith.constant 0 : i32
    %c0_i32_0 = arith.constant 0 : i32
    return %c0_i32, %arg0 : i32, i32
  }
  func.func @transform_2(%arg0: i32, %arg1: i32) -> (i32, i32) {
    %c0_i32 = arith.constant 0 : i32
    %c0_i32_0 = arith.constant 0 : i32
    return %c0_i32, %arg0 : i32, i32
  }
  func.func @transform_3(%arg0: i32, %arg1: i32) -> (i32, i32) {
    %c0_i32 = arith.constant 0 : i32
    %c0_i32_0 = arith.constant 0 : i32
    return %c0_i32, %arg0 : i32, i32
  }
  func.func @transform_4(%arg0: i32, %arg1: i32) -> (i32, i32) {
    %c0_i32 = arith.constant 0 : i32
    %c0_i32_0 = arith.constant 0 : i32
    return %c0_i32, %arg0 : i32, i32
  }
  func.func @transform_5(%arg0: i32, %arg1: i32) -> (i32, i32) {
    %c0_i32 = arith.constant 0 : i32
    %c0_i32_0 = arith.constant 0 : i32
    return %arg1, %c0_i32 : i32, i32
  }
  func.func @transform_6(%arg0: i32, %arg1: i32) -> (i32, i32) {
    %add3A = arith.constant 10 : i32
    %add3A_0 = arith.addi %add3A, %arg1 : i32
    %c0_i32 = arith.constant 0 : i32
    %c0_i32_1 = arith.constant 0 : i32
    return %add3A_0, %c0_i32 : i32, i32
  }
  func.func @transform_7(%arg0: i32, %arg1: i32) -> (i32, i32) {
    %mul3A = arith.constant 10 : i32
    %mul3A_0 = arith.muli %arg0, %mul3A : i32
    %add3A = arith.addi %mul3A_0, %arg1 : i32
    %c0_i32 = arith.constant 0 : i32
    %c0_i32_1 = arith.constant 0 : i32
    return %add3A, %c0_i32 : i32, i32
  }
}

module attributes {stable_mosaic.version = 14 : i64} {
  func.func @body(%arg0: i32, %arg1: memref<1000x128xf32, #tpu.memory_space<vmem>>, %arg2: memref<1000x128xf32, #tpu.memory_space<vmem>>, %arg3: memref<1000x256xf32, #tpu.memory_space<vmem>>, %arg4: memref<1000x128xf32, #tpu.memory_space<vmem>>, %arg5: memref<1000x128xf32, #tpu.memory_space<vmem>>, %arg6: memref<512x256xf32, #tpu.memory_space<vmem>>, %arg7: memref<1x256xf32, #tpu.memory_space<vmem>>, %arg8: memref<8x256xf32, #tpu.memory_space<vmem>>, %arg9: memref<8x256xf32, #tpu.memory_space<vmem>>, %arg10: memref<1x256xf32, #tpu.memory_space<vmem>>, %arg11: memref<1x256xf32, #tpu.memory_space<vmem>>, %arg12: memref<1000x256xf32, #tpu.memory_space<vmem>>, %arg13: memref<8x256xf32, #tpu.memory_space<vmem>>, %arg14: memref<8x256xf32, #tpu.memory_space<vmem>>) attributes {dimension_semantics = [#tpu.dimension_semantics<arbitrary>], iteration_bounds = array<i64: 10>, scalar_prefetch = 0 : i64, scratch_operands = 0 : i64, tpu.core_type = #tpu.core_type<tc>, window_params = [{transform_indices = @transform_0, window_bounds = array<i64: 1000, 128>}, {transform_indices = @transform_1, window_bounds = array<i64: 1000, 128>}, {transform_indices = @transform_2, window_bounds = array<i64: 1000, 256>}, {transform_indices = @transform_3, window_bounds = array<i64: 1000, 128>}, {transform_indices = @transform_4, window_bounds = array<i64: 1000, 128>}, {pipeline_mode = #tpu.pipeline_mode<synchronous>, transform_indices = @transform_5, window_bounds = array<i64: 512, 256>}, {pipeline_mode = #tpu.pipeline_mode<synchronous>, transform_indices = @transform_6, window_bounds = array<i64: 1, 256>}, {pipeline_mode = #tpu.pipeline_mode<synchronous>, transform_indices = @transform_7, window_bounds = array<i64: 8, 256>}, {pipeline_mode = #tpu.pipeline_mode<synchronous>, transform_indices = @transform_8, window_bounds = array<i64: 8, 256>}, {pipeline_mode = #tpu.pipeline_mode<synchronous>, transform_indices = @transform_9, window_bounds = array<i64: 1, 256>}, {pipeline_mode = #tpu.pipeline_mode<synchronous>, transform_indices = @transform_10, window_bounds = array<i64: 1, 256>}, {transform_indices = @transform_11, window_bounds = array<i64: 1000, 256>}, {pipeline_mode = #tpu.pipeline_mode<synchronous>, transform_indices = @transform_12, window_bounds = array<i64: 8, 256>}, {pipeline_mode = #tpu.pipeline_mode<synchronous>, transform_indices = @transform_13, window_bounds = array<i64: 8, 256>}]} {
    %get3A = arith.constant 0 : index
    %get3A_0 = arith.constant 0 : index
    %get3A_1 = vector.load %arg3[%get3A, %get3A_0] : memref<1000x256xf32, #tpu.memory_space<vmem>>, vector<1000x256xf32>
    %get3A_2 = arith.constant 0 : index
    %get3A_3 = arith.constant 0 : index
    %get3A_4 = vector.load %arg8[%get3A_2, %get3A_3] : memref<8x256xf32, #tpu.memory_space<vmem>>, vector<8x256xf32>
    %reduce_sum3A = arith.constant dense<0.000000e+00> : vector<256xf32>
    %reduce_sum3A_5 = vector.multi_reduction <add>, %get3A_4, %reduce_sum3A [0] : vector<8x256xf32> to vector<256xf32>
    %broadcast_in_dim3A = vector.shape_cast %reduce_sum3A_5 : vector<256xf32> to vector<1x256xf32>
    %div3A = arith.constant 1.000000e+04 : f32
    %div3A_6 = vector.broadcast %div3A : f32 to vector<1x256xf32>
    %div3A_7 = arith.divf %broadcast_in_dim3A, %div3A_6 : vector<1x256xf32>
    %get3A_8 = arith.constant 0 : index
    %get3A_9 = arith.constant 0 : index
    %get3A_10 = vector.load %arg9[%get3A_8, %get3A_9] : memref<8x256xf32, #tpu.memory_space<vmem>>, vector<8x256xf32>
    %reduce_sum3A_11 = arith.constant dense<0.000000e+00> : vector<256xf32>
    %reduce_sum3A_12 = vector.multi_reduction <add>, %get3A_10, %reduce_sum3A_11 [0] : vector<8x256xf32> to vector<256xf32>
    %broadcast_in_dim3A_13 = vector.shape_cast %reduce_sum3A_12 : vector<256xf32> to vector<1x256xf32>
    %div3A_14 = arith.constant 1.000000e+04 : f32
    %div3A_15 = vector.broadcast %div3A_14 : f32 to vector<1x256xf32>
    %div3A_16 = arith.divf %broadcast_in_dim3A_13, %div3A_15 : vector<1x256xf32>
    %mul3A = arith.mulf %div3A_7, %div3A_7 : vector<1x256xf32>
    %sub3A = arith.subf %div3A_16, %mul3A : vector<1x256xf32>
    %get3A_17 = arith.constant 0 : index
    %get3A_18 = arith.constant 0 : index
    %get3A_19 = vector.load %arg10[%get3A_17, %get3A_18] : memref<1x256xf32, #tpu.memory_space<vmem>>, vector<1x256xf32>
    %add3A = arith.constant 9.99999974E-6 : f32
    %add3A_20 = vector.broadcast %add3A : f32 to vector<1x256xf32>
    %add3A_21 = arith.addf %sub3A, %add3A_20 : vector<1x256xf32>
    %rsqrt3A = math.rsqrt %add3A_21 : vector<1x256xf32>
    %mul3A_22 = arith.mulf %get3A_19, %rsqrt3A : vector<1x256xf32>
    %get3A_23 = arith.constant 0 : index
    %get3A_24 = arith.constant 0 : index
    %get3A_25 = vector.load %arg11[%get3A_23, %get3A_24] : memref<1x256xf32, #tpu.memory_space<vmem>>, vector<1x256xf32>
    %mul3A_26 = arith.mulf %div3A_7, %mul3A_22 : vector<1x256xf32>
    %sub3A_27 = arith.subf %get3A_25, %mul3A_26 : vector<1x256xf32>
    %mul3A_28 = vector.broadcast %mul3A_22 : vector<1x256xf32> to vector<1000x256xf32>
    %mul3A_29 = arith.mulf %get3A_1, %mul3A_28 : vector<1000x256xf32>
    %add3A_30 = vector.broadcast %sub3A_27 : vector<1x256xf32> to vector<1000x256xf32>
    %add3A_31 = arith.addf %mul3A_29, %add3A_30 : vector<1000x256xf32>
    %max3A = arith.constant 0.000000e+00 : f32
    %max3A_32 = vector.broadcast %max3A : f32 to vector<1000x256xf32>
    %max3A_33 = arith.maximumf %add3A_31, %max3A_32 : vector<1000x256xf32>
    %get3A_34 = arith.constant 0 : index
    %get3A_35 = arith.constant 0 : index
    %get3A_36 = vector.load %arg4[%get3A_34, %get3A_35] : memref<1000x128xf32, #tpu.memory_space<vmem>>, vector<1000x1xf32>
    %get3A_37 = arith.constant 0 : index
    %get3A_38 = arith.constant 0 : index
    %get3A_39 = vector.load %arg5[%get3A_37, %get3A_38] : memref<1000x128xf32, #tpu.memory_space<vmem>>, vector<1000x1xf32>
    %add3A_40 = arith.addf %get3A_36, %get3A_39 : vector<1000x1xf32>
    %add3A_41 = arith.constant 1.000000e+00 : f32
    %add3A_42 = vector.broadcast %add3A_41 : f32 to vector<1000x1xf32>
    %add3A_43 = arith.addf %add3A_40, %add3A_42 : vector<1000x1xf32>
    %rsqrt3A_44 = math.rsqrt %add3A_43 : vector<1000x1xf32>
    %get3A_45 = arith.constant 0 : index
    %get3A_46 = arith.constant 0 : index
    %get3A_47 = vector.load %arg1[%get3A_45, %get3A_46] : memref<1000x128xf32, #tpu.memory_space<vmem>>, vector<1000x128xf32>
    %get3A_48 = arith.constant 0 : index
    %get3A_49 = arith.constant 0 : index
    %get3A_50 = vector.load %arg2[%get3A_48, %get3A_49] : memref<1000x128xf32, #tpu.memory_space<vmem>>, vector<1000x128xf32>
    %concatenate3A = tpu.concatenate %get3A_47, %get3A_50 in 1 : vector<1000x128xf32>, vector<1000x128xf32> -> vector<1000x256xf32>
    %mul3A_51 = vector.broadcast %rsqrt3A_44 : vector<1000x1xf32> to vector<1000x256xf32>
    %mul3A_52 = arith.mulf %concatenate3A, %mul3A_51 : vector<1000x256xf32>
    %mul3A_53 = arith.mulf %rsqrt3A_44, %rsqrt3A_44 : vector<1000x1xf32>
    %mul3A_54 = vector.broadcast %mul3A_53 : vector<1000x1xf32> to vector<1000x256xf32>
    %mul3A_55 = arith.mulf %max3A_33, %mul3A_54 : vector<1000x256xf32>
    %add3A_56 = arith.addf %mul3A_52, %mul3A_55 : vector<1000x256xf32>
    %concatenate3A_57 = tpu.concatenate %add3A_56, %max3A_33 in 1 : vector<1000x256xf32>, vector<1000x256xf32> -> vector<1000x512xf32>
    %get3A_58 = arith.constant 0 : index
    %get3A_59 = arith.constant 0 : index
    %get3A_60 = vector.load %arg6[%get3A_58, %get3A_59] : memref<512x256xf32, #tpu.memory_space<vmem>>, vector<512x256xf32>
    %dot_general3A = arith.constant dense<0.000000e+00> : vector<1000x256xf32>
    %dot_general3A_61 = tpu.matmul %concatenate3A_57, %get3A_60, %dot_general3A {dimension_numbers = #tpu.dot_dimension_numbers<[1], [0], [0], [1], [0, 0, 1, 1], [], []>, transpose_lhs_hint = false} : vector<1000x512xf32>, vector<512x256xf32>, vector<1000x256xf32> -> vector<1000x256xf32>
    %get3A_62 = arith.constant 0 : index
    %get3A_63 = arith.constant 0 : index
    %get3A_64 = vector.load %arg7[%get3A_62, %get3A_63] : memref<1x256xf32, #tpu.memory_space<vmem>>, vector<1x256xf32>
    %add3A_65 = vector.broadcast %get3A_64 : vector<1x256xf32> to vector<1000x256xf32>
    %add3A_66 = arith.addf %dot_general3A_61, %add3A_65 : vector<1000x256xf32>
    %swap3A = arith.constant 0 : index
    %swap3A_67 = arith.constant 0 : index
    %swap3A_68 = vector.load %arg12[%swap3A, %swap3A_67] : memref<1000x256xf32, #tpu.memory_space<vmem>>, vector<1000x256xf32>
    tpu.vector_store %arg12[%swap3A, %swap3A_67], %add3A_66 {strides = array<i32>} : memref<1000x256xf32, #tpu.memory_space<vmem>>, vector<1000x256xf32>,
    %eq3A = arith.constant 0 : i32
    %eq3A_69 = arith.cmpi eq, %arg0, %eq3A : i32
    %convert_element_type3A = arith.extui %eq3A_69 : i1 to i32
    %cond3A = arith.constant 0 : i32
    %cond3A_70 = arith.cmpi ne, %convert_element_type3A, %cond3A : i32
    scf.if %cond3A_70 {
      %broadcast_in_dim3A_91 = arith.constant 0.000000e+00 : f32
      %broadcast_in_dim3A_92 = vector.broadcast %broadcast_in_dim3A_91 : f32 to vector<8x256xf32>
      %swap3A_93 = arith.constant 0 : index
      %swap3A_94 = arith.constant 0 : index
      %swap3A_95 = vector.load %arg13[%swap3A_93, %swap3A_94] : memref<8x256xf32, #tpu.memory_space<vmem>>, vector<8x256xf32>
      tpu.vector_store %arg13[%swap3A_93, %swap3A_94], %broadcast_in_dim3A_92 {strides = array<i32>} : memref<8x256xf32, #tpu.memory_space<vmem>>, vector<8x256xf32>,
      %broadcast_in_dim3A_96 = arith.constant 0.000000e+00 : f32
      %broadcast_in_dim3A_97 = vector.broadcast %broadcast_in_dim3A_96 : f32 to vector<8x256xf32>
      %swap3A_98 = arith.constant 0 : index
      %swap3A_99 = arith.constant 0 : index
      %swap3A_100 = vector.load %arg14[%swap3A_98, %swap3A_99] : memref<8x256xf32, #tpu.memory_space<vmem>>, vector<8x256xf32>
      tpu.vector_store %arg14[%swap3A_98, %swap3A_99], %broadcast_in_dim3A_97 {strides = array<i32>} : memref<8x256xf32, #tpu.memory_space<vmem>>, vector<8x256xf32>,
    } else {
    }
    %get3A_71 = arith.constant 0 : index
    %get3A_72 = arith.constant 0 : index
    %get3A_73 = vector.load %arg13[%get3A_71, %get3A_72] : memref<8x256xf32, #tpu.memory_space<vmem>>, vector<8x256xf32>
    %reshape3A = vector.shape_cast %add3A_66 : vector<1000x256xf32> to vector<125x8x256xf32>
    %reduce_sum3A_74 = arith.constant dense<0.000000e+00> : vector<8x256xf32>
    %reduce_sum3A_75 = vector.multi_reduction <add>, %reshape3A, %reduce_sum3A_74 [0] : vector<125x8x256xf32> to vector<8x256xf32>
    %add3A_76 = arith.addf %get3A_73, %reduce_sum3A_75 : vector<8x256xf32>
    %swap3A_77 = arith.constant 0 : index
    %swap3A_78 = arith.constant 0 : index
    %swap3A_79 = vector.load %arg13[%swap3A_77, %swap3A_78] : memref<8x256xf32, #tpu.memory_space<vmem>>, vector<8x256xf32>
    tpu.vector_store %arg13[%swap3A_77, %swap3A_78], %add3A_76 {strides = array<i32>} : memref<8x256xf32, #tpu.memory_space<vmem>>, vector<8x256xf32>,
    %get3A_80 = arith.constant 0 : index
    %get3A_81 = arith.constant 0 : index
    %get3A_82 = vector.load %arg14[%get3A_80, %get3A_81] : memref<8x256xf32, #tpu.memory_space<vmem>>, vector<8x256xf32>
    %mul3A_83 = arith.mulf %add3A_66, %add3A_66 : vector<1000x256xf32>
    %reshape3A_84 = vector.shape_cast %mul3A_83 : vector<1000x256xf32> to vector<125x8x256xf32>
    %reduce_sum3A_85 = arith.constant dense<0.000000e+00> : vector<8x256xf32>
    %reduce_sum3A_86 = vector.multi_reduction <add>, %reshape3A_84, %reduce_sum3A_85 [0] : vector<125x8x256xf32> to vector<8x256xf32>
    %add3A_87 = arith.addf %get3A_82, %reduce_sum3A_86 : vector<8x256xf32>
    %swap3A_88 = arith.constant 0 : index
    %swap3A_89 = arith.constant 0 : index
    %swap3A_90 = vector.load %arg14[%swap3A_88, %swap3A_89] : memref<8x256xf32, #tpu.memory_space<vmem>>, vector<8x256xf32>
    tpu.vector_store %arg14[%swap3A_88, %swap3A_89], %add3A_87 {strides = array<i32>} : memref<8x256xf32, #tpu.memory_space<vmem>>, vector<8x256xf32>,
    return
  }
  func.func @transform_0(%arg0: i32) -> (i32, i32) {
    %c0_i32 = arith.constant 0 : i32
    %c0_i32_0 = arith.constant 0 : i32
    return %arg0, %c0_i32 : i32, i32
  }
  func.func @transform_1(%arg0: i32) -> (i32, i32) {
    %add3A = arith.constant 10 : i32
    %add3A_0 = arith.addi %add3A, %arg0 : i32
    %c0_i32 = arith.constant 0 : i32
    %c0_i32_1 = arith.constant 0 : i32
    return %add3A_0, %c0_i32 : i32, i32
  }
  func.func @transform_2(%arg0: i32) -> (i32, i32) {
    %c0_i32 = arith.constant 0 : i32
    %c0_i32_0 = arith.constant 0 : i32
    return %arg0, %c0_i32 : i32, i32
  }
  func.func @transform_3(%arg0: i32) -> (i32, i32) {
    %c0_i32 = arith.constant 0 : i32
    %c0_i32_0 = arith.constant 0 : i32
    return %arg0, %c0_i32 : i32, i32
  }
  func.func @transform_4(%arg0: i32) -> (i32, i32) {
    %add3A = arith.constant 10 : i32
    %add3A_0 = arith.addi %add3A, %arg0 : i32
    %c0_i32 = arith.constant 0 : i32
    %c0_i32_1 = arith.constant 0 : i32
    return %add3A_0, %c0_i32 : i32, i32
  }
  func.func @transform_5(%arg0: i32) -> (i32, i32) {
    %c0_i32 = arith.constant 0 : i32
    %c0_i32_0 = arith.constant 0 : i32
    %c0_i32_1 = arith.constant 0 : i32
    return %c0_i32, %c0_i32_0 : i32, i32
  }
  func.func @transform_6(%arg0: i32) -> (i32, i32) {
    %c0_i32 = arith.constant 0 : i32
    %c0_i32_0 = arith.constant 0 : i32
    %c0_i32_1 = arith.constant 0 : i32
    return %c0_i32, %c0_i32_0 : i32, i32
  }
  func.func @transform_7(%arg0: i32) -> (i32, i32) {
    %c0_i32 = arith.constant 0 : i32
    %c0_i32_0 = arith.constant 0 : i32
    %c0_i32_1 = arith.constant 0 : i32
    return %c0_i32, %c0_i32_0 : i32, i32
  }
  func.func @transform_8(%arg0: i32) -> (i32, i32) {
    %c0_i32 = arith.constant 0 : i32
    %c0_i32_0 = arith.constant 0 : i32
    %c0_i32_1 = arith.constant 0 : i32
    return %c0_i32, %c0_i32_0 : i32, i32
  }
  func.func @transform_9(%arg0: i32) -> (i32, i32) {
    %c0_i32 = arith.constant 0 : i32
    %c0_i32_0 = arith.constant 0 : i32
    %c0_i32_1 = arith.constant 0 : i32
    return %c0_i32, %c0_i32_0 : i32, i32
  }
  func.func @transform_10(%arg0: i32) -> (i32, i32) {
    %c0_i32 = arith.constant 0 : i32
    %c0_i32_0 = arith.constant 0 : i32
    %c0_i32_1 = arith.constant 0 : i32
    return %c0_i32, %c0_i32_0 : i32, i32
  }
  func.func @transform_11(%arg0: i32) -> (i32, i32) {
    %c0_i32 = arith.constant 0 : i32
    %c0_i32_0 = arith.constant 0 : i32
    return %arg0, %c0_i32 : i32, i32
  }
  func.func @transform_12(%arg0: i32) -> (i32, i32) {
    %c0_i32 = arith.constant 0 : i32
    %c0_i32_0 = arith.constant 0 : i32
    %c0_i32_1 = arith.constant 0 : i32
    return %c0_i32, %c0_i32_0 : i32, i32
  }
  func.func @transform_13(%arg0: i32) -> (i32, i32) {
    %c0_i32 = arith.constant 0 : i32
    %c0_i32_0 = arith.constant 0 : i32
    %c0_i32_1 = arith.constant 0 : i32
    return %c0_i32, %c0_i32_0 : i32, i32
  }
}

module attributes {stable_mosaic.version = 14 : i64} {
  func.func @body(%arg0: i32, %arg1: memref<1000x256xf32, #tpu.memory_space<vmem>>, %arg2: memref<8x256xf32, #tpu.memory_space<vmem>>, %arg3: memref<8x256xf32, #tpu.memory_space<vmem>>, %arg4: memref<1x256xf32, #tpu.memory_space<vmem>>, %arg5: memref<1x256xf32, #tpu.memory_space<vmem>>, %arg6: memref<256x256xf32, #tpu.memory_space<vmem>>, %arg7: memref<1000x256xf32, #tpu.memory_space<vmem>>) attributes {dimension_semantics = [#tpu.dimension_semantics<arbitrary>], iteration_bounds = array<i64: 10>, scalar_prefetch = 0 : i64, scratch_operands = 0 : i64, tpu.core_type = #tpu.core_type<tc>, window_params = [{transform_indices = @transform_0, window_bounds = array<i64: 1000, 256>}, {pipeline_mode = #tpu.pipeline_mode<synchronous>, transform_indices = @transform_1, window_bounds = array<i64: 8, 256>}, {pipeline_mode = #tpu.pipeline_mode<synchronous>, transform_indices = @transform_2, window_bounds = array<i64: 8, 256>}, {pipeline_mode = #tpu.pipeline_mode<synchronous>, transform_indices = @transform_3, window_bounds = array<i64: 1, 256>}, {pipeline_mode = #tpu.pipeline_mode<synchronous>, transform_indices = @transform_4, window_bounds = array<i64: 1, 256>}, {pipeline_mode = #tpu.pipeline_mode<synchronous>, transform_indices = @transform_5, window_bounds = array<i64: 256, 256>}, {transform_indices = @transform_6, window_bounds = array<i64: 1000, 256>}]} {
    %get3A = arith.constant 0 : index
    %get3A_0 = arith.constant 0 : index
    %get3A_1 = vector.load %arg2[%get3A, %get3A_0] : memref<8x256xf32, #tpu.memory_space<vmem>>, vector<8x256xf32>
    %reduce_sum3A = arith.constant dense<0.000000e+00> : vector<256xf32>
    %reduce_sum3A_2 = vector.multi_reduction <add>, %get3A_1, %reduce_sum3A [0] : vector<8x256xf32> to vector<256xf32>
    %broadcast_in_dim3A = vector.shape_cast %reduce_sum3A_2 : vector<256xf32> to vector<1x256xf32>
    %div3A = arith.constant 1.000000e+04 : f32
    %div3A_3 = vector.broadcast %div3A : f32 to vector<1x256xf32>
    %div3A_4 = arith.divf %broadcast_in_dim3A, %div3A_3 : vector<1x256xf32>
    %get3A_5 = arith.constant 0 : index
    %get3A_6 = arith.constant 0 : index
    %get3A_7 = vector.load %arg3[%get3A_5, %get3A_6] : memref<8x256xf32, #tpu.memory_space<vmem>>, vector<8x256xf32>
    %reduce_sum3A_8 = arith.constant dense<0.000000e+00> : vector<256xf32>
    %reduce_sum3A_9 = vector.multi_reduction <add>, %get3A_7, %reduce_sum3A_8 [0] : vector<8x256xf32> to vector<256xf32>
    %broadcast_in_dim3A_10 = vector.shape_cast %reduce_sum3A_9 : vector<256xf32> to vector<1x256xf32>
    %div3A_11 = arith.constant 1.000000e+04 : f32
    %div3A_12 = vector.broadcast %div3A_11 : f32 to vector<1x256xf32>
    %div3A_13 = arith.divf %broadcast_in_dim3A_10, %div3A_12 : vector<1x256xf32>
    %mul3A = arith.mulf %div3A_4, %div3A_4 : vector<1x256xf32>
    %sub3A = arith.subf %div3A_13, %mul3A : vector<1x256xf32>
    %get3A_14 = arith.constant 0 : index
    %get3A_15 = arith.constant 0 : index
    %get3A_16 = vector.load %arg4[%get3A_14, %get3A_15] : memref<1x256xf32, #tpu.memory_space<vmem>>, vector<1x256xf32>
    %add3A = arith.constant 9.99999974E-6 : f32
    %add3A_17 = vector.broadcast %add3A : f32 to vector<1x256xf32>
    %add3A_18 = arith.addf %sub3A, %add3A_17 : vector<1x256xf32>
    %rsqrt3A = math.rsqrt %add3A_18 : vector<1x256xf32>
    %mul3A_19 = arith.mulf %get3A_16, %rsqrt3A : vector<1x256xf32>
    %get3A_20 = arith.constant 0 : index
    %get3A_21 = arith.constant 0 : index
    %get3A_22 = vector.load %arg5[%get3A_20, %get3A_21] : memref<1x256xf32, #tpu.memory_space<vmem>>, vector<1x256xf32>
    %mul3A_23 = arith.mulf %div3A_4, %mul3A_19 : vector<1x256xf32>
    %sub3A_24 = arith.subf %get3A_22, %mul3A_23 : vector<1x256xf32>
    %get3A_25 = arith.constant 0 : index
    %get3A_26 = arith.constant 0 : index
    %get3A_27 = vector.load %arg1[%get3A_25, %get3A_26] : memref<1000x256xf32, #tpu.memory_space<vmem>>, vector<1000x256xf32>
    %mul3A_28 = vector.broadcast %mul3A_19 : vector<1x256xf32> to vector<1000x256xf32>
    %mul3A_29 = arith.mulf %get3A_27, %mul3A_28 : vector<1000x256xf32>
    %add3A_30 = vector.broadcast %sub3A_24 : vector<1x256xf32> to vector<1000x256xf32>
    %add3A_31 = arith.addf %mul3A_29, %add3A_30 : vector<1000x256xf32>
    %max3A = arith.constant 0.000000e+00 : f32
    %max3A_32 = vector.broadcast %max3A : f32 to vector<1000x256xf32>
    %max3A_33 = arith.maximumf %add3A_31, %max3A_32 : vector<1000x256xf32>
    %get3A_34 = arith.constant 0 : index
    %get3A_35 = arith.constant 0 : index
    %get3A_36 = vector.load %arg6[%get3A_34, %get3A_35] : memref<256x256xf32, #tpu.memory_space<vmem>>, vector<256x256xf32>
    %dot_general3A = arith.constant dense<0.000000e+00> : vector<1000x256xf32>
    %dot_general3A_37 = tpu.matmul %max3A_33, %get3A_36, %dot_general3A {dimension_numbers = #tpu.dot_dimension_numbers<[1], [0], [0], [1], [0, 0, 1, 1], [], []>, transpose_lhs_hint = false} : vector<1000x256xf32>, vector<256x256xf32>, vector<1000x256xf32> -> vector<1000x256xf32>
    %swap3A = arith.constant 0 : index
    %swap3A_38 = arith.constant 0 : index
    %swap3A_39 = vector.load %arg7[%swap3A, %swap3A_38] : memref<1000x256xf32, #tpu.memory_space<vmem>>, vector<1000x256xf32>
    tpu.vector_store %arg7[%swap3A, %swap3A_38], %dot_general3A_37 {strides = array<i32>} : memref<1000x256xf32, #tpu.memory_space<vmem>>, vector<1000x256xf32>,
    return
  }
  func.func @transform_0(%arg0: i32) -> (i32, i32) {
    %c0_i32 = arith.constant 0 : i32
    %c0_i32_0 = arith.constant 0 : i32
    return %arg0, %c0_i32 : i32, i32
  }
  func.func @transform_1(%arg0: i32) -> (i32, i32) {
    %c0_i32 = arith.constant 0 : i32
    %c0_i32_0 = arith.constant 0 : i32
    %c0_i32_1 = arith.constant 0 : i32
    return %c0_i32, %c0_i32_0 : i32, i32
  }
  func.func @transform_2(%arg0: i32) -> (i32, i32) {
    %c0_i32 = arith.constant 0 : i32
    %c0_i32_0 = arith.constant 0 : i32
    %c0_i32_1 = arith.constant 0 : i32
    return %c0_i32, %c0_i32_0 : i32, i32
  }
  func.func @transform_3(%arg0: i32) -> (i32, i32) {
    %c0_i32 = arith.constant 0 : i32
    %c0_i32_0 = arith.constant 0 : i32
    %c0_i32_1 = arith.constant 0 : i32
    return %c0_i32, %c0_i32_0 : i32, i32
  }
  func.func @transform_4(%arg0: i32) -> (i32, i32) {
    %c0_i32 = arith.constant 0 : i32
    %c0_i32_0 = arith.constant 0 : i32
    %c0_i32_1 = arith.constant 0 : i32
    return %c0_i32, %c0_i32_0 : i32, i32
  }
  func.func @transform_5(%arg0: i32) -> (i32, i32) {
    %c0_i32 = arith.constant 0 : i32
    %c0_i32_0 = arith.constant 0 : i32
    %c0_i32_1 = arith.constant 0 : i32
    return %c0_i32, %c0_i32_0 : i32, i32
  }
  func.func @transform_6(%arg0: i32) -> (i32, i32) {
    %c0_i32 = arith.constant 0 : i32
    %c0_i32_0 = arith.constant 0 : i32
    return %arg0, %c0_i32 : i32, i32
  }
}

module attributes {stable_mosaic.version = 14 : i64} {
  func.func @body(%arg0: i32, %arg1: memref<1000x256xf32, #tpu.memory_space<vmem>>, %arg2: memref<1000x128xf32, #tpu.memory_space<vmem>>, %arg3: memref<1000x128xf32, #tpu.memory_space<vmem>>, %arg4: memref<1000x128xf32, #tpu.memory_space<vmem>>) attributes {dimension_semantics = [#tpu.dimension_semantics<arbitrary>], iteration_bounds = array<i64: 10>, scalar_prefetch = 0 : i64, scratch_operands = 0 : i64, tpu.core_type = #tpu.core_type<tc>, window_params = [{transform_indices = @transform_0, window_bounds = array<i64: 1000, 256>}, {transform_indices = @transform_1, window_bounds = array<i64: 1000, 128>}, {transform_indices = @transform_2, window_bounds = array<i64: 1000, 128>}, {transform_indices = @transform_3, window_bounds = array<i64: 1000, 128>}]} {
    %get3A = arith.constant 0 : index
    %get3A_0 = arith.constant 0 : index
    %get3A_1 = vector.load %arg1[%get3A, %get3A_0] : memref<1000x256xf32, #tpu.memory_space<vmem>>, vector<1000x128xf32>
    %get3A_2 = arith.constant 0 : index
    %get3A_3 = arith.constant 0 : index
    %get3A_4 = vector.load %arg2[%get3A_2, %get3A_3] : memref<1000x128xf32, #tpu.memory_space<vmem>>, vector<1000x1xf32>
    %get3A_5 = arith.constant 0 : index
    %get3A_6 = arith.constant 0 : index
    %get3A_7 = vector.load %arg3[%get3A_5, %get3A_6] : memref<1000x128xf32, #tpu.memory_space<vmem>>, vector<1000x1xf32>
    %add3A = arith.addf %get3A_4, %get3A_7 : vector<1000x1xf32>
    %add3A_8 = arith.constant 1.000000e+00 : f32
    %add3A_9 = vector.broadcast %add3A_8 : f32 to vector<1000x1xf32>
    %add3A_10 = arith.addf %add3A, %add3A_9 : vector<1000x1xf32>
    %rsqrt3A = math.rsqrt %add3A_10 : vector<1000x1xf32>
    %mul3A = vector.broadcast %rsqrt3A : vector<1000x1xf32> to vector<1000x128xf32>
    %mul3A_11 = arith.mulf %get3A_1, %mul3A : vector<1000x128xf32>
    %swap3A = arith.constant 0 : index
    %swap3A_12 = arith.constant 0 : index
    %swap3A_13 = vector.load %arg4[%swap3A, %swap3A_12] : memref<1000x128xf32, #tpu.memory_space<vmem>>, vector<1000x128xf32>
    tpu.vector_store %arg4[%swap3A, %swap3A_12], %mul3A_11 {strides = array<i32>} : memref<1000x128xf32, #tpu.memory_space<vmem>>, vector<1000x128xf32>,
    return
  }
  func.func @transform_0(%arg0: i32) -> (i32, i32) {
    %c0_i32 = arith.constant 0 : i32
    %c0_i32_0 = arith.constant 0 : i32
    return %arg0, %c0_i32 : i32, i32
  }
  func.func @transform_1(%arg0: i32) -> (i32, i32) {
    %c0_i32 = arith.constant 0 : i32
    %c0_i32_0 = arith.constant 0 : i32
    return %arg0, %c0_i32 : i32, i32
  }
  func.func @transform_2(%arg0: i32) -> (i32, i32) {
    %add3A = arith.constant 10 : i32
    %add3A_0 = arith.addi %add3A, %arg0 : i32
    %c0_i32 = arith.constant 0 : i32
    %c0_i32_1 = arith.constant 0 : i32
    return %add3A_0, %c0_i32 : i32, i32
  }
  func.func @transform_3(%arg0: i32) -> (i32, i32) {
    %c0_i32 = arith.constant 0 : i32
    %c0_i32_0 = arith.constant 0 : i32
    return %arg0, %c0_i32 : i32, i32
  }
}

module attributes {stable_mosaic.version = 14 : i64} {
  func.func @body(%arg0: i32, %arg1: memref<1000x128xf32, #tpu.memory_space<vmem>>, %arg2: memref<1000x128xf32, #tpu.memory_space<vmem>>, %arg3: memref<1000x256xf32, #tpu.memory_space<vmem>>, %arg4: memref<1000x128xf32, #tpu.memory_space<vmem>>, %arg5: memref<1000x128xf32, #tpu.memory_space<vmem>>, %arg6: memref<1x128xf32, #tpu.memory_space<vmem>>, %arg7: memref<1000x128xf32, #tpu.memory_space<vmem>>) attributes {dimension_semantics = [#tpu.dimension_semantics<arbitrary>], iteration_bounds = array<i64: 10>, scalar_prefetch = 0 : i64, scratch_operands = 0 : i64, tpu.core_type = #tpu.core_type<tc>, window_params = [{transform_indices = @transform_0, window_bounds = array<i64: 1000, 128>}, {transform_indices = @transform_1, window_bounds = array<i64: 1000, 128>}, {transform_indices = @transform_2, window_bounds = array<i64: 1000, 256>}, {transform_indices = @transform_3, window_bounds = array<i64: 1000, 128>}, {transform_indices = @transform_4, window_bounds = array<i64: 1000, 128>}, {pipeline_mode = #tpu.pipeline_mode<synchronous>, transform_indices = @transform_5, window_bounds = array<i64: 1, 128>}, {transform_indices = @transform_6, window_bounds = array<i64: 1000, 128>}]} {
    %get3A = arith.constant 0 : index
    %get3A_0 = arith.constant 0 : index
    %get3A_1 = vector.load %arg4[%get3A, %get3A_0] : memref<1000x128xf32, #tpu.memory_space<vmem>>, vector<1000x1xf32>
    %get3A_2 = arith.constant 0 : index
    %get3A_3 = arith.constant 0 : index
    %get3A_4 = vector.load %arg5[%get3A_2, %get3A_3] : memref<1000x128xf32, #tpu.memory_space<vmem>>, vector<1000x1xf32>
    %add3A = arith.addf %get3A_1, %get3A_4 : vector<1000x1xf32>
    %add3A_5 = arith.constant 1.000000e+00 : f32
    %add3A_6 = vector.broadcast %add3A_5 : f32 to vector<1000x1xf32>
    %add3A_7 = arith.addf %add3A, %add3A_6 : vector<1000x1xf32>
    %rsqrt3A = math.rsqrt %add3A_7 : vector<1000x1xf32>
    %get3A_8 = arith.constant 0 : index
    %get3A_9 = arith.constant 0 : index
    %get3A_10 = vector.load %arg1[%get3A_8, %get3A_9] : memref<1000x128xf32, #tpu.memory_space<vmem>>, vector<1000x128xf32>
    %get3A_11 = arith.constant 0 : index
    %get3A_12 = arith.constant 0 : index
    %get3A_13 = vector.load %arg2[%get3A_11, %get3A_12] : memref<1000x128xf32, #tpu.memory_space<vmem>>, vector<1000x128xf32>
    %add3A_14 = arith.addf %get3A_10, %get3A_13 : vector<1000x128xf32>
    %get3A_15 = arith.constant 0 : index
    %get3A_16 = arith.constant 0 : index
    %get3A_17 = vector.load %arg3[%get3A_15, %get3A_16] : memref<1000x256xf32, #tpu.memory_space<vmem>>, vector<1000x128xf32>
    %get3A_18 = arith.constant 0 : index
    %get3A_19 = arith.constant 128 : index
    %get3A_20 = vector.load %arg3[%get3A_18, %get3A_19] : memref<1000x256xf32, #tpu.memory_space<vmem>>, vector<1000x128xf32>
    %mul3A = vector.broadcast %rsqrt3A : vector<1000x1xf32> to vector<1000x128xf32>
    %mul3A_21 = arith.mulf %add3A_14, %mul3A : vector<1000x128xf32>
    %mul3A_22 = arith.mulf %rsqrt3A, %rsqrt3A : vector<1000x1xf32>
    %mul3A_23 = vector.broadcast %mul3A_22 : vector<1000x1xf32> to vector<1000x128xf32>
    %mul3A_24 = arith.mulf %get3A_17, %mul3A_23 : vector<1000x128xf32>
    %add3A_25 = arith.addf %mul3A_21, %mul3A_24 : vector<1000x128xf32>
    %add3A_26 = arith.addf %add3A_25, %get3A_20 : vector<1000x128xf32>
    %get3A_27 = arith.constant 0 : index
    %get3A_28 = arith.constant 0 : index
    %get3A_29 = vector.load %arg6[%get3A_27, %get3A_28] : memref<1x128xf32, #tpu.memory_space<vmem>>, vector<1x128xf32>
    %add3A_30 = vector.broadcast %get3A_29 : vector<1x128xf32> to vector<1000x128xf32>
    %add3A_31 = arith.addf %add3A_26, %add3A_30 : vector<1000x128xf32>
    %swap3A = arith.constant 0 : index
    %swap3A_32 = arith.constant 0 : index
    %swap3A_33 = vector.load %arg7[%swap3A, %swap3A_32] : memref<1000x128xf32, #tpu.memory_space<vmem>>, vector<1000x128xf32>
    tpu.vector_store %arg7[%swap3A, %swap3A_32], %add3A_31 {strides = array<i32>} : memref<1000x128xf32, #tpu.memory_space<vmem>>, vector<1000x128xf32>,
    return
  }
  func.func @transform_0(%arg0: i32) -> (i32, i32) {
    %c0_i32 = arith.constant 0 : i32
    %c0_i32_0 = arith.constant 0 : i32
    return %arg0, %c0_i32 : i32, i32
  }
  func.func @transform_1(%arg0: i32) -> (i32, i32) {
    %add3A = arith.constant 10 : i32
    %add3A_0 = arith.addi %add3A, %arg0 : i32
    %c0_i32 = arith.constant 0 : i32
    %c0_i32_1 = arith.constant 0 : i32
    return %add3A_0, %c0_i32 : i32, i32
  }
  func.func @transform_2(%arg0: i32) -> (i32, i32) {
    %c0_i32 = arith.constant 0 : i32
    %c0_i32_0 = arith.constant 0 : i32
    return %arg0, %c0_i32 : i32, i32
  }
  func.func @transform_3(%arg0: i32) -> (i32, i32) {
    %c0_i32 = arith.constant 0 : i32
    %c0_i32_0 = arith.constant 0 : i32
    return %arg0, %c0_i32 : i32, i32
  }
  func.func @transform_4(%arg0: i32) -> (i32, i32) {
    %add3A = arith.constant 10 : i32
    %add3A_0 = arith.addi %add3A, %arg0 : i32
    %c0_i32 = arith.constant 0 : i32
    %c0_i32_1 = arith.constant 0 : i32
    return %add3A_0, %c0_i32 : i32, i32
  }
  func.func @transform_5(%arg0: i32) -> (i32, i32) {
    %c0_i32 = arith.constant 0 : i32
    %c0_i32_0 = arith.constant 0 : i32
    %c0_i32_1 = arith.constant 0 : i32
    return %c0_i32, %c0_i32_0 : i32, i32
  }
  func.func @transform_6(%arg0: i32) -> (i32, i32) {
    %c0_i32 = arith.constant 0 : i32
    %c0_i32_0 = arith.constant 0 : i32
    return %arg0, %c0_i32 : i32, i32
  }
}

</mosaic_0001>

<sc_bundles>
// kernel: kernel.13.cloned.1.call-start
scs
__scs_entry_jumppad:
0x0: {  	(pc) =	sbr.rel $0x88, $3  }
0x1: {  	(tag) =	ssettag $0x0;
	lr =	simm.s32 $0x1  }
0x2: {  	[smem:$0x3F8F] =	sst lr;
	_ =	strace $0xD0000000  }
0x3: {  	_ = 	snop  }
0x4: {  	_ = 	snop  }
0x5: {  	_ = 	snop  }
0x6: {  	_ = 	snop  }
0x7: {  	_ = 	snop  }
__scs_overlays_trampoline_lowered:
0x8: {  	[smem:$0x3F9E] =	sst s0  }
0x9: {  	[smem:$0x3F9F] =	sst s1  }
0xa: {  	[smem:$0x3FA0] =	sst s2  }
0xb: {  	[smem:$0x3FA1] =	sst s3  }
0xc: {  	[smem:$0x3FA2] =	sst s4  }
0xd: {  	[smem:$0x3FA3] =	sst s5  }
0xe: {  	[smem:$0x3FA4] =	sst s6  }
0xf: {  	[smem:$0x3FA5] =	sst s7  }
0x10: {  	[smem:$0x3FA6] =	sst s8  }
0x11: {  	[smem:$0x3FA7] =	sst s9;
	s0 =	simm.s32 @!p0 $0x0  }
0x12: {  	s1 =	sld [smem:$0x3F8D];
	s0 =	simm.s32 @p0 $0x1  }
0x13: {  	[smem:$0x3FA8] =	sst s0;
	s0 =	simm.s32 @!p1 $0x0  }
0x14: {  	s2 =	sld [smem:$0x3F8C];
	s0 =	simm.s32 @p1 $0x1  }
0x15: {  	[smem:$0x3FA9] =	sst s0;
	s0 =	simm.s32 @!p2 $0x0  }
0x16: {  	s3 =	sld [smem:$0x3FDB];
	s0 =	simm.s32 @p2 $0x1  }
0x17: {  	s4 =	simm.s32 $0x1BF5;
	[smem:$0x3FAB] =	sst s0  }
0x18: {  	s0 =	sld [smem:$0x3F8E];
	_ =	swait.ge [sflag:s4], $0x0  }
0x19: {  	s7 =	sld [smem:$0x3F8F]  }
0x1a: {  	s8 =	sadd.s32 $0xFFFFE003, lr  }
0x1b: {  	s9 =	sadd.s32 $0xFFFFFEF7, lr;
	s5 =	simm.s32 $0xFFFFFFFF;
	p2 =	slt.u32 s8, $0xFFFFF086  }
0x1c: {  	p1 =	slt.u32 s9, $0xF7A;
	s5 =	simm.s32 @!p2 $0x0  }
0x1d: {  	s5 =	simm.s32 @p1 $0x1;
	p0 =	seq.s32 s7, s2  }
0x1e: {  	s7 =	smul.u32 @!p0 $0xF7A, s2;
	p2 =	seq.s32 @!p0 s5, $0x0  }
0x1f: {  	s9 =	smul.u32 $0xF7A, s1;
	s8 =	simm.s32 @!p0 $0x1BF5;
	p2 =	por !p2, p0  }
0x20: {  	[sflag:s8] =	ssyncset.s32 @!p0 $0xFFFFF086;
	s6 =	sadd.s32 @!p0 s3, s7;
	s7 =	simm.s32 @!p0 $0x108  }
0x21: {  	s3 =	sadd.s32 s3, s9;
	s6 =	sadd.s32 @!p0 $0x88, s6;
	s7 =	simm.s32 @p2 $0x1082  }
0x22: {  	[simem:s7], [sflag:s8] =	dma.local @!p0 [hbm:s6], $0xF7A  }
0x23: {  	s9 =	sor.u32 $0xD0000000, s2;
	s6 =	simm.s32 $0x108;
	_ =	swait.ge @!p0 [sflag:s8], $0x0  }
0x24: {  	s3 =	sadd.s32 $0x88, s3;
	s6 =	simm.s32 @!p1 $0x1082;
	[sflag:s4] =	ssyncset.s32 $0xFFFFF086  }
0x25: {  	[simem:s6], [sflag:s4] =	dma.local [hbm:s3], $0xF7A  }
0x26: {  	[smem:$0x3F8F] =	sst s1;
	(tag) =	ssettag s2;
	_ =	strace s9  }
0x27: {  	s1 =	sld [smem:$0x3F9F]  }
0x28: {  	s2 =	sld [smem:$0x3FA0]  }
0x29: {  	s4 =	sld [smem:$0x3FA2]  }
0x2a: {  	p0 =	seq.s32 s5, $0x0;
	s5 =	sld [smem:$0x3FA3]  }
0x2b: {  	s6 =	sld [smem:$0x3FA4]  }
0x2c: {  	s7 =	sld [smem:$0x3FA5]  }
0x2d: {  	s3 =	simm.s32 $0x108;
	s8 =	sld [smem:$0x3FA6]  }
0x2e: {  	s3 =	simm.s32 @!p0 $0x1082;
	s9 =	sld [smem:$0x3FA7]  }
0x2f: {  	lr =	sadd.s32 s0, s3;
	s0 =	sld [smem:$0x3F9E]  }
0x30: {  	s3 =	sld [smem:$0x3FA1]  }
0x31: {  	[smem:$0x3FAA] =	sst s10  }
0x32: {  	s10 =	sld [smem:$0x3FA8];
	_ =	sdelay $0x3  }
0x33: {  	p0 =	seq.s32 s10, $0x1;
	s10 =	sld [smem:$0x3FAA];
	_ =	sdelay $0x3  }
0x34: {  	[smem:$0x3FAA] =	sst s10  }
0x35: {  	s10 =	sld [smem:$0x3FA9];
	_ =	sdelay $0x3  }
0x36: {  	p1 =	seq.s32 s10, $0x1;
	s10 =	sld [smem:$0x3FAA];
	_ =	sdelay $0x3  }
0x37: {  	[smem:$0x3FAA] =	sst s10  }
0x38: {  	s10 =	sld [smem:$0x3FAB]  }
0x39: {  	_ = 	snop;
	(pc) =	sbr.ind lr, $3  }
0x3a: {  	_ = 	snop  }
0x3b: {  	_ = 	snop  }
0x3c: {  	p2 =	seq.s32 s10, $0x1;
	s10 =	sld [smem:$0x3FAA]  }
0x3d: {  	_ =	shalt  }
0x3e: {  	_ =	shalt  }
0x3f: {  	_ =	shalt  }
0x40: {  	_ =	shalt  }
0x41: {  	_ =	shalt  }
0x42: {  	_ =	shalt  }
0x43: {  	_ =	shalt  }
0x44: {  	_ =	shalt  }
0x45: {  	_ =	shalt  }
0x46: {  	_ =	shalt  }
0x47: {  	_ =	shalt  }
0x48: {  	_ =	shalt  }
0x49: {  	_ =	shalt  }
0x4a: {  	_ =	shalt  }
0x4b: {  	_ =	shalt  }
0x4c: {  	_ =	shalt  }
0x4d: {  	_ =	shalt  }
0x4e: {  	_ =	shalt  }
0x4f: {  	_ =	shalt  }
0x50: {  	_ =	shalt  }
0x51: {  	_ =	shalt  }
0x52: {  	_ =	shalt  }
0x53: {  	_ =	shalt  }
0x54: {  	_ =	shalt  }
0x55: {  	_ =	shalt  }
0x56: {  	_ =	shalt  }
0x57: {  	_ =	shalt  }
0x58: {  	_ =	shalt  }
0x59: {  	_ =	shalt  }
0x5a: {  	_ =	shalt  }
0x5b: {  	_ =	shalt  }
0x5c: {  	_ =	shalt  }
0x5d: {  	_ =	shalt  }
0x5e: {  	_ =	shalt  }
0x5f: {  	_ =	shalt  }
0x60: {  	_ =	shalt  }
0x61: {  	_ =	shalt  }
0x62: {  	_ =	shalt  }
0x63: {  	_ =	shalt  }
0x64: {  	_ =	shalt  }
0x65: {  	_ =	shalt  }
0x66: {  	_ =	shalt  }
0x67: {  	_ =	shalt  }
0x68: {  	_ =	shalt  }
0x69: {  	_ =	shalt  }
0x6a: {  	_ =	shalt  }
0x6b: {  	_ =	shalt  }
0x6c: {  	_ =	shalt  }
0x6d: {  	_ =	shalt  }
0x6e: {  	_ =	shalt  }
0x6f: {  	_ =	shalt  }
0x70: {  	_ =	shalt  }
0x71: {  	_ =	shalt  }
0x72: {  	_ =	shalt  }
0x73: {  	_ =	shalt  }
0x74: {  	_ =	shalt  }
0x75: {  	_ =	shalt  }
0x76: {  	_ =	shalt  }
0x77: {  	_ =	shalt  }
0x78: {  	_ =	shalt  }
0x79: {  	_ =	shalt  }
0x7a: {  	_ =	shalt  }
0x7b: {  	_ =	shalt  }
0x7c: {  	_ =	shalt  }
0x7d: {  	_ =	shalt  }
0x7e: {  	_ =	shalt  }
0x7f: {  	_ =	shalt  }
0x80: {  	_ =	shalt  }
0x81: {  	_ =	shalt  }
0x82: {  	_ =	shalt  }
0x83: {  	_ =	shalt  }
0x84: {  	_ =	shalt  }
0x85: {  	_ =	shalt  }
0x86: {  	_ =	shalt  }
0x87: {  	_ =	shalt  }
.Lfunc_end0:
.L_simem_size_0:
called_computation_lowered:
.L_overlay_start_0:
0x88: {  	s2 =	sld [smem:$0x3FD9]  }
0x89: {  	s3 =	sld [smem:$0x3FFE];
	_ =	sdelay $0x1  }
0x8a: {  	s1 =	srdreg.scid  }
0x8b: {  	s0 =	sand.u32 $0x1, s1  }
0x8c: {  	s14 =	sshll.u32 s0, $0xA;
	s2 =	sadd.s32 s3, s2  }
0x8d: {  	s2 =	sadd.s32 s2, s14  }
0x8e: {  	[smem:$0x3FB6] =	sst s2  }
0x8f: {  	_ = 	snop  }
0x90: {  	s2 =	sld [smem:$0x3FD0];
	_ =	sdelay $0x2  }
0x91: {  	s15 =	simm.s32 $0xA;
	s4 =	simm.s32 $0x10  }
0x92: {  	[smem:s4], [sflag:s15] =	dma.local [hbm:s2], $0x1  }
0x93: {  	_ =	swait.eq [sflag:s15], $0x1  }
0x94: {  	[sflag:s15] =	ssyncset.done $0x0  }
0x95: {  	[sflag:s15] =	ssyncadd.s32 $0xFFFFFFFF  }
0x96: {  	s16 =	sld [smem:$0x11];
	(tm) =	ssettm $0x1  }
0x97: {  	s17 =	sld [smem:$0x3FFB];
	_ =	sdelay $0x3  }
0x98: {  	_ =	strace s17  }
0x99: {  	s3 =	sld [smem:$0x3FFC];
	_ =	sdelay $0x3  }
0x9a: {  	_ =	strace s3  }
0x9b: {  	s3 =	sld [smem:$0x3FFD];
	_ =	sdelay $0x3  }
0x9c: {  	_ =	strace s3  }
0x9d: {  	_ =	strace $0x8FFFFFFF  }
0x9e: {  	s18 =	sld [smem:$0x3FDB];
	_ =	sdelay $0x1  }
0x9f: {  	s19 =	simm.s32 $_scs_section_size  }
0xa0: {  	s5 =	simm.s32 $_size__tile_overlayer_lowered;
	s6 =	simm.s32 $_tile_overlayer_lowered  }
0xa1: {  	s22 =	simm.s32 $0x1BFF;
	s21 =	sshll.u32 s6, $0x1;
	s3 =	sadd.s32 s19, s18  }
0xa2: {  	s7 =	simm.s32 $0x0;
	s20 =	sshll.u32 s5, $0x1;
	s5 =	sadd.s32 s21, s3  }
0xa3: {  	[timem:s7], [sflag:s22] =	dma.local [hbm:s5], s20  }
0xa4: {  	_ =	swait.ge [sflag:s22], s20  }
0xa5: {  	s4 =	ssub.s32 $0x0, s20;
	[sflag:s22] =	ssyncset.done $0x0  }
0xa6: {  	[sflag:s22] =	ssyncadd.s32 s4;
	_ =	sdelay $0x1  }
0xa7: {  	s23 =	simm.s32 $0x1B8B  }
0xa8: {  	_ =	swait.ge [sflag:s23], $0x1  }
0xa9: {  	[sflag:s23] =	ssyncset.done $0x0  }
0xaa: {  	s25 =	simm.s32 $0x1B8E;
	s24 =	sld [smem:$0x3FFE];
	[sflag:s23] =	ssyncadd.s32 $0xFFFFFFFF  }
0xab: {  	s26 =	simm.s32 $execute0_lowered;
	[smem:$0x3FD2] =	sst s25  }
0xac: {  	s5 =	sshll.u32 s26, $0x1;
	_ =	strace $0x80000046;
	[dreg:$0x1] =	wrdreg $0xFFFFFFFF  }
0xad: {  	s28 =	simm.s32 $_size_execute0_lowered;
	s3 =	sadd.s32 s3, s5;
	[dreg:$0x0] =	wrdreg $0x0  }
0xae: {  	s5 =	sshll.u32 s28, $0x1;
	[dreg:$0x2] =	wrdreg s3  }
0xaf: {  	[dreg:$0x3] =	wrdreg s5  }
0xb0: {  	[dreg:$0x4] =	wrdreg $0xC0  }
0xb1: {  	_ =	task [dreg:s7], $0x5FFFF  }
0xb2: {  	[dreg:$0x1] =	wrdreg $0xFFFFFFFF  }
0xb3: {  	[dreg:$0x0] =	wrdreg $0x60  }
0xb4: {  	[dreg:$0x2] =	wrdreg s16  }
0xb5: {  	[dreg:$0x3] =	wrdreg s24  }
0xb6: {  	[dreg:$0x4] =	wrdreg $0x78000  }
0xb7: {  	[dreg:$0x5] =	wrdreg $0x9  }
0xb8: {  	_ =	task.clear_ibuf [dreg:s7], $0x6FFFF;
	_ =	strace $0x90000046  }
0xb9: {  	s29 =	simm.s32 $0x9;
	_ =	strace $0x80000048  }
0xba: {  	_ =	swait.ge [sflag:s29], $0x1  }
0xbb: {  	[sflag:s29] =	ssyncadd.s32 $0xFFFFFFFF  }
0xbc: {  	_ =	strace $0x90000048  }
0xbd: {  	_ =	sfence  }
0xbe: {  	s30 =	sld [smem:$0x0];
	_ =	sdelay $0x2  }
0xbf: {  	s31 =	sshll.u32 s1, $0xD;
	s1 =	sshrl.u32 s1, $0x2  }
0xc0: {  	s3 =	sand.u32 $0x4000, s31;
	s1 =	sadd.s32 s1, s30  }
0xc1: {  	s0 =	sor.u32 s3, s0;
	s1 =	sshll.u32 s1, $0x11  }
0xc2: {  	s0 =	sor.u32 s1, s0  }
0xc3: {  	s0 =	sadd.s32 $0x8F2B, s0  }
0xc4: {  	[sflag:s0] =	ssyncadd.remote.s32 $0x1  }
0xc5: {  	_ =	sfence.sel $0xFFFF  }
0xc6: {  	[dreg:$0x0] =	wrdreg $0xFFFFFFFF;
	(pc) =	sbr.abs _section_cstart, $3  }
0xc7: {  	[dreg:$0x1] =	wrdreg $0xFFFFFFFF  }
0xc8: {  	_ =	task.clear_ibuf [dreg:s7], $0x2FFFF;
	_ =	strace $0x9FFFFFFF  }
0xc9: {  	(tm) =	ssettm $0x7FFFFFFF  }
tec
execute0_lowered:
.L_overlay_start_1:
0x0: {  	(tag) =	ssettag $0x1  }
0x1: {  	s0 =	srdreg.scid;
	s1 =	rddreg [dreg:$0x0]  }
0x2: {  	s9 =	stileid.u32;
	s3 =	rddreg [dreg:$0x1];
	s10 =	simm.s32 $0x0  }
0x3: {  	s29 =	simm.s32 $0x5;
	s30 =	simm.s32 $0x6800;
	s5 =	smul.u32 $0x50000, s9  }
0x4: {  	s31 =	simm.s32 $0x80;
	s0 =	sand.u32 $0x1, s0;
	s7 =	smul.u32 $0x2800, s9  }
0x5: {  	[smem:$0x7FF] =	sst s10;
	s3 =	sadd.s32 $0xE400, s3;
	p0 =	seq.s32 s9, $0xF  }
0x6: {  	s2 =	sshll.u32 s0, $0x4;
	s6 =	ssub.s32 $0x2, s0;
	s0 =	smul.u32 $0x27100, s0  }
0x7: {  	s4 =	sor.u32 s9, s2;
	s2 =	rddreg [dreg:$0x2];
	s8 =	sshrl.u32 s6, $0x1  }
0x8: {  	_ =	strace $0x80000047;
	s21 =	sshrl.u32 s5, $0x2;
	s4 =	smul.u32 $0x500, s4  }
0x9: {  	s6 =	ssub.s32 s6, s8;
	s22 =	sadd.s32 s7, s0;
	s5 =	sadd.s32 s21, s2  }
0xa: {  	s0 =	sadd.s32 s0, s3;
	s7 =	simm.s32 $0x0;
	s23 =	sadd.s32 s3, s22  }
0xb: {  	s0 =	sadd.s32 $0x25800, s0;
	s24 =	smax.u32 s6, $0x1;
	s25 =	sadd.s32 $0x1000, s5  }
0xc: {  	s26 =	sadd.s32 $0x2000, s5;
	s11 =	sadd.s32 $0x3000, s5;
	s12 =	sadd.s32 $0x4000, s5  }
0xd: {  	s13 =	sadd.s32 $0x5000, s5;
	s14 =	sadd.s32 $0x6000, s5;
	s15 =	sadd.s32 $0x7000, s5  }
0xe: {  	s16 =	sadd.s32 $0x8000, s5;
	s17 =	sadd.s32 $0x9000, s5;
	s18 =	sadd.s32 $0xA000, s5  }
0xf: {  	s19 =	sadd.s32 $0xB000, s5;
	s20 =	sadd.s32 $0xC000, s5;
	[dreg:$0x5] =	wrdreg s23  }
0x10: {  	s21 =	sadd.s32 $0xD000, s5;
	s22 =	sadd.s32 $0xE000, s5;
	[dreg:$0x6] =	wrdreg s0  }
0x11: {  	s28 =	sadd.s32 $0x13000, s5;
	s3 =	simm.s32 $0x2;
	[dreg:$0x7] =	wrdreg s24  }
0x12: {  	s6 =	simm.s32 $0x4;
	s1 =	sadd.s32 s1, s4;
	[dreg:$0x8] =	wrdreg s25  }
0x13: {  	[dreg:$0x9] =	wrdreg s26;
	s23 =	sadd.s32 $0xF000, s5;
	s24 =	sadd.s32 $0x10000, s5  }
0x14: {  	s25 =	sadd.s32 $0x11000, s5;
	s26 =	sadd.s32 $0x12000, s5;
	s0 =	simm.s32 $0x1  }
0x15: {  	v0 =	vimm.f32 $1.000000000e+00;
	v1 =	vimm.f32 $0.0e+00;
	s4 =	simm.s32 $0x3;
	[dreg:$0x4] =	wrdreg s1;
	s1 =	simm.s32 $0x2800  }
.LBB2_1:
0x16: {  	s8 =	rddreg [dreg:$0x4]  }
0x17: {  	[tilespmem:s10], [sflag:$0x5] =	stream.linear.gather [hbm4b:s8+s10], $0x2800, $0x38;
	[tilespmem:$0x1B800] =	vst v63  }
0x18: {  	_ =	swait.ge [sflag:s29], $0x2800  }
0x19: {  	[sflag:s29] =	ssyncset.done $0x0  }
0x1a: {  	s9 =	simm.s32 $0x200;
	s8 =	simm.s32 $0x0;
	[sflag:s29] =	ssyncadd.s32 $0xFFFFD800  }
.LBB2_2:
0x1b: {  	p1 =	sne.s32 s9, $0xFE00;
	[tilespmem:s8+$0x2870] =	vst v0  }
0x1c: {  	[tilespmem:s8+$0x2800] =	vst v0  }
0x1d: {  	[tilespmem:s8+$0x2810] =	vst v0  }
.Ltmp0:
0x1e: {  	[tilespmem:s8+$0x2820] =	vst v0;
	(pc) =	sbr.rel @p1 .LBB2_2-.Ltmp0, $4  }
0x1f: {  	[tilespmem:s8+$0x2830] =	vst v0  }
0x20: {  	[tilespmem:s8+$0x2840] =	vst v0  }
0x21: {  	[tilespmem:s8+$0x2850] =	vst v0  }
0x22: {  	[tilespmem:s8+$0x2860] =	vst v0;
	s8 =	sshra.s32 s9, $0x2;
	s9 =	sadd.s32 $0x200, s9  }
0x23: {  	[tilespmem:s8+$0x2870] =	vst v0  }
0x24: {  	[tilespmem:s8+$0x2800] =	vst v0  }
0x25: {  	[tilespmem:s8+$0x2810] =	vst v0  }
0x26: {  	[tilespmem:s8+$0x2820] =	vst v0  }
0x27: {  	[tilespmem:s8+$0x2830] =	vst v0  }
0x28: {  	[tilespmem:s8+$0x2840] =	vst v0  }
0x29: {  	[tilespmem:s8+$0x2850] =	vst v0  }
0x2a: {  	[tilespmem:s8+$0x2860] =	vst v0;
	s8 =	simm.s32 $0x0;
	s9 =	simm.s32 $0x200  }
.LBB2_4:
0x2b: {  	p1 =	sne.s32 s9, $0x3E00;
	[tilespmem:s8+$0x6870] =	vst v1  }
0x2c: {  	[tilespmem:s8+$0x6800] =	vst v1  }
0x2d: {  	[tilespmem:s8+$0x6810] =	vst v1  }
.Ltmp1:
0x2e: {  	[tilespmem:s8+$0x6820] =	vst v1;
	(pc) =	sbr.rel @p1 .LBB2_4-.Ltmp1, $4  }
0x2f: {  	[tilespmem:s8+$0x6830] =	vst v1  }
0x30: {  	[tilespmem:s8+$0x6840] =	vst v1  }
0x31: {  	[tilespmem:s8+$0x6850] =	vst v1  }
0x32: {  	[tilespmem:s8+$0x6860] =	vst v1;
	s8 =	sshra.s32 s9, $0x2;
	s9 =	sadd.s32 $0x200, s9  }
0x33: {  	[tilespmem:s8+$0x6870] =	vst v1  }
0x34: {  	[tilespmem:s8+$0x6800] =	vst v1  }
0x35: {  	[tilespmem:s8+$0x6810] =	vst v1  }
0x36: {  	[tilespmem:s8+$0x6820] =	vst v1  }
0x37: {  	[tilespmem:s8+$0x6830] =	vst v1  }
0x38: {  	[tilespmem:s8+$0x6840] =	vst v1  }
0x39: {  	[tilespmem:s8+$0x6850] =	vst v1  }
0x3a: {  	[tilespmem:s8+$0x6860] =	vst v1  }
0x3b: {  	[spmem:s5] =	stream.linear.scatter [tilespmem:s30], [sflag:$0x5], $0x1000, $0x38;
	[tilespmem:$0x1B800] =	vst v63  }
0x3c: {  	_ =	swait.ge [sflag:s29], $0x1000  }
0x3d: {  	[sflag:s29] =	ssyncset.done $0x0  }
0x3e: {  	s9 =	rddreg [dreg:$0x8];
	[sflag:s29] =	ssyncadd.s32 $0xFFFFF000  }
0x3f: {  	[spmem:s9] =	stream.linear.scatter [tilespmem:s30], [sflag:$0x5], $0x1000, $0x38;
	[tilespmem:$0x1B800] =	vst v63  }
0x40: {  	_ =	swait.ge [sflag:s29], $0x1000  }
0x41: {  	[sflag:s29] =	ssyncset.done $0x0  }
0x42: {  	s9 =	rddreg [dreg:$0x9];
	[sflag:s29] =	ssyncadd.s32 $0xFFFFF000  }
0x43: {  	[spmem:s9] =	stream.linear.scatter [tilespmem:s30], [sflag:$0x5], $0x1000, $0x38;
	[tilespmem:$0x1B800] =	vst v63  }
0x44: {  	_ =	swait.ge [sflag:s29], $0x1000  }
0x45: {  	[sflag:s29] =	ssyncset.done $0x0  }
0x46: {  	[sflag:s29] =	ssyncadd.s32 $0xFFFFF000  }
0x47: {  	[spmem:s11] =	stream.linear.scatter [tilespmem:s30], [sflag:$0x5], $0x1000, $0x38;
	[tilespmem:$0x1B800] =	vst v63  }
0x48: {  	_ =	swait.ge [sflag:s29], $0x1000  }
0x49: {  	[sflag:s29] =	ssyncset.done $0x0  }
0x4a: {  	[sflag:s29] =	ssyncadd.s32 $0xFFFFF000  }
0x4b: {  	[spmem:s12] =	stream.linear.scatter [tilespmem:s30], [sflag:$0x5], $0x1000, $0x38;
	[tilespmem:$0x1B800] =	vst v63  }
0x4c: {  	_ =	swait.ge [sflag:s29], $0x1000  }
0x4d: {  	[sflag:s29] =	ssyncset.done $0x0  }
0x4e: {  	[sflag:s29] =	ssyncadd.s32 $0xFFFFF000  }
0x4f: {  	[spmem:s13] =	stream.linear.scatter [tilespmem:s30], [sflag:$0x5], $0x1000, $0x38;
	[tilespmem:$0x1B800] =	vst v63  }
0x50: {  	_ =	swait.ge [sflag:s29], $0x1000  }
0x51: {  	[sflag:s29] =	ssyncset.done $0x0  }
0x52: {  	[sflag:s29] =	ssyncadd.s32 $0xFFFFF000  }
0x53: {  	[spmem:s14] =	stream.linear.scatter [tilespmem:s30], [sflag:$0x5], $0x1000, $0x38;
	[tilespmem:$0x1B800] =	vst v63  }
0x54: {  	_ =	swait.ge [sflag:s29], $0x1000  }
0x55: {  	[sflag:s29] =	ssyncset.done $0x0  }
0x56: {  	[sflag:s29] =	ssyncadd.s32 $0xFFFFF000  }
0x57: {  	[spmem:s15] =	stream.linear.scatter [tilespmem:s30], [sflag:$0x5], $0x1000, $0x38;
	[tilespmem:$0x1B800] =	vst v63  }
0x58: {  	_ =	swait.ge [sflag:s29], $0x1000  }
0x59: {  	[sflag:s29] =	ssyncset.done $0x0  }
0x5a: {  	[sflag:s29] =	ssyncadd.s32 $0xFFFFF000  }
0x5b: {  	[spmem:s16] =	stream.linear.scatter [tilespmem:s30], [sflag:$0x5], $0x1000, $0x38;
	[tilespmem:$0x1B800] =	vst v63  }
0x5c: {  	_ =	swait.ge [sflag:s29], $0x1000  }
0x5d: {  	[sflag:s29] =	ssyncset.done $0x0  }
0x5e: {  	[sflag:s29] =	ssyncadd.s32 $0xFFFFF000  }
0x5f: {  	[spmem:s17] =	stream.linear.scatter [tilespmem:s30], [sflag:$0x5], $0x1000, $0x38;
	[tilespmem:$0x1B800] =	vst v63  }
0x60: {  	_ =	swait.ge [sflag:s29], $0x1000  }
0x61: {  	[sflag:s29] =	ssyncset.done $0x0  }
0x62: {  	[sflag:s29] =	ssyncadd.s32 $0xFFFFF000  }
0x63: {  	[spmem:s18] =	stream.linear.scatter [tilespmem:s30], [sflag:$0x5], $0x1000, $0x38;
	[tilespmem:$0x1B800] =	vst v63  }
0x64: {  	_ =	swait.ge [sflag:s29], $0x1000  }
0x65: {  	[sflag:s29] =	ssyncset.done $0x0  }
0x66: {  	[sflag:s29] =	ssyncadd.s32 $0xFFFFF000  }
0x67: {  	[spmem:s19] =	stream.linear.scatter [tilespmem:s30], [sflag:$0x5], $0x1000, $0x38;
	[tilespmem:$0x1B800] =	vst v63  }
0x68: {  	_ =	swait.ge [sflag:s29], $0x1000  }
0x69: {  	[sflag:s29] =	ssyncset.done $0x0  }
0x6a: {  	[sflag:s29] =	ssyncadd.s32 $0xFFFFF000  }
0x6b: {  	[spmem:s20] =	stream.linear.scatter [tilespmem:s30], [sflag:$0x5], $0x1000, $0x38;
	[tilespmem:$0x1B800] =	vst v63  }
0x6c: {  	_ =	swait.ge [sflag:s29], $0x1000  }
0x6d: {  	[sflag:s29] =	ssyncset.done $0x0  }
0x6e: {  	[sflag:s29] =	ssyncadd.s32 $0xFFFFF000  }
0x6f: {  	[spmem:s21] =	stream.linear.scatter [tilespmem:s30], [sflag:$0x5], $0x1000, $0x38;
	[tilespmem:$0x1B800] =	vst v63  }
0x70: {  	_ =	swait.ge [sflag:s29], $0x1000  }
0x71: {  	[sflag:s29] =	ssyncset.done $0x0  }
0x72: {  	[sflag:s29] =	ssyncadd.s32 $0xFFFFF000  }
0x73: {  	[spmem:s22] =	stream.linear.scatter [tilespmem:s30], [sflag:$0x5], $0x1000, $0x38;
	[tilespmem:$0x1B800] =	vst v63  }
0x74: {  	_ =	swait.ge [sflag:s29], $0x1000  }
0x75: {  	[sflag:s29] =	ssyncset.done $0x0  }
0x76: {  	[sflag:s29] =	ssyncadd.s32 $0xFFFFF000  }
0x77: {  	[spmem:s23] =	stream.linear.scatter [tilespmem:s30], [sflag:$0x5], $0x1000, $0x38;
	[tilespmem:$0x1B800] =	vst v63  }
0x78: {  	_ =	swait.ge [sflag:s29], $0x1000  }
0x79: {  	[sflag:s29] =	ssyncset.done $0x0  }
0x7a: {  	[sflag:s29] =	ssyncadd.s32 $0xFFFFF000  }
0x7b: {  	[spmem:s24] =	stream.linear.scatter [tilespmem:s30], [sflag:$0x5], $0x1000, $0x38;
	[tilespmem:$0x1B800] =	vst v63  }
0x7c: {  	_ =	swait.ge [sflag:s29], $0x1000  }
0x7d: {  	[sflag:s29] =	ssyncset.done $0x0  }
0x7e: {  	[sflag:s29] =	ssyncadd.s32 $0xFFFFF000  }
0x7f: {  	[spmem:s25] =	stream.linear.scatter [tilespmem:s30], [sflag:$0x5], $0x1000, $0x38;
	[tilespmem:$0x1B800] =	vst v63  }
0x80: {  	_ =	swait.ge [sflag:s29], $0x1000  }
0x81: {  	[sflag:s29] =	ssyncset.done $0x0  }
0x82: {  	[sflag:s29] =	ssyncadd.s32 $0xFFFFF000  }
0x83: {  	[spmem:s26] =	stream.linear.scatter [tilespmem:s30], [sflag:$0x5], $0x1000, $0x38;
	[tilespmem:$0x1B800] =	vst v63  }
0x84: {  	_ =	swait.ge [sflag:s29], $0x1000  }
0x85: {  	[sflag:s29] =	ssyncset.done $0x0  }
0x86: {  	[sflag:s29] =	ssyncadd.s32 $0xFFFFF000  }
0x87: {  	[spmem:s28] =	stream.linear.scatter [tilespmem:s30], [sflag:$0x5], $0x1000, $0x38;
	[tilespmem:$0x1B800] =	vst v63  }
0x88: {  	_ =	swait.ge [sflag:s29], $0x1000  }
0x89: {  	[sflag:s29] =	ssyncset.done $0x0  }
0x8a: {  	[sflag:s29] =	ssyncadd.s32 $0xFFFFF000  }
0x8b: {  	[bflag:$0x0] =	sbarrier.arrive $0xFFFF  }
0x8c: {  	[spmem:s2] =	stream.indirect.scatter.add.f32 [tilespmem:s1], [sflag:$0x1], $0x80, s10, s31, $0xb8;
	[tilespmem:$0x1B800] =	vst v63  }
0x8d: {  	_ = 	snop  }
0x8e: {  	[spmem:s2] =	stream.indirect.scatter.add.f32 [tilespmem:s1], [sflag:$0x2], $0x80, s31, s31, $0xb8;
	[tilespmem:$0x1B800] =	vst v63  }
0x8f: {  	s10 =	simm.s32 $0x100  }
0x90: {  	[spmem:s2] =	stream.indirect.scatter.add.f32 [tilespmem:s1], [sflag:$0x3], $0x80, s10, s31, $0xb8;
	[tilespmem:$0x1B800] =	vst v63  }
0x91: {  	s9 =	simm.s32 $0x180  }
0x92: {  	[spmem:s2] =	stream.indirect.scatter.add.f32 [tilespmem:s1], [sflag:$0x4], $0x80, s9, s31, $0xb8;
	[tilespmem:$0x1B800] =	vst v63  }
0x93: {  	_ =	swait.ge [sflag:s0], $0x4000  }
0x94: {  	[sflag:s0] =	ssyncset.done $0x0  }
0x95: {  	s10 =	simm.s32 $0x200;
	[sflag:s0] =	ssyncadd.s32 $0xFFFFC000  }
0x96: {  	[spmem:s2] =	stream.indirect.scatter.add.f32 [tilespmem:s1], [sflag:$0x1], $0x80, s10, s31, $0xb8;
	[tilespmem:$0x1B800] =	vst v63  }
0x97: {  	_ =	swait.ge [sflag:s3], $0x4000  }
0x98: {  	[sflag:s3] =	ssyncset.done $0x0  }
0x99: {  	s9 =	simm.s32 $0x280;
	[sflag:s3] =	ssyncadd.s32 $0xFFFFC000  }
0x9a: {  	[spmem:s2] =	stream.indirect.scatter.add.f32 [tilespmem:s1], [sflag:$0x2], $0x80, s9, s31, $0xb8;
	[tilespmem:$0x1B800] =	vst v63  }
0x9b: {  	_ =	swait.ge [sflag:s4], $0x4000  }
0x9c: {  	[sflag:s4] =	ssyncset.done $0x0  }
0x9d: {  	s10 =	simm.s32 $0x300;
	[sflag:s4] =	ssyncadd.s32 $0xFFFFC000  }
0x9e: {  	[spmem:s2] =	stream.indirect.scatter.add.f32 [tilespmem:s1], [sflag:$0x3], $0x80, s10, s31, $0xb8;
	[tilespmem:$0x1B800] =	vst v63  }
0x9f: {  	_ =	swait.ge [sflag:s6], $0x4000  }
0xa0: {  	[sflag:s6] =	ssyncset.done $0x0  }
0xa1: {  	s8 =	simm.s32 $0xFFFF7000;
	s9 =	simm.s32 $0x380;
	[sflag:s6] =	ssyncadd.s32 $0xFFFFC000  }
.LBB2_6:
0xa2: {  	[spmem:s2] =	stream.indirect.scatter.add.f32 [tilespmem:s1], [sflag:$0x4], $0x80, s9, s31, $0xb8;
	[tilespmem:$0x1B800] =	vst v63  }
0xa3: {  	s9 =	smov.u32 s8  }
0xa4: {  	p1 =	sne.s32 s8, $0xFFFFF800;
	s8 =	sadd.s32 $0x800, s8;
	_ =	swait.ge [sflag:s0], $0x4000  }
0xa5: {  	s9 =	sshra.s32 s9, $0x2;
	[sflag:s0] =	ssyncset.done $0x0  }
0xa6: {  	s10 =	sadd.s32 $0x2800, s9;
	[sflag:s0] =	ssyncadd.s32 $0xFFFFC000  }
0xa7: {  	[spmem:s2] =	stream.indirect.scatter.add.f32 [tilespmem:s1], [sflag:$0x1], $0x80, s10, s31, $0xb8;
	[tilespmem:$0x1B800] =	vst v63  }
0xa8: {  	_ =	swait.ge [sflag:s3], $0x4000  }
0xa9: {  	[sflag:s3] =	ssyncset.done $0x0  }
0xaa: {  	s10 =	sadd.s32 $0x2880, s9;
	[sflag:s3] =	ssyncadd.s32 $0xFFFFC000  }
0xab: {  	[spmem:s2] =	stream.indirect.scatter.add.f32 [tilespmem:s1], [sflag:$0x2], $0x80, s10, s31, $0xb8;
	[tilespmem:$0x1B800] =	vst v63  }
0xac: {  	_ =	swait.ge [sflag:s4], $0x4000  }
0xad: {  	[sflag:s4] =	ssyncset.done $0x0  }
.Ltmp2:
0xae: {  	s10 =	sadd.s32 $0x2900, s9;
	[sflag:s4] =	ssyncadd.s32 $0xFFFFC000;
	(pc) =	sbr.rel @p1 .LBB2_6-.Ltmp2, $4  }
0xaf: {  	[spmem:s2] =	stream.indirect.scatter.add.f32 [tilespmem:s1], [sflag:$0x3], $0x80, s10, s31, $0xb8;
	[tilespmem:$0x1B800] =	vst v63  }
0xb0: {  	_ =	swait.ge [sflag:s6], $0x4000  }
0xb1: {  	[sflag:s6] =	ssyncset.done $0x0  }
0xb2: {  	s9 =	sadd.s32 $0x2980, s9;
	[sflag:s6] =	ssyncadd.s32 $0xFFFFC000  }
0xb3: {  	[spmem:s2] =	stream.indirect.scatter.add.f32 [tilespmem:s1], [sflag:$0x4], $0x80, s9, s31, $0xb8;
	[tilespmem:$0x1B800] =	vst v63  }
0xb4: {  	_ =	swait.ge [sflag:s0], $0x4000  }
0xb5: {  	[sflag:s0] =	ssyncset.done $0x0  }
0xb6: {  	[sflag:s0] =	ssyncadd.s32 $0xFFFFC000  }
0xb7: {  	_ =	swait.ge [sflag:s3], $0x4000  }
0xb8: {  	[sflag:s3] =	ssyncset.done $0x0  }
0xb9: {  	[sflag:s3] =	ssyncadd.s32 $0xFFFFC000  }
0xba: {  	_ =	swait.ge [sflag:s4], $0x4000  }
0xbb: {  	[sflag:s4] =	ssyncset.done $0x0  }
0xbc: {  	[sflag:s4] =	ssyncadd.s32 $0xFFFFC000  }
0xbd: {  	_ =	swait.ge [sflag:s6], $0x4000  }
0xbe: {  	[sflag:s6] =	ssyncset.done $0x0  }
0xbf: {  	[sflag:s6] =	ssyncadd.s32 $0xFFFFC000  }
0xc0: {  	[bflag:$0x0] =	sbarrier.arrive $0xFFFF  }
0xc1: {  	s8 =	sshrl.u32 @p0 s5, $0x3;
	s9 =	simm.s32 @p0 $0x1FC5;
	s10 =	rddreg [dreg:$0x6]  }
0xc2: {  	[hbm:s10], [sflag:s9] =	dma.local @p0 [spmem:s8], $0x1900  }
0xc3: {  	s8 =	simm.s32 @p0 $0x5  }
0xc4: {  	s9 =	stileid.u32;
	_ =	swait.ge @p0 [sflag:s8], $0x1900  }
0xc5: {  	s9 =	sshll.u32 @!p0 s9, $0x6;
	[sflag:s8] =	ssyncset.done @p0 $0x0;
	s10 =	rddreg [dreg:$0x5]  }
0xc6: {  	[sflag:s8] =	ssyncadd.s32 @p0 $0xFFFFE700;
	s8 =	sor.u32 @!p0 $0x1C05, s9;
	s9 =	sshrl.u32 @!p0 s5, $0x3  }
0xc7: {  	[hbm:s10], [sflag:s8] =	dma.local @!p0 [spmem:s9], $0x2800  }
0xc8: {  	s8 =	simm.s32 @!p0 $0x5  }
0xc9: {  	_ =	swait.ge @!p0 [sflag:s8], $0x2800  }
0xca: {  	s7 =	sadd.s32 $0x1, s7;
	s10 =	rddreg [dreg:$0x7]  }
0xcb: {  	p1 =	sne.s32 s7, s10  }
.Ltmp3:
0xcc: {  	_ = 	snop;
	(pc) =	sbr.rel @p1 .LBB2_1-.Ltmp3, $3  }
0xcd: {  	_ =	sdelay $0x1  }
0xce: {  	[sflag:s8] =	ssyncset.done @!p0 $0x0  }
0xcf: {  	[sflag:s8] =	ssyncadd.s32 @!p0 $0xFFFFD800;
	s10 =	simm.s32 $0x0  }
0xd0: {  	_ =	sfence.sel $0x180000  }
0xd1: {  	[bflag:$0x0] =	sbarrier.arrive $0xFFFF  }
0xd2: {  	_ =	strace $0x90000047  }
0xd3: {  	s0 =	stileid.u32;
	[bflag:$0x2] =	sbarrier.arrive $0xFFFF  }
0xd4: {  	p0 =	sne.s32 s0, $0x0;
	s0 =	rddreg [dreg:$0x3]  }
0xd5: {  	s0 =	sadd.s32 @!p0 $0x100000, s0  }
0xd6: {  	[sflag:s0] =	ssyncadd.tile.s32 @!p0 $0x1;
	_ =	shalt  }
.Lfunc_end2:
_tile_overlayer_lowered:
.L_overlay_start_2:
0xd7: {  	(tag) =	ssettag $0x2  }
0xd8: {  	s0 =	rddreg [dreg:$0x0];
	s2 =	stileid.u32  }
0xd9: {  	s1 =	rddreg [dreg:$0x1];
	p0 =	sne.s32 s2, $0x0  }
0xda: {  	s3 =	rddreg [dreg:$0x2];
	[bflag:$0x3] =	sbarrier.arrive $0xFFFF;
	s2 =	simm.s32 @!p0 $0x1C05  }
0xdb: {  	[timem:s3], [sflag:s2] =	dma.local @!p0 [hbm:s0], s1  }
0xdc: {  	s0 =	simm.s32 @!p0 $0x5  }
0xdd: {  	_ =	swait.ge @!p0 [sflag:s0], s1  }
0xde: {  	s1 =	ssub.s32 @!p0 $0x0, s1;
	[sflag:s0] =	ssyncset.done @!p0 $0x0  }
0xdf: {  	[sflag:s0] =	ssyncadd.s32 @!p0 s1  }
0xe0: {  	[bflag:$0x3] =	sbarrier.arrive $0xFFFF  }
0xe1: {  	_ =	shalt  }

// kernel: kernel.16.cloned.1.call-start
scs
__scs_entry_jumppad:
0x0: {  	(pc) =	sbr.rel $0x88, $3  }
0x1: {  	(tag) =	ssettag $0x0;
	lr =	simm.s32 $0x1  }
0x2: {  	[smem:$0x3F8F] =	sst lr;
	_ =	strace $0xD0000000  }
0x3: {  	_ = 	snop  }
0x4: {  	_ = 	snop  }
0x5: {  	_ = 	snop  }
0x6: {  	_ = 	snop  }
0x7: {  	_ = 	snop  }
__scs_overlays_trampoline_lowered:
0x8: {  	[smem:$0x3F9E] =	sst s0  }
0x9: {  	[smem:$0x3F9F] =	sst s1  }
0xa: {  	[smem:$0x3FA0] =	sst s2  }
0xb: {  	[smem:$0x3FA1] =	sst s3  }
0xc: {  	[smem:$0x3FA2] =	sst s4  }
0xd: {  	[smem:$0x3FA3] =	sst s5  }
0xe: {  	[smem:$0x3FA4] =	sst s6  }
0xf: {  	[smem:$0x3FA5] =	sst s7  }
0x10: {  	[smem:$0x3FA6] =	sst s8  }
0x11: {  	[smem:$0x3FA7] =	sst s9;
	s0 =	simm.s32 @!p0 $0x0  }
0x12: {  	s1 =	sld [smem:$0x3F8D];
	s0 =	simm.s32 @p0 $0x1  }
0x13: {  	[smem:$0x3FA8] =	sst s0;
	s0 =	simm.s32 @!p1 $0x0  }
0x14: {  	s2 =	sld [smem:$0x3F8C];
	s0 =	simm.s32 @p1 $0x1  }
0x15: {  	[smem:$0x3FA9] =	sst s0;
	s0 =	simm.s32 @!p2 $0x0  }
0x16: {  	s3 =	sld [smem:$0x3FDB];
	s0 =	simm.s32 @p2 $0x1  }
0x17: {  	s4 =	simm.s32 $0x1BF5;
	[smem:$0x3FAB] =	sst s0  }
0x18: {  	s0 =	sld [smem:$0x3F8E];
	_ =	swait.ge [sflag:s4], $0x0  }
0x19: {  	s7 =	sld [smem:$0x3F8F]  }
0x1a: {  	s8 =	sadd.s32 $0xFFFFE003, lr  }
0x1b: {  	s9 =	sadd.s32 $0xFFFFFEF7, lr;
	s5 =	simm.s32 $0xFFFFFFFF;
	p2 =	slt.u32 s8, $0xFFFFF086  }
0x1c: {  	p1 =	slt.u32 s9, $0xF7A;
	s5 =	simm.s32 @!p2 $0x0  }
0x1d: {  	s5 =	simm.s32 @p1 $0x1;
	p0 =	seq.s32 s7, s2  }
0x1e: {  	s7 =	smul.u32 @!p0 $0xF7A, s2;
	p2 =	seq.s32 @!p0 s5, $0x0  }
0x1f: {  	s9 =	smul.u32 $0xF7A, s1;
	s8 =	simm.s32 @!p0 $0x1BF5;
	p2 =	por !p2, p0  }
0x20: {  	[sflag:s8] =	ssyncset.s32 @!p0 $0xFFFFF086;
	s6 =	sadd.s32 @!p0 s3, s7;
	s7 =	simm.s32 @!p0 $0x108  }
0x21: {  	s3 =	sadd.s32 s3, s9;
	s6 =	sadd.s32 @!p0 $0x88, s6;
	s7 =	simm.s32 @p2 $0x1082  }
0x22: {  	[simem:s7], [sflag:s8] =	dma.local @!p0 [hbm:s6], $0xF7A  }
0x23: {  	s9 =	sor.u32 $0xD0000000, s2;
	s6 =	simm.s32 $0x108;
	_ =	swait.ge @!p0 [sflag:s8], $0x0  }
0x24: {  	s3 =	sadd.s32 $0x88, s3;
	s6 =	simm.s32 @!p1 $0x1082;
	[sflag:s4] =	ssyncset.s32 $0xFFFFF086  }
0x25: {  	[simem:s6], [sflag:s4] =	dma.local [hbm:s3], $0xF7A  }
0x26: {  	[smem:$0x3F8F] =	sst s1;
	(tag) =	ssettag s2;
	_ =	strace s9  }
0x27: {  	s1 =	sld [smem:$0x3F9F]  }
0x28: {  	s2 =	sld [smem:$0x3FA0]  }
0x29: {  	s4 =	sld [smem:$0x3FA2]  }
0x2a: {  	p0 =	seq.s32 s5, $0x0;
	s5 =	sld [smem:$0x3FA3]  }
0x2b: {  	s6 =	sld [smem:$0x3FA4]  }
0x2c: {  	s7 =	sld [smem:$0x3FA5]  }
0x2d: {  	s3 =	simm.s32 $0x108;
	s8 =	sld [smem:$0x3FA6]  }
0x2e: {  	s3 =	simm.s32 @!p0 $0x1082;
	s9 =	sld [smem:$0x3FA7]  }
0x2f: {  	lr =	sadd.s32 s0, s3;
	s0 =	sld [smem:$0x3F9E]  }
0x30: {  	s3 =	sld [smem:$0x3FA1]  }
0x31: {  	[smem:$0x3FAA] =	sst s10  }
0x32: {  	s10 =	sld [smem:$0x3FA8];
	_ =	sdelay $0x3  }
0x33: {  	p0 =	seq.s32 s10, $0x1;
	s10 =	sld [smem:$0x3FAA];
	_ =	sdelay $0x3  }
0x34: {  	[smem:$0x3FAA] =	sst s10  }
0x35: {  	s10 =	sld [smem:$0x3FA9];
	_ =	sdelay $0x3  }
0x36: {  	p1 =	seq.s32 s10, $0x1;
	s10 =	sld [smem:$0x3FAA];
	_ =	sdelay $0x3  }
0x37: {  	[smem:$0x3FAA] =	sst s10  }
0x38: {  	s10 =	sld [smem:$0x3FAB]  }
0x39: {  	_ = 	snop;
	(pc) =	sbr.ind lr, $3  }
0x3a: {  	_ = 	snop  }
0x3b: {  	_ = 	snop  }
0x3c: {  	p2 =	seq.s32 s10, $0x1;
	s10 =	sld [smem:$0x3FAA]  }
0x3d: {  	_ =	shalt  }
0x3e: {  	_ =	shalt  }
0x3f: {  	_ =	shalt  }
0x40: {  	_ =	shalt  }
0x41: {  	_ =	shalt  }
0x42: {  	_ =	shalt  }
0x43: {  	_ =	shalt  }
0x44: {  	_ =	shalt  }
0x45: {  	_ =	shalt  }
0x46: {  	_ =	shalt  }
0x47: {  	_ =	shalt  }
0x48: {  	_ =	shalt  }
0x49: {  	_ =	shalt  }
0x4a: {  	_ =	shalt  }
0x4b: {  	_ =	shalt  }
0x4c: {  	_ =	shalt  }
0x4d: {  	_ =	shalt  }
0x4e: {  	_ =	shalt  }
0x4f: {  	_ =	shalt  }
0x50: {  	_ =	shalt  }
0x51: {  	_ =	shalt  }
0x52: {  	_ =	shalt  }
0x53: {  	_ =	shalt  }
0x54: {  	_ =	shalt  }
0x55: {  	_ =	shalt  }
0x56: {  	_ =	shalt  }
0x57: {  	_ =	shalt  }
0x58: {  	_ =	shalt  }
0x59: {  	_ =	shalt  }
0x5a: {  	_ =	shalt  }
0x5b: {  	_ =	shalt  }
0x5c: {  	_ =	shalt  }
0x5d: {  	_ =	shalt  }
0x5e: {  	_ =	shalt  }
0x5f: {  	_ =	shalt  }
0x60: {  	_ =	shalt  }
0x61: {  	_ =	shalt  }
0x62: {  	_ =	shalt  }
0x63: {  	_ =	shalt  }
0x64: {  	_ =	shalt  }
0x65: {  	_ =	shalt  }
0x66: {  	_ =	shalt  }
0x67: {  	_ =	shalt  }
0x68: {  	_ =	shalt  }
0x69: {  	_ =	shalt  }
0x6a: {  	_ =	shalt  }
0x6b: {  	_ =	shalt  }
0x6c: {  	_ =	shalt  }
0x6d: {  	_ =	shalt  }
0x6e: {  	_ =	shalt  }
0x6f: {  	_ =	shalt  }
0x70: {  	_ =	shalt  }
0x71: {  	_ =	shalt  }
0x72: {  	_ =	shalt  }
0x73: {  	_ =	shalt  }
0x74: {  	_ =	shalt  }
0x75: {  	_ =	shalt  }
0x76: {  	_ =	shalt  }
0x77: {  	_ =	shalt  }
0x78: {  	_ =	shalt  }
0x79: {  	_ =	shalt  }
0x7a: {  	_ =	shalt  }
0x7b: {  	_ =	shalt  }
0x7c: {  	_ =	shalt  }
0x7d: {  	_ =	shalt  }
0x7e: {  	_ =	shalt  }
0x7f: {  	_ =	shalt  }
0x80: {  	_ =	shalt  }
0x81: {  	_ =	shalt  }
0x82: {  	_ =	shalt  }
0x83: {  	_ =	shalt  }
0x84: {  	_ =	shalt  }
0x85: {  	_ =	shalt  }
0x86: {  	_ =	shalt  }
0x87: {  	_ =	shalt  }
.Lfunc_end0:
.L_simem_size_0:
called_computation.1_lowered:
.L_overlay_start_0:
0x88: {  	s2 =	sld [smem:$0x3FD9]  }
0x89: {  	s3 =	sld [smem:$0x3FFE];
	_ =	sdelay $0x1  }
0x8a: {  	s1 =	srdreg.scid  }
0x8b: {  	s0 =	sand.u32 $0x1, s1  }
0x8c: {  	s14 =	sshll.u32 s0, $0xA;
	s2 =	sadd.s32 s3, s2  }
0x8d: {  	s2 =	sadd.s32 s2, s14  }
0x8e: {  	[smem:$0x3FB6] =	sst s2  }
0x8f: {  	_ = 	snop  }
0x90: {  	s2 =	sld [smem:$0x3FD0];
	_ =	sdelay $0x2  }
0x91: {  	s15 =	simm.s32 $0xA;
	s4 =	simm.s32 $0x10  }
0x92: {  	[smem:s4], [sflag:s15] =	dma.local [hbm:s2], $0x1  }
0x93: {  	_ =	swait.eq [sflag:s15], $0x1  }
0x94: {  	[sflag:s15] =	ssyncset.done $0x0  }
0x95: {  	s16 =	sld [smem:$0x10];
	[sflag:s15] =	ssyncadd.s32 $0xFFFFFFFF  }
0x96: {  	s17 =	sld [smem:$0x11];
	(tm) =	ssettm $0x1  }
0x97: {  	s18 =	sld [smem:$0x3FFB];
	_ =	sdelay $0x3  }
0x98: {  	_ =	strace s18  }
0x99: {  	s4 =	sld [smem:$0x3FFC];
	_ =	sdelay $0x3  }
0x9a: {  	_ =	strace s4  }
0x9b: {  	s4 =	sld [smem:$0x3FFD];
	_ =	sdelay $0x3  }
0x9c: {  	_ =	strace s4  }
0x9d: {  	_ =	strace $0x8FFFFFFF  }
0x9e: {  	s19 =	sld [smem:$0x3FDB];
	_ =	sdelay $0x1  }
0x9f: {  	s5 =	simm.s32 $_scs_section_size  }
0xa0: {  	s6 =	simm.s32 $_size__tile_overlayer_lowered;
	s7 =	simm.s32 $_tile_overlayer_lowered  }
0xa1: {  	s22 =	simm.s32 $0x1BFF;
	s21 =	sshll.u32 s7, $0x1;
	s4 =	sadd.s32 s5, s19  }
0xa2: {  	s8 =	simm.s32 $0x0;
	s20 =	sshll.u32 s6, $0x1;
	s6 =	sadd.s32 s21, s4  }
0xa3: {  	[timem:s8], [sflag:s22] =	dma.local [hbm:s6], s20  }
0xa4: {  	_ =	swait.ge [sflag:s22], s20  }
0xa5: {  	s5 =	ssub.s32 $0x0, s20;
	[sflag:s22] =	ssyncset.done $0x0  }
0xa6: {  	[sflag:s22] =	ssyncadd.s32 s5;
	_ =	sdelay $0x1  }
0xa7: {  	s23 =	simm.s32 $0x1B8B  }
0xa8: {  	_ =	swait.ge [sflag:s23], $0x1  }
0xa9: {  	[sflag:s23] =	ssyncset.done $0x0  }
0xaa: {  	s25 =	simm.s32 $0x1B8E;
	s24 =	sld [smem:$0x3FFE];
	[sflag:s23] =	ssyncadd.s32 $0xFFFFFFFF  }
0xab: {  	s26 =	simm.s32 $execute0_lowered;
	[smem:$0x3FD2] =	sst s25  }
0xac: {  	s6 =	sshll.u32 s26, $0x1;
	_ =	strace $0x80000049;
	[dreg:$0x1] =	wrdreg $0xFFFFFFFF  }
0xad: {  	s28 =	simm.s32 $_size_execute0_lowered;
	s4 =	sadd.s32 s4, s6;
	[dreg:$0x0] =	wrdreg $0x0  }
0xae: {  	s6 =	sshll.u32 s28, $0x1;
	[dreg:$0x2] =	wrdreg s4  }
0xaf: {  	[dreg:$0x3] =	wrdreg s6  }
0xb0: {  	[dreg:$0x4] =	wrdreg $0xC0  }
0xb1: {  	_ =	task [dreg:s8], $0x5FFFF  }
0xb2: {  	[dreg:$0x1] =	wrdreg $0xFFFFFFFF  }
0xb3: {  	[dreg:$0x0] =	wrdreg $0x60  }
0xb4: {  	[dreg:$0x2] =	wrdreg s17  }
0xb5: {  	[dreg:$0x3] =	wrdreg s24  }
0xb6: {  	[dreg:$0x4] =	wrdreg s16  }
0xb7: {  	[dreg:$0x5] =	wrdreg $0x94000  }
0xb8: {  	[dreg:$0x6] =	wrdreg $0x9  }
0xb9: {  	_ =	task.clear_ibuf [dreg:s8], $0x7FFFF;
	_ =	strace $0x90000049  }
0xba: {  	s29 =	simm.s32 $0x9;
	_ =	strace $0x8000004B  }
0xbb: {  	_ =	swait.ge [sflag:s29], $0x1  }
0xbc: {  	[sflag:s29] =	ssyncadd.s32 $0xFFFFFFFF  }
0xbd: {  	_ =	strace $0x9000004B  }
0xbe: {  	_ =	sfence  }
0xbf: {  	s30 =	sld [smem:$0x0];
	_ =	sdelay $0x2  }
0xc0: {  	s31 =	sshll.u32 s1, $0xD;
	s1 =	sshrl.u32 s1, $0x2  }
0xc1: {  	s3 =	sand.u32 $0x4000, s31;
	s1 =	sadd.s32 s1, s30  }
0xc2: {  	s0 =	sor.u32 s3, s0;
	s1 =	sshll.u32 s1, $0x11  }
0xc3: {  	s0 =	sor.u32 s1, s0  }
0xc4: {  	s0 =	sadd.s32 $0x8F2B, s0  }
0xc5: {  	[sflag:s0] =	ssyncadd.remote.s32 $0x1  }
0xc6: {  	_ =	sfence.sel $0xFFFF  }
0xc7: {  	[dreg:$0x0] =	wrdreg $0xFFFFFFFF;
	(pc) =	sbr.abs _section_cstart, $3  }
0xc8: {  	[dreg:$0x1] =	wrdreg $0xFFFFFFFF  }
0xc9: {  	_ =	task.clear_ibuf [dreg:s8], $0x2FFFF;
	_ =	strace $0x9FFFFFFF  }
0xca: {  	(tm) =	ssettm $0x7FFFFFFF  }
0xcb: {  	_ =	shalt  }
tec
execute0_lowered:
.L_overlay_start_1:
0x0: {  	(tag) =	ssettag $0x1  }
0x1: {  	s0 =	rddreg [dreg:$0x0]  }
0x2: {  	s1 =	rddreg [dreg:$0x1]  }
0x3: {  	s2 =	srdreg.scid;
	s5 =	rddreg [dreg:$0x2]  }
0x4: {  	s3 =	rddreg [dreg:$0x3];
	s14 =	stileid.u32;
	s4 =	simm.s32 $0x0  }
0x5: {  	s28 =	simm.s32 $0x7;
	s29 =	simm.s32 $0x3;
	s30 =	simm.s32 $0x6  }
0x6: {  	s31 =	simm.s32 $0x8;
	s2 =	sand.u32 $0x1, s2;
	[smem:$0x7FF] =	sst s4  }
0x7: {  	s8 =	sadd.s32 $0x5C600, s1;
	s1 =	sadd.s32 $0x4400, s1;
	s10 =	smul.u32 $0x50000, s14  }
0x8: {  	s12 =	smul.u32 $0x2800, s14;
	p0 =	seq.s32 s14, $0xF;
	s6 =	sshll.u32 s2, $0x4  }
0x9: {  	_ =	strace $0x8000004A;
	s23 =	smul.u32 $0x27100, s2;
	s25 =	sshrl.u32 s10, $0x2  }
0xa: {  	s7 =	ssub.s32 $0x2, s2;
	s2 =	smul.u32 $0x28000, s2;
	s13 =	sadd.s32 s25, s3  }
0xb: {  	s6 =	sor.u32 s14, s6;
	s9 =	sshrl.u32 s7, $0x1;
	s15 =	sadd.s32 $0x1000, s13  }
0xc: {  	s6 =	smul.u32 $0x2800, s6;
	s25 =	sadd.s32 $0x3000, s13;
	[dreg:$0x16] =	wrdreg s15  }
0xd: {  	s26 =	sadd.s32 s12, s23;
	s14 =	sadd.s32 $0x8000, s13;
	[dreg:$0x18] =	wrdreg s25  }
0xe: {  	s2 =	sadd.s32 s12, s2;
	[dreg:$0x1d] =	wrdreg s14;
	s15 =	sadd.s32 $0x9000, s13  }
0xf: {  	s6 =	sshrl.u32 s6, $0x3;
	s25 =	sadd.s32 $0x11000, s13;
	[dreg:$0x1e] =	wrdreg s15  }
0x10: {  	s10 =	sor.u32 $0x380, s2;
	s18 =	sadd.s32 s8, s6;
	[smem:$0x7FC] =	sst s25  }
0x11: {  	s12 =	sshrl.u32 s10, $0x3;
	s19 =	sadd.s32 s1, s6;
	[dreg:$0xb] =	wrdreg s18  }
0x12: {  	s20 =	sor.u32 $0x10, s6;
	s16 =	sadd.s32 s12, s1;
	[dreg:$0xc] =	wrdreg s19  }
0x13: {  	s7 =	ssub.s32 s7, s9;
	s11 =	sadd.s32 s8, s20;
	[dreg:$0x5] =	wrdreg s16  }
0x14: {  	s21 =	sor.u32 $0x20, s6;
	s9 =	sadd.s32 s1, s20;
	[dreg:$0xd] =	wrdreg s11  }
0x15: {  	s6 =	sor.u32 $0x30, s6;
	s22 =	sadd.s32 s8, s21;
	[dreg:$0xe] =	wrdreg s9  }
0x16: {  	s17 =	sor.u32 $0x300, s2;
	s24 =	sadd.s32 s8, s6;
	[dreg:$0xf] =	wrdreg s22  }
0x17: {  	s14 =	simm.s32 $0x100;
	s6 =	sadd.s32 s1, s6;
	[dreg:$0x11] =	wrdreg s24  }
0x18: {  	s15 =	simm.s32 $0x300;
	s16 =	sadd.s32 $0xA000, s13;
	[dreg:$0x12] =	wrdreg s6  }
0x19: {  	s18 =	sshrl.u32 s17, $0x3;
	s17 =	sadd.s32 $0xB000, s13;
	[dreg:$0x1f] =	wrdreg s16  }
0x1a: {  	s25 =	simm.s32 $0x9;
	s11 =	sadd.s32 s1, s21;
	[smem:$0x7F6] =	sst s17  }
0x1b: {  	s20 =	sor.u32 $0x280, s2;
	s6 =	sadd.s32 s5, s26;
	[dreg:$0x10] =	wrdreg s11  }
0x1c: {  	s2 =	sor.u32 $0x200, s2;
	s19 =	sadd.s32 s18, s1;
	[dreg:$0x13] =	wrdreg s6  }
0x1d: {  	s5 =	sadd.s32 s23, s5;
	s23 =	sadd.s32 $0x2000, s13;
	[dreg:$0x7] =	wrdreg s19  }
0x1e: {  	s21 =	sadd.s32 s18, s8;
	s22 =	sshrl.u32 s20, $0x3;
	[dreg:$0x17] =	wrdreg s23  }
0x1f: {  	s26 =	sadd.s32 $0x4000, s13;
	s9 =	sadd.s32 $0x5000, s13;
	[dreg:$0x8] =	wrdreg s21  }
0x20: {  	s2 =	sshrl.u32 s2, $0x3;
	s18 =	sadd.s32 $0xC000, s13;
	[dreg:$0x19] =	wrdreg s26  }
0x21: {  	s20 =	sadd.s32 $0xE000, s13;
	s16 =	simm.s32 $0x180;
	[dreg:$0x1a] =	wrdreg s9  }
0x22: {  	s17 =	simm.s32 $0x380;
	s5 =	sadd.s32 $0x25800, s5;
	[smem:$0x7F7] =	sst s18  }
0x23: {  	s11 =	smax.u32 s7, $0x1;
	s24 =	sadd.s32 s22, s1;
	[smem:$0x7F9] =	sst s20  }
0x24: {  	s10 =	sadd.s32 s22, s8;
	s23 =	sadd.s32 s2, s1;
	[dreg:$0x14] =	wrdreg s5  }
0x25: {  	s19 =	sadd.s32 $0xD000, s13;
	s21 =	sadd.s32 $0xF000, s13;
	[dreg:$0x15] =	wrdreg s11  }
0x26: {  	s22 =	sadd.s32 $0x10000, s13;
	s26 =	sadd.s32 $0x12000, s13;
	[dreg:$0x9] =	wrdreg s24  }
0x27: {  	s9 =	sadd.s32 $0x13000, s13;
	s18 =	simm.s32 $0x1;
	[dreg:$0xa] =	wrdreg s10  }
0x28: {  	s20 =	simm.s32 $0x2;
	s1 =	simm.s32 $0x4;
	[smem:$0x7F8] =	sst s19  }
0x29: {  	s5 =	sadd.s32 s12, s8;
	s11 =	sadd.s32 $0x6000, s13;
	[smem:$0x7FA] =	sst s21  }
0x2a: {  	s24 =	sadd.s32 s2, s8;
	s12 =	sadd.s32 $0x7000, s13;
	[smem:$0x7FB] =	sst s22  }
0x2b: {  	[smem:$0x7FD] =	sst s26;
	s10 =	simm.s32 $0x200;
	s19 =	simm.s32 $0x400  }
0x2c: {  	s21 =	simm.s32 $0x4400;
	s22 =	simm.s32 $0x8400;
	[dreg:$0x6] =	wrdreg s5  }
0x2d: {  	s26 =	simm.s32 $0x5;
	s2 =	simm.s32 $0x0;
	[dreg:$0x1b] =	wrdreg s11  }
0x2e: {  	v0 =	vimm.f32 $0.0e+00;
	[dreg:$0x1c] =	wrdreg s12;
	s11 =	simm.s32 $0x80;
	s12 =	simm.s32 $0x280  }
.LBB2_1:
0x2f: {  	s5 =	rddreg [dreg:$0xb]  }
0x30: {  	[tilespmem:s4], [sflag:$0x1] =	stream.linear.gather [hbm4b:s5+s4], $0x80, $0x38;
	[tilespmem:$0x1D400] =	vst v63  }
0x31: {  	s8 =	rddreg [dreg:$0xc]  }
0x32: {  	[tilespmem:s10], [sflag:$0x1] =	stream.linear.gather [hbm4b:s8+s4], $0x80, $0x38;
	[tilespmem:$0x1D400] =	vst v63  }
0x33: {  	s6 =	rddreg [dreg:$0xd]  }
0x34: {  	[tilespmem:s11], [sflag:$0x2] =	stream.linear.gather [hbm4b:s6+s4], $0x80, $0x38;
	[tilespmem:$0x1D400] =	vst v63  }
0x35: {  	s7 =	rddreg [dreg:$0xe]  }
0x36: {  	[tilespmem:s12], [sflag:$0x2] =	stream.linear.gather [hbm4b:s7+s4], $0x80, $0x38;
	[tilespmem:$0x1D400] =	vst v63  }
0x37: {  	s8 =	rddreg [dreg:$0xf]  }
0x38: {  	[tilespmem:s14], [sflag:$0x3] =	stream.linear.gather [hbm4b:s8+s4], $0x80, $0x38;
	[tilespmem:$0x1D400] =	vst v63  }
0x39: {  	s6 =	rddreg [dreg:$0x10]  }
0x3a: {  	[tilespmem:s15], [sflag:$0x3] =	stream.linear.gather [hbm4b:s6+s4], $0x80, $0x38;
	[tilespmem:$0x1D400] =	vst v63  }
0x3b: {  	s7 =	rddreg [dreg:$0x11]  }
0x3c: {  	[tilespmem:s16], [sflag:$0x4] =	stream.linear.gather [hbm4b:s7+s4], $0x80, $0x38;
	[tilespmem:$0x1D400] =	vst v63  }
0x3d: {  	s8 =	rddreg [dreg:$0x12]  }
0x3e: {  	[tilespmem:s17], [sflag:$0x4] =	stream.linear.gather [hbm4b:s8+s4], $0x80, $0x38;
	[tilespmem:$0x1D400] =	vst v63  }
0x3f: {  	_ =	swait.ge [sflag:s18], $0x80  }
0x40: {  	[sflag:s18] =	ssyncset.done $0x0  }
0x41: {  	[sflag:s18] =	ssyncadd.s32 $0xFFFFFF80  }
0x42: {  	_ =	swait.ge [sflag:s18], $0x80  }
0x43: {  	[sflag:s18] =	ssyncset.done $0x0  }
0x44: {  	[sflag:s18] =	ssyncadd.s32 $0xFFFFFF80  }
0x45: {  	[tilespmem:s19], [sflag:$0x5] =	stream.indirect.gather [hbm4b:s0+s11], $0x80, s4, s11, $0xb8;
	[tilespmem:$0x1D400] =	vst v63  }
0x46: {  	_ =	swait.ge [sflag:s20], $0x80  }
0x47: {  	[sflag:s20] =	ssyncset.done $0x0  }
0x48: {  	[sflag:s20] =	ssyncadd.s32 $0xFFFFFF80  }
0x49: {  	_ =	swait.ge [sflag:s20], $0x80  }
0x4a: {  	[sflag:s20] =	ssyncset.done $0x0  }
0x4b: {  	s5 =	simm.s32 $0x0;
	s6 =	simm.s32 $0x200;
	[sflag:s20] =	ssyncadd.s32 $0xFFFFFF80  }
0x4c: {  	[tilespmem:s21], [sflag:$0x6] =	stream.indirect.gather [hbm4b:s0+s11], $0x80, s11, s11, $0xb8;
	[tilespmem:$0x1D400] =	vst v63  }
.LBB2_2:
0x4d: {  	p1 =	seq.s32 s6, $0x3E00;
	[tilespmem:s5+$0x8470] =	vst v0  }
0x4e: {  	[tilespmem:s5+$0x8400] =	vst v0  }
0x4f: {  	[tilespmem:s5+$0x8410] =	vst v0  }
.Ltmp0:
0x50: {  	[tilespmem:s5+$0x8420] =	vst v0;
	(pc) =	sbr.rel @!p1 .LBB2_2-.Ltmp0, $4  }
0x51: {  	[tilespmem:s5+$0x8430] =	vst v0  }
0x52: {  	[tilespmem:s5+$0x8440] =	vst v0  }
0x53: {  	[tilespmem:s5+$0x8450] =	vst v0  }
0x54: {  	[tilespmem:s5+$0x8460] =	vst v0;
	s5 =	sshra.s32 s6, $0x2;
	s6 =	sadd.s32 $0x200, s6  }
0x55: {  	[tilespmem:s5+$0x8470] =	vst v0  }
0x56: {  	[tilespmem:s5+$0x8400] =	vst v0  }
0x57: {  	[tilespmem:s5+$0x8410] =	vst v0  }
0x58: {  	[tilespmem:s5+$0x8420] =	vst v0  }
0x59: {  	[tilespmem:s5+$0x8430] =	vst v0  }
0x5a: {  	[tilespmem:s5+$0x8440] =	vst v0  }
0x5b: {  	[tilespmem:s5+$0x8450] =	vst v0  }
0x5c: {  	[tilespmem:s5+$0x8460] =	vst v0  }
0x5d: {  	[spmem:s13] =	stream.linear.scatter [tilespmem:s22], [sflag:$0x9], $0x1000, $0x38;
	[tilespmem:$0x1D400] =	vst v63  }
0x5e: {  	_ =	swait.ge [sflag:s25], $0x1000  }
0x5f: {  	[sflag:s25] =	ssyncset.done $0x0  }
0x60: {  	s8 =	rddreg [dreg:$0x16];
	[sflag:s25] =	ssyncadd.s32 $0xFFFFF000  }
0x61: {  	[spmem:s8] =	stream.linear.scatter [tilespmem:s22], [sflag:$0x9], $0x1000, $0x38;
	[tilespmem:$0x1D400] =	vst v63  }
0x62: {  	_ =	swait.ge [sflag:s25], $0x1000  }
0x63: {  	[sflag:s25] =	ssyncset.done $0x0  }
0x64: {  	s6 =	rddreg [dreg:$0x17];
	[sflag:s25] =	ssyncadd.s32 $0xFFFFF000  }
0x65: {  	[spmem:s6] =	stream.linear.scatter [tilespmem:s22], [sflag:$0x9], $0x1000, $0x38;
	[tilespmem:$0x1D400] =	vst v63  }
0x66: {  	_ =	swait.ge [sflag:s25], $0x1000  }
0x67: {  	[sflag:s25] =	ssyncset.done $0x0  }
0x68: {  	s7 =	rddreg [dreg:$0x18];
	[sflag:s25] =	ssyncadd.s32 $0xFFFFF000  }
0x69: {  	[spmem:s7] =	stream.linear.scatter [tilespmem:s22], [sflag:$0x9], $0x1000, $0x38;
	[tilespmem:$0x1D400] =	vst v63  }
0x6a: {  	_ =	swait.ge [sflag:s25], $0x1000  }
0x6b: {  	[sflag:s25] =	ssyncset.done $0x0  }
0x6c: {  	s8 =	rddreg [dreg:$0x19];
	[sflag:s25] =	ssyncadd.s32 $0xFFFFF000  }
0x6d: {  	[spmem:s8] =	stream.linear.scatter [tilespmem:s22], [sflag:$0x9], $0x1000, $0x38;
	[tilespmem:$0x1D400] =	vst v63  }
0x6e: {  	_ =	swait.ge [sflag:s25], $0x1000  }
0x6f: {  	[sflag:s25] =	ssyncset.done $0x0  }
0x70: {  	s6 =	rddreg [dreg:$0x1a];
	[sflag:s25] =	ssyncadd.s32 $0xFFFFF000  }
0x71: {  	[spmem:s6] =	stream.linear.scatter [tilespmem:s22], [sflag:$0x9], $0x1000, $0x38;
	[tilespmem:$0x1D400] =	vst v63  }
0x72: {  	_ =	swait.ge [sflag:s25], $0x1000  }
0x73: {  	[sflag:s25] =	ssyncset.done $0x0  }
0x74: {  	s7 =	rddreg [dreg:$0x1b];
	[sflag:s25] =	ssyncadd.s32 $0xFFFFF000  }
0x75: {  	[spmem:s7] =	stream.linear.scatter [tilespmem:s22], [sflag:$0x9], $0x1000, $0x38;
	[tilespmem:$0x1D400] =	vst v63  }
0x76: {  	_ =	swait.ge [sflag:s25], $0x1000  }
0x77: {  	[sflag:s25] =	ssyncset.done $0x0  }
0x78: {  	s8 =	rddreg [dreg:$0x1c];
	[sflag:s25] =	ssyncadd.s32 $0xFFFFF000  }
0x79: {  	[spmem:s8] =	stream.linear.scatter [tilespmem:s22], [sflag:$0x9], $0x1000, $0x38;
	[tilespmem:$0x1D400] =	vst v63  }
0x7a: {  	_ =	swait.ge [sflag:s25], $0x1000  }
0x7b: {  	[sflag:s25] =	ssyncset.done $0x0  }
0x7c: {  	s6 =	rddreg [dreg:$0x1d];
	[sflag:s25] =	ssyncadd.s32 $0xFFFFF000  }
0x7d: {  	[spmem:s6] =	stream.linear.scatter [tilespmem:s22], [sflag:$0x9], $0x1000, $0x38;
	[tilespmem:$0x1D400] =	vst v63  }
0x7e: {  	_ =	swait.ge [sflag:s25], $0x1000  }
0x7f: {  	[sflag:s25] =	ssyncset.done $0x0  }
0x80: {  	s7 =	rddreg [dreg:$0x1e];
	[sflag:s25] =	ssyncadd.s32 $0xFFFFF000  }
0x81: {  	[spmem:s7] =	stream.linear.scatter [tilespmem:s22], [sflag:$0x9], $0x1000, $0x38;
	[tilespmem:$0x1D400] =	vst v63  }
0x82: {  	_ =	swait.ge [sflag:s25], $0x1000  }
0x83: {  	[sflag:s25] =	ssyncset.done $0x0  }
0x84: {  	s8 =	rddreg [dreg:$0x1f];
	[sflag:s25] =	ssyncadd.s32 $0xFFFFF000  }
0x85: {  	[spmem:s8] =	stream.linear.scatter [tilespmem:s22], [sflag:$0x9], $0x1000, $0x38;
	[tilespmem:$0x1D400] =	vst v63  }
0x86: {  	_ =	swait.ge [sflag:s25], $0x1000  }
0x87: {  	s6 =	sld [smem:$0x7F6]  }
0x88: {  	[sflag:s25] =	ssyncset.done $0x0  }
0x89: {  	[sflag:s25] =	ssyncadd.s32 $0xFFFFF000  }
0x8a: {  	[spmem:s6] =	stream.linear.scatter [tilespmem:s22], [sflag:$0x9], $0x1000, $0x38;
	[tilespmem:$0x1D400] =	vst v63  }
0x8b: {  	_ =	swait.ge [sflag:s25], $0x1000  }
0x8c: {  	s7 =	sld [smem:$0x7F7]  }
0x8d: {  	[sflag:s25] =	ssyncset.done $0x0  }
0x8e: {  	[sflag:s25] =	ssyncadd.s32 $0xFFFFF000  }
0x8f: {  	[spmem:s7] =	stream.linear.scatter [tilespmem:s22], [sflag:$0x9], $0x1000, $0x38;
	[tilespmem:$0x1D400] =	vst v63  }
0x90: {  	_ =	swait.ge [sflag:s25], $0x1000  }
0x91: {  	s8 =	sld [smem:$0x7F8]  }
0x92: {  	[sflag:s25] =	ssyncset.done $0x0  }
0x93: {  	[sflag:s25] =	ssyncadd.s32 $0xFFFFF000  }
0x94: {  	[spmem:s8] =	stream.linear.scatter [tilespmem:s22], [sflag:$0x9], $0x1000, $0x38;
	[tilespmem:$0x1D400] =	vst v63  }
0x95: {  	_ =	swait.ge [sflag:s25], $0x1000  }
0x96: {  	s6 =	sld [smem:$0x7F9]  }
0x97: {  	[sflag:s25] =	ssyncset.done $0x0  }
0x98: {  	[sflag:s25] =	ssyncadd.s32 $0xFFFFF000  }
0x99: {  	[spmem:s6] =	stream.linear.scatter [tilespmem:s22], [sflag:$0x9], $0x1000, $0x38;
	[tilespmem:$0x1D400] =	vst v63  }
0x9a: {  	_ =	swait.ge [sflag:s25], $0x1000  }
0x9b: {  	s7 =	sld [smem:$0x7FA]  }
0x9c: {  	[sflag:s25] =	ssyncset.done $0x0  }
0x9d: {  	[sflag:s25] =	ssyncadd.s32 $0xFFFFF000  }
0x9e: {  	[spmem:s7] =	stream.linear.scatter [tilespmem:s22], [sflag:$0x9], $0x1000, $0x38;
	[tilespmem:$0x1D400] =	vst v63  }
0x9f: {  	_ =	swait.ge [sflag:s25], $0x1000  }
0xa0: {  	s8 =	sld [smem:$0x7FB]  }
0xa1: {  	[sflag:s25] =	ssyncset.done $0x0  }
0xa2: {  	[sflag:s25] =	ssyncadd.s32 $0xFFFFF000  }
0xa3: {  	[spmem:s8] =	stream.linear.scatter [tilespmem:s22], [sflag:$0x9], $0x1000, $0x38;
	[tilespmem:$0x1D400] =	vst v63  }
0xa4: {  	_ =	swait.ge [sflag:s25], $0x1000  }
0xa5: {  	s6 =	sld [smem:$0x7FC]  }
0xa6: {  	[sflag:s25] =	ssyncset.done $0x0  }
0xa7: {  	[sflag:s25] =	ssyncadd.s32 $0xFFFFF000  }
0xa8: {  	[spmem:s6] =	stream.linear.scatter [tilespmem:s22], [sflag:$0x9], $0x1000, $0x38;
	[tilespmem:$0x1D400] =	vst v63  }
0xa9: {  	_ =	swait.ge [sflag:s25], $0x1000  }
0xaa: {  	s7 =	sld [smem:$0x7FD]  }
0xab: {  	[sflag:s25] =	ssyncset.done $0x0  }
0xac: {  	[sflag:s25] =	ssyncadd.s32 $0xFFFFF000  }
0xad: {  	[spmem:s7] =	stream.linear.scatter [tilespmem:s22], [sflag:$0x9], $0x1000, $0x38;
	[tilespmem:$0x1D400] =	vst v63  }
0xae: {  	_ =	swait.ge [sflag:s25], $0x1000  }
0xaf: {  	[sflag:s25] =	ssyncset.done $0x0  }
0xb0: {  	[sflag:s25] =	ssyncadd.s32 $0xFFFFF000  }
0xb1: {  	[spmem:s9] =	stream.linear.scatter [tilespmem:s22], [sflag:$0x9], $0x1000, $0x38;
	[tilespmem:$0x1D400] =	vst v63  }
0xb2: {  	_ =	swait.ge [sflag:s25], $0x1000  }
0xb3: {  	[sflag:s25] =	ssyncset.done $0x0  }
0xb4: {  	[sflag:s25] =	ssyncadd.s32 $0xFFFFF000  }
0xb5: {  	[bflag:$0x0] =	sbarrier.arrive $0xFFFF  }
0xb6: {  	_ =	swait.ge [sflag:s26], $0x4000  }
0xb7: {  	[sflag:s26] =	ssyncset.done $0x0  }
0xb8: {  	[sflag:s26] =	ssyncadd.s32 $0xFFFFC000  }
0xb9: {  	[spmem:s3] =	stream.indirect.scatter.add.f32 [tilespmem:s19], [sflag:$0x7], $0x80, s10, s11, $0xb8;
	[tilespmem:$0x1D400] =	vst v63  }
0xba: {  	_ =	swait.ge [sflag:s28], $0x4000  }
0xbb: {  	[sflag:s28] =	ssyncset.done $0x0  }
0xbc: {  	s8 =	sadd.s32 $0x0, s24;
	[sflag:s28] =	ssyncadd.s32 $0xFFFFC000  }
0xbd: {  	[tilespmem:s4], [sflag:$0x1] =	stream.linear.gather [hbm4b:s8+s4], $0x80, $0x38;
	[tilespmem:$0x1D400] =	vst v63  }
0xbe: {  	s6 =	sadd.s32 $0x0, s23  }
0xbf: {  	[tilespmem:s10], [sflag:$0x1] =	stream.linear.gather [hbm4b:s6+s4], $0x80, $0x38;
	[tilespmem:$0x1D400] =	vst v63  }
0xc0: {  	_ =	swait.ge [sflag:s29], $0x80  }
0xc1: {  	[sflag:s29] =	ssyncset.done $0x0  }
0xc2: {  	[sflag:s29] =	ssyncadd.s32 $0xFFFFFF80  }
0xc3: {  	_ =	swait.ge [sflag:s29], $0x80  }
0xc4: {  	[sflag:s29] =	ssyncset.done $0x0  }
0xc5: {  	[sflag:s29] =	ssyncadd.s32 $0xFFFFFF80  }
0xc6: {  	[tilespmem:s19], [sflag:$0x5] =	stream.indirect.gather [hbm4b:s0+s11], $0x80, s14, s11, $0xb8;
	[tilespmem:$0x1D400] =	vst v63  }
0xc7: {  	_ =	swait.ge [sflag:s30], $0x4000  }
0xc8: {  	[sflag:s30] =	ssyncset.done $0x0  }
0xc9: {  	[sflag:s30] =	ssyncadd.s32 $0xFFFFC000  }
0xca: {  	[spmem:s3] =	stream.indirect.scatter.add.f32 [tilespmem:s21], [sflag:$0x8], $0x80, s12, s11, $0xb8;
	[tilespmem:$0x1D400] =	vst v63  }
0xcb: {  	_ =	swait.ge [sflag:s31], $0x4000  }
0xcc: {  	s7 =	rddreg [dreg:$0xa];
	[sflag:s31] =	ssyncset.done $0x0  }
0xcd: {  	s6 =	rddreg [dreg:$0x9];
	[sflag:s31] =	ssyncadd.s32 $0xFFFFC000;
	s5 =	sadd.s32 $0x0, s7  }
0xce: {  	[tilespmem:s11], [sflag:$0x2] =	stream.linear.gather [hbm4b:s5+s4], $0x80, $0x38;
	[tilespmem:$0x1D400] =	vst v63  }
0xcf: {  	s8 =	sadd.s32 $0x0, s6  }
0xd0: {  	[tilespmem:s12], [sflag:$0x2] =	stream.linear.gather [hbm4b:s8+s4], $0x80, $0x38;
	[tilespmem:$0x1D400] =	vst v63  }
0xd1: {  	_ =	swait.ge [sflag:s1], $0x80  }
0xd2: {  	[sflag:s1] =	ssyncset.done $0x0  }
0xd3: {  	[sflag:s1] =	ssyncadd.s32 $0xFFFFFF80  }
0xd4: {  	_ =	swait.ge [sflag:s1], $0x80  }
0xd5: {  	[sflag:s1] =	ssyncset.done $0x0  }
0xd6: {  	[sflag:s1] =	ssyncadd.s32 $0xFFFFFF80  }
0xd7: {  	[tilespmem:s21], [sflag:$0x6] =	stream.indirect.gather [hbm4b:s0+s11], $0x80, s16, s11, $0xb8;
	[tilespmem:$0x1D400] =	vst v63  }
0xd8: {  	_ =	swait.ge [sflag:s26], $0x4000  }
0xd9: {  	[sflag:s26] =	ssyncset.done $0x0  }
0xda: {  	[sflag:s26] =	ssyncadd.s32 $0xFFFFC000  }
0xdb: {  	[spmem:s3] =	stream.indirect.scatter.add.f32 [tilespmem:s19], [sflag:$0x7], $0x80, s15, s11, $0xb8;
	[tilespmem:$0x1D400] =	vst v63  }
0xdc: {  	_ =	swait.ge [sflag:s28], $0x4000  }
0xdd: {  	s6 =	rddreg [dreg:$0x8];
	[sflag:s28] =	ssyncset.done $0x0  }
0xde: {  	s7 =	rddreg [dreg:$0x7];
	[sflag:s28] =	ssyncadd.s32 $0xFFFFC000;
	s5 =	sadd.s32 $0x0, s6  }
0xdf: {  	[tilespmem:s14], [sflag:$0x3] =	stream.linear.gather [hbm4b:s5+s4], $0x80, $0x38;
	[tilespmem:$0x1D400] =	vst v63  }
0xe0: {  	s8 =	sadd.s32 $0x0, s7  }
0xe1: {  	[tilespmem:s15], [sflag:$0x3] =	stream.linear.gather [hbm4b:s8+s4], $0x80, $0x38;
	[tilespmem:$0x1D400] =	vst v63  }
0xe2: {  	_ =	swait.ge [sflag:s18], $0x80  }
0xe3: {  	[sflag:s18] =	ssyncset.done $0x0  }
0xe4: {  	[sflag:s18] =	ssyncadd.s32 $0xFFFFFF80  }
0xe5: {  	_ =	swait.ge [sflag:s18], $0x80  }
0xe6: {  	[sflag:s18] =	ssyncset.done $0x0  }
0xe7: {  	[sflag:s18] =	ssyncadd.s32 $0xFFFFFF80  }
0xe8: {  	[tilespmem:s19], [sflag:$0x5] =	stream.indirect.gather [hbm4b:s0+s11], $0x80, s4, s11, $0xb8;
	[tilespmem:$0x1D400] =	vst v63  }
0xe9: {  	_ =	swait.ge [sflag:s30], $0x4000  }
0xea: {  	[sflag:s30] =	ssyncset.done $0x0  }
0xeb: {  	[sflag:s30] =	ssyncadd.s32 $0xFFFFC000  }
0xec: {  	[spmem:s3] =	stream.indirect.scatter.add.f32 [tilespmem:s21], [sflag:$0x8], $0x80, s17, s11, $0xb8;
	[tilespmem:$0x1D400] =	vst v63  }
0xed: {  	_ =	swait.ge [sflag:s31], $0x4000  }
0xee: {  	s6 =	rddreg [dreg:$0x6];
	[sflag:s31] =	ssyncset.done $0x0  }
0xef: {  	s7 =	rddreg [dreg:$0x5];
	[sflag:s31] =	ssyncadd.s32 $0xFFFFC000;
	s5 =	sadd.s32 $0x0, s6  }
0xf0: {  	[tilespmem:s16], [sflag:$0x4] =	stream.linear.gather [hbm4b:s5+s4], $0x80, $0x38;
	[tilespmem:$0x1D400] =	vst v63  }
0xf1: {  	s8 =	sadd.s32 $0x0, s7  }
0xf2: {  	[tilespmem:s17], [sflag:$0x4] =	stream.linear.gather [hbm4b:s8+s4], $0x80, $0x38;
	[tilespmem:$0x1D400] =	vst v63  }
0xf3: {  	_ =	swait.ge [sflag:s20], $0x80  }
0xf4: {  	[sflag:s20] =	ssyncset.done $0x0  }
0xf5: {  	[sflag:s20] =	ssyncadd.s32 $0xFFFFFF80  }
0xf6: {  	_ =	swait.ge [sflag:s20], $0x80  }
0xf7: {  	[sflag:s20] =	ssyncset.done $0x0  }
0xf8: {  	[sflag:s20] =	ssyncadd.s32 $0xFFFFFF80  }
0xf9: {  	[tilespmem:s21], [sflag:$0x6] =	stream.indirect.gather [hbm4b:s0+s11], $0x80, s11, s11, $0xb8;
	[tilespmem:$0x1D400] =	vst v63  }
0xfa: {  	_ =	swait.ge [sflag:s26], $0x4000  }
0xfb: {  	[sflag:s26] =	ssyncset.done $0x0  }
0xfc: {  	s5 =	simm.s32 $0x40;
	[sflag:s26] =	ssyncadd.s32 $0xFFFFC000  }
.LBB2_4:
0xfd: {  	[spmem:s3] =	stream.indirect.scatter.add.f32 [tilespmem:s19], [sflag:$0x7], $0x80, s10, s11, $0xb8;
	[tilespmem:$0x1D400] =	vst v63  }
0xfe: {  	_ =	swait.ge [sflag:s28], $0x4000  }
0xff: {  	s6 =	smov.u32 s5;
	[sflag:s28] =	ssyncset.done $0x0  }
0x100: {  	s7 =	sadd.s32 s6, s24;
	[sflag:s28] =	ssyncadd.s32 $0xFFFFC000  }
0x101: {  	[tilespmem:s4], [sflag:$0x1] =	stream.linear.gather [hbm4b:s7+s4], $0x80, $0x38;
	[tilespmem:$0x1D400] =	vst v63  }
0x102: {  	s8 =	sadd.s32 s6, s23  }
0x103: {  	[tilespmem:s10], [sflag:$0x1] =	stream.linear.gather [hbm4b:s8+s4], $0x80, $0x38;
	[tilespmem:$0x1D400] =	vst v63  }
0x104: {  	_ =	swait.ge [sflag:s29], $0x80  }
0x105: {  	[sflag:s29] =	ssyncset.done $0x0  }
0x106: {  	[sflag:s29] =	ssyncadd.s32 $0xFFFFFF80  }
0x107: {  	_ =	swait.ge [sflag:s29], $0x80  }
0x108: {  	[sflag:s29] =	ssyncset.done $0x0  }
0x109: {  	[sflag:s29] =	ssyncadd.s32 $0xFFFFFF80  }
0x10a: {  	[tilespmem:s19], [sflag:$0x5] =	stream.indirect.gather [hbm4b:s0+s11], $0x80, s14, s11, $0xb8;
	[tilespmem:$0x1D400] =	vst v63  }
0x10b: {  	_ =	swait.ge [sflag:s30], $0x4000  }
0x10c: {  	[sflag:s30] =	ssyncset.done $0x0  }
0x10d: {  	[sflag:s30] =	ssyncadd.s32 $0xFFFFC000  }
0x10e: {  	[spmem:s3] =	stream.indirect.scatter.add.f32 [tilespmem:s21], [sflag:$0x8], $0x80, s12, s11, $0xb8;
	[tilespmem:$0x1D400] =	vst v63  }
0x10f: {  	_ =	swait.ge [sflag:s31], $0x4000  }
0x110: {  	s7 =	rddreg [dreg:$0xa];
	[sflag:s31] =	ssyncset.done $0x0  }
0x111: {  	s8 =	rddreg [dreg:$0x9];
	[sflag:s31] =	ssyncadd.s32 $0xFFFFC000;
	s7 =	sadd.s32 s6, s7  }
0x112: {  	[tilespmem:s11], [sflag:$0x2] =	stream.linear.gather [hbm4b:s7+s4], $0x80, $0x38;
	[tilespmem:$0x1D400] =	vst v63  }
0x113: {  	s8 =	sadd.s32 s6, s8  }
0x114: {  	[tilespmem:s12], [sflag:$0x2] =	stream.linear.gather [hbm4b:s8+s4], $0x80, $0x38;
	[tilespmem:$0x1D400] =	vst v63  }
0x115: {  	_ =	swait.ge [sflag:s1], $0x80  }
0x116: {  	[sflag:s1] =	ssyncset.done $0x0  }
0x117: {  	[sflag:s1] =	ssyncadd.s32 $0xFFFFFF80  }
0x118: {  	_ =	swait.ge [sflag:s1], $0x80  }
0x119: {  	[sflag:s1] =	ssyncset.done $0x0  }
0x11a: {  	[sflag:s1] =	ssyncadd.s32 $0xFFFFFF80  }
0x11b: {  	[tilespmem:s21], [sflag:$0x6] =	stream.indirect.gather [hbm4b:s0+s11], $0x80, s16, s11, $0xb8;
	[tilespmem:$0x1D400] =	vst v63  }
0x11c: {  	_ =	swait.ge [sflag:s26], $0x4000  }
0x11d: {  	[sflag:s26] =	ssyncset.done $0x0  }
0x11e: {  	[sflag:s26] =	ssyncadd.s32 $0xFFFFC000  }
0x11f: {  	[spmem:s3] =	stream.indirect.scatter.add.f32 [tilespmem:s19], [sflag:$0x7], $0x80, s15, s11, $0xb8;
	[tilespmem:$0x1D400] =	vst v63  }
0x120: {  	_ =	swait.ge [sflag:s28], $0x4000  }
0x121: {  	s7 =	rddreg [dreg:$0x8];
	[sflag:s28] =	ssyncset.done $0x0  }
0x122: {  	s8 =	rddreg [dreg:$0x7];
	[sflag:s28] =	ssyncadd.s32 $0xFFFFC000;
	s7 =	sadd.s32 s6, s7  }
0x123: {  	[tilespmem:s14], [sflag:$0x3] =	stream.linear.gather [hbm4b:s7+s4], $0x80, $0x38;
	[tilespmem:$0x1D400] =	vst v63  }
0x124: {  	s8 =	sadd.s32 s6, s8  }
0x125: {  	[tilespmem:s15], [sflag:$0x3] =	stream.linear.gather [hbm4b:s8+s4], $0x80, $0x38;
	[tilespmem:$0x1D400] =	vst v63  }
0x126: {  	_ =	swait.ge [sflag:s18], $0x80  }
0x127: {  	[sflag:s18] =	ssyncset.done $0x0  }
0x128: {  	[sflag:s18] =	ssyncadd.s32 $0xFFFFFF80  }
0x129: {  	_ =	swait.ge [sflag:s18], $0x80  }
0x12a: {  	[sflag:s18] =	ssyncset.done $0x0  }
0x12b: {  	[sflag:s18] =	ssyncadd.s32 $0xFFFFFF80  }
0x12c: {  	[tilespmem:s19], [sflag:$0x5] =	stream.indirect.gather [hbm4b:s0+s11], $0x80, s4, s11, $0xb8;
	[tilespmem:$0x1D400] =	vst v63  }
0x12d: {  	_ =	swait.ge [sflag:s30], $0x4000  }
0x12e: {  	[sflag:s30] =	ssyncset.done $0x0  }
0x12f: {  	[sflag:s30] =	ssyncadd.s32 $0xFFFFC000  }
0x130: {  	[spmem:s3] =	stream.indirect.scatter.add.f32 [tilespmem:s21], [sflag:$0x8], $0x80, s17, s11, $0xb8;
	[tilespmem:$0x1D400] =	vst v63  }
0x131: {  	_ =	swait.ge [sflag:s31], $0x4000  }
0x132: {  	s7 =	rddreg [dreg:$0x6];
	[sflag:s31] =	ssyncset.done $0x0  }
0x133: {  	s8 =	rddreg [dreg:$0x5];
	[sflag:s31] =	ssyncadd.s32 $0xFFFFC000;
	s7 =	sadd.s32 s6, s7  }
0x134: {  	[tilespmem:s16], [sflag:$0x4] =	stream.linear.gather [hbm4b:s7+s4], $0x80, $0x38;
	[tilespmem:$0x1D400] =	vst v63  }
0x135: {  	s6 =	sadd.s32 s6, s8  }
0x136: {  	[tilespmem:s17], [sflag:$0x4] =	stream.linear.gather [hbm4b:s6+s4], $0x80, $0x38;
	[tilespmem:$0x1D400] =	vst v63  }
0x137: {  	_ =	swait.ge [sflag:s20], $0x80  }
0x138: {  	[sflag:s20] =	ssyncset.done $0x0  }
0x139: {  	[sflag:s20] =	ssyncadd.s32 $0xFFFFFF80  }
0x13a: {  	_ =	swait.ge [sflag:s20], $0x80  }
0x13b: {  	p1 =	sne.s32 s5, $0x480;
	[sflag:s20] =	ssyncset.done $0x0  }
.Ltmp1:
0x13c: {  	[sflag:s20] =	ssyncadd.s32 $0xFFFFFF80;
	(pc) =	sbr.rel @p1 .LBB2_4-.Ltmp1, $4  }
0x13d: {  	[tilespmem:s21], [sflag:$0x6] =	stream.indirect.gather [hbm4b:s0+s11], $0x80, s11, s11, $0xb8;
	[tilespmem:$0x1D400] =	vst v63  }
0x13e: {  	_ =	swait.ge [sflag:s26], $0x4000  }
0x13f: {  	[sflag:s26] =	ssyncset.done $0x0  }
0x140: {  	s5 =	sadd.s32 $0x40, s5;
	[sflag:s26] =	ssyncadd.s32 $0xFFFFC000  }
0x141: {  	[spmem:s3] =	stream.indirect.scatter.add.f32 [tilespmem:s19], [sflag:$0x7], $0x80, s10, s11, $0xb8;
	[tilespmem:$0x1D400] =	vst v63  }
0x142: {  	_ =	swait.ge [sflag:s28], $0x4000  }
0x143: {  	[sflag:s28] =	ssyncset.done $0x0  }
0x144: {  	[sflag:s28] =	ssyncadd.s32 $0xFFFFC000  }
0x145: {  	_ =	swait.ge [sflag:s29], $0x80  }
0x146: {  	[sflag:s29] =	ssyncset.done $0x0  }
0x147: {  	[sflag:s29] =	ssyncadd.s32 $0xFFFFFF80  }
0x148: {  	_ =	swait.ge [sflag:s29], $0x80  }
0x149: {  	[sflag:s29] =	ssyncset.done $0x0  }
0x14a: {  	[sflag:s29] =	ssyncadd.s32 $0xFFFFFF80  }
0x14b: {  	[tilespmem:s19], [sflag:$0x5] =	stream.indirect.gather [hbm4b:s0+s11], $0x80, s14, s11, $0xb8;
	[tilespmem:$0x1D400] =	vst v63  }
0x14c: {  	_ =	swait.ge [sflag:s30], $0x4000  }
0x14d: {  	[sflag:s30] =	ssyncset.done $0x0  }
0x14e: {  	[sflag:s30] =	ssyncadd.s32 $0xFFFFC000  }
0x14f: {  	[spmem:s3] =	stream.indirect.scatter.add.f32 [tilespmem:s21], [sflag:$0x8], $0x80, s12, s11, $0xb8;
	[tilespmem:$0x1D400] =	vst v63  }
0x150: {  	_ =	swait.ge [sflag:s31], $0x4000  }
0x151: {  	[sflag:s31] =	ssyncset.done $0x0  }
0x152: {  	[sflag:s31] =	ssyncadd.s32 $0xFFFFC000  }
0x153: {  	_ =	swait.ge [sflag:s1], $0x80  }
0x154: {  	[sflag:s1] =	ssyncset.done $0x0  }
0x155: {  	[sflag:s1] =	ssyncadd.s32 $0xFFFFFF80  }
0x156: {  	_ =	swait.ge [sflag:s1], $0x80  }
0x157: {  	[sflag:s1] =	ssyncset.done $0x0  }
0x158: {  	[sflag:s1] =	ssyncadd.s32 $0xFFFFFF80  }
0x159: {  	[tilespmem:s21], [sflag:$0x6] =	stream.indirect.gather [hbm4b:s0+s11], $0x80, s16, s11, $0xb8;
	[tilespmem:$0x1D400] =	vst v63  }
0x15a: {  	_ =	swait.ge [sflag:s26], $0x4000  }
0x15b: {  	[sflag:s26] =	ssyncset.done $0x0  }
0x15c: {  	[sflag:s26] =	ssyncadd.s32 $0xFFFFC000  }
0x15d: {  	[spmem:s3] =	stream.indirect.scatter.add.f32 [tilespmem:s19], [sflag:$0x7], $0x80, s15, s11, $0xb8;
	[tilespmem:$0x1D400] =	vst v63  }
0x15e: {  	_ =	swait.ge [sflag:s30], $0x4000  }
0x15f: {  	[sflag:s30] =	ssyncset.done $0x0  }
0x160: {  	[sflag:s30] =	ssyncadd.s32 $0xFFFFC000  }
0x161: {  	[spmem:s3] =	stream.indirect.scatter.add.f32 [tilespmem:s21], [sflag:$0x8], $0x80, s17, s11, $0xb8;
	[tilespmem:$0x1D400] =	vst v63  }
0x162: {  	_ =	swait.ge [sflag:s28], $0x4000  }
0x163: {  	[sflag:s28] =	ssyncset.done $0x0  }
0x164: {  	[sflag:s28] =	ssyncadd.s32 $0xFFFFC000  }
0x165: {  	_ =	swait.ge [sflag:s31], $0x4000  }
0x166: {  	[sflag:s31] =	ssyncset.done $0x0  }
0x167: {  	[sflag:s31] =	ssyncadd.s32 $0xFFFFC000  }
0x168: {  	[bflag:$0x0] =	sbarrier.arrive $0xFFFF  }
0x169: {  	s5 =	sshrl.u32 @p0 s13, $0x3;
	s6 =	simm.s32 @p0 $0x1FC9;
	s7 =	rddreg [dreg:$0x14]  }
0x16a: {  	[hbm:s7], [sflag:s6] =	dma.local @p0 [spmem:s5], $0x1900  }
0x16b: {  	s5 =	simm.s32 @p0 $0x9  }
0x16c: {  	s6 =	stileid.u32;
	_ =	swait.ge @p0 [sflag:s5], $0x1900  }
0x16d: {  	s6 =	sshll.u32 @!p0 s6, $0x6;
	[sflag:s5] =	ssyncset.done @p0 $0x0;
	s7 =	rddreg [dreg:$0x13]  }
0x16e: {  	[sflag:s5] =	ssyncadd.s32 @p0 $0xFFFFE700;
	s5 =	sor.u32 @!p0 $0x1C09, s6;
	s6 =	sshrl.u32 @!p0 s13, $0x3  }
0x16f: {  	[hbm:s7], [sflag:s5] =	dma.local @!p0 [spmem:s6], $0x2800  }
0x170: {  	s5 =	simm.s32 @!p0 $0x9  }
0x171: {  	_ =	swait.ge @!p0 [sflag:s5], $0x2800  }
0x172: {  	s2 =	sadd.s32 $0x1, s2;
	s8 =	rddreg [dreg:$0x15]  }
0x173: {  	p1 =	sne.s32 s2, s8  }
.Ltmp2:
0x174: {  	_ = 	snop;
	(pc) =	sbr.rel @p1 .LBB2_1-.Ltmp2, $3  }
0x175: {  	_ =	sdelay $0x1  }
0x176: {  	[sflag:s5] =	ssyncset.done @!p0 $0x0  }
0x177: {  	[sflag:s5] =	ssyncadd.s32 @!p0 $0xFFFFD800  }
0x178: {  	_ =	sfence.sel $0x180000  }
0x179: {  	[bflag:$0x0] =	sbarrier.arrive $0xFFFF  }
0x17a: {  	_ =	strace $0x9000004A  }
0x17b: {  	s0 =	stileid.u32;
	[bflag:$0x2] =	sbarrier.arrive $0xFFFF  }
0x17c: {  	p0 =	sne.s32 s0, $0x0;
	s0 =	rddreg [dreg:$0x4]  }
0x17d: {  	s0 =	sadd.s32 @!p0 $0x100000, s0  }
0x17e: {  	[sflag:s0] =	ssyncadd.tile.s32 @!p0 $0x1;
	_ =	shalt  }
.Lfunc_end2:
_tile_overlayer_lowered:
.L_overlay_start_2:
0x17f: {  	(tag) =	ssettag $0x2  }
0x180: {  	s0 =	rddreg [dreg:$0x0];
	s2 =	stileid.u32  }
0x181: {  	s1 =	rddreg [dreg:$0x1];
	p0 =	sne.s32 s2, $0x0  }
0x182: {  	s3 =	rddreg [dreg:$0x2];
	[bflag:$0x3] =	sbarrier.arrive $0xFFFF;
	s2 =	simm.s32 @!p0 $0x1C09  }
0x183: {  	[timem:s3], [sflag:s2] =	dma.local @!p0 [hbm:s0], s1  }
0x184: {  	s0 =	simm.s32 @!p0 $0x9  }
0x185: {  	_ =	swait.ge @!p0 [sflag:s0], s1  }
0x186: {  	s1 =	ssub.s32 @!p0 $0x0, s1;
	[sflag:s0] =	ssyncset.done @!p0 $0x0  }
0x187: {  	[sflag:s0] =	ssyncadd.s32 @!p0 s1  }
0x188: {  	[bflag:$0x3] =	sbarrier.arrive $0xFFFF  }
0x189: {  	_ =	shalt  }

// kernel: kernel.19.cloned.1.call-start
scs
__scs_entry_jumppad:
0x0: {  	(pc) =	sbr.rel $0x88, $3  }
0x1: {  	(tag) =	ssettag $0x0;
	lr =	simm.s32 $0x1  }
0x2: {  	[smem:$0x3F8F] =	sst lr;
	_ =	strace $0xD0000000  }
0x3: {  	_ = 	snop  }
0x4: {  	_ = 	snop  }
0x5: {  	_ = 	snop  }
0x6: {  	_ = 	snop  }
0x7: {  	_ = 	snop  }
__scs_overlays_trampoline_lowered:
0x8: {  	[smem:$0x3F9E] =	sst s0  }
0x9: {  	[smem:$0x3F9F] =	sst s1  }
0xa: {  	[smem:$0x3FA0] =	sst s2  }
0xb: {  	[smem:$0x3FA1] =	sst s3  }
0xc: {  	[smem:$0x3FA2] =	sst s4  }
0xd: {  	[smem:$0x3FA3] =	sst s5  }
0xe: {  	[smem:$0x3FA4] =	sst s6  }
0xf: {  	[smem:$0x3FA5] =	sst s7  }
0x10: {  	[smem:$0x3FA6] =	sst s8  }
0x11: {  	[smem:$0x3FA7] =	sst s9;
	s0 =	simm.s32 @!p0 $0x0  }
0x12: {  	s1 =	sld [smem:$0x3F8D];
	s0 =	simm.s32 @p0 $0x1  }
0x13: {  	[smem:$0x3FA8] =	sst s0;
	s0 =	simm.s32 @!p1 $0x0  }
0x14: {  	s2 =	sld [smem:$0x3F8C];
	s0 =	simm.s32 @p1 $0x1  }
0x15: {  	[smem:$0x3FA9] =	sst s0;
	s0 =	simm.s32 @!p2 $0x0  }
0x16: {  	s3 =	sld [smem:$0x3FDB];
	s0 =	simm.s32 @p2 $0x1  }
0x17: {  	s4 =	simm.s32 $0x1BF5;
	[smem:$0x3FAB] =	sst s0  }
0x18: {  	s0 =	sld [smem:$0x3F8E];
	_ =	swait.ge [sflag:s4], $0x0  }
0x19: {  	s7 =	sld [smem:$0x3F8F]  }
0x1a: {  	s8 =	sadd.s32 $0xFFFFE003, lr  }
0x1b: {  	s9 =	sadd.s32 $0xFFFFFEF7, lr;
	s5 =	simm.s32 $0xFFFFFFFF;
	p2 =	slt.u32 s8, $0xFFFFF086  }
0x1c: {  	p1 =	slt.u32 s9, $0xF7A;
	s5 =	simm.s32 @!p2 $0x0  }
0x1d: {  	s5 =	simm.s32 @p1 $0x1;
	p0 =	seq.s32 s7, s2  }
0x1e: {  	s7 =	smul.u32 @!p0 $0xF7A, s2;
	p2 =	seq.s32 @!p0 s5, $0x0  }
0x1f: {  	s9 =	smul.u32 $0xF7A, s1;
	s8 =	simm.s32 @!p0 $0x1BF5;
	p2 =	por !p2, p0  }
0x20: {  	[sflag:s8] =	ssyncset.s32 @!p0 $0xFFFFF086;
	s6 =	sadd.s32 @!p0 s3, s7;
	s7 =	simm.s32 @!p0 $0x108  }
0x21: {  	s3 =	sadd.s32 s3, s9;
	s6 =	sadd.s32 @!p0 $0x88, s6;
	s7 =	simm.s32 @p2 $0x1082  }
0x22: {  	[simem:s7], [sflag:s8] =	dma.local @!p0 [hbm:s6], $0xF7A  }
0x23: {  	s9 =	sor.u32 $0xD0000000, s2;
	s6 =	simm.s32 $0x108;
	_ =	swait.ge @!p0 [sflag:s8], $0x0  }
0x24: {  	s3 =	sadd.s32 $0x88, s3;
	s6 =	simm.s32 @!p1 $0x1082;
	[sflag:s4] =	ssyncset.s32 $0xFFFFF086  }
0x25: {  	[simem:s6], [sflag:s4] =	dma.local [hbm:s3], $0xF7A  }
0x26: {  	[smem:$0x3F8F] =	sst s1;
	(tag) =	ssettag s2;
	_ =	strace s9  }
0x27: {  	s1 =	sld [smem:$0x3F9F]  }
0x28: {  	s2 =	sld [smem:$0x3FA0]  }
0x29: {  	s4 =	sld [smem:$0x3FA2]  }
0x2a: {  	p0 =	seq.s32 s5, $0x0;
	s5 =	sld [smem:$0x3FA3]  }
0x2b: {  	s6 =	sld [smem:$0x3FA4]  }
0x2c: {  	s7 =	sld [smem:$0x3FA5]  }
0x2d: {  	s3 =	simm.s32 $0x108;
	s8 =	sld [smem:$0x3FA6]  }
0x2e: {  	s3 =	simm.s32 @!p0 $0x1082;
	s9 =	sld [smem:$0x3FA7]  }
0x2f: {  	lr =	sadd.s32 s0, s3;
	s0 =	sld [smem:$0x3F9E]  }
0x30: {  	s3 =	sld [smem:$0x3FA1]  }
0x31: {  	[smem:$0x3FAA] =	sst s10  }
0x32: {  	s10 =	sld [smem:$0x3FA8];
	_ =	sdelay $0x3  }
0x33: {  	p0 =	seq.s32 s10, $0x1;
	s10 =	sld [smem:$0x3FAA];
	_ =	sdelay $0x3  }
0x34: {  	[smem:$0x3FAA] =	sst s10  }
0x35: {  	s10 =	sld [smem:$0x3FA9];
	_ =	sdelay $0x3  }
0x36: {  	p1 =	seq.s32 s10, $0x1;
	s10 =	sld [smem:$0x3FAA];
	_ =	sdelay $0x3  }
0x37: {  	[smem:$0x3FAA] =	sst s10  }
0x38: {  	s10 =	sld [smem:$0x3FAB]  }
0x39: {  	_ = 	snop;
	(pc) =	sbr.ind lr, $3  }
0x3a: {  	_ = 	snop  }
0x3b: {  	_ = 	snop  }
0x3c: {  	p2 =	seq.s32 s10, $0x1;
	s10 =	sld [smem:$0x3FAA]  }
0x3d: {  	_ =	shalt  }
0x3e: {  	_ =	shalt  }
0x3f: {  	_ =	shalt  }
0x40: {  	_ =	shalt  }
0x41: {  	_ =	shalt  }
0x42: {  	_ =	shalt  }
0x43: {  	_ =	shalt  }
0x44: {  	_ =	shalt  }
0x45: {  	_ =	shalt  }
0x46: {  	_ =	shalt  }
0x47: {  	_ =	shalt  }
0x48: {  	_ =	shalt  }
0x49: {  	_ =	shalt  }
0x4a: {  	_ =	shalt  }
0x4b: {  	_ =	shalt  }
0x4c: {  	_ =	shalt  }
0x4d: {  	_ =	shalt  }
0x4e: {  	_ =	shalt  }
0x4f: {  	_ =	shalt  }
0x50: {  	_ =	shalt  }
0x51: {  	_ =	shalt  }
0x52: {  	_ =	shalt  }
0x53: {  	_ =	shalt  }
0x54: {  	_ =	shalt  }
0x55: {  	_ =	shalt  }
0x56: {  	_ =	shalt  }
0x57: {  	_ =	shalt  }
0x58: {  	_ =	shalt  }
0x59: {  	_ =	shalt  }
0x5a: {  	_ =	shalt  }
0x5b: {  	_ =	shalt  }
0x5c: {  	_ =	shalt  }
0x5d: {  	_ =	shalt  }
0x5e: {  	_ =	shalt  }
0x5f: {  	_ =	shalt  }
0x60: {  	_ =	shalt  }
0x61: {  	_ =	shalt  }
0x62: {  	_ =	shalt  }
0x63: {  	_ =	shalt  }
0x64: {  	_ =	shalt  }
0x65: {  	_ =	shalt  }
0x66: {  	_ =	shalt  }
0x67: {  	_ =	shalt  }
0x68: {  	_ =	shalt  }
0x69: {  	_ =	shalt  }
0x6a: {  	_ =	shalt  }
0x6b: {  	_ =	shalt  }
0x6c: {  	_ =	shalt  }
0x6d: {  	_ =	shalt  }
0x6e: {  	_ =	shalt  }
0x6f: {  	_ =	shalt  }
0x70: {  	_ =	shalt  }
0x71: {  	_ =	shalt  }
0x72: {  	_ =	shalt  }
0x73: {  	_ =	shalt  }
0x74: {  	_ =	shalt  }
0x75: {  	_ =	shalt  }
0x76: {  	_ =	shalt  }
0x77: {  	_ =	shalt  }
0x78: {  	_ =	shalt  }
0x79: {  	_ =	shalt  }
0x7a: {  	_ =	shalt  }
0x7b: {  	_ =	shalt  }
0x7c: {  	_ =	shalt  }
0x7d: {  	_ =	shalt  }
0x7e: {  	_ =	shalt  }
0x7f: {  	_ =	shalt  }
0x80: {  	_ =	shalt  }
0x81: {  	_ =	shalt  }
0x82: {  	_ =	shalt  }
0x83: {  	_ =	shalt  }
0x84: {  	_ =	shalt  }
0x85: {  	_ =	shalt  }
0x86: {  	_ =	shalt  }
0x87: {  	_ =	shalt  }
.Lfunc_end0:
.L_simem_size_0:
called_computation.2_lowered:
.L_overlay_start_0:
0x88: {  	s2 =	sld [smem:$0x3FD9]  }
0x89: {  	s3 =	sld [smem:$0x3FFE];
	_ =	sdelay $0x1  }
0x8a: {  	s1 =	srdreg.scid  }
0x8b: {  	s0 =	sand.u32 $0x1, s1  }
0x8c: {  	s14 =	sshll.u32 s0, $0xA;
	s2 =	sadd.s32 s3, s2  }
0x8d: {  	s2 =	sadd.s32 s2, s14  }
0x8e: {  	[smem:$0x3FB6] =	sst s2  }
0x8f: {  	_ = 	snop  }
0x90: {  	s2 =	sld [smem:$0x3FD0];
	_ =	sdelay $0x2  }
0x91: {  	s15 =	simm.s32 $0xA;
	s4 =	simm.s32 $0x10  }
0x92: {  	[smem:s4], [sflag:s15] =	dma.local [hbm:s2], $0x1  }
0x93: {  	_ =	swait.eq [sflag:s15], $0x1  }
0x94: {  	[sflag:s15] =	ssyncset.done $0x0  }
0x95: {  	[sflag:s15] =	ssyncadd.s32 $0xFFFFFFFF  }
0x96: {  	s16 =	sld [smem:$0x10];
	(tm) =	ssettm $0x1  }
0x97: {  	s17 =	sld [smem:$0x3FFB];
	_ =	sdelay $0x3  }
0x98: {  	_ =	strace s17  }
0x99: {  	s3 =	sld [smem:$0x3FFC];
	_ =	sdelay $0x3  }
0x9a: {  	_ =	strace s3  }
0x9b: {  	s3 =	sld [smem:$0x3FFD];
	_ =	sdelay $0x3  }
0x9c: {  	_ =	strace s3  }
0x9d: {  	_ =	strace $0x8FFFFFFF  }
0x9e: {  	s18 =	sld [smem:$0x3FDB];
	_ =	sdelay $0x1  }
0x9f: {  	s19 =	simm.s32 $_scs_section_size  }
0xa0: {  	s5 =	simm.s32 $_size__tile_overlayer_lowered;
	s6 =	simm.s32 $_tile_overlayer_lowered  }
0xa1: {  	s22 =	simm.s32 $0x1BFF;
	s21 =	sshll.u32 s6, $0x1;
	s3 =	sadd.s32 s19, s18  }
0xa2: {  	s7 =	simm.s32 $0x0;
	s20 =	sshll.u32 s5, $0x1;
	s5 =	sadd.s32 s21, s3  }
0xa3: {  	[timem:s7], [sflag:s22] =	dma.local [hbm:s5], s20  }
0xa4: {  	_ =	swait.ge [sflag:s22], s20  }
0xa5: {  	s4 =	ssub.s32 $0x0, s20;
	[sflag:s22] =	ssyncset.done $0x0  }
0xa6: {  	[sflag:s22] =	ssyncadd.s32 s4;
	_ =	sdelay $0x1  }
0xa7: {  	s23 =	simm.s32 $0x1B8B  }
0xa8: {  	_ =	swait.ge [sflag:s23], $0x1  }
0xa9: {  	[sflag:s23] =	ssyncset.done $0x0  }
0xaa: {  	s25 =	simm.s32 $0x1B8E;
	s24 =	sld [smem:$0x3FFE];
	[sflag:s23] =	ssyncadd.s32 $0xFFFFFFFF  }
0xab: {  	s26 =	simm.s32 $execute0_lowered;
	[smem:$0x3FD2] =	sst s25  }
0xac: {  	s5 =	sshll.u32 s26, $0x1;
	_ =	strace $0x8000004C;
	[dreg:$0x1] =	wrdreg $0xFFFFFFFF  }
0xad: {  	s28 =	simm.s32 $_size_execute0_lowered;
	s3 =	sadd.s32 s3, s5;
	[dreg:$0x0] =	wrdreg $0x0  }
0xae: {  	s5 =	sshll.u32 s28, $0x1;
	[dreg:$0x2] =	wrdreg s3  }
0xaf: {  	[dreg:$0x3] =	wrdreg s5  }
0xb0: {  	[dreg:$0x4] =	wrdreg $0xC0  }
0xb1: {  	_ =	task [dreg:s7], $0x5FFFF  }
0xb2: {  	[dreg:$0x1] =	wrdreg $0xFFFFFFFF  }
0xb3: {  	[dreg:$0x0] =	wrdreg $0x60  }
0xb4: {  	[dreg:$0x2] =	wrdreg s16  }
0xb5: {  	[dreg:$0x3] =	wrdreg s24  }
0xb6: {  	[dreg:$0x4] =	wrdreg $0x94000  }
0xb7: {  	[dreg:$0x5] =	wrdreg $0x9  }
0xb8: {  	_ =	task.clear_ibuf [dreg:s7], $0x6FFFF;
	_ =	strace $0x9000004C  }
0xb9: {  	s29 =	simm.s32 $0x9;
	_ =	strace $0x8000004E  }
0xba: {  	_ =	swait.ge [sflag:s29], $0x1  }
0xbb: {  	[sflag:s29] =	ssyncadd.s32 $0xFFFFFFFF  }
0xbc: {  	_ =	strace $0x9000004E  }
0xbd: {  	_ =	sfence  }
0xbe: {  	s30 =	sld [smem:$0x0];
	_ =	sdelay $0x2  }
0xbf: {  	s31 =	sshll.u32 s1, $0xD;
	s1 =	sshrl.u32 s1, $0x2  }
0xc0: {  	s3 =	sand.u32 $0x4000, s31;
	s1 =	sadd.s32 s1, s30  }
0xc1: {  	s0 =	sor.u32 s3, s0;
	s1 =	sshll.u32 s1, $0x11  }
0xc2: {  	s0 =	sor.u32 s1, s0  }
0xc3: {  	s0 =	sadd.s32 $0x8F2B, s0  }
0xc4: {  	[sflag:s0] =	ssyncadd.remote.s32 $0x1  }
0xc5: {  	_ =	sfence.sel $0xFFFF  }
0xc6: {  	[dreg:$0x0] =	wrdreg $0xFFFFFFFF;
	(pc) =	sbr.abs _section_cstart, $3  }
0xc7: {  	[dreg:$0x1] =	wrdreg $0xFFFFFFFF  }
0xc8: {  	_ =	task.clear_ibuf [dreg:s7], $0x2FFFF;
	_ =	strace $0x9FFFFFFF  }
0xc9: {  	(tm) =	ssettm $0x7FFFFFFF  }
tec
execute0_lowered:
.L_overlay_start_1:
0x0: {  	(tag) =	ssettag $0x1  }
0x1: {  	s1 =	rddreg [dreg:$0x0]  }
0x2: {  	s0 =	rddreg [dreg:$0x1]  }
0x3: {  	s3 =	rddreg [dreg:$0x2]  }
0x4: {  	s4 =	simm.s32 $0x0;
	s2 =	srdreg.scid;
	s12 =	stileid.u32  }
0x5: {  	[smem:$0x7FF] =	sst s4;
	s5 =	smul.u32 $0x5000, s12  }
0x6: {  	s2 =	sand.u32 $0x1, s2;
	s6 =	sadd.s32 $0x5C600, s0;
	s19 =	smul.u32 $0x50000, s12  }
0x7: {  	s8 =	sadd.s32 $0x4400, s0;
	s0 =	sadd.s32 $0x66600, s0;
	s11 =	smul.u32 $0x280, s12  }
0x8: {  	s24 =	smul.u32 $0xA00, s12;
	s7 =	ssub.s32 $0x2, s2;
	s5 =	sshrl.u32 s5, $0x3  }
0x9: {  	_ =	strace $0x8000004D;
	s9 =	sshrl.u32 s7, $0x1;
	s16 =	sadd.s32 s6, s5  }
0xa: {  	s17 =	sadd.s32 s8, s5;
	s18 =	sor.u32 $0x10, s5;
	[dreg:$0x5] =	wrdreg s16  }
0xb: {  	s7 =	ssub.s32 s7, s9;
	[dreg:$0x6] =	wrdreg s17;
	s10 =	sadd.s32 s6, s18  }
0xc: {  	s20 =	sor.u32 $0x20, s5;
	s9 =	sadd.s32 s8, s18;
	[dreg:$0x7] =	wrdreg s10  }
0xd: {  	s5 =	sor.u32 $0x30, s5;
	s13 =	sadd.s32 s6, s20;
	[dreg:$0x8] =	wrdreg s9  }
0xe: {  	s29 =	smul.u32 $0x2710, s2;
	s21 =	sadd.s32 s6, s5;
	[dreg:$0x9] =	wrdreg s13  }
0xf: {  	s2 =	smul.u32 $0x27100, s2;
	s5 =	sadd.s32 s8, s5;
	[dreg:$0xb] =	wrdreg s21  }
0x10: {  	s22 =	sadd.s32 s11, s29;
	s25 =	smax.u32 s7, $0x1;
	[dreg:$0xc] =	wrdreg s5  }
0x11: {  	s23 =	sshll.u32 s22, $0x4;
	s10 =	sadd.s32 s8, s20;
	[dreg:$0xf] =	wrdreg s25  }
0x12: {  	s9 =	sshrl.u32 s19, $0x2;
	s5 =	sadd.s32 s0, s23;
	[dreg:$0xa] =	wrdreg s10  }
0x13: {  	s0 =	sadd.s32 s2, s0;
	s8 =	sadd.s32 s24, s8;
	[dreg:$0xd] =	wrdreg s5  }
0x14: {  	s13 =	sadd.s32 s9, s3;
	s0 =	sadd.s32 $0x25800, s0;
	[dreg:$0x4] =	wrdreg s8  }
0x15: {  	[dreg:$0xe] =	wrdreg s0;
	s26 =	sadd.s32 $0x1000, s13  }
0x16: {  	s5 =	sadd.s32 $0x2000, s13;
	[dreg:$0x10] =	wrdreg s26  }
0x17: {  	s7 =	sadd.s32 $0x3000, s13;
	[dreg:$0x11] =	wrdreg s5  }
0x18: {  	s9 =	sadd.s32 $0x4000, s13;
	[dreg:$0x12] =	wrdreg s7  }
0x19: {  	s10 =	sadd.s32 $0x5000, s13;
	[dreg:$0x13] =	wrdreg s9  }
0x1a: {  	s11 =	sadd.s32 $0x6000, s13;
	[dreg:$0x14] =	wrdreg s10  }
0x1b: {  	s14 =	sadd.s32 $0x7000, s13;
	[dreg:$0x15] =	wrdreg s11  }
0x1c: {  	s15 =	sadd.s32 $0x8000, s13;
	[dreg:$0x16] =	wrdreg s14  }
0x1d: {  	s16 =	sadd.s32 $0x9000, s13;
	[dreg:$0x17] =	wrdreg s15  }
0x1e: {  	s28 =	simm.s32 $0x6;
	s17 =	sadd.s32 $0xA000, s13;
	[dreg:$0x18] =	wrdreg s16  }
0x1f: {  	s30 =	simm.s32 $0x4;
	s18 =	sadd.s32 $0xB000, s13;
	[dreg:$0x19] =	wrdreg s17  }
0x20: {  	s31 =	simm.s32 $0x0;
	s19 =	sadd.s32 $0xC000, s13;
	[dreg:$0x1a] =	wrdreg s18  }
0x21: {  	p0 =	seq.s32 s12, $0xF;
	s20 =	sadd.s32 $0xD000, s13;
	[dreg:$0x1b] =	wrdreg s19  }
0x22: {  	s12 =	simm.s32 $0x100;
	s21 =	sadd.s32 $0xE000, s13;
	[dreg:$0x1c] =	wrdreg s20  }
0x23: {  	v0 =	vmov s29;
	s29 =	simm.s32 $0x8;
	s22 =	sadd.s32 $0xF000, s13;
	[dreg:$0x1d] =	wrdreg s21  }
0x24: {  	s23 =	sadd.s32 s24, s6;
	s24 =	sadd.s32 $0x10000, s13;
	[dreg:$0x1e] =	wrdreg s22  }
0x25: {  	s25 =	sadd.s32 $0x11000, s13;
	s8 =	sadd.s32 $0x13000, s13;
	[dreg:$0x1f] =	wrdreg s24  }
0x26: {  	[smem:$0x7FC] =	sst s25;
	s26 =	sadd.s32 $0x12000, s13;
	s9 =	simm.s32 $0x200  }
0x27: {  	s10 =	simm.s32 $0x80;
	s11 =	simm.s32 $0x280;
	s14 =	simm.s32 $0x300  }
0x28: {  	s15 =	simm.s32 $0x180;
	s16 =	simm.s32 $0x380;
	s17 =	simm.s32 $0x1  }
0x29: {  	s18 =	simm.s32 $0x400;
	s19 =	simm.s32 $0x2;
	s20 =	simm.s32 $0x4400  }
0x2a: {  	s21 =	simm.s32 $0x8400;
	s22 =	simm.s32 $0x9;
	s24 =	simm.s32 $0x5  }
0x2b: {  	v1 =	vimm.f32 $0.0e+00;
	s25 =	simm.s32 $0x7;
	[smem:$0x7FD] =	sst s26;
	s26 =	simm.s32 $0x3  }
.LBB2_1:
0x2c: {  	s0 =	rddreg [dreg:$0x5]  }
0x2d: {  	[tilespmem:s4], [sflag:$0x1] =	stream.linear.gather [hbm4b:s0+s4], $0x80, $0x38;
	[tilespmem:$0x1D400] =	vst v63  }
0x2e: {  	s5 =	rddreg [dreg:$0x6]  }
0x2f: {  	[tilespmem:s9], [sflag:$0x1] =	stream.linear.gather [hbm4b:s5+s4], $0x80, $0x38;
	[tilespmem:$0x1D400] =	vst v63  }
0x30: {  	s6 =	rddreg [dreg:$0x7]  }
0x31: {  	[tilespmem:s10], [sflag:$0x2] =	stream.linear.gather [hbm4b:s6+s4], $0x80, $0x38;
	[tilespmem:$0x1D400] =	vst v63  }
0x32: {  	s7 =	rddreg [dreg:$0x8]  }
0x33: {  	[tilespmem:s11], [sflag:$0x2] =	stream.linear.gather [hbm4b:s7+s4], $0x80, $0x38;
	[tilespmem:$0x1D400] =	vst v63  }
0x34: {  	s2 =	rddreg [dreg:$0x9]  }
0x35: {  	[tilespmem:s12], [sflag:$0x3] =	stream.linear.gather [hbm4b:s2+s4], $0x80, $0x38;
	[tilespmem:$0x1D400] =	vst v63  }
0x36: {  	s5 =	rddreg [dreg:$0xa]  }
0x37: {  	[tilespmem:s14], [sflag:$0x3] =	stream.linear.gather [hbm4b:s5+s4], $0x80, $0x38;
	[tilespmem:$0x1D400] =	vst v63  }
0x38: {  	s6 =	rddreg [dreg:$0xb]  }
0x39: {  	[tilespmem:s15], [sflag:$0x4] =	stream.linear.gather [hbm4b:s6+s4], $0x80, $0x38;
	[tilespmem:$0x1D400] =	vst v63  }
0x3a: {  	s7 =	rddreg [dreg:$0xc]  }
0x3b: {  	[tilespmem:s16], [sflag:$0x4] =	stream.linear.gather [hbm4b:s7+s4], $0x80, $0x38;
	[tilespmem:$0x1D400] =	vst v63  }
0x3c: {  	_ =	swait.ge [sflag:s17], $0x80  }
0x3d: {  	[sflag:s17] =	ssyncset.done $0x0  }
0x3e: {  	[sflag:s17] =	ssyncadd.s32 $0xFFFFFF80  }
0x3f: {  	_ =	swait.ge [sflag:s17], $0x80  }
0x40: {  	[sflag:s17] =	ssyncset.done $0x0  }
0x41: {  	[sflag:s17] =	ssyncadd.s32 $0xFFFFFF80  }
0x42: {  	v2 =	vld [tilespmem:$0x0]  }
0x43: {  	v3 =	vld [tilespmem:$0x10]  }
0x44: {  	v4 =	vld [tilespmem:$0x20]  }
0x45: {  	v5 =	vld [tilespmem:$0x30]  }
0x46: {  	v6 =	vld [tilespmem:$0x40]  }
0x47: {  	v7 =	vld [tilespmem:$0x50];
	v2 =	vadd.s32 v0, v2  }
0x48: {  	[tilespmem:$0x0] =	vst v2;
	v2 =	vadd.s32 v0, v3;
	v3 =	vld [tilespmem:$0x60]  }
0x49: {  	v58 =	vld [tilespmem:$0x70];
	[tilespmem:$0x10] =	vst v2;
	v2 =	vadd.s32 v0, v4  }
0x4a: {  	[tilespmem:$0x20] =	vst v2;
	v2 =	vadd.s32 v0, v5  }
0x4b: {  	[tilespmem:$0x30] =	vst v2;
	v2 =	vadd.s32 v0, v6  }
0x4c: {  	[tilespmem:$0x40] =	vst v2;
	v2 =	vadd.s32 v0, v7  }
0x4d: {  	[tilespmem:$0x50] =	vst v2;
	v2 =	vadd.s32 v0, v3  }
0x4e: {  	[tilespmem:$0x60] =	vst v2;
	v2 =	vadd.s32 v0, v58  }
0x4f: {  	[tilespmem:$0x70] =	vst v2  }
0x50: {  	[tilespmem:s18], [sflag:$0x5] =	stream.indirect.gather [hbm4b:s1+s10], $0x80, s4, s10, $0xb8;
	[tilespmem:$0x1D400] =	vst v63  }
0x51: {  	_ =	swait.ge [sflag:s19], $0x80  }
0x52: {  	[sflag:s19] =	ssyncset.done $0x0  }
0x53: {  	[sflag:s19] =	ssyncadd.s32 $0xFFFFFF80  }
0x54: {  	_ =	swait.ge [sflag:s19], $0x80  }
0x55: {  	[sflag:s19] =	ssyncset.done $0x0  }
0x56: {  	[sflag:s19] =	ssyncadd.s32 $0xFFFFFF80  }
0x57: {  	v2 =	vld [tilespmem:$0x80]  }
0x58: {  	v3 =	vld [tilespmem:$0x90]  }
0x59: {  	v59 =	vld [tilespmem:$0xA0]  }
0x5a: {  	v60 =	vld [tilespmem:$0xB0]  }
0x5b: {  	v61 =	vld [tilespmem:$0xC0]  }
0x5c: {  	v62 =	vld [tilespmem:$0xD0];
	v2 =	vadd.s32 v0, v2  }
0x5d: {  	[tilespmem:$0x80] =	vst v2;
	v2 =	vadd.s32 v0, v3;
	v3 =	vld [tilespmem:$0xE0]  }
0x5e: {  	v63 =	vld [tilespmem:$0xF0];
	[tilespmem:$0x90] =	vst v2;
	v2 =	vadd.s32 v0, v59  }
0x5f: {  	[tilespmem:$0xA0] =	vst v2;
	v2 =	vadd.s32 v0, v60  }
0x60: {  	[tilespmem:$0xB0] =	vst v2;
	v2 =	vadd.s32 v0, v61  }
0x61: {  	[tilespmem:$0xC0] =	vst v2;
	v2 =	vadd.s32 v0, v62  }
0x62: {  	[tilespmem:$0xD0] =	vst v2;
	v2 =	vadd.s32 v0, v3  }
0x63: {  	[tilespmem:$0xE0] =	vst v2;
	v2 =	vadd.s32 v0, v63  }
0x64: {  	s0 =	simm.s32 $0x0;
	s2 =	simm.s32 $0x200;
	[tilespmem:$0xF0] =	vst v2  }
0x65: {  	[tilespmem:s20], [sflag:$0x6] =	stream.indirect.gather [hbm4b:s1+s10], $0x80, s10, s10, $0xb8;
	[tilespmem:$0x1D400] =	vst v63  }
.LBB2_2:
0x66: {  	p1 =	seq.s32 s2, $0x3E00;
	[tilespmem:s0+$0x8470] =	vst v1  }
0x67: {  	[tilespmem:s0+$0x8400] =	vst v1  }
0x68: {  	[tilespmem:s0+$0x8410] =	vst v1  }
.Ltmp0:
0x69: {  	[tilespmem:s0+$0x8420] =	vst v1;
	(pc) =	sbr.rel @!p1 .LBB2_2-.Ltmp0, $4  }
0x6a: {  	[tilespmem:s0+$0x8430] =	vst v1  }
0x6b: {  	[tilespmem:s0+$0x8440] =	vst v1  }
0x6c: {  	[tilespmem:s0+$0x8450] =	vst v1  }
0x6d: {  	[tilespmem:s0+$0x8460] =	vst v1;
	s0 =	sshra.s32 s2, $0x2;
	s2 =	sadd.s32 $0x200, s2  }
0x6e: {  	[tilespmem:s0+$0x8470] =	vst v1  }
0x6f: {  	[tilespmem:s0+$0x8400] =	vst v1  }
0x70: {  	[tilespmem:s0+$0x8410] =	vst v1  }
0x71: {  	[tilespmem:s0+$0x8420] =	vst v1  }
0x72: {  	[tilespmem:s0+$0x8430] =	vst v1  }
0x73: {  	[tilespmem:s0+$0x8440] =	vst v1  }
0x74: {  	[tilespmem:s0+$0x8450] =	vst v1  }
0x75: {  	[tilespmem:s0+$0x8460] =	vst v1  }
0x76: {  	[spmem:s13] =	stream.linear.scatter [tilespmem:s21], [sflag:$0x9], $0x1000, $0x38;
	[tilespmem:$0x1D400] =	vst v63  }
0x77: {  	_ =	swait.ge [sflag:s22], $0x1000  }
0x78: {  	[sflag:s22] =	ssyncset.done $0x0  }
0x79: {  	s5 =	rddreg [dreg:$0x10];
	[sflag:s22] =	ssyncadd.s32 $0xFFFFF000  }
0x7a: {  	[spmem:s5] =	stream.linear.scatter [tilespmem:s21], [sflag:$0x9], $0x1000, $0x38;
	[tilespmem:$0x1D400] =	vst v63  }
0x7b: {  	_ =	swait.ge [sflag:s22], $0x1000  }
0x7c: {  	[sflag:s22] =	ssyncset.done $0x0  }
0x7d: {  	s6 =	rddreg [dreg:$0x11];
	[sflag:s22] =	ssyncadd.s32 $0xFFFFF000  }
0x7e: {  	[spmem:s6] =	stream.linear.scatter [tilespmem:s21], [sflag:$0x9], $0x1000, $0x38;
	[tilespmem:$0x1D400] =	vst v63  }
0x7f: {  	_ =	swait.ge [sflag:s22], $0x1000  }
0x80: {  	[sflag:s22] =	ssyncset.done $0x0  }
0x81: {  	s7 =	rddreg [dreg:$0x12];
	[sflag:s22] =	ssyncadd.s32 $0xFFFFF000  }
0x82: {  	[spmem:s7] =	stream.linear.scatter [tilespmem:s21], [sflag:$0x9], $0x1000, $0x38;
	[tilespmem:$0x1D400] =	vst v63  }
0x83: {  	_ =	swait.ge [sflag:s22], $0x1000  }
0x84: {  	[sflag:s22] =	ssyncset.done $0x0  }
0x85: {  	s2 =	rddreg [dreg:$0x13];
	[sflag:s22] =	ssyncadd.s32 $0xFFFFF000  }
0x86: {  	[spmem:s2] =	stream.linear.scatter [tilespmem:s21], [sflag:$0x9], $0x1000, $0x38;
	[tilespmem:$0x1D400] =	vst v63  }
0x87: {  	_ =	swait.ge [sflag:s22], $0x1000  }
0x88: {  	[sflag:s22] =	ssyncset.done $0x0  }
0x89: {  	s5 =	rddreg [dreg:$0x14];
	[sflag:s22] =	ssyncadd.s32 $0xFFFFF000  }
0x8a: {  	[spmem:s5] =	stream.linear.scatter [tilespmem:s21], [sflag:$0x9], $0x1000, $0x38;
	[tilespmem:$0x1D400] =	vst v63  }
0x8b: {  	_ =	swait.ge [sflag:s22], $0x1000  }
0x8c: {  	[sflag:s22] =	ssyncset.done $0x0  }
0x8d: {  	s6 =	rddreg [dreg:$0x15];
	[sflag:s22] =	ssyncadd.s32 $0xFFFFF000  }
0x8e: {  	[spmem:s6] =	stream.linear.scatter [tilespmem:s21], [sflag:$0x9], $0x1000, $0x38;
	[tilespmem:$0x1D400] =	vst v63  }
0x8f: {  	_ =	swait.ge [sflag:s22], $0x1000  }
0x90: {  	[sflag:s22] =	ssyncset.done $0x0  }
0x91: {  	s7 =	rddreg [dreg:$0x16];
	[sflag:s22] =	ssyncadd.s32 $0xFFFFF000  }
0x92: {  	[spmem:s7] =	stream.linear.scatter [tilespmem:s21], [sflag:$0x9], $0x1000, $0x38;
	[tilespmem:$0x1D400] =	vst v63  }
0x93: {  	_ =	swait.ge [sflag:s22], $0x1000  }
0x94: {  	[sflag:s22] =	ssyncset.done $0x0  }
0x95: {  	s2 =	rddreg [dreg:$0x17];
	[sflag:s22] =	ssyncadd.s32 $0xFFFFF000  }
0x96: {  	[spmem:s2] =	stream.linear.scatter [tilespmem:s21], [sflag:$0x9], $0x1000, $0x38;
	[tilespmem:$0x1D400] =	vst v63  }
0x97: {  	_ =	swait.ge [sflag:s22], $0x1000  }
0x98: {  	[sflag:s22] =	ssyncset.done $0x0  }
0x99: {  	s5 =	rddreg [dreg:$0x18];
	[sflag:s22] =	ssyncadd.s32 $0xFFFFF000  }
0x9a: {  	[spmem:s5] =	stream.linear.scatter [tilespmem:s21], [sflag:$0x9], $0x1000, $0x38;
	[tilespmem:$0x1D400] =	vst v63  }
0x9b: {  	_ =	swait.ge [sflag:s22], $0x1000  }
0x9c: {  	[sflag:s22] =	ssyncset.done $0x0  }
0x9d: {  	s6 =	rddreg [dreg:$0x19];
	[sflag:s22] =	ssyncadd.s32 $0xFFFFF000  }
0x9e: {  	[spmem:s6] =	stream.linear.scatter [tilespmem:s21], [sflag:$0x9], $0x1000, $0x38;
	[tilespmem:$0x1D400] =	vst v63  }
0x9f: {  	_ =	swait.ge [sflag:s22], $0x1000  }
0xa0: {  	[sflag:s22] =	ssyncset.done $0x0  }
0xa1: {  	s7 =	rddreg [dreg:$0x1a];
	[sflag:s22] =	ssyncadd.s32 $0xFFFFF000  }
0xa2: {  	[spmem:s7] =	stream.linear.scatter [tilespmem:s21], [sflag:$0x9], $0x1000, $0x38;
	[tilespmem:$0x1D400] =	vst v63  }
0xa3: {  	_ =	swait.ge [sflag:s22], $0x1000  }
0xa4: {  	[sflag:s22] =	ssyncset.done $0x0  }
0xa5: {  	s2 =	rddreg [dreg:$0x1b];
	[sflag:s22] =	ssyncadd.s32 $0xFFFFF000  }
0xa6: {  	[spmem:s2] =	stream.linear.scatter [tilespmem:s21], [sflag:$0x9], $0x1000, $0x38;
	[tilespmem:$0x1D400] =	vst v63  }
0xa7: {  	_ =	swait.ge [sflag:s22], $0x1000  }
0xa8: {  	[sflag:s22] =	ssyncset.done $0x0  }
0xa9: {  	s5 =	rddreg [dreg:$0x1c];
	[sflag:s22] =	ssyncadd.s32 $0xFFFFF000  }
0xaa: {  	[spmem:s5] =	stream.linear.scatter [tilespmem:s21], [sflag:$0x9], $0x1000, $0x38;
	[tilespmem:$0x1D400] =	vst v63  }
0xab: {  	_ =	swait.ge [sflag:s22], $0x1000  }
0xac: {  	[sflag:s22] =	ssyncset.done $0x0  }
0xad: {  	s6 =	rddreg [dreg:$0x1d];
	[sflag:s22] =	ssyncadd.s32 $0xFFFFF000  }
0xae: {  	[spmem:s6] =	stream.linear.scatter [tilespmem:s21], [sflag:$0x9], $0x1000, $0x38;
	[tilespmem:$0x1D400] =	vst v63  }
0xaf: {  	_ =	swait.ge [sflag:s22], $0x1000  }
0xb0: {  	[sflag:s22] =	ssyncset.done $0x0  }
0xb1: {  	s7 =	rddreg [dreg:$0x1e];
	[sflag:s22] =	ssyncadd.s32 $0xFFFFF000  }
0xb2: {  	[spmem:s7] =	stream.linear.scatter [tilespmem:s21], [sflag:$0x9], $0x1000, $0x38;
	[tilespmem:$0x1D400] =	vst v63  }
0xb3: {  	_ =	swait.ge [sflag:s22], $0x1000  }
0xb4: {  	[sflag:s22] =	ssyncset.done $0x0  }
0xb5: {  	s2 =	rddreg [dreg:$0x1f];
	[sflag:s22] =	ssyncadd.s32 $0xFFFFF000  }
0xb6: {  	[spmem:s2] =	stream.linear.scatter [tilespmem:s21], [sflag:$0x9], $0x1000, $0x38;
	[tilespmem:$0x1D400] =	vst v63  }
0xb7: {  	_ =	swait.ge [sflag:s22], $0x1000  }
0xb8: {  	s5 =	sld [smem:$0x7FC]  }
0xb9: {  	[sflag:s22] =	ssyncset.done $0x0  }
0xba: {  	[sflag:s22] =	ssyncadd.s32 $0xFFFFF000  }
0xbb: {  	[spmem:s5] =	stream.linear.scatter [tilespmem:s21], [sflag:$0x9], $0x1000, $0x38;
	[tilespmem:$0x1D400] =	vst v63  }
0xbc: {  	_ =	swait.ge [sflag:s22], $0x1000  }
0xbd: {  	s6 =	sld [smem:$0x7FD]  }
0xbe: {  	[sflag:s22] =	ssyncset.done $0x0  }
0xbf: {  	[sflag:s22] =	ssyncadd.s32 $0xFFFFF000  }
0xc0: {  	[spmem:s6] =	stream.linear.scatter [tilespmem:s21], [sflag:$0x9], $0x1000, $0x38;
	[tilespmem:$0x1D400] =	vst v63  }
0xc1: {  	_ =	swait.ge [sflag:s22], $0x1000  }
0xc2: {  	[sflag:s22] =	ssyncset.done $0x0  }
0xc3: {  	[sflag:s22] =	ssyncadd.s32 $0xFFFFF000  }
0xc4: {  	[spmem:s8] =	stream.linear.scatter [tilespmem:s21], [sflag:$0x9], $0x1000, $0x38;
	[tilespmem:$0x1D400] =	vst v63  }
0xc5: {  	_ =	swait.ge [sflag:s22], $0x1000  }
0xc6: {  	[sflag:s22] =	ssyncset.done $0x0  }
0xc7: {  	[sflag:s22] =	ssyncadd.s32 $0xFFFFF000  }
0xc8: {  	[bflag:$0x0] =	sbarrier.arrive $0xFFFF  }
0xc9: {  	_ =	swait.ge [sflag:s24], $0x4000  }
0xca: {  	[sflag:s24] =	ssyncset.done $0x0  }
0xcb: {  	[sflag:s24] =	ssyncadd.s32 $0xFFFFC000  }
0xcc: {  	[spmem:s3] =	stream.indirect.scatter.add.f32 [tilespmem:s18], [sflag:$0x7], $0x80, s9, s10, $0xb8;
	[tilespmem:$0x1D400] =	vst v63  }
0xcd: {  	_ =	swait.ge [sflag:s25], $0x4000  }
0xce: {  	s0 =	sadd.s32 $0x0, s23;
	[sflag:s25] =	ssyncset.done $0x0;
	s2 =	rddreg [dreg:$0x4]  }
0xcf: {  	s5 =	sadd.s32 $0x40, s0;
	[sflag:s25] =	ssyncadd.s32 $0xFFFFC000;
	s2 =	sadd.s32 $0x0, s2  }
0xd0: {  	[tilespmem:s4], [sflag:$0x1] =	stream.linear.gather [hbm4b:s5+s4], $0x80, $0x38;
	[tilespmem:$0x1D400] =	vst v63  }
0xd1: {  	s7 =	sadd.s32 $0x40, s2  }
0xd2: {  	[tilespmem:s9], [sflag:$0x1] =	stream.linear.gather [hbm4b:s7+s4], $0x80, $0x38;
	[tilespmem:$0x1D400] =	vst v63  }
0xd3: {  	_ =	swait.ge [sflag:s26], $0x80  }
0xd4: {  	[sflag:s26] =	ssyncset.done $0x0  }
0xd5: {  	[sflag:s26] =	ssyncadd.s32 $0xFFFFFF80  }
0xd6: {  	_ =	swait.ge [sflag:s26], $0x80  }
0xd7: {  	[sflag:s26] =	ssyncset.done $0x0  }
0xd8: {  	[sflag:s26] =	ssyncadd.s32 $0xFFFFFF80  }
0xd9: {  	v2 =	vld [tilespmem:$0x140]  }
0xda: {  	v3 =	vld [tilespmem:$0x170]  }
0xdb: {  	v4 =	vld [tilespmem:$0x130]  }
0xdc: {  	v5 =	vld [tilespmem:$0x100]  }
0xdd: {  	v6 =	vld [tilespmem:$0x110]  }
0xde: {  	v7 =	vld [tilespmem:$0x150];
	v2 =	vadd.s32 v0, v2  }
0xdf: {  	v8 =	vld [tilespmem:$0x120];
	v3 =	vadd.s32 v0, v3;
	[tilespmem:$0x140] =	vst v2  }
0xe0: {  	v4 =	vadd.s32 v0, v4;
	v2 =	vld [tilespmem:$0x160];
	[tilespmem:$0x170] =	vst v3  }
0xe1: {  	v3 =	vadd.s32 v0, v5;
	[tilespmem:$0x130] =	vst v4  }
0xe2: {  	v4 =	vadd.s32 v0, v6;
	[tilespmem:$0x100] =	vst v3  }
0xe3: {  	[tilespmem:$0x110] =	vst v4;
	v3 =	vadd.s32 v0, v7  }
0xe4: {  	[tilespmem:$0x150] =	vst v3;
	v3 =	vadd.s32 v0, v8  }
0xe5: {  	[tilespmem:$0x120] =	vst v3;
	v2 =	vadd.s32 v0, v2  }
0xe6: {  	[tilespmem:$0x160] =	vst v2  }
0xe7: {  	[tilespmem:s18], [sflag:$0x5] =	stream.indirect.gather [hbm4b:s1+s10], $0x80, s12, s10, $0xb8;
	[tilespmem:$0x1D400] =	vst v63  }
0xe8: {  	_ =	swait.ge [sflag:s28], $0x4000  }
0xe9: {  	[sflag:s28] =	ssyncset.done $0x0  }
0xea: {  	[sflag:s28] =	ssyncadd.s32 $0xFFFFC000  }
0xeb: {  	[spmem:s3] =	stream.indirect.scatter.add.f32 [tilespmem:s20], [sflag:$0x8], $0x80, s11, s10, $0xb8;
	[tilespmem:$0x1D400] =	vst v63  }
0xec: {  	_ =	swait.ge [sflag:s29], $0x4000  }
0xed: {  	[sflag:s29] =	ssyncset.done $0x0  }
0xee: {  	s6 =	sadd.s32 $0x50, s0;
	[sflag:s29] =	ssyncadd.s32 $0xFFFFC000  }
0xef: {  	[tilespmem:s10], [sflag:$0x2] =	stream.linear.gather [hbm4b:s6+s4], $0x80, $0x38;
	[tilespmem:$0x1D400] =	vst v63  }
0xf0: {  	s7 =	sadd.s32 $0x50, s2  }
0xf1: {  	[tilespmem:s11], [sflag:$0x2] =	stream.linear.gather [hbm4b:s7+s4], $0x80, $0x38;
	[tilespmem:$0x1D400] =	vst v63  }
0xf2: {  	_ =	swait.ge [sflag:s30], $0x80  }
0xf3: {  	[sflag:s30] =	ssyncset.done $0x0  }
0xf4: {  	[sflag:s30] =	ssyncadd.s32 $0xFFFFFF80  }
0xf5: {  	_ =	swait.ge [sflag:s30], $0x80  }
0xf6: {  	[sflag:s30] =	ssyncset.done $0x0  }
0xf7: {  	[sflag:s30] =	ssyncadd.s32 $0xFFFFFF80  }
0xf8: {  	v2 =	vld [tilespmem:$0x1F0]  }
0xf9: {  	v3 =	vld [tilespmem:$0x1A0]  }
0xfa: {  	v4 =	vld [tilespmem:$0x1D0]  }
0xfb: {  	v5 =	vld [tilespmem:$0x1C0]  }
0xfc: {  	v6 =	vld [tilespmem:$0x1B0]  }
0xfd: {  	v7 =	vld [tilespmem:$0x180];
	v2 =	vadd.s32 v0, v2  }
0xfe: {  	v8 =	vld [tilespmem:$0x190];
	v3 =	vadd.s32 v0, v3;
	[tilespmem:$0x1F0] =	vst v2  }
0xff: {  	v2 =	vld [tilespmem:$0x1E0];
	[tilespmem:$0x1A0] =	vst v3;
	v3 =	vadd.s32 v0, v4  }
0x100: {  	v4 =	vadd.s32 v0, v5;
	[tilespmem:$0x1D0] =	vst v3  }
0x101: {  	v3 =	vadd.s32 v0, v6;
	[tilespmem:$0x1C0] =	vst v4  }
0x102: {  	v4 =	vadd.s32 v0, v7;
	[tilespmem:$0x1B0] =	vst v3  }
0x103: {  	[tilespmem:$0x180] =	vst v4;
	v3 =	vadd.s32 v0, v8  }
0x104: {  	[tilespmem:$0x190] =	vst v3;
	v2 =	vadd.s32 v0, v2  }
0x105: {  	[tilespmem:$0x1E0] =	vst v2  }
0x106: {  	[tilespmem:s20], [sflag:$0x6] =	stream.indirect.gather [hbm4b:s1+s10], $0x80, s15, s10, $0xb8;
	[tilespmem:$0x1D400] =	vst v63  }
0x107: {  	_ =	swait.ge [sflag:s24], $0x4000  }
0x108: {  	[sflag:s24] =	ssyncset.done $0x0  }
0x109: {  	[sflag:s24] =	ssyncadd.s32 $0xFFFFC000  }
0x10a: {  	[spmem:s3] =	stream.indirect.scatter.add.f32 [tilespmem:s18], [sflag:$0x7], $0x80, s14, s10, $0xb8;
	[tilespmem:$0x1D400] =	vst v63  }
0x10b: {  	_ =	swait.ge [sflag:s25], $0x4000  }
0x10c: {  	[sflag:s25] =	ssyncset.done $0x0  }
0x10d: {  	s6 =	sadd.s32 $0x60, s0;
	[sflag:s25] =	ssyncadd.s32 $0xFFFFC000  }
0x10e: {  	[tilespmem:s12], [sflag:$0x3] =	stream.linear.gather [hbm4b:s6+s4], $0x80, $0x38;
	[tilespmem:$0x1D400] =	vst v63  }
0x10f: {  	s7 =	sadd.s32 $0x60, s2  }
0x110: {  	[tilespmem:s14], [sflag:$0x3] =	stream.linear.gather [hbm4b:s7+s4], $0x80, $0x38;
	[tilespmem:$0x1D400] =	vst v63  }
0x111: {  	_ =	swait.ge [sflag:s17], $0x80  }
0x112: {  	[sflag:s17] =	ssyncset.done $0x0  }
0x113: {  	[sflag:s17] =	ssyncadd.s32 $0xFFFFFF80  }
0x114: {  	_ =	swait.ge [sflag:s17], $0x80  }
0x115: {  	[sflag:s17] =	ssyncset.done $0x0  }
0x116: {  	[sflag:s17] =	ssyncadd.s32 $0xFFFFFF80  }
0x117: {  	v4 =	vld [tilespmem:$0x50]  }
0x118: {  	v2 =	vld [tilespmem:$0x70]  }
0x119: {  	v5 =	vld [tilespmem:$0x40]  }
0x11a: {  	v6 =	vld [tilespmem:$0x20]  }
0x11b: {  	v3 =	vld [tilespmem:$0x30]  }
0x11c: {  	v7 =	vld [tilespmem:$0x10];
	_ =	sdelay $0x1  }
0x11d: {  	v2 =	vadd.s32 v0, v2  }
0x11e: {  	v8 =	vadd.s32 v0, v6;
	[tilespmem:$0x70] =	vst v2  }
0x11f: {  	v2 =	vadd.s32 v0, v3;
	v3 =	vld [tilespmem:$0x0];
	[tilespmem:$0x20] =	vst v8  }
0x120: {  	s5 =	simm.s32 $0x40;
	v6 =	vadd.s32 v0, v5;
	v5 =	vadd.s32 v0, v7;
	v4 =	vadd.s32 v0, v4;
	[tilespmem:$0x30] =	vst v2;
	v2 =	vld [tilespmem:$0x60]  }
.LBB2_4:
0x121: {  	_ = 	snop  }
0x122: {  	[tilespmem:$0x40] =	vst v6  }
0x123: {  	[tilespmem:$0x10] =	vst v5  }
0x124: {  	[tilespmem:$0x50] =	vst v4;
	v3 =	vadd.s32 v0, v3  }
0x125: {  	v2 =	vadd.s32 v0, v2;
	[tilespmem:$0x0] =	vst v3  }
0x126: {  	[tilespmem:$0x60] =	vst v2  }
0x127: {  	[tilespmem:s18], [sflag:$0x5] =	stream.indirect.gather [hbm4b:s1+s10], $0x80, s4, s10, $0xb8;
	[tilespmem:$0x1D400] =	vst v63  }
0x128: {  	_ =	swait.ge [sflag:s28], $0x4000  }
0x129: {  	[sflag:s28] =	ssyncset.done $0x0  }
0x12a: {  	[sflag:s28] =	ssyncadd.s32 $0xFFFFC000  }
0x12b: {  	[spmem:s3] =	stream.indirect.scatter.add.f32 [tilespmem:s20], [sflag:$0x8], $0x80, s16, s10, $0xb8;
	[tilespmem:$0x1D400] =	vst v63  }
0x12c: {  	_ =	swait.ge [sflag:s29], $0x4000  }
0x12d: {  	[sflag:s29] =	ssyncset.done $0x0  }
0x12e: {  	s0 =	sadd.s32 $0x70, s0;
	[sflag:s29] =	ssyncadd.s32 $0xFFFFC000  }
0x12f: {  	[tilespmem:s15], [sflag:$0x4] =	stream.linear.gather [hbm4b:s0+s4], $0x80, $0x38;
	[tilespmem:$0x1D400] =	vst v63  }
0x130: {  	s2 =	sadd.s32 $0x70, s2  }
0x131: {  	[tilespmem:s16], [sflag:$0x4] =	stream.linear.gather [hbm4b:s2+s4], $0x80, $0x38;
	[tilespmem:$0x1D400] =	vst v63  }
0x132: {  	_ =	swait.ge [sflag:s19], $0x80  }
0x133: {  	[sflag:s19] =	ssyncset.done $0x0  }
0x134: {  	[sflag:s19] =	ssyncadd.s32 $0xFFFFFF80  }
0x135: {  	_ =	swait.ge [sflag:s19], $0x80  }
0x136: {  	[sflag:s19] =	ssyncset.done $0x0  }
0x137: {  	[sflag:s19] =	ssyncadd.s32 $0xFFFFFF80  }
0x138: {  	v2 =	vld [tilespmem:$0x80]  }
0x139: {  	v3 =	vld [tilespmem:$0x90]  }
0x13a: {  	v4 =	vld [tilespmem:$0xA0]  }
0x13b: {  	v5 =	vld [tilespmem:$0xC0]  }
0x13c: {  	v6 =	vld [tilespmem:$0xD0]  }
0x13d: {  	v7 =	vld [tilespmem:$0xE0];
	v2 =	vadd.s32 v0, v2  }
0x13e: {  	[tilespmem:$0x80] =	vst v2;
	v2 =	vadd.s32 v0, v3;
	v3 =	vld [tilespmem:$0xF0]  }
0x13f: {  	[tilespmem:$0x90] =	vst v2;
	v2 =	vadd.s32 v0, v4;
	v4 =	vld [tilespmem:$0xB0]  }
0x140: {  	[tilespmem:$0xA0] =	vst v2;
	v2 =	vadd.s32 v0, v5  }
0x141: {  	[tilespmem:$0xC0] =	vst v2;
	v2 =	vadd.s32 v0, v6  }
0x142: {  	[tilespmem:$0xD0] =	vst v2;
	v2 =	vadd.s32 v0, v7  }
0x143: {  	[tilespmem:$0xE0] =	vst v2;
	v2 =	vadd.s32 v0, v3  }
0x144: {  	v3 =	vadd.s32 v0, v4;
	[tilespmem:$0xF0] =	vst v2  }
0x145: {  	[tilespmem:$0xB0] =	vst v3  }
0x146: {  	[tilespmem:s20], [sflag:$0x6] =	stream.indirect.gather [hbm4b:s1+s10], $0x80, s10, s10, $0xb8;
	[tilespmem:$0x1D400] =	vst v63  }
0x147: {  	_ =	swait.ge [sflag:s24], $0x4000  }
0x148: {  	[sflag:s24] =	ssyncset.done $0x0  }
0x149: {  	[sflag:s24] =	ssyncadd.s32 $0xFFFFC000  }
0x14a: {  	[spmem:s3] =	stream.indirect.scatter.add.f32 [tilespmem:s18], [sflag:$0x7], $0x80, s9, s10, $0xb8;
	[tilespmem:$0x1D400] =	vst v63  }
0x14b: {  	s6 =	smov.u32 s5;
	_ =	swait.ge [sflag:s25], $0x4000  }
0x14c: {  	s0 =	sadd.s32 s6, s23;
	[sflag:s25] =	ssyncset.done $0x0;
	s2 =	rddreg [dreg:$0x4]  }
0x14d: {  	s7 =	sadd.s32 $0x40, s0;
	[sflag:s25] =	ssyncadd.s32 $0xFFFFC000;
	s2 =	sadd.s32 s6, s2  }
0x14e: {  	[tilespmem:s4], [sflag:$0x1] =	stream.linear.gather [hbm4b:s7+s4], $0x80, $0x38;
	[tilespmem:$0x1D400] =	vst v63  }
0x14f: {  	s6 =	sadd.s32 $0x40, s2  }
0x150: {  	[tilespmem:s9], [sflag:$0x1] =	stream.linear.gather [hbm4b:s6+s4], $0x80, $0x38;
	[tilespmem:$0x1D400] =	vst v63  }
0x151: {  	_ =	swait.ge [sflag:s26], $0x80  }
0x152: {  	[sflag:s26] =	ssyncset.done $0x0  }
0x153: {  	[sflag:s26] =	ssyncadd.s32 $0xFFFFFF80  }
0x154: {  	_ =	swait.ge [sflag:s26], $0x80  }
0x155: {  	[sflag:s26] =	ssyncset.done $0x0  }
0x156: {  	[sflag:s26] =	ssyncadd.s32 $0xFFFFFF80  }
0x157: {  	v2 =	vld [tilespmem:$0x140]  }
0x158: {  	v4 =	vld [tilespmem:$0x170]  }
0x159: {  	v3 =	vld [tilespmem:$0x130]  }
0x15a: {  	v5 =	vld [tilespmem:$0x100]  }
0x15b: {  	v6 =	vld [tilespmem:$0x110]  }
0x15c: {  	v7 =	vld [tilespmem:$0x120];
	v2 =	vadd.s32 v0, v2  }
0x15d: {  	v4 =	vadd.s32 v0, v4;
	[tilespmem:$0x140] =	vst v2;
	v2 =	vld [tilespmem:$0x150]  }
0x15e: {  	v8 =	vld [tilespmem:$0x160];
	v3 =	vadd.s32 v0, v3;
	[tilespmem:$0x170] =	vst v4  }
0x15f: {  	v5 =	vadd.s32 v0, v5;
	[tilespmem:$0x130] =	vst v3  }
0x160: {  	v4 =	vadd.s32 v0, v6;
	[tilespmem:$0x100] =	vst v5  }
0x161: {  	v3 =	vadd.s32 v0, v7;
	[tilespmem:$0x110] =	vst v4  }
0x162: {  	[tilespmem:$0x120] =	vst v3;
	v2 =	vadd.s32 v0, v2  }
0x163: {  	[tilespmem:$0x150] =	vst v2;
	v2 =	vadd.s32 v0, v8  }
0x164: {  	[tilespmem:$0x160] =	vst v2  }
0x165: {  	[tilespmem:s18], [sflag:$0x5] =	stream.indirect.gather [hbm4b:s1+s10], $0x80, s12, s10, $0xb8;
	[tilespmem:$0x1D400] =	vst v63  }
0x166: {  	_ =	swait.ge [sflag:s28], $0x4000  }
0x167: {  	[sflag:s28] =	ssyncset.done $0x0  }
0x168: {  	[sflag:s28] =	ssyncadd.s32 $0xFFFFC000  }
0x169: {  	[spmem:s3] =	stream.indirect.scatter.add.f32 [tilespmem:s20], [sflag:$0x8], $0x80, s11, s10, $0xb8;
	[tilespmem:$0x1D400] =	vst v63  }
0x16a: {  	_ =	swait.ge [sflag:s29], $0x4000  }
0x16b: {  	[sflag:s29] =	ssyncset.done $0x0  }
0x16c: {  	s7 =	sadd.s32 $0x50, s0;
	[sflag:s29] =	ssyncadd.s32 $0xFFFFC000  }
0x16d: {  	[tilespmem:s10], [sflag:$0x2] =	stream.linear.gather [hbm4b:s7+s4], $0x80, $0x38;
	[tilespmem:$0x1D400] =	vst v63  }
0x16e: {  	s7 =	sadd.s32 $0x50, s2  }
0x16f: {  	[tilespmem:s11], [sflag:$0x2] =	stream.linear.gather [hbm4b:s7+s4], $0x80, $0x38;
	[tilespmem:$0x1D400] =	vst v63  }
0x170: {  	_ =	swait.ge [sflag:s30], $0x80  }
0x171: {  	[sflag:s30] =	ssyncset.done $0x0  }
0x172: {  	[sflag:s30] =	ssyncadd.s32 $0xFFFFFF80  }
0x173: {  	_ =	swait.ge [sflag:s30], $0x80  }
0x174: {  	[sflag:s30] =	ssyncset.done $0x0  }
0x175: {  	[sflag:s30] =	ssyncadd.s32 $0xFFFFFF80  }
0x176: {  	v3 =	vld [tilespmem:$0x1F0]  }
0x177: {  	v2 =	vld [tilespmem:$0x1A0]  }
0x178: {  	v4 =	vld [tilespmem:$0x1E0]  }
0x179: {  	v5 =	vld [tilespmem:$0x1D0]  }
0x17a: {  	v6 =	vld [tilespmem:$0x1C0]  }
0x17b: {  	v7 =	vld [tilespmem:$0x1B0];
	v3 =	vadd.s32 v0, v3  }
0x17c: {  	v8 =	vld [tilespmem:$0x180];
	v2 =	vadd.s32 v0, v2;
	[tilespmem:$0x1F0] =	vst v3  }
0x17d: {  	v9 =	vld [tilespmem:$0x190];
	v4 =	vadd.s32 v0, v4;
	[tilespmem:$0x1A0] =	vst v2  }
0x17e: {  	v2 =	vadd.s32 v0, v5;
	[tilespmem:$0x1E0] =	vst v4  }
0x17f: {  	v3 =	vadd.s32 v0, v6;
	[tilespmem:$0x1D0] =	vst v2  }
0x180: {  	v2 =	vadd.s32 v0, v7;
	[tilespmem:$0x1C0] =	vst v3  }
0x181: {  	v3 =	vadd.s32 v0, v8;
	[tilespmem:$0x1B0] =	vst v2  }
0x182: {  	[tilespmem:$0x180] =	vst v3;
	v2 =	vadd.s32 v0, v9  }
0x183: {  	[tilespmem:$0x190] =	vst v2  }
0x184: {  	[tilespmem:s20], [sflag:$0x6] =	stream.indirect.gather [hbm4b:s1+s10], $0x80, s15, s10, $0xb8;
	[tilespmem:$0x1D400] =	vst v63  }
0x185: {  	_ =	swait.ge [sflag:s24], $0x4000  }
0x186: {  	[sflag:s24] =	ssyncset.done $0x0  }
0x187: {  	[sflag:s24] =	ssyncadd.s32 $0xFFFFC000  }
0x188: {  	[spmem:s3] =	stream.indirect.scatter.add.f32 [tilespmem:s18], [sflag:$0x7], $0x80, s14, s10, $0xb8;
	[tilespmem:$0x1D400] =	vst v63  }
0x189: {  	_ =	swait.ge [sflag:s25], $0x4000  }
0x18a: {  	[sflag:s25] =	ssyncset.done $0x0  }
0x18b: {  	s7 =	sadd.s32 $0x60, s0;
	[sflag:s25] =	ssyncadd.s32 $0xFFFFC000  }
0x18c: {  	[tilespmem:s12], [sflag:$0x3] =	stream.linear.gather [hbm4b:s7+s4], $0x80, $0x38;
	[tilespmem:$0x1D400] =	vst v63  }
0x18d: {  	s7 =	sadd.s32 $0x60, s2  }
0x18e: {  	[tilespmem:s14], [sflag:$0x3] =	stream.linear.gather [hbm4b:s7+s4], $0x80, $0x38;
	[tilespmem:$0x1D400] =	vst v63  }
0x18f: {  	_ =	swait.ge [sflag:s17], $0x80  }
0x190: {  	[sflag:s17] =	ssyncset.done $0x0  }
0x191: {  	[sflag:s17] =	ssyncadd.s32 $0xFFFFFF80  }
0x192: {  	_ =	swait.ge [sflag:s17], $0x80  }
0x193: {  	[sflag:s17] =	ssyncset.done $0x0  }
0x194: {  	[sflag:s17] =	ssyncadd.s32 $0xFFFFFF80  }
0x195: {  	v4 =	vld [tilespmem:$0x50]  }
0x196: {  	v2 =	vld [tilespmem:$0x70]  }
0x197: {  	v5 =	vld [tilespmem:$0x40]  }
0x198: {  	v6 =	vld [tilespmem:$0x30]  }
0x199: {  	v7 =	vld [tilespmem:$0x20]  }
0x19a: {  	p1 =	sne.s32 s5, $0x980;
	v8 =	vld [tilespmem:$0x10]  }
.Ltmp1:
0x19b: {  	_ = 	snop;
	(pc) =	sbr.rel @p1 .LBB2_4-.Ltmp1, $4  }
0x19c: {  	v63 =	vadd.s32 v0, v2  }
0x19d: {  	v6 =	vadd.s32 v0, v6;
	[tilespmem:$0x70] =	vst v63  }
0x19e: {  	v3 =	vld [tilespmem:$0x0];
	v7 =	vadd.s32 v0, v7;
	[tilespmem:$0x30] =	vst v6  }
0x19f: {  	s5 =	sadd.s32 $0x40, s5;
	v2 =	vld [tilespmem:$0x60];
	v4 =	vadd.s32 v0, v4;
	v6 =	vadd.s32 v0, v5;
	v5 =	vadd.s32 v0, v8;
	[tilespmem:$0x20] =	vst v7  }
0x1a0: {  	_ = 	snop  }
0x1a1: {  	[tilespmem:$0x40] =	vst v6  }
0x1a2: {  	[tilespmem:$0x10] =	vst v5  }
0x1a3: {  	[tilespmem:$0x50] =	vst v4;
	v3 =	vadd.s32 v0, v3  }
0x1a4: {  	v2 =	vadd.s32 v0, v2;
	[tilespmem:$0x0] =	vst v3  }
0x1a5: {  	[tilespmem:$0x60] =	vst v2  }
0x1a6: {  	[tilespmem:s18], [sflag:$0x5] =	stream.indirect.gather [hbm4b:s1+s10], $0x80, s4, s10, $0xb8;
	[tilespmem:$0x1D400] =	vst v63  }
0x1a7: {  	_ =	swait.ge [sflag:s28], $0x4000  }
0x1a8: {  	[sflag:s28] =	ssyncset.done $0x0  }
0x1a9: {  	[sflag:s28] =	ssyncadd.s32 $0xFFFFC000  }
0x1aa: {  	[spmem:s3] =	stream.indirect.scatter.add.f32 [tilespmem:s20], [sflag:$0x8], $0x80, s16, s10, $0xb8;
	[tilespmem:$0x1D400] =	vst v63  }
0x1ab: {  	_ =	swait.ge [sflag:s29], $0x4000  }
0x1ac: {  	[sflag:s29] =	ssyncset.done $0x0  }
0x1ad: {  	s0 =	sadd.s32 $0x70, s0;
	[sflag:s29] =	ssyncadd.s32 $0xFFFFC000  }
0x1ae: {  	[tilespmem:s15], [sflag:$0x4] =	stream.linear.gather [hbm4b:s0+s4], $0x80, $0x38;
	[tilespmem:$0x1D400] =	vst v63  }
0x1af: {  	s6 =	sadd.s32 $0x70, s2  }
0x1b0: {  	[tilespmem:s16], [sflag:$0x4] =	stream.linear.gather [hbm4b:s6+s4], $0x80, $0x38;
	[tilespmem:$0x1D400] =	vst v63  }
0x1b1: {  	_ =	swait.ge [sflag:s19], $0x80  }
0x1b2: {  	[sflag:s19] =	ssyncset.done $0x0  }
0x1b3: {  	[sflag:s19] =	ssyncadd.s32 $0xFFFFFF80  }
0x1b4: {  	_ =	swait.ge [sflag:s19], $0x80  }
0x1b5: {  	[sflag:s19] =	ssyncset.done $0x0  }
0x1b6: {  	[sflag:s19] =	ssyncadd.s32 $0xFFFFFF80  }
0x1b7: {  	v2 =	vld [tilespmem:$0x80]  }
0x1b8: {  	v3 =	vld [tilespmem:$0x90]  }
0x1b9: {  	v50 =	vld [tilespmem:$0xA0]  }
0x1ba: {  	v51 =	vld [tilespmem:$0xC0]  }
0x1bb: {  	v52 =	vld [tilespmem:$0xD0]  }
0x1bc: {  	v7 =	vld [tilespmem:$0xE0];
	v2 =	vadd.s32 v0, v2  }
0x1bd: {  	[tilespmem:$0x80] =	vst v2;
	v2 =	vadd.s32 v0, v3;
	v3 =	vld [tilespmem:$0xF0]  }
0x1be: {  	v53 =	vld [tilespmem:$0xB0];
	[tilespmem:$0x90] =	vst v2;
	v2 =	vadd.s32 v0, v50  }
0x1bf: {  	[tilespmem:$0xA0] =	vst v2;
	v2 =	vadd.s32 v0, v51  }
0x1c0: {  	[tilespmem:$0xC0] =	vst v2;
	v2 =	vadd.s32 v0, v52  }
0x1c1: {  	[tilespmem:$0xD0] =	vst v2;
	v2 =	vadd.s32 v0, v7  }
0x1c2: {  	[tilespmem:$0xE0] =	vst v2;
	v2 =	vadd.s32 v0, v3  }
0x1c3: {  	v3 =	vadd.s32 v0, v53;
	[tilespmem:$0xF0] =	vst v2  }
0x1c4: {  	[tilespmem:$0xB0] =	vst v3  }
0x1c5: {  	[tilespmem:s20], [sflag:$0x6] =	stream.indirect.gather [hbm4b:s1+s10], $0x80, s10, s10, $0xb8;
	[tilespmem:$0x1D400] =	vst v63  }
0x1c6: {  	_ =	swait.ge [sflag:s24], $0x4000  }
0x1c7: {  	[sflag:s24] =	ssyncset.done $0x0  }
0x1c8: {  	[sflag:s24] =	ssyncadd.s32 $0xFFFFC000  }
0x1c9: {  	[spmem:s3] =	stream.indirect.scatter.add.f32 [tilespmem:s18], [sflag:$0x7], $0x80, s9, s10, $0xb8;
	[tilespmem:$0x1D400] =	vst v63  }
0x1ca: {  	_ =	swait.ge [sflag:s25], $0x4000  }
0x1cb: {  	[sflag:s25] =	ssyncset.done $0x0  }
0x1cc: {  	[sflag:s25] =	ssyncadd.s32 $0xFFFFC000  }
0x1cd: {  	_ =	swait.ge [sflag:s26], $0x80  }
0x1ce: {  	[sflag:s26] =	ssyncset.done $0x0  }
0x1cf: {  	[sflag:s26] =	ssyncadd.s32 $0xFFFFFF80  }
0x1d0: {  	_ =	swait.ge [sflag:s26], $0x80  }
0x1d1: {  	[sflag:s26] =	ssyncset.done $0x0  }
0x1d2: {  	[sflag:s26] =	ssyncadd.s32 $0xFFFFFF80  }
0x1d3: {  	v2 =	vld [tilespmem:$0x100]  }
0x1d4: {  	v3 =	vld [tilespmem:$0x110]  }
0x1d5: {  	v54 =	vld [tilespmem:$0x120]  }
0x1d6: {  	v55 =	vld [tilespmem:$0x130]  }
0x1d7: {  	v56 =	vld [tilespmem:$0x140]  }
0x1d8: {  	v57 =	vld [tilespmem:$0x150];
	v2 =	vadd.s32 v0, v2  }
0x1d9: {  	[tilespmem:$0x100] =	vst v2;
	v2 =	vadd.s32 v0, v3;
	v3 =	vld [tilespmem:$0x160]  }
0x1da: {  	v58 =	vld [tilespmem:$0x170];
	[tilespmem:$0x110] =	vst v2;
	v2 =	vadd.s32 v0, v54  }
0x1db: {  	[tilespmem:$0x120] =	vst v2;
	v2 =	vadd.s32 v0, v55  }
0x1dc: {  	[tilespmem:$0x130] =	vst v2;
	v2 =	vadd.s32 v0, v56  }
0x1dd: {  	[tilespmem:$0x140] =	vst v2;
	v2 =	vadd.s32 v0, v57  }
0x1de: {  	[tilespmem:$0x150] =	vst v2;
	v2 =	vadd.s32 v0, v3  }
0x1df: {  	[tilespmem:$0x160] =	vst v2;
	v2 =	vadd.s32 v0, v58  }
0x1e0: {  	[tilespmem:$0x170] =	vst v2  }
0x1e1: {  	[tilespmem:s18], [sflag:$0x5] =	stream.indirect.gather [hbm4b:s1+s10], $0x80, s12, s10, $0xb8;
	[tilespmem:$0x1D400] =	vst v63  }
0x1e2: {  	_ =	swait.ge [sflag:s28], $0x4000  }
0x1e3: {  	[sflag:s28] =	ssyncset.done $0x0  }
0x1e4: {  	[sflag:s28] =	ssyncadd.s32 $0xFFFFC000  }
0x1e5: {  	[spmem:s3] =	stream.indirect.scatter.add.f32 [tilespmem:s20], [sflag:$0x8], $0x80, s11, s10, $0xb8;
	[tilespmem:$0x1D400] =	vst v63  }
0x1e6: {  	_ =	swait.ge [sflag:s29], $0x4000  }
0x1e7: {  	[sflag:s29] =	ssyncset.done $0x0  }
0x1e8: {  	[sflag:s29] =	ssyncadd.s32 $0xFFFFC000  }
0x1e9: {  	_ =	swait.ge [sflag:s30], $0x80  }
0x1ea: {  	[sflag:s30] =	ssyncset.done $0x0  }
0x1eb: {  	[sflag:s30] =	ssyncadd.s32 $0xFFFFFF80  }
0x1ec: {  	_ =	swait.ge [sflag:s30], $0x80  }
0x1ed: {  	[sflag:s30] =	ssyncset.done $0x0  }
0x1ee: {  	[sflag:s30] =	ssyncadd.s32 $0xFFFFFF80  }
0x1ef: {  	v2 =	vld [tilespmem:$0x180]  }
0x1f0: {  	v3 =	vld [tilespmem:$0x190]  }
0x1f1: {  	v59 =	vld [tilespmem:$0x1A0]  }
0x1f2: {  	v60 =	vld [tilespmem:$0x1B0]  }
0x1f3: {  	v61 =	vld [tilespmem:$0x1C0]  }
0x1f4: {  	v62 =	vld [tilespmem:$0x1D0];
	v2 =	vadd.s32 v0, v2  }
0x1f5: {  	[tilespmem:$0x180] =	vst v2;
	v2 =	vadd.s32 v0, v3;
	v3 =	vld [tilespmem:$0x1E0]  }
0x1f6: {  	v63 =	vld [tilespmem:$0x1F0];
	[tilespmem:$0x190] =	vst v2;
	v2 =	vadd.s32 v0, v59  }
0x1f7: {  	[tilespmem:$0x1A0] =	vst v2;
	v2 =	vadd.s32 v0, v60  }
0x1f8: {  	[tilespmem:$0x1B0] =	vst v2;
	v2 =	vadd.s32 v0, v61  }
0x1f9: {  	[tilespmem:$0x1C0] =	vst v2;
	v2 =	vadd.s32 v0, v62  }
0x1fa: {  	[tilespmem:$0x1D0] =	vst v2;
	v2 =	vadd.s32 v0, v3  }
0x1fb: {  	[tilespmem:$0x1E0] =	vst v2;
	v2 =	vadd.s32 v0, v63  }
0x1fc: {  	[tilespmem:$0x1F0] =	vst v2  }
0x1fd: {  	[tilespmem:s20], [sflag:$0x6] =	stream.indirect.gather [hbm4b:s1+s10], $0x80, s15, s10, $0xb8;
	[tilespmem:$0x1D400] =	vst v63  }
0x1fe: {  	_ =	swait.ge [sflag:s24], $0x4000  }
0x1ff: {  	[sflag:s24] =	ssyncset.done $0x0  }
0x200: {  	[sflag:s24] =	ssyncadd.s32 $0xFFFFC000  }
0x201: {  	[spmem:s3] =	stream.indirect.scatter.add.f32 [tilespmem:s18], [sflag:$0x7], $0x80, s14, s10, $0xb8;
	[tilespmem:$0x1D400] =	vst v63  }
0x202: {  	_ =	swait.ge [sflag:s28], $0x4000  }
0x203: {  	[sflag:s28] =	ssyncset.done $0x0  }
0x204: {  	[sflag:s28] =	ssyncadd.s32 $0xFFFFC000  }
0x205: {  	[spmem:s3] =	stream.indirect.scatter.add.f32 [tilespmem:s20], [sflag:$0x8], $0x80, s16, s10, $0xb8;
	[tilespmem:$0x1D400] =	vst v63  }
0x206: {  	_ =	swait.ge [sflag:s25], $0x4000  }
0x207: {  	[sflag:s25] =	ssyncset.done $0x0  }
0x208: {  	[sflag:s25] =	ssyncadd.s32 $0xFFFFC000  }
0x209: {  	_ =	swait.ge [sflag:s29], $0x4000  }
0x20a: {  	[sflag:s29] =	ssyncset.done $0x0  }
0x20b: {  	[sflag:s29] =	ssyncadd.s32 $0xFFFFC000  }
0x20c: {  	[bflag:$0x0] =	sbarrier.arrive $0xFFFF  }
0x20d: {  	s2 =	simm.s32 @p0 $0x1FC9;
	s0 =	sshrl.u32 @p0 s13, $0x3;
	s5 =	rddreg [dreg:$0xe]  }
0x20e: {  	[hbm:s5], [sflag:s2] =	dma.local @p0 [spmem:s0], $0x1900  }
0x20f: {  	s0 =	simm.s32 @p0 $0x9  }
0x210: {  	s2 =	stileid.u32;
	_ =	swait.ge @p0 [sflag:s0], $0x1900  }
0x211: {  	s2 =	sshll.u32 @!p0 s2, $0x6;
	[sflag:s0] =	ssyncset.done @p0 $0x0;
	s5 =	rddreg [dreg:$0xd]  }
0x212: {  	[sflag:s0] =	ssyncadd.s32 @p0 $0xFFFFE700;
	s0 =	sor.u32 @!p0 $0x1C09, s2;
	s2 =	sshrl.u32 @!p0 s13, $0x3  }
0x213: {  	[hbm:s5], [sflag:s0] =	dma.local @!p0 [spmem:s2], $0x2800  }
0x214: {  	s0 =	simm.s32 @!p0 $0x9  }
0x215: {  	_ =	swait.ge @!p0 [sflag:s0], $0x2800  }
0x216: {  	s31 =	sadd.s32 $0x1, s31;
	s7 =	rddreg [dreg:$0xf]  }
0x217: {  	p1 =	sne.s32 s31, s7  }
.Ltmp2:
0x218: {  	_ = 	snop;
	(pc) =	sbr.rel @p1 .LBB2_1-.Ltmp2, $3  }
0x219: {  	_ =	sdelay $0x1  }
0x21a: {  	[sflag:s0] =	ssyncset.done @!p0 $0x0  }
0x21b: {  	[sflag:s0] =	ssyncadd.s32 @!p0 $0xFFFFD800  }
0x21c: {  	_ =	sfence.sel $0x180000  }
0x21d: {  	[bflag:$0x0] =	sbarrier.arrive $0xFFFF  }
0x21e: {  	_ =	strace $0x9000004D  }
0x21f: {  	s0 =	stileid.u32;
	[bflag:$0x2] =	sbarrier.arrive $0xFFFF  }
0x220: {  	p0 =	sne.s32 s0, $0x0;
	s0 =	rddreg [dreg:$0x3]  }
0x221: {  	s0 =	sadd.s32 @!p0 $0x100000, s0  }
0x222: {  	[sflag:s0] =	ssyncadd.tile.s32 @!p0 $0x1;
	_ =	shalt  }
.Lfunc_end2:
_tile_overlayer_lowered:
.L_overlay_start_2:
0x223: {  	(tag) =	ssettag $0x2  }
0x224: {  	s0 =	rddreg [dreg:$0x0];
	s2 =	stileid.u32  }
0x225: {  	s1 =	rddreg [dreg:$0x1];
	p0 =	sne.s32 s2, $0x0  }
0x226: {  	s3 =	rddreg [dreg:$0x2];
	[bflag:$0x3] =	sbarrier.arrive $0xFFFF;
	s2 =	simm.s32 @!p0 $0x1C09  }
0x227: {  	[timem:s3], [sflag:s2] =	dma.local @!p0 [hbm:s0], s1  }
0x228: {  	s0 =	simm.s32 @!p0 $0x9  }
0x229: {  	_ =	swait.ge @!p0 [sflag:s0], s1  }
0x22a: {  	s1 =	ssub.s32 @!p0 $0x0, s1;
	[sflag:s0] =	ssyncset.done @!p0 $0x0  }
0x22b: {  	[sflag:s0] =	ssyncadd.s32 @!p0 s1  }
0x22c: {  	[bflag:$0x3] =	sbarrier.arrive $0xFFFF  }
0x22d: {  	_ =	shalt  }

// kernel: kernel.22.cloned.1.call-start
scs
__scs_entry_jumppad:
0x0: {  	(pc) =	sbr.rel $0x88, $3  }
0x1: {  	(tag) =	ssettag $0x0;
	lr =	simm.s32 $0x1  }
0x2: {  	[smem:$0x3F8F] =	sst lr;
	_ =	strace $0xD0000000  }
0x3: {  	_ = 	snop  }
0x4: {  	_ = 	snop  }
0x5: {  	_ = 	snop  }
0x6: {  	_ = 	snop  }
0x7: {  	_ = 	snop  }
__scs_overlays_trampoline_lowered:
0x8: {  	[smem:$0x3F9E] =	sst s0  }
0x9: {  	[smem:$0x3F9F] =	sst s1  }
0xa: {  	[smem:$0x3FA0] =	sst s2  }
0xb: {  	[smem:$0x3FA1] =	sst s3  }
0xc: {  	[smem:$0x3FA2] =	sst s4  }
0xd: {  	[smem:$0x3FA3] =	sst s5  }
0xe: {  	[smem:$0x3FA4] =	sst s6  }
0xf: {  	[smem:$0x3FA5] =	sst s7  }
0x10: {  	[smem:$0x3FA6] =	sst s8  }
0x11: {  	[smem:$0x3FA7] =	sst s9;
	s0 =	simm.s32 @!p0 $0x0  }
0x12: {  	s1 =	sld [smem:$0x3F8D];
	s0 =	simm.s32 @p0 $0x1  }
0x13: {  	[smem:$0x3FA8] =	sst s0;
	s0 =	simm.s32 @!p1 $0x0  }
0x14: {  	s2 =	sld [smem:$0x3F8C];
	s0 =	simm.s32 @p1 $0x1  }
0x15: {  	[smem:$0x3FA9] =	sst s0;
	s0 =	simm.s32 @!p2 $0x0  }
0x16: {  	s3 =	sld [smem:$0x3FDB];
	s0 =	simm.s32 @p2 $0x1  }
0x17: {  	s4 =	simm.s32 $0x1BF5;
	[smem:$0x3FAB] =	sst s0  }
0x18: {  	s0 =	sld [smem:$0x3F8E];
	_ =	swait.ge [sflag:s4], $0x0  }
0x19: {  	s7 =	sld [smem:$0x3F8F]  }
0x1a: {  	s8 =	sadd.s32 $0xFFFFE003, lr  }
0x1b: {  	s9 =	sadd.s32 $0xFFFFFEF7, lr;
	s5 =	simm.s32 $0xFFFFFFFF;
	p2 =	slt.u32 s8, $0xFFFFF086  }
0x1c: {  	p1 =	slt.u32 s9, $0xF7A;
	s5 =	simm.s32 @!p2 $0x0  }
0x1d: {  	s5 =	simm.s32 @p1 $0x1;
	p0 =	seq.s32 s7, s2  }
0x1e: {  	s7 =	smul.u32 @!p0 $0xF7A, s2;
	p2 =	seq.s32 @!p0 s5, $0x0  }
0x1f: {  	s9 =	smul.u32 $0xF7A, s1;
	s8 =	simm.s32 @!p0 $0x1BF5;
	p2 =	por !p2, p0  }
0x20: {  	[sflag:s8] =	ssyncset.s32 @!p0 $0xFFFFF086;
	s6 =	sadd.s32 @!p0 s3, s7;
	s7 =	simm.s32 @!p0 $0x108  }
0x21: {  	s3 =	sadd.s32 s3, s9;
	s6 =	sadd.s32 @!p0 $0x88, s6;
	s7 =	simm.s32 @p2 $0x1082  }
0x22: {  	[simem:s7], [sflag:s8] =	dma.local @!p0 [hbm:s6], $0xF7A  }
0x23: {  	s9 =	sor.u32 $0xD0000000, s2;
	s6 =	simm.s32 $0x108;
	_ =	swait.ge @!p0 [sflag:s8], $0x0  }
0x24: {  	s3 =	sadd.s32 $0x88, s3;
	s6 =	simm.s32 @!p1 $0x1082;
	[sflag:s4] =	ssyncset.s32 $0xFFFFF086  }
0x25: {  	[simem:s6], [sflag:s4] =	dma.local [hbm:s3], $0xF7A  }
0x26: {  	[smem:$0x3F8F] =	sst s1;
	(tag) =	ssettag s2;
	_ =	strace s9  }
0x27: {  	s1 =	sld [smem:$0x3F9F]  }
0x28: {  	s2 =	sld [smem:$0x3FA0]  }
0x29: {  	s4 =	sld [smem:$0x3FA2]  }
0x2a: {  	p0 =	seq.s32 s5, $0x0;
	s5 =	sld [smem:$0x3FA3]  }
0x2b: {  	s6 =	sld [smem:$0x3FA4]  }
0x2c: {  	s7 =	sld [smem:$0x3FA5]  }
0x2d: {  	s3 =	simm.s32 $0x108;
	s8 =	sld [smem:$0x3FA6]  }
0x2e: {  	s3 =	simm.s32 @!p0 $0x1082;
	s9 =	sld [smem:$0x3FA7]  }
0x2f: {  	lr =	sadd.s32 s0, s3;
	s0 =	sld [smem:$0x3F9E]  }
0x30: {  	s3 =	sld [smem:$0x3FA1]  }
0x31: {  	[smem:$0x3FAA] =	sst s10  }
0x32: {  	s10 =	sld [smem:$0x3FA8];
	_ =	sdelay $0x3  }
0x33: {  	p0 =	seq.s32 s10, $0x1;
	s10 =	sld [smem:$0x3FAA];
	_ =	sdelay $0x3  }
0x34: {  	[smem:$0x3FAA] =	sst s10  }
0x35: {  	s10 =	sld [smem:$0x3FA9];
	_ =	sdelay $0x3  }
0x36: {  	p1 =	seq.s32 s10, $0x1;
	s10 =	sld [smem:$0x3FAA];
	_ =	sdelay $0x3  }
0x37: {  	[smem:$0x3FAA] =	sst s10  }
0x38: {  	s10 =	sld [smem:$0x3FAB]  }
0x39: {  	_ = 	snop;
	(pc) =	sbr.ind lr, $3  }
0x3a: {  	_ = 	snop  }
0x3b: {  	_ = 	snop  }
0x3c: {  	p2 =	seq.s32 s10, $0x1;
	s10 =	sld [smem:$0x3FAA]  }
0x3d: {  	_ =	shalt  }
0x3e: {  	_ =	shalt  }
0x3f: {  	_ =	shalt  }
0x40: {  	_ =	shalt  }
0x41: {  	_ =	shalt  }
0x42: {  	_ =	shalt  }
0x43: {  	_ =	shalt  }
0x44: {  	_ =	shalt  }
0x45: {  	_ =	shalt  }
0x46: {  	_ =	shalt  }
0x47: {  	_ =	shalt  }
0x48: {  	_ =	shalt  }
0x49: {  	_ =	shalt  }
0x4a: {  	_ =	shalt  }
0x4b: {  	_ =	shalt  }
0x4c: {  	_ =	shalt  }
0x4d: {  	_ =	shalt  }
0x4e: {  	_ =	shalt  }
0x4f: {  	_ =	shalt  }
0x50: {  	_ =	shalt  }
0x51: {  	_ =	shalt  }
0x52: {  	_ =	shalt  }
0x53: {  	_ =	shalt  }
0x54: {  	_ =	shalt  }
0x55: {  	_ =	shalt  }
0x56: {  	_ =	shalt  }
0x57: {  	_ =	shalt  }
0x58: {  	_ =	shalt  }
0x59: {  	_ =	shalt  }
0x5a: {  	_ =	shalt  }
0x5b: {  	_ =	shalt  }
0x5c: {  	_ =	shalt  }
0x5d: {  	_ =	shalt  }
0x5e: {  	_ =	shalt  }
0x5f: {  	_ =	shalt  }
0x60: {  	_ =	shalt  }
0x61: {  	_ =	shalt  }
0x62: {  	_ =	shalt  }
0x63: {  	_ =	shalt  }
0x64: {  	_ =	shalt  }
0x65: {  	_ =	shalt  }
0x66: {  	_ =	shalt  }
0x67: {  	_ =	shalt  }
0x68: {  	_ =	shalt  }
0x69: {  	_ =	shalt  }
0x6a: {  	_ =	shalt  }
0x6b: {  	_ =	shalt  }
0x6c: {  	_ =	shalt  }
0x6d: {  	_ =	shalt  }
0x6e: {  	_ =	shalt  }
0x6f: {  	_ =	shalt  }
0x70: {  	_ =	shalt  }
0x71: {  	_ =	shalt  }
0x72: {  	_ =	shalt  }
0x73: {  	_ =	shalt  }
0x74: {  	_ =	shalt  }
0x75: {  	_ =	shalt  }
0x76: {  	_ =	shalt  }
0x77: {  	_ =	shalt  }
0x78: {  	_ =	shalt  }
0x79: {  	_ =	shalt  }
0x7a: {  	_ =	shalt  }
0x7b: {  	_ =	shalt  }
0x7c: {  	_ =	shalt  }
0x7d: {  	_ =	shalt  }
0x7e: {  	_ =	shalt  }
0x7f: {  	_ =	shalt  }
0x80: {  	_ =	shalt  }
0x81: {  	_ =	shalt  }
0x82: {  	_ =	shalt  }
0x83: {  	_ =	shalt  }
0x84: {  	_ =	shalt  }
0x85: {  	_ =	shalt  }
0x86: {  	_ =	shalt  }
0x87: {  	_ =	shalt  }
.Lfunc_end0:
.L_simem_size_0:
called_computation.3_lowered:
.L_overlay_start_0:
0x88: {  	s2 =	sld [smem:$0x3FD9]  }
0x89: {  	s3 =	sld [smem:$0x3FFE];
	_ =	sdelay $0x1  }
0x8a: {  	s1 =	srdreg.scid  }
0x8b: {  	s0 =	sand.u32 $0x1, s1  }
0x8c: {  	s14 =	sshll.u32 s0, $0xA;
	s2 =	sadd.s32 s3, s2  }
0x8d: {  	s2 =	sadd.s32 s2, s14  }
0x8e: {  	[smem:$0x3FB6] =	sst s2  }
0x8f: {  	_ = 	snop  }
0x90: {  	s2 =	sld [smem:$0x3FD0];
	_ =	sdelay $0x2  }
0x91: {  	s15 =	simm.s32 $0xA;
	s4 =	simm.s32 $0x10  }
0x92: {  	[smem:s4], [sflag:s15] =	dma.local [hbm:s2], $0x1  }
0x93: {  	_ =	swait.eq [sflag:s15], $0x1  }
0x94: {  	[sflag:s15] =	ssyncset.done $0x0  }
0x95: {  	[sflag:s15] =	ssyncadd.s32 $0xFFFFFFFF  }
0x96: {  	s16 =	sld [smem:$0x11];
	(tm) =	ssettm $0x1  }
0x97: {  	s17 =	sld [smem:$0x3FFB];
	_ =	sdelay $0x3  }
0x98: {  	_ =	strace s17  }
0x99: {  	s3 =	sld [smem:$0x3FFC];
	_ =	sdelay $0x3  }
0x9a: {  	_ =	strace s3  }
0x9b: {  	s3 =	sld [smem:$0x3FFD];
	_ =	sdelay $0x3  }
0x9c: {  	_ =	strace s3  }
0x9d: {  	_ =	strace $0x8FFFFFFF  }
0x9e: {  	s18 =	sld [smem:$0x3FDB];
	_ =	sdelay $0x1  }
0x9f: {  	s19 =	simm.s32 $_scs_section_size  }
0xa0: {  	s5 =	simm.s32 $_size__tile_overlayer_lowered;
	s6 =	simm.s32 $_tile_overlayer_lowered  }
0xa1: {  	s22 =	simm.s32 $0x1BFF;
	s21 =	sshll.u32 s6, $0x1;
	s3 =	sadd.s32 s19, s18  }
0xa2: {  	s7 =	simm.s32 $0x0;
	s20 =	sshll.u32 s5, $0x1;
	s5 =	sadd.s32 s21, s3  }
0xa3: {  	[timem:s7], [sflag:s22] =	dma.local [hbm:s5], s20  }
0xa4: {  	_ =	swait.ge [sflag:s22], s20  }
0xa5: {  	s4 =	ssub.s32 $0x0, s20;
	[sflag:s22] =	ssyncset.done $0x0  }
0xa6: {  	[sflag:s22] =	ssyncadd.s32 s4;
	_ =	sdelay $0x1  }
0xa7: {  	s23 =	simm.s32 $0x1B8B  }
0xa8: {  	_ =	swait.ge [sflag:s23], $0x1  }
0xa9: {  	[sflag:s23] =	ssyncset.done $0x0  }
0xaa: {  	s25 =	simm.s32 $0x1B8E;
	s24 =	sld [smem:$0x3FFE];
	[sflag:s23] =	ssyncadd.s32 $0xFFFFFFFF  }
0xab: {  	s26 =	simm.s32 $execute0_lowered;
	[smem:$0x3FD2] =	sst s25  }
0xac: {  	s5 =	sshll.u32 s26, $0x1;
	_ =	strace $0x8000004F;
	[dreg:$0x1] =	wrdreg $0xFFFFFFFF  }
0xad: {  	s28 =	simm.s32 $_size_execute0_lowered;
	s3 =	sadd.s32 s3, s5;
	[dreg:$0x0] =	wrdreg $0x0  }
0xae: {  	s5 =	sshll.u32 s28, $0x1;
	[dreg:$0x2] =	wrdreg s3  }
0xaf: {  	[dreg:$0x3] =	wrdreg s5  }
0xb0: {  	[dreg:$0x4] =	wrdreg $0xC0  }
0xb1: {  	_ =	task [dreg:s7], $0x5FFFF  }
0xb2: {  	[dreg:$0x1] =	wrdreg $0xFFFFFFFF  }
0xb3: {  	[dreg:$0x0] =	wrdreg $0x60  }
0xb4: {  	[dreg:$0x2] =	wrdreg s16  }
0xb5: {  	[dreg:$0x3] =	wrdreg s24  }
0xb6: {  	[dreg:$0x4] =	wrdreg $0x94000  }
0xb7: {  	[dreg:$0x5] =	wrdreg $0x9  }
0xb8: {  	_ =	task.clear_ibuf [dreg:s7], $0x6FFFF;
	_ =	strace $0x9000004F  }
0xb9: {  	s29 =	simm.s32 $0x9;
	_ =	strace $0x80000051  }
0xba: {  	_ =	swait.ge [sflag:s29], $0x1  }
0xbb: {  	[sflag:s29] =	ssyncadd.s32 $0xFFFFFFFF  }
0xbc: {  	_ =	strace $0x90000051  }
0xbd: {  	_ =	sfence  }
0xbe: {  	s30 =	sld [smem:$0x0];
	_ =	sdelay $0x2  }
0xbf: {  	s31 =	sshll.u32 s1, $0xD;
	s1 =	sshrl.u32 s1, $0x2  }
0xc0: {  	s3 =	sand.u32 $0x4000, s31;
	s1 =	sadd.s32 s1, s30  }
0xc1: {  	s0 =	sor.u32 s3, s0;
	s1 =	sshll.u32 s1, $0x11  }
0xc2: {  	s0 =	sor.u32 s1, s0  }
0xc3: {  	s0 =	sadd.s32 $0x8F2B, s0  }
0xc4: {  	[sflag:s0] =	ssyncadd.remote.s32 $0x1  }
0xc5: {  	_ =	sfence.sel $0xFFFF  }
0xc6: {  	[dreg:$0x0] =	wrdreg $0xFFFFFFFF;
	(pc) =	sbr.abs _section_cstart, $3  }
0xc7: {  	[dreg:$0x1] =	wrdreg $0xFFFFFFFF  }
0xc8: {  	_ =	task.clear_ibuf [dreg:s7], $0x2FFFF;
	_ =	strace $0x9FFFFFFF  }
0xc9: {  	(tm) =	ssettm $0x7FFFFFFF  }
tec
execute0_lowered:
.L_overlay_start_1:
0x0: {  	(tag) =	ssettag $0x1  }
0x1: {  	s0 =	rddreg [dreg:$0x0]  }
0x2: {  	s2 =	rddreg [dreg:$0x1]  }
0x3: {  	s1 =	srdreg.scid;
	s3 =	rddreg [dreg:$0x2]  }
0x4: {  	s14 =	stileid.u32;
	s4 =	simm.s32 $0x0;
	s28 =	simm.s32 $0x7  }
0x5: {  	s29 =	simm.s32 $0x3;
	s1 =	sand.u32 $0x1, s1;
	[smem:$0x7FF] =	sst s4  }
0x6: {  	s6 =	sadd.s32 $0x5C600, s2;
	s8 =	sadd.s32 $0x4400, s2;
	s10 =	smul.u32 $0x50000, s14  }
0x7: {  	s12 =	smul.u32 $0x2800, s14;
	p0 =	seq.s32 s14, $0xF;
	s5 =	sshll.u32 s1, $0x4  }
0x8: {  	_ =	strace $0x80000050;
	s23 =	smul.u32 $0x27100, s1;
	s25 =	sshrl.u32 s10, $0x2  }
0x9: {  	s7 =	ssub.s32 $0x2, s1;
	s1 =	smul.u32 $0x28000, s1;
	s13 =	sadd.s32 s25, s3  }
0xa: {  	s5 =	sor.u32 s14, s5;
	s9 =	sshrl.u32 s7, $0x1;
	s15 =	sadd.s32 $0x1000, s13  }
0xb: {  	s5 =	smul.u32 $0x2800, s5;
	s25 =	sadd.s32 $0x3000, s13;
	[dreg:$0x15] =	wrdreg s15  }
0xc: {  	s26 =	sadd.s32 s12, s23;
	s14 =	sadd.s32 $0x8000, s13;
	[dreg:$0x17] =	wrdreg s25  }
0xd: {  	s1 =	sadd.s32 s12, s1;
	[dreg:$0x1c] =	wrdreg s14;
	s15 =	sadd.s32 $0x9000, s13  }
0xe: {  	s5 =	sshrl.u32 s5, $0x3;
	s25 =	sadd.s32 $0x11000, s13;
	[dreg:$0x1d] =	wrdreg s15  }
0xf: {  	s10 =	sor.u32 $0x380, s1;
	s18 =	sadd.s32 s6, s5;
	[smem:$0x7FC] =	sst s25  }
0x10: {  	s12 =	sshrl.u32 s10, $0x3;
	s19 =	sadd.s32 s8, s5;
	[dreg:$0xa] =	wrdreg s18  }
0x11: {  	s20 =	sor.u32 $0x10, s5;
	s16 =	sadd.s32 s12, s8;
	[dreg:$0xb] =	wrdreg s19  }
0x12: {  	s7 =	ssub.s32 s7, s9;
	s11 =	sadd.s32 s6, s20;
	[dreg:$0x4] =	wrdreg s16  }
0x13: {  	s21 =	sor.u32 $0x20, s5;
	s9 =	sadd.s32 s8, s20;
	[dreg:$0xc] =	wrdreg s11  }
0x14: {  	s5 =	sor.u32 $0x30, s5;
	s22 =	sadd.s32 s6, s21;
	[dreg:$0xd] =	wrdreg s9  }
0x15: {  	s30 =	simm.s32 $0x6;
	s24 =	sadd.s32 s6, s5;
	[dreg:$0xe] =	wrdreg s22  }
0x16: {  	s31 =	simm.s32 $0x8;
	s5 =	sadd.s32 s8, s5;
	[dreg:$0x10] =	wrdreg s24  }
0x17: {  	s17 =	sor.u32 $0x300, s1;
	s16 =	sadd.s32 $0xA000, s13;
	[dreg:$0x11] =	wrdreg s5  }
0x18: {  	s18 =	sshrl.u32 s17, $0x3;
	s17 =	sadd.s32 $0xB000, s13;
	[dreg:$0x1e] =	wrdreg s16  }
0x19: {  	s2 =	sadd.s32 $0x66600, s2;
	s11 =	sadd.s32 s8, s21;
	[dreg:$0x1f] =	wrdreg s17  }
0x1a: {  	s14 =	simm.s32 $0x100;
	s5 =	sadd.s32 s2, s26;
	[dreg:$0xf] =	wrdreg s11  }
0x1b: {  	s15 =	simm.s32 $0x300;
	s19 =	sadd.s32 s18, s8;
	[dreg:$0x12] =	wrdreg s5  }
0x1c: {  	s2 =	sadd.s32 s23, s2;
	s23 =	sadd.s32 $0x2000, s13;
	[dreg:$0x6] =	wrdreg s19  }
0x1d: {  	s25 =	simm.s32 $0x9;
	s21 =	sadd.s32 s18, s6;
	[dreg:$0x16] =	wrdreg s23  }
0x1e: {  	s20 =	sor.u32 $0x280, s1;
	s26 =	sadd.s32 $0x4000, s13;
	[dreg:$0x7] =	wrdreg s21  }
0x1f: {  	s1 =	sor.u32 $0x200, s1;
	s9 =	sadd.s32 $0x5000, s13;
	[dreg:$0x18] =	wrdreg s26  }
0x20: {  	s22 =	sshrl.u32 s20, $0x3;
	s18 =	sadd.s32 $0xC000, s13;
	[dreg:$0x19] =	wrdreg s9  }
0x21: {  	s1 =	sshrl.u32 s1, $0x3;
	s20 =	sadd.s32 $0xE000, s13;
	[smem:$0x7F7] =	sst s18  }
0x22: {  	s16 =	simm.s32 $0x180;
	s2 =	sadd.s32 $0x25800, s2;
	[smem:$0x7F9] =	sst s20  }
0x23: {  	s17 =	simm.s32 $0x380;
	s11 =	smax.u32 s7, $0x1;
	[dreg:$0x13] =	wrdreg s2  }
0x24: {  	s24 =	sadd.s32 s22, s8;
	s10 =	sadd.s32 s22, s6;
	[dreg:$0x14] =	wrdreg s11  }
0x25: {  	s23 =	sadd.s32 s1, s8;
	s19 =	sadd.s32 $0xD000, s13;
	[dreg:$0x8] =	wrdreg s24  }
0x26: {  	s21 =	sadd.s32 $0xF000, s13;
	s22 =	sadd.s32 $0x10000, s13;
	[dreg:$0x9] =	wrdreg s10  }
0x27: {  	s26 =	sadd.s32 $0x12000, s13;
	s9 =	sadd.s32 $0x13000, s13;
	[smem:$0x7F8] =	sst s19  }
0x28: {  	s18 =	simm.s32 $0x1;
	s20 =	simm.s32 $0x2;
	[smem:$0x7FA] =	sst s21  }
0x29: {  	s2 =	sadd.s32 s12, s6;
	s11 =	sadd.s32 $0x6000, s13;
	[smem:$0x7FB] =	sst s22  }
0x2a: {  	s24 =	sadd.s32 s1, s6;
	s12 =	sadd.s32 $0x7000, s13;
	[smem:$0x7FD] =	sst s26  }
0x2b: {  	s10 =	simm.s32 $0x200;
	s19 =	simm.s32 $0x400;
	[dreg:$0x5] =	wrdreg s2  }
0x2c: {  	s21 =	simm.s32 $0x4400;
	s22 =	simm.s32 $0x8400;
	[dreg:$0x1a] =	wrdreg s11  }
0x2d: {  	s26 =	simm.s32 $0x5;
	s1 =	simm.s32 $0x4;
	[dreg:$0x1b] =	wrdreg s12  }
0x2e: {  	v0 =	vimm.f32 $0.0e+00;
	s11 =	simm.s32 $0x80;
	s12 =	simm.s32 $0x280;
	s2 =	simm.s32 $0x0  }
.LBB2_1:
0x2f: {  	s5 =	rddreg [dreg:$0xa]  }
0x30: {  	[tilespmem:s4], [sflag:$0x1] =	stream.linear.gather [hbm4b:s5+s4], $0x80, $0x38;
	[tilespmem:$0x1D400] =	vst v63  }
0x31: {  	s8 =	rddreg [dreg:$0xb]  }
0x32: {  	[tilespmem:s10], [sflag:$0x1] =	stream.linear.gather [hbm4b:s8+s4], $0x80, $0x38;
	[tilespmem:$0x1D400] =	vst v63  }
0x33: {  	s6 =	rddreg [dreg:$0xc]  }
0x34: {  	[tilespmem:s11], [sflag:$0x2] =	stream.linear.gather [hbm4b:s6+s4], $0x80, $0x38;
	[tilespmem:$0x1D400] =	vst v63  }
0x35: {  	s7 =	rddreg [dreg:$0xd]  }
0x36: {  	[tilespmem:s12], [sflag:$0x2] =	stream.linear.gather [hbm4b:s7+s4], $0x80, $0x38;
	[tilespmem:$0x1D400] =	vst v63  }
0x37: {  	s8 =	rddreg [dreg:$0xe]  }
0x38: {  	[tilespmem:s14], [sflag:$0x3] =	stream.linear.gather [hbm4b:s8+s4], $0x80, $0x38;
	[tilespmem:$0x1D400] =	vst v63  }
0x39: {  	s6 =	rddreg [dreg:$0xf]  }
0x3a: {  	[tilespmem:s15], [sflag:$0x3] =	stream.linear.gather [hbm4b:s6+s4], $0x80, $0x38;
	[tilespmem:$0x1D400] =	vst v63  }
0x3b: {  	s7 =	rddreg [dreg:$0x10]  }
0x3c: {  	[tilespmem:s16], [sflag:$0x4] =	stream.linear.gather [hbm4b:s7+s4], $0x80, $0x38;
	[tilespmem:$0x1D400] =	vst v63  }
0x3d: {  	s8 =	rddreg [dreg:$0x11]  }
0x3e: {  	[tilespmem:s17], [sflag:$0x4] =	stream.linear.gather [hbm4b:s8+s4], $0x80, $0x38;
	[tilespmem:$0x1D400] =	vst v63  }
0x3f: {  	_ =	swait.ge [sflag:s18], $0x80  }
0x40: {  	[sflag:s18] =	ssyncset.done $0x0  }
0x41: {  	[sflag:s18] =	ssyncadd.s32 $0xFFFFFF80  }
0x42: {  	_ =	swait.ge [sflag:s18], $0x80  }
0x43: {  	[sflag:s18] =	ssyncset.done $0x0  }
0x44: {  	[sflag:s18] =	ssyncadd.s32 $0xFFFFFF80  }
0x45: {  	[tilespmem:s19], [sflag:$0x5] =	stream.indirect.gather [hbm4b:s0+s11], $0x80, s4, s11, $0xb8;
	[tilespmem:$0x1D400] =	vst v63  }
0x46: {  	_ =	swait.ge [sflag:s20], $0x80  }
0x47: {  	[sflag:s20] =	ssyncset.done $0x0  }
0x48: {  	[sflag:s20] =	ssyncadd.s32 $0xFFFFFF80  }
0x49: {  	_ =	swait.ge [sflag:s20], $0x80  }
0x4a: {  	[sflag:s20] =	ssyncset.done $0x0  }
0x4b: {  	s5 =	simm.s32 $0x0;
	s6 =	simm.s32 $0x200;
	[sflag:s20] =	ssyncadd.s32 $0xFFFFFF80  }
0x4c: {  	[tilespmem:s21], [sflag:$0x6] =	stream.indirect.gather [hbm4b:s0+s11], $0x80, s11, s11, $0xb8;
	[tilespmem:$0x1D400] =	vst v63  }
.LBB2_2:
0x4d: {  	p1 =	seq.s32 s6, $0x3E00;
	[tilespmem:s5+$0x8470] =	vst v0  }
0x4e: {  	[tilespmem:s5+$0x8400] =	vst v0  }
0x4f: {  	[tilespmem:s5+$0x8410] =	vst v0  }
.Ltmp0:
0x50: {  	[tilespmem:s5+$0x8420] =	vst v0;
	(pc) =	sbr.rel @!p1 .LBB2_2-.Ltmp0, $4  }
0x51: {  	[tilespmem:s5+$0x8430] =	vst v0  }
0x52: {  	[tilespmem:s5+$0x8440] =	vst v0  }
0x53: {  	[tilespmem:s5+$0x8450] =	vst v0  }
0x54: {  	[tilespmem:s5+$0x8460] =	vst v0;
	s5 =	sshra.s32 s6, $0x2;
	s6 =	sadd.s32 $0x200, s6  }
0x55: {  	[tilespmem:s5+$0x8470] =	vst v0  }
0x56: {  	[tilespmem:s5+$0x8400] =	vst v0  }
0x57: {  	[tilespmem:s5+$0x8410] =	vst v0  }
0x58: {  	[tilespmem:s5+$0x8420] =	vst v0  }
0x59: {  	[tilespmem:s5+$0x8430] =	vst v0  }
0x5a: {  	[tilespmem:s5+$0x8440] =	vst v0  }
0x5b: {  	[tilespmem:s5+$0x8450] =	vst v0  }
0x5c: {  	[tilespmem:s5+$0x8460] =	vst v0  }
0x5d: {  	[spmem:s13] =	stream.linear.scatter [tilespmem:s22], [sflag:$0x9], $0x1000, $0x38;
	[tilespmem:$0x1D400] =	vst v63  }
0x5e: {  	_ =	swait.ge [sflag:s25], $0x1000  }
0x5f: {  	[sflag:s25] =	ssyncset.done $0x0  }
0x60: {  	s8 =	rddreg [dreg:$0x15];
	[sflag:s25] =	ssyncadd.s32 $0xFFFFF000  }
0x61: {  	[spmem:s8] =	stream.linear.scatter [tilespmem:s22], [sflag:$0x9], $0x1000, $0x38;
	[tilespmem:$0x1D400] =	vst v63  }
0x62: {  	_ =	swait.ge [sflag:s25], $0x1000  }
0x63: {  	[sflag:s25] =	ssyncset.done $0x0  }
0x64: {  	s6 =	rddreg [dreg:$0x16];
	[sflag:s25] =	ssyncadd.s32 $0xFFFFF000  }
0x65: {  	[spmem:s6] =	stream.linear.scatter [tilespmem:s22], [sflag:$0x9], $0x1000, $0x38;
	[tilespmem:$0x1D400] =	vst v63  }
0x66: {  	_ =	swait.ge [sflag:s25], $0x1000  }
0x67: {  	[sflag:s25] =	ssyncset.done $0x0  }
0x68: {  	s7 =	rddreg [dreg:$0x17];
	[sflag:s25] =	ssyncadd.s32 $0xFFFFF000  }
0x69: {  	[spmem:s7] =	stream.linear.scatter [tilespmem:s22], [sflag:$0x9], $0x1000, $0x38;
	[tilespmem:$0x1D400] =	vst v63  }
0x6a: {  	_ =	swait.ge [sflag:s25], $0x1000  }
0x6b: {  	[sflag:s25] =	ssyncset.done $0x0  }
0x6c: {  	s8 =	rddreg [dreg:$0x18];
	[sflag:s25] =	ssyncadd.s32 $0xFFFFF000  }
0x6d: {  	[spmem:s8] =	stream.linear.scatter [tilespmem:s22], [sflag:$0x9], $0x1000, $0x38;
	[tilespmem:$0x1D400] =	vst v63  }
0x6e: {  	_ =	swait.ge [sflag:s25], $0x1000  }
0x6f: {  	[sflag:s25] =	ssyncset.done $0x0  }
0x70: {  	s6 =	rddreg [dreg:$0x19];
	[sflag:s25] =	ssyncadd.s32 $0xFFFFF000  }
0x71: {  	[spmem:s6] =	stream.linear.scatter [tilespmem:s22], [sflag:$0x9], $0x1000, $0x38;
	[tilespmem:$0x1D400] =	vst v63  }
0x72: {  	_ =	swait.ge [sflag:s25], $0x1000  }
0x73: {  	[sflag:s25] =	ssyncset.done $0x0  }
0x74: {  	s7 =	rddreg [dreg:$0x1a];
	[sflag:s25] =	ssyncadd.s32 $0xFFFFF000  }
0x75: {  	[spmem:s7] =	stream.linear.scatter [tilespmem:s22], [sflag:$0x9], $0x1000, $0x38;
	[tilespmem:$0x1D400] =	vst v63  }
0x76: {  	_ =	swait.ge [sflag:s25], $0x1000  }
0x77: {  	[sflag:s25] =	ssyncset.done $0x0  }
0x78: {  	s8 =	rddreg [dreg:$0x1b];
	[sflag:s25] =	ssyncadd.s32 $0xFFFFF000  }
0x79: {  	[spmem:s8] =	stream.linear.scatter [tilespmem:s22], [sflag:$0x9], $0x1000, $0x38;
	[tilespmem:$0x1D400] =	vst v63  }
0x7a: {  	_ =	swait.ge [sflag:s25], $0x1000  }
0x7b: {  	[sflag:s25] =	ssyncset.done $0x0  }
0x7c: {  	s6 =	rddreg [dreg:$0x1c];
	[sflag:s25] =	ssyncadd.s32 $0xFFFFF000  }
0x7d: {  	[spmem:s6] =	stream.linear.scatter [tilespmem:s22], [sflag:$0x9], $0x1000, $0x38;
	[tilespmem:$0x1D400] =	vst v63  }
0x7e: {  	_ =	swait.ge [sflag:s25], $0x1000  }
0x7f: {  	[sflag:s25] =	ssyncset.done $0x0  }
0x80: {  	s7 =	rddreg [dreg:$0x1d];
	[sflag:s25] =	ssyncadd.s32 $0xFFFFF000  }
0x81: {  	[spmem:s7] =	stream.linear.scatter [tilespmem:s22], [sflag:$0x9], $0x1000, $0x38;
	[tilespmem:$0x1D400] =	vst v63  }
0x82: {  	_ =	swait.ge [sflag:s25], $0x1000  }
0x83: {  	[sflag:s25] =	ssyncset.done $0x0  }
0x84: {  	s8 =	rddreg [dreg:$0x1e];
	[sflag:s25] =	ssyncadd.s32 $0xFFFFF000  }
0x85: {  	[spmem:s8] =	stream.linear.scatter [tilespmem:s22], [sflag:$0x9], $0x1000, $0x38;
	[tilespmem:$0x1D400] =	vst v63  }
0x86: {  	_ =	swait.ge [sflag:s25], $0x1000  }
0x87: {  	[sflag:s25] =	ssyncset.done $0x0  }
0x88: {  	s6 =	rddreg [dreg:$0x1f];
	[sflag:s25] =	ssyncadd.s32 $0xFFFFF000  }
0x89: {  	[spmem:s6] =	stream.linear.scatter [tilespmem:s22], [sflag:$0x9], $0x1000, $0x38;
	[tilespmem:$0x1D400] =	vst v63  }
0x8a: {  	_ =	swait.ge [sflag:s25], $0x1000  }
0x8b: {  	s7 =	sld [smem:$0x7F7]  }
0x8c: {  	[sflag:s25] =	ssyncset.done $0x0  }
0x8d: {  	[sflag:s25] =	ssyncadd.s32 $0xFFFFF000  }
0x8e: {  	[spmem:s7] =	stream.linear.scatter [tilespmem:s22], [sflag:$0x9], $0x1000, $0x38;
	[tilespmem:$0x1D400] =	vst v63  }
0x8f: {  	_ =	swait.ge [sflag:s25], $0x1000  }
0x90: {  	s8 =	sld [smem:$0x7F8]  }
0x91: {  	[sflag:s25] =	ssyncset.done $0x0  }
0x92: {  	[sflag:s25] =	ssyncadd.s32 $0xFFFFF000  }
0x93: {  	[spmem:s8] =	stream.linear.scatter [tilespmem:s22], [sflag:$0x9], $0x1000, $0x38;
	[tilespmem:$0x1D400] =	vst v63  }
0x94: {  	_ =	swait.ge [sflag:s25], $0x1000  }
0x95: {  	s6 =	sld [smem:$0x7F9]  }
0x96: {  	[sflag:s25] =	ssyncset.done $0x0  }
0x97: {  	[sflag:s25] =	ssyncadd.s32 $0xFFFFF000  }
0x98: {  	[spmem:s6] =	stream.linear.scatter [tilespmem:s22], [sflag:$0x9], $0x1000, $0x38;
	[tilespmem:$0x1D400] =	vst v63  }
0x99: {  	_ =	swait.ge [sflag:s25], $0x1000  }
0x9a: {  	s7 =	sld [smem:$0x7FA]  }
0x9b: {  	[sflag:s25] =	ssyncset.done $0x0  }
0x9c: {  	[sflag:s25] =	ssyncadd.s32 $0xFFFFF000  }
0x9d: {  	[spmem:s7] =	stream.linear.scatter [tilespmem:s22], [sflag:$0x9], $0x1000, $0x38;
	[tilespmem:$0x1D400] =	vst v63  }
0x9e: {  	_ =	swait.ge [sflag:s25], $0x1000  }
0x9f: {  	s8 =	sld [smem:$0x7FB]  }
0xa0: {  	[sflag:s25] =	ssyncset.done $0x0  }
0xa1: {  	[sflag:s25] =	ssyncadd.s32 $0xFFFFF000  }
0xa2: {  	[spmem:s8] =	stream.linear.scatter [tilespmem:s22], [sflag:$0x9], $0x1000, $0x38;
	[tilespmem:$0x1D400] =	vst v63  }
0xa3: {  	_ =	swait.ge [sflag:s25], $0x1000  }
0xa4: {  	s6 =	sld [smem:$0x7FC]  }
0xa5: {  	[sflag:s25] =	ssyncset.done $0x0  }
0xa6: {  	[sflag:s25] =	ssyncadd.s32 $0xFFFFF000  }
0xa7: {  	[spmem:s6] =	stream.linear.scatter [tilespmem:s22], [sflag:$0x9], $0x1000, $0x38;
	[tilespmem:$0x1D400] =	vst v63  }
0xa8: {  	_ =	swait.ge [sflag:s25], $0x1000  }
0xa9: {  	s7 =	sld [smem:$0x7FD]  }
0xaa: {  	[sflag:s25] =	ssyncset.done $0x0  }
0xab: {  	[sflag:s25] =	ssyncadd.s32 $0xFFFFF000  }
0xac: {  	[spmem:s7] =	stream.linear.scatter [tilespmem:s22], [sflag:$0x9], $0x1000, $0x38;
	[tilespmem:$0x1D400] =	vst v63  }
0xad: {  	_ =	swait.ge [sflag:s25], $0x1000  }
0xae: {  	[sflag:s25] =	ssyncset.done $0x0  }
0xaf: {  	[sflag:s25] =	ssyncadd.s32 $0xFFFFF000  }
0xb0: {  	[spmem:s9] =	stream.linear.scatter [tilespmem:s22], [sflag:$0x9], $0x1000, $0x38;
	[tilespmem:$0x1D400] =	vst v63  }
0xb1: {  	_ =	swait.ge [sflag:s25], $0x1000  }
0xb2: {  	[sflag:s25] =	ssyncset.done $0x0  }
0xb3: {  	[sflag:s25] =	ssyncadd.s32 $0xFFFFF000  }
0xb4: {  	[bflag:$0x0] =	sbarrier.arrive $0xFFFF  }
0xb5: {  	_ =	swait.ge [sflag:s26], $0x4000  }
0xb6: {  	[sflag:s26] =	ssyncset.done $0x0  }
0xb7: {  	[sflag:s26] =	ssyncadd.s32 $0xFFFFC000  }
0xb8: {  	[spmem:s3] =	stream.indirect.scatter.add.f32 [tilespmem:s19], [sflag:$0x7], $0x80, s10, s11, $0xb8;
	[tilespmem:$0x1D400] =	vst v63  }
0xb9: {  	_ =	swait.ge [sflag:s28], $0x4000  }
0xba: {  	[sflag:s28] =	ssyncset.done $0x0  }
0xbb: {  	s8 =	sadd.s32 $0x0, s24;
	[sflag:s28] =	ssyncadd.s32 $0xFFFFC000  }
0xbc: {  	[tilespmem:s4], [sflag:$0x1] =	stream.linear.gather [hbm4b:s8+s4], $0x80, $0x38;
	[tilespmem:$0x1D400] =	vst v63  }
0xbd: {  	s6 =	sadd.s32 $0x0, s23  }
0xbe: {  	[tilespmem:s10], [sflag:$0x1] =	stream.linear.gather [hbm4b:s6+s4], $0x80, $0x38;
	[tilespmem:$0x1D400] =	vst v63  }
0xbf: {  	_ =	swait.ge [sflag:s29], $0x80  }
0xc0: {  	[sflag:s29] =	ssyncset.done $0x0  }
0xc1: {  	[sflag:s29] =	ssyncadd.s32 $0xFFFFFF80  }
0xc2: {  	_ =	swait.ge [sflag:s29], $0x80  }
0xc3: {  	[sflag:s29] =	ssyncset.done $0x0  }
0xc4: {  	[sflag:s29] =	ssyncadd.s32 $0xFFFFFF80  }
0xc5: {  	[tilespmem:s19], [sflag:$0x5] =	stream.indirect.gather [hbm4b:s0+s11], $0x80, s14, s11, $0xb8;
	[tilespmem:$0x1D400] =	vst v63  }
0xc6: {  	_ =	swait.ge [sflag:s30], $0x4000  }
0xc7: {  	[sflag:s30] =	ssyncset.done $0x0  }
0xc8: {  	[sflag:s30] =	ssyncadd.s32 $0xFFFFC000  }
0xc9: {  	[spmem:s3] =	stream.indirect.scatter.add.f32 [tilespmem:s21], [sflag:$0x8], $0x80, s12, s11, $0xb8;
	[tilespmem:$0x1D400] =	vst v63  }
0xca: {  	_ =	swait.ge [sflag:s31], $0x4000  }
0xcb: {  	s7 =	rddreg [dreg:$0x9];
	[sflag:s31] =	ssyncset.done $0x0  }
0xcc: {  	s6 =	rddreg [dreg:$0x8];
	[sflag:s31] =	ssyncadd.s32 $0xFFFFC000;
	s5 =	sadd.s32 $0x0, s7  }
0xcd: {  	[tilespmem:s11], [sflag:$0x2] =	stream.linear.gather [hbm4b:s5+s4], $0x80, $0x38;
	[tilespmem:$0x1D400] =	vst v63  }
0xce: {  	s8 =	sadd.s32 $0x0, s6  }
0xcf: {  	[tilespmem:s12], [sflag:$0x2] =	stream.linear.gather [hbm4b:s8+s4], $0x80, $0x38;
	[tilespmem:$0x1D400] =	vst v63  }
0xd0: {  	_ =	swait.ge [sflag:s1], $0x80  }
0xd1: {  	[sflag:s1] =	ssyncset.done $0x0  }
0xd2: {  	[sflag:s1] =	ssyncadd.s32 $0xFFFFFF80  }
0xd3: {  	_ =	swait.ge [sflag:s1], $0x80  }
0xd4: {  	[sflag:s1] =	ssyncset.done $0x0  }
0xd5: {  	[sflag:s1] =	ssyncadd.s32 $0xFFFFFF80  }
0xd6: {  	[tilespmem:s21], [sflag:$0x6] =	stream.indirect.gather [hbm4b:s0+s11], $0x80, s16, s11, $0xb8;
	[tilespmem:$0x1D400] =	vst v63  }
0xd7: {  	_ =	swait.ge [sflag:s26], $0x4000  }
0xd8: {  	[sflag:s26] =	ssyncset.done $0x0  }
0xd9: {  	[sflag:s26] =	ssyncadd.s32 $0xFFFFC000  }
0xda: {  	[spmem:s3] =	stream.indirect.scatter.add.f32 [tilespmem:s19], [sflag:$0x7], $0x80, s15, s11, $0xb8;
	[tilespmem:$0x1D400] =	vst v63  }
0xdb: {  	_ =	swait.ge [sflag:s28], $0x4000  }
0xdc: {  	s6 =	rddreg [dreg:$0x7];
	[sflag:s28] =	ssyncset.done $0x0  }
0xdd: {  	s7 =	rddreg [dreg:$0x6];
	[sflag:s28] =	ssyncadd.s32 $0xFFFFC000;
	s5 =	sadd.s32 $0x0, s6  }
0xde: {  	[tilespmem:s14], [sflag:$0x3] =	stream.linear.gather [hbm4b:s5+s4], $0x80, $0x38;
	[tilespmem:$0x1D400] =	vst v63  }
0xdf: {  	s8 =	sadd.s32 $0x0, s7  }
0xe0: {  	[tilespmem:s15], [sflag:$0x3] =	stream.linear.gather [hbm4b:s8+s4], $0x80, $0x38;
	[tilespmem:$0x1D400] =	vst v63  }
0xe1: {  	_ =	swait.ge [sflag:s18], $0x80  }
0xe2: {  	[sflag:s18] =	ssyncset.done $0x0  }
0xe3: {  	[sflag:s18] =	ssyncadd.s32 $0xFFFFFF80  }
0xe4: {  	_ =	swait.ge [sflag:s18], $0x80  }
0xe5: {  	[sflag:s18] =	ssyncset.done $0x0  }
0xe6: {  	[sflag:s18] =	ssyncadd.s32 $0xFFFFFF80  }
0xe7: {  	[tilespmem:s19], [sflag:$0x5] =	stream.indirect.gather [hbm4b:s0+s11], $0x80, s4, s11, $0xb8;
	[tilespmem:$0x1D400] =	vst v63  }
0xe8: {  	_ =	swait.ge [sflag:s30], $0x4000  }
0xe9: {  	[sflag:s30] =	ssyncset.done $0x0  }
0xea: {  	[sflag:s30] =	ssyncadd.s32 $0xFFFFC000  }
0xeb: {  	[spmem:s3] =	stream.indirect.scatter.add.f32 [tilespmem:s21], [sflag:$0x8], $0x80, s17, s11, $0xb8;
	[tilespmem:$0x1D400] =	vst v63  }
0xec: {  	_ =	swait.ge [sflag:s31], $0x4000  }
0xed: {  	s6 =	rddreg [dreg:$0x5];
	[sflag:s31] =	ssyncset.done $0x0  }
0xee: {  	s7 =	rddreg [dreg:$0x4];
	[sflag:s31] =	ssyncadd.s32 $0xFFFFC000;
	s5 =	sadd.s32 $0x0, s6  }
0xef: {  	[tilespmem:s16], [sflag:$0x4] =	stream.linear.gather [hbm4b:s5+s4], $0x80, $0x38;
	[tilespmem:$0x1D400] =	vst v63  }
0xf0: {  	s8 =	sadd.s32 $0x0, s7  }
0xf1: {  	[tilespmem:s17], [sflag:$0x4] =	stream.linear.gather [hbm4b:s8+s4], $0x80, $0x38;
	[tilespmem:$0x1D400] =	vst v63  }
0xf2: {  	_ =	swait.ge [sflag:s20], $0x80  }
0xf3: {  	[sflag:s20] =	ssyncset.done $0x0  }
0xf4: {  	[sflag:s20] =	ssyncadd.s32 $0xFFFFFF80  }
0xf5: {  	_ =	swait.ge [sflag:s20], $0x80  }
0xf6: {  	[sflag:s20] =	ssyncset.done $0x0  }
0xf7: {  	[sflag:s20] =	ssyncadd.s32 $0xFFFFFF80  }
0xf8: {  	[tilespmem:s21], [sflag:$0x6] =	stream.indirect.gather [hbm4b:s0+s11], $0x80, s11, s11, $0xb8;
	[tilespmem:$0x1D400] =	vst v63  }
0xf9: {  	_ =	swait.ge [sflag:s26], $0x4000  }
0xfa: {  	[sflag:s26] =	ssyncset.done $0x0  }
0xfb: {  	s5 =	simm.s32 $0x40;
	[sflag:s26] =	ssyncadd.s32 $0xFFFFC000  }
.LBB2_4:
0xfc: {  	[spmem:s3] =	stream.indirect.scatter.add.f32 [tilespmem:s19], [sflag:$0x7], $0x80, s10, s11, $0xb8;
	[tilespmem:$0x1D400] =	vst v63  }
0xfd: {  	_ =	swait.ge [sflag:s28], $0x4000  }
0xfe: {  	s6 =	smov.u32 s5;
	[sflag:s28] =	ssyncset.done $0x0  }
0xff: {  	s7 =	sadd.s32 s6, s24;
	[sflag:s28] =	ssyncadd.s32 $0xFFFFC000  }
0x100: {  	[tilespmem:s4], [sflag:$0x1] =	stream.linear.gather [hbm4b:s7+s4], $0x80, $0x38;
	[tilespmem:$0x1D400] =	vst v63  }
0x101: {  	s8 =	sadd.s32 s6, s23  }
0x102: {  	[tilespmem:s10], [sflag:$0x1] =	stream.linear.gather [hbm4b:s8+s4], $0x80, $0x38;
	[tilespmem:$0x1D400] =	vst v63  }
0x103: {  	_ =	swait.ge [sflag:s29], $0x80  }
0x104: {  	[sflag:s29] =	ssyncset.done $0x0  }
0x105: {  	[sflag:s29] =	ssyncadd.s32 $0xFFFFFF80  }
0x106: {  	_ =	swait.ge [sflag:s29], $0x80  }
0x107: {  	[sflag:s29] =	ssyncset.done $0x0  }
0x108: {  	[sflag:s29] =	ssyncadd.s32 $0xFFFFFF80  }
0x109: {  	[tilespmem:s19], [sflag:$0x5] =	stream.indirect.gather [hbm4b:s0+s11], $0x80, s14, s11, $0xb8;
	[tilespmem:$0x1D400] =	vst v63  }
0x10a: {  	_ =	swait.ge [sflag:s30], $0x4000  }
0x10b: {  	[sflag:s30] =	ssyncset.done $0x0  }
0x10c: {  	[sflag:s30] =	ssyncadd.s32 $0xFFFFC000  }
0x10d: {  	[spmem:s3] =	stream.indirect.scatter.add.f32 [tilespmem:s21], [sflag:$0x8], $0x80, s12, s11, $0xb8;
	[tilespmem:$0x1D400] =	vst v63  }
0x10e: {  	_ =	swait.ge [sflag:s31], $0x4000  }
0x10f: {  	s7 =	rddreg [dreg:$0x9];
	[sflag:s31] =	ssyncset.done $0x0  }
0x110: {  	s8 =	rddreg [dreg:$0x8];
	[sflag:s31] =	ssyncadd.s32 $0xFFFFC000;
	s7 =	sadd.s32 s6, s7  }
0x111: {  	[tilespmem:s11], [sflag:$0x2] =	stream.linear.gather [hbm4b:s7+s4], $0x80, $0x38;
	[tilespmem:$0x1D400] =	vst v63  }
0x112: {  	s8 =	sadd.s32 s6, s8  }
0x113: {  	[tilespmem:s12], [sflag:$0x2] =	stream.linear.gather [hbm4b:s8+s4], $0x80, $0x38;
	[tilespmem:$0x1D400] =	vst v63  }
0x114: {  	_ =	swait.ge [sflag:s1], $0x80  }
0x115: {  	[sflag:s1] =	ssyncset.done $0x0  }
0x116: {  	[sflag:s1] =	ssyncadd.s32 $0xFFFFFF80  }
0x117: {  	_ =	swait.ge [sflag:s1], $0x80  }
0x118: {  	[sflag:s1] =	ssyncset.done $0x0  }
0x119: {  	[sflag:s1] =	ssyncadd.s32 $0xFFFFFF80  }
0x11a: {  	[tilespmem:s21], [sflag:$0x6] =	stream.indirect.gather [hbm4b:s0+s11], $0x80, s16, s11, $0xb8;
	[tilespmem:$0x1D400] =	vst v63  }
0x11b: {  	_ =	swait.ge [sflag:s26], $0x4000  }
0x11c: {  	[sflag:s26] =	ssyncset.done $0x0  }
0x11d: {  	[sflag:s26] =	ssyncadd.s32 $0xFFFFC000  }
0x11e: {  	[spmem:s3] =	stream.indirect.scatter.add.f32 [tilespmem:s19], [sflag:$0x7], $0x80, s15, s11, $0xb8;
	[tilespmem:$0x1D400] =	vst v63  }
0x11f: {  	_ =	swait.ge [sflag:s28], $0x4000  }
0x120: {  	s7 =	rddreg [dreg:$0x7];
	[sflag:s28] =	ssyncset.done $0x0  }
0x121: {  	s8 =	rddreg [dreg:$0x6];
	[sflag:s28] =	ssyncadd.s32 $0xFFFFC000;
	s7 =	sadd.s32 s6, s7  }
0x122: {  	[tilespmem:s14], [sflag:$0x3] =	stream.linear.gather [hbm4b:s7+s4], $0x80, $0x38;
	[tilespmem:$0x1D400] =	vst v63  }
0x123: {  	s8 =	sadd.s32 s6, s8  }
0x124: {  	[tilespmem:s15], [sflag:$0x3] =	stream.linear.gather [hbm4b:s8+s4], $0x80, $0x38;
	[tilespmem:$0x1D400] =	vst v63  }
0x125: {  	_ =	swait.ge [sflag:s18], $0x80  }
0x126: {  	[sflag:s18] =	ssyncset.done $0x0  }
0x127: {  	[sflag:s18] =	ssyncadd.s32 $0xFFFFFF80  }
0x128: {  	_ =	swait.ge [sflag:s18], $0x80  }
0x129: {  	[sflag:s18] =	ssyncset.done $0x0  }
0x12a: {  	[sflag:s18] =	ssyncadd.s32 $0xFFFFFF80  }
0x12b: {  	[tilespmem:s19], [sflag:$0x5] =	stream.indirect.gather [hbm4b:s0+s11], $0x80, s4, s11, $0xb8;
	[tilespmem:$0x1D400] =	vst v63  }
0x12c: {  	_ =	swait.ge [sflag:s30], $0x4000  }
0x12d: {  	[sflag:s30] =	ssyncset.done $0x0  }
0x12e: {  	[sflag:s30] =	ssyncadd.s32 $0xFFFFC000  }
0x12f: {  	[spmem:s3] =	stream.indirect.scatter.add.f32 [tilespmem:s21], [sflag:$0x8], $0x80, s17, s11, $0xb8;
	[tilespmem:$0x1D400] =	vst v63  }
0x130: {  	_ =	swait.ge [sflag:s31], $0x4000  }
0x131: {  	s7 =	rddreg [dreg:$0x5];
	[sflag:s31] =	ssyncset.done $0x0  }
0x132: {  	s8 =	rddreg [dreg:$0x4];
	[sflag:s31] =	ssyncadd.s32 $0xFFFFC000;
	s7 =	sadd.s32 s6, s7  }
0x133: {  	[tilespmem:s16], [sflag:$0x4] =	stream.linear.gather [hbm4b:s7+s4], $0x80, $0x38;
	[tilespmem:$0x1D400] =	vst v63  }
0x134: {  	s6 =	sadd.s32 s6, s8  }
0x135: {  	[tilespmem:s17], [sflag:$0x4] =	stream.linear.gather [hbm4b:s6+s4], $0x80, $0x38;
	[tilespmem:$0x1D400] =	vst v63  }
0x136: {  	_ =	swait.ge [sflag:s20], $0x80  }
0x137: {  	[sflag:s20] =	ssyncset.done $0x0  }
0x138: {  	[sflag:s20] =	ssyncadd.s32 $0xFFFFFF80  }
0x139: {  	_ =	swait.ge [sflag:s20], $0x80  }
0x13a: {  	p1 =	sne.s32 s5, $0x480;
	[sflag:s20] =	ssyncset.done $0x0  }
.Ltmp1:
0x13b: {  	[sflag:s20] =	ssyncadd.s32 $0xFFFFFF80;
	(pc) =	sbr.rel @p1 .LBB2_4-.Ltmp1, $4  }
0x13c: {  	[tilespmem:s21], [sflag:$0x6] =	stream.indirect.gather [hbm4b:s0+s11], $0x80, s11, s11, $0xb8;
	[tilespmem:$0x1D400] =	vst v63  }
0x13d: {  	_ =	swait.ge [sflag:s26], $0x4000  }
0x13e: {  	[sflag:s26] =	ssyncset.done $0x0  }
0x13f: {  	s5 =	sadd.s32 $0x40, s5;
	[sflag:s26] =	ssyncadd.s32 $0xFFFFC000  }
0x140: {  	[spmem:s3] =	stream.indirect.scatter.add.f32 [tilespmem:s19], [sflag:$0x7], $0x80, s10, s11, $0xb8;
	[tilespmem:$0x1D400] =	vst v63  }
0x141: {  	_ =	swait.ge [sflag:s28], $0x4000  }
0x142: {  	[sflag:s28] =	ssyncset.done $0x0  }
0x143: {  	[sflag:s28] =	ssyncadd.s32 $0xFFFFC000  }
0x144: {  	_ =	swait.ge [sflag:s29], $0x80  }
0x145: {  	[sflag:s29] =	ssyncset.done $0x0  }
0x146: {  	[sflag:s29] =	ssyncadd.s32 $0xFFFFFF80  }
0x147: {  	_ =	swait.ge [sflag:s29], $0x80  }
0x148: {  	[sflag:s29] =	ssyncset.done $0x0  }
0x149: {  	[sflag:s29] =	ssyncadd.s32 $0xFFFFFF80  }
0x14a: {  	[tilespmem:s19], [sflag:$0x5] =	stream.indirect.gather [hbm4b:s0+s11], $0x80, s14, s11, $0xb8;
	[tilespmem:$0x1D400] =	vst v63  }
0x14b: {  	_ =	swait.ge [sflag:s30], $0x4000  }
0x14c: {  	[sflag:s30] =	ssyncset.done $0x0  }
0x14d: {  	[sflag:s30] =	ssyncadd.s32 $0xFFFFC000  }
0x14e: {  	[spmem:s3] =	stream.indirect.scatter.add.f32 [tilespmem:s21], [sflag:$0x8], $0x80, s12, s11, $0xb8;
	[tilespmem:$0x1D400] =	vst v63  }
0x14f: {  	_ =	swait.ge [sflag:s31], $0x4000  }
0x150: {  	[sflag:s31] =	ssyncset.done $0x0  }
0x151: {  	[sflag:s31] =	ssyncadd.s32 $0xFFFFC000  }
0x152: {  	_ =	swait.ge [sflag:s1], $0x80  }
0x153: {  	[sflag:s1] =	ssyncset.done $0x0  }
0x154: {  	[sflag:s1] =	ssyncadd.s32 $0xFFFFFF80  }
0x155: {  	_ =	swait.ge [sflag:s1], $0x80  }
0x156: {  	[sflag:s1] =	ssyncset.done $0x0  }
0x157: {  	[sflag:s1] =	ssyncadd.s32 $0xFFFFFF80  }
0x158: {  	[tilespmem:s21], [sflag:$0x6] =	stream.indirect.gather [hbm4b:s0+s11], $0x80, s16, s11, $0xb8;
	[tilespmem:$0x1D400] =	vst v63  }
0x159: {  	_ =	swait.ge [sflag:s26], $0x4000  }
0x15a: {  	[sflag:s26] =	ssyncset.done $0x0  }
0x15b: {  	[sflag:s26] =	ssyncadd.s32 $0xFFFFC000  }
0x15c: {  	[spmem:s3] =	stream.indirect.scatter.add.f32 [tilespmem:s19], [sflag:$0x7], $0x80, s15, s11, $0xb8;
	[tilespmem:$0x1D400] =	vst v63  }
0x15d: {  	_ =	swait.ge [sflag:s30], $0x4000  }
0x15e: {  	[sflag:s30] =	ssyncset.done $0x0  }
0x15f: {  	[sflag:s30] =	ssyncadd.s32 $0xFFFFC000  }
0x160: {  	[spmem:s3] =	stream.indirect.scatter.add.f32 [tilespmem:s21], [sflag:$0x8], $0x80, s17, s11, $0xb8;
	[tilespmem:$0x1D400] =	vst v63  }
0x161: {  	_ =	swait.ge [sflag:s28], $0x4000  }
0x162: {  	[sflag:s28] =	ssyncset.done $0x0  }
0x163: {  	[sflag:s28] =	ssyncadd.s32 $0xFFFFC000  }
0x164: {  	_ =	swait.ge [sflag:s31], $0x4000  }
0x165: {  	[sflag:s31] =	ssyncset.done $0x0  }
0x166: {  	[sflag:s31] =	ssyncadd.s32 $0xFFFFC000  }
0x167: {  	[bflag:$0x0] =	sbarrier.arrive $0xFFFF  }
0x168: {  	s5 =	sshrl.u32 @p0 s13, $0x3;
	s6 =	simm.s32 @p0 $0x1FC9;
	s7 =	rddreg [dreg:$0x13]  }
0x169: {  	[hbm:s7], [sflag:s6] =	dma.local @p0 [spmem:s5], $0x1900  }
0x16a: {  	s5 =	simm.s32 @p0 $0x9  }
0x16b: {  	s6 =	stileid.u32;
	_ =	swait.ge @p0 [sflag:s5], $0x1900  }
0x16c: {  	s6 =	sshll.u32 @!p0 s6, $0x6;
	[sflag:s5] =	ssyncset.done @p0 $0x0;
	s7 =	rddreg [dreg:$0x12]  }
0x16d: {  	[sflag:s5] =	ssyncadd.s32 @p0 $0xFFFFE700;
	s5 =	sor.u32 @!p0 $0x1C09, s6;
	s6 =	sshrl.u32 @!p0 s13, $0x3  }
0x16e: {  	[hbm:s7], [sflag:s5] =	dma.local @!p0 [spmem:s6], $0x2800  }
0x16f: {  	s5 =	simm.s32 @!p0 $0x9  }
0x170: {  	_ =	swait.ge @!p0 [sflag:s5], $0x2800  }
0x171: {  	s2 =	sadd.s32 $0x1, s2;
	s8 =	rddreg [dreg:$0x14]  }
0x172: {  	p1 =	sne.s32 s2, s8  }
.Ltmp2:
0x173: {  	_ = 	snop;
	(pc) =	sbr.rel @p1 .LBB2_1-.Ltmp2, $3  }
0x174: {  	_ =	sdelay $0x1  }
0x175: {  	[sflag:s5] =	ssyncset.done @!p0 $0x0  }
0x176: {  	[sflag:s5] =	ssyncadd.s32 @!p0 $0xFFFFD800  }
0x177: {  	_ =	sfence.sel $0x180000  }
0x178: {  	[bflag:$0x0] =	sbarrier.arrive $0xFFFF  }
0x179: {  	_ =	strace $0x90000050  }
0x17a: {  	s0 =	stileid.u32;
	[bflag:$0x2] =	sbarrier.arrive $0xFFFF  }
0x17b: {  	p0 =	sne.s32 s0, $0x0;
	s0 =	rddreg [dreg:$0x3]  }
0x17c: {  	s0 =	sadd.s32 @!p0 $0x100000, s0  }
0x17d: {  	[sflag:s0] =	ssyncadd.tile.s32 @!p0 $0x1;
	_ =	shalt  }
.Lfunc_end2:
_tile_overlayer_lowered:
.L_overlay_start_2:
0x17e: {  	(tag) =	ssettag $0x2  }
0x17f: {  	s0 =	rddreg [dreg:$0x0];
	s2 =	stileid.u32  }
0x180: {  	s1 =	rddreg [dreg:$0x1];
	p0 =	sne.s32 s2, $0x0  }
0x181: {  	s3 =	rddreg [dreg:$0x2];
	[bflag:$0x3] =	sbarrier.arrive $0xFFFF;
	s2 =	simm.s32 @!p0 $0x1C09  }
0x182: {  	[timem:s3], [sflag:s2] =	dma.local @!p0 [hbm:s0], s1  }
0x183: {  	s0 =	simm.s32 @!p0 $0x9  }
0x184: {  	_ =	swait.ge @!p0 [sflag:s0], s1  }
0x185: {  	s1 =	ssub.s32 @!p0 $0x0, s1;
	[sflag:s0] =	ssyncset.done @!p0 $0x0  }
0x186: {  	[sflag:s0] =	ssyncadd.s32 @!p0 s1  }
0x187: {  	[bflag:$0x3] =	sbarrier.arrive $0xFFFF  }
0x188: {  	_ =	shalt  }

</sc_bundles>
